<compile_context>
chip_gen: v7x
topology: tpu7x:2x2x1
jax: 0.10.2.dev20260603
libtpu: 0.0.44.dev20260713+nightly
codegen_flags: <defaults>
</compile_context>

<pallas_src>
import functools

import jax
import jax.numpy as jnp
from jax import lax
from jax.experimental import pallas as pl
from jax.experimental.pallas import tpu as pltpu
from jax.experimental.pallas import tpu_sc as plsc

DIM = 768
E = 8
B = 1
S = 2048
T = B * S
H = 4 * DIM

BLK = 256
NPAD = 4608
HCH = 2
HB = H // HCH

NW = 32
TPW = T // NW
NEG = -1e30


def _router_body(x_ref, wr_ref, br_ref, wn_ref, bn_ref, eps_ref,
                 i1_ref, i2_ref, g1_ref, g2_ref):
    x = x_ref[...]
    logits = lax.dot_general(
        x, wr_ref[...], (((1,), (1,)), ((), ())),
        preferred_element_type=jnp.float32) + br_ref[...]
    noise = lax.dot_general(
        x, wn_ref[...], (((1,), (1,)), ((), ())),
        preferred_element_type=jnp.float32) + bn_ref[...]
    sp = jnp.log1p(jnp.exp(-jnp.abs(noise))) + jnp.maximum(noise, 0.0)
    noisy = logits + eps_ref[...] * sp

    iota = lax.broadcasted_iota(jnp.int32, (T, E), 1)
    m1 = jnp.max(noisy, axis=1, keepdims=True)
    i1 = jnp.min(jnp.where(noisy == m1, iota, E), axis=1, keepdims=True)
    masked = jnp.where(iota == i1, NEG, noisy)
    m2 = jnp.max(masked, axis=1, keepdims=True)
    i2 = jnp.min(jnp.where(masked == m2, iota, E), axis=1, keepdims=True)
    t = jnp.exp(m2 - m1)
    g1 = 1.0 / (1.0 + t)
    g2 = t / (1.0 + t)
    i1_ref[...] = i1
    i2_ref[...] = i2
    g1_ref[...] = g1
    g2_ref[...] = g2


def _router(xf, Wr, br, Wn, bn, eps):
    return pl.pallas_call(
        _router_body,
        out_shape=[
            jax.ShapeDtypeStruct((T, 1), jnp.int32),
            jax.ShapeDtypeStruct((T, 1), jnp.int32),
            jax.ShapeDtypeStruct((T, 1), jnp.float32),
            jax.ShapeDtypeStruct((T, 1), jnp.float32),
        ],
        in_specs=[
            pl.BlockSpec((T, DIM), lambda: (0, 0)),
            pl.BlockSpec((E, DIM), lambda: (0, 0)),
            pl.BlockSpec((1, E), lambda: (0, 0)),
            pl.BlockSpec((E, DIM), lambda: (0, 0)),
            pl.BlockSpec((1, E), lambda: (0, 0)),
            pl.BlockSpec((T, E), lambda: (0, 0)),
        ],
        out_specs=[
            pl.BlockSpec((T, 1), lambda: (0, 0)),
            pl.BlockSpec((T, 1), lambda: (0, 0)),
            pl.BlockSpec((T, 1), lambda: (0, 0)),
            pl.BlockSpec((T, 1), lambda: (0, 0)),
        ],
    )(xf, Wr, br.reshape(1, E), Wn, bn.reshape(1, E), eps)


def _dispatch_body(i1_hbm, i2_hbm, x_hbm,
                   pos1_hbm, pos2_hbm, xs_hbm, rs_hbm, nt_hbm,
                   ia_v, ib_v, mya_v, myb_v, pos1_v, pos2_v, xrows_v,
                   d0_v, d1_v, semA, semB):
    cid = lax.axis_index("c")
    sid = lax.axis_index("s")
    wid = cid * 16 + sid
    base_t = wid * TPW
    lane = lax.broadcasted_iota(jnp.int32, (16,), 0)
    zero16 = jnp.zeros((16,), jnp.int32)
    one16 = jnp.full((16,), 1, jnp.int32)

    def _splat(s):
        return lax.broadcast_in_dim(s, (16,), ())

    ca = pltpu.async_copy(i1_hbm, ia_v, semA)
    cb = pltpu.async_copy(i2_hbm, ib_v, semA)
    c1 = pltpu.async_copy(i1_hbm.at[pl.ds(base_t, TPW)], mya_v, semB)
    c2 = pltpu.async_copy(i2_hbm.at[pl.ds(base_t, TPW)], myb_v, semB)
    c3 = pltpu.async_copy(x_hbm.at[pl.ds(base_t, TPW)], xrows_v, semB)
    ca.wait()
    cb.wait()

    def hist_body(k, carry):
        va = ia_v[pl.ds(k * 16, 16)]
        vb = ib_v[pl.ds(k * 16, 16)]
        selv = _splat((k < wid * (TPW // 16)).astype(jnp.int32))
        out = []
        for e in range(E):
            inc = (va == e).astype(jnp.int32) + (vb == e).astype(jnp.int32)
            out.append(carry[e] + inc)
            out.append(carry[E + e] + inc * selv)
        return tuple(out[0::2]) + tuple(out[1::2])

    acc = lax.fori_loop(0, T // 16, hist_body, (zero16,) * (2 * E))
    tot = zero16
    pre = zero16
    for e in range(E):
        tot = tot + jnp.where(lane == e, _splat(jnp.sum(acc[e])), zero16)
        pre = pre + jnp.where(lane == e, _splat(jnp.sum(acc[E + e])),
                              zero16)

    nb8 = lax.shift_right_logical(tot + _splat(jnp.int32(7)),
                                  jnp.full((16,), 3, jnp.int32))
    cum8 = plsc.cumsum(nb8)
    seg_base = (cum8 - nb8) * _splat(jnp.int32(8))
    start = seg_base + pre

    @pl.when(wid == 0)
    def _():
        ntile = lax.shift_right_logical(tot + _splat(jnp.int32(BLK - 1)),
                                        jnp.full((16,), 8, jnp.int32))
        d0_v[pl.ds(0, 16)] = seg_base
        d1_v[pl.ds(0, 16)] = ntile
        pltpu.sync_copy(d0_v, rs_hbm)
        pltpu.sync_copy(d1_v, nt_hbm)

    c1.wait()
    c2.wait()
    c3.wait()
    cur = start
    outs = []
    for slot in range(2):
        src = mya_v if slot == 0 else myb_v
        dst = pos1_v if slot == 0 else pos2_v
        for v in range(TPW // 16):
            ev = src[pl.ds(v * 16, 16)]
            pos = zero16
            for e in range(E):
                m = ev == e
                ind = m.astype(jnp.int32)
                r = jnp.cumsum(ind)
                ce = jnp.sum(jnp.where(lane == e, cur, zero16))
                pos = jnp.where(m, _splat(ce) + r - one16, pos)
                cur = cur + jnp.where(lane == e, _splat(jnp.sum(ind)),
                                      zero16)
            dst[pl.ds(v * 16, 16)] = pos
        pos_hbm = pos1_hbm if slot == 0 else pos2_hbm
        outs.append(pltpu.async_copy(dst, pos_hbm.at[pl.ds(base_t, TPW)],
                                     semB))
        outs.append(pltpu.async_copy(xrows_v, xs_hbm.at[dst], semB))
    for o in outs:
        o.wait()


def _dispatch(i1f, i2f, xf):
    mesh = plsc.VectorSubcoreMesh(core_axis_name="c", subcore_axis_name="s")
    fn = functools.partial(
        pl.kernel,
        out_type=[
            jax.ShapeDtypeStruct((T,), jnp.int32),
            jax.ShapeDtypeStruct((T,), jnp.int32),
            jax.ShapeDtypeStruct((NPAD, DIM), jnp.float32),
            jax.ShapeDtypeStruct((16,), jnp.int32),
            jax.ShapeDtypeStruct((16,), jnp.int32),
        ],
        mesh=mesh,
        scratch_types=[
            pltpu.VMEM((T,), jnp.int32),
            pltpu.VMEM((T,), jnp.int32),
            pltpu.VMEM((TPW,), jnp.int32),
            pltpu.VMEM((TPW,), jnp.int32),
            pltpu.VMEM((TPW,), jnp.int32),
            pltpu.VMEM((TPW,), jnp.int32),
            pltpu.VMEM((TPW, DIM), jnp.float32),
            pltpu.VMEM((16,), jnp.int32),
            pltpu.VMEM((16,), jnp.int32),
            pltpu.SemaphoreType.DMA,
            pltpu.SemaphoreType.DMA,
        ],
        compiler_params=pltpu.CompilerParams(needs_layout_passes=False),
    )(_dispatch_body)
    return fn(i1f, i2f, xf)


def _ffn_body(rs_ref, nt_ref,
              xs_ref, w1_ref, b1_ref, w2_ref, b2_ref, y_ref):
    e = pl.program_id(0)
    c = pl.program_id(1)
    rs = rs_ref[e]
    nt = nt_ref[e]

    def tile(t, carry):
        s = pl.multiple_of(rs + t * BLK, 8)
        xb = xs_ref[pl.ds(s, BLK), :]
        h = lax.dot_general(
            xb, w1_ref[0], (((1,), (1,)), ((), ())),
            preferred_element_type=jnp.float32) + b1_ref[0]
        h = jnp.maximum(h, 0.0)
        o = lax.dot_general(
            h, w2_ref[0], (((1,), (1,)), ((), ())),
            preferred_element_type=jnp.float32)

        @pl.when(c == 0)
        def _():
            y_ref[pl.ds(s, BLK), :] = o + b2_ref[0]

        @pl.when(c != 0)
        def _():
            y_ref[pl.ds(s, BLK), :] += o

        return carry

    lax.fori_loop(0, nt, tile, 0)


def _ffn(rs, nt, xs, W1, b1, W2, b2):
    grid_spec = pltpu.PrefetchScalarGridSpec(
        num_scalar_prefetch=2,
        grid=(E, HCH),
        in_specs=[
            pl.BlockSpec((NPAD, DIM), lambda e, c, rs, nt: (0, 0)),
            pl.BlockSpec((1, HB, DIM), lambda e, c, rs, nt: (e, c, 0)),
            pl.BlockSpec((1, 1, HB), lambda e, c, rs, nt: (e, 0, c)),
            pl.BlockSpec((1, DIM, HB), lambda e, c, rs, nt: (e, 0, c)),
            pl.BlockSpec((1, 1, DIM), lambda e, c, rs, nt: (e, 0, 0)),
        ],
        out_specs=pl.BlockSpec((NPAD, DIM), lambda e, c, rs, nt: (0, 0)),
    )
    return pl.pallas_call(
        _ffn_body,
        grid_spec=grid_spec,
        out_shape=jax.ShapeDtypeStruct((NPAD, DIM), jnp.float32),
        compiler_params=pltpu.CompilerParams(
            dimension_semantics=("arbitrary", "arbitrary"),
            vmem_limit_bytes=56 * 1024 * 1024,
        ),
    )(rs, nt, xs, W1, b1.reshape(E, 1, H), W2, b2.reshape(E, 1, DIM))


def _combine_body(y_hbm, pos1_hbm, pos2_hbm, g1_hbm, g2_hbm, out_hbm,
                  idx1_v, idx2_v, g1_v, g2_v, rows1_v, rows2_v, semA, semB):
    cid = lax.axis_index("c")
    sid = lax.axis_index("s")
    wid = cid * 16 + sid
    base_t = wid * TPW

    c1 = pltpu.async_copy(pos1_hbm.at[pl.ds(base_t, TPW)], idx1_v, semA)
    c2 = pltpu.async_copy(pos2_hbm.at[pl.ds(base_t, TPW)], idx2_v, semA)
    c3 = pltpu.async_copy(g1_hbm.at[pl.ds(base_t, TPW)], g1_v, semA)
    c4 = pltpu.async_copy(g2_hbm.at[pl.ds(base_t, TPW)], g2_v, semA)
    c1.wait()
    c2.wait()
    HALF = TPW // 2
    h1a = pltpu.async_copy(y_hbm.at[idx1_v.at[pl.ds(0, HALF)]],
                           rows1_v.at[pl.ds(0, HALF)], semB)
    h1b = pltpu.async_copy(y_hbm.at[idx2_v.at[pl.ds(0, HALF)]],
                           rows2_v.at[pl.ds(0, HALF)], semB)
    h2a = pltpu.async_copy(y_hbm.at[idx1_v.at[pl.ds(HALF, HALF)]],
                           rows1_v.at[pl.ds(HALF, HALF)], semB)
    h2b = pltpu.async_copy(y_hbm.at[idx2_v.at[pl.ds(HALF, HALF)]],
                           rows2_v.at[pl.ds(HALF, HALF)], semB)
    c3.wait()
    c4.wait()

    def cbody(i, carry):
        isplat = jnp.broadcast_to(i, (16,))
        ga = plsc.load_gather(g1_v, [isplat])
        gb = plsc.load_gather(g2_v, [isplat])
        for c in range(DIM // 16):
            r1 = rows1_v[i, pl.ds(c * 16, 16)]
            r2 = rows2_v[i, pl.ds(c * 16, 16)]
            rows1_v[i, pl.ds(c * 16, 16)] = ga * r1 + gb * r2
        return carry

    h1a.wait()
    h1b.wait()
    lax.fori_loop(0, HALF, cbody, 0)
    o1 = pltpu.async_copy(rows1_v.at[pl.ds(0, HALF)],
                          out_hbm.at[pl.ds(base_t, HALF)], semA)
    h2a.wait()
    h2b.wait()
    lax.fori_loop(HALF, TPW, cbody, 0)
    o1.wait()
    pltpu.sync_copy(rows1_v.at[pl.ds(HALF, HALF)],
                    out_hbm.at[pl.ds(base_t + HALF, HALF)])


def _combine(y, pos1, pos2, g1f, g2f):
    mesh = plsc.VectorSubcoreMesh(core_axis_name="c", subcore_axis_name="s")
    fn = functools.partial(
        pl.kernel,
        out_type=jax.ShapeDtypeStruct((T, DIM), jnp.float32),
        mesh=mesh,
        scratch_types=[
            pltpu.VMEM((TPW,), jnp.int32),
            pltpu.VMEM((TPW,), jnp.int32),
            pltpu.VMEM((TPW,), jnp.float32),
            pltpu.VMEM((TPW,), jnp.float32),
            pltpu.VMEM((TPW, DIM), jnp.float32),
            pltpu.VMEM((TPW, DIM), jnp.float32),
            pltpu.SemaphoreType.DMA,
            pltpu.SemaphoreType.DMA,
        ],
        compiler_params=pltpu.CompilerParams(needs_layout_passes=False),
    )(_combine_body)
    return fn(y, pos1, pos2, g1f, g2f)


def kernel(x, Wr, br, Wn, bn, W1, b1, W2, b2):
    xf = x.reshape(T, DIM)
    eps = jax.random.normal(jax.random.key(42), (B, S, E),
                            dtype=jnp.float32).reshape(T, E)

    i1, i2, g1, g2 = _router(xf, Wr, br, Wn, bn, eps)
    pos1, pos2, xs, rs, nt = _dispatch(i1.reshape(T), i2.reshape(T), xf)
    y = _ffn(rs, nt, xs, W1, b1, W2, b2)
    out = _combine(y, pos1, pos2, g1.reshape(T), g2.reshape(T))
    return out.reshape(x.shape)

# --- scband reference (transcript-rebuilt; emitter-appended) ---
"""Pipeline reference for scband-bit-mo-e-54941221650641 (READ-ONLY COPY).

The authoritative reference and input builder live on the scoring server;
editing this copy changes nothing except your own understanding.
"""

import jax, jax.numpy as jnp
import numpy as np

DIM = 768
E = 8
TOPK = 2
B = 1
S = 2048
H = 4 * DIM


def setup_inputs(seed: int = 0) -> dict:
    key = jax.random.key(seed)
    ks = jax.random.split(key, 9)
    x = jax.random.normal(ks[0], (B, S, DIM), dtype=jnp.float32)
    Wr = jax.random.normal(ks[1], (E, DIM), dtype=jnp.float32) * 0.02
    br = jnp.zeros((E,), dtype=jnp.float32)
    Wn = jax.random.normal(ks[2], (E, DIM), dtype=jnp.float32) * 0.02
    bn = jnp.zeros((E,), dtype=jnp.float32)
    W1 = jax.random.normal(ks[3], (E, H, DIM), dtype=jnp.float32) * 0.02
    b1 = jnp.zeros((E, H), dtype=jnp.float32)
    W2 = jax.random.normal(ks[4], (E, DIM, H), dtype=jnp.float32) * 0.02
    b2 = jnp.zeros((E, DIM), dtype=jnp.float32)
    return {"x": x, "Wr": Wr, "br": br, "Wn": Wn, "bn": bn,
            "W1": W1, "b1": b1, "W2": W2, "b2": b2}


def reference(x, Wr, br, Wn, bn, W1, b1, W2, b2):
    # NoisyTopkRouter (BitLinear modeled as dense linear; see notes)
    logits = x @ Wr.T + br                      # [B, S, E]
    noise_logits = x @ Wn.T + bn                # [B, S, E]
    eps = jax.random.normal(jax.random.key(42), logits.shape, dtype=logits.dtype)
    noisy = logits + eps * jax.nn.softplus(noise_logits)
    topv, topi = jax.lax.top_k(noisy, TOPK)     # [B, S, TOPK]

    flat_noisy = noisy.reshape(-1, E)           # [T, E]
    flat_topv = topv.reshape(-1, TOPK)
    flat_topi = topi.reshape(-1, TOPK)
    T = flat_noisy.shape[0]
    rows = jnp.arange(T)[:, None]
    sparse = jnp.full_like(flat_noisy, -jnp.inf).at[rows, flat_topi].set(flat_topv)
    gate = jax.nn.softmax(sparse, axis=-1)      # [T, E]

    flat_x = x.reshape(-1, DIM)                 # [T, DIM]
    final = jnp.zeros_like(flat_x)
    for e in range(E):
        # mask-weighted dense expert compute: mathematically identical to the
        # torch gather/scatter loop (dropout is identity in eval mode)
        mask = (flat_topi == e).any(axis=-1).astype(flat_x.dtype)  # [T]
        h = jax.nn.relu(flat_x @ W1[e].T + b1[e])                  # [T, H]
        out = h @ W2[e].T + b2[e]                                  # [T, DIM]
        final = final + out * (gate[:, e:e + 1] * mask[:, None])
    return final.reshape(x.shape)

if __name__ == "__main__":
    import jax
    _d = setup_inputs()
    print(jax.jit(kernel)(*tuple(_d.values())))

</pallas_src>

<mosaic_0001>
#map = affine_map<(d0, d1) -> (0)>
#map1 = affine_map<(d0, d1) -> (0, 0)>
module attributes {stable_mosaic.version = 14 : i64} {
  func.func @_dispatch_body(%arg0: i32, %arg1: i32, %arg2: memref<2048xi32, #tpu.memory_space<hbm>>, %arg3: memref<2048xi32, #tpu.memory_space<hbm>>, %arg4: memref<2048x768xf32, #tpu.memory_space<hbm>>, %arg5: memref<2048xi32, #tpu.memory_space<hbm>>, %arg6: memref<2048xi32, #tpu.memory_space<hbm>>, %arg7: memref<4608x768xf32, #tpu.memory_space<hbm>>, %arg8: memref<16xi32, #tpu.memory_space<hbm>>, %arg9: memref<16xi32, #tpu.memory_space<hbm>>, %arg10: memref<2048xi32, #tpu.memory_space<vmem>>, %arg11: memref<2048xi32, #tpu.memory_space<vmem>>, %arg12: memref<64xi32, #tpu.memory_space<vmem>>, %arg13: memref<64xi32, #tpu.memory_space<vmem>>, %arg14: memref<64xi32, #tpu.memory_space<vmem>>, %arg15: memref<64xi32, #tpu.memory_space<vmem>>, %arg16: memref<64x768xf32, #tpu.memory_space<vmem>>, %arg17: memref<16xi32, #tpu.memory_space<vmem>>, %arg18: memref<16xi32, #tpu.memory_space<vmem>>, %arg19: memref<!tpu.dma_semaphore, #tpu.memory_space<semaphore_mem>>, %arg20: memref<!tpu.dma_semaphore, #tpu.memory_space<semaphore_mem>>) attributes {dimension_semantics = [#tpu.dimension_semantics<core_parallel>, #tpu.dimension_semantics<subcore_parallel>], iteration_bounds = array<i64: 2, 16>, scalar_prefetch = 0 : i64, scratch_operands = 11 : i64, tpu.core_type = #tpu.core_type<sc_vector_subcore>, window_params = [{transform_indices = #map}, {transform_indices = #map}, {transform_indices = #map1}, {transform_indices = #map}, {transform_indices = #map}, {transform_indices = #map1}, {transform_indices = #map}, {transform_indices = #map}]} {
    %mul3A = arith.constant 16 : i32
    %mul3A_0 = arith.muli %arg0, %mul3A : i32
    %add3A = arith.addi %mul3A_0, %arg1 : i32
    %mul3A_1 = arith.constant 64 : i32
    %mul3A_2 = arith.muli %add3A, %mul3A_1 : i32
    %iota3A = tpu.iota {dimensions = array<i32: 0>} : vector<16xi32>
    %broadcast_in_dim3A = arith.constant 0 : i32
    %broadcast_in_dim3A_3 = vector.broadcast %broadcast_in_dim3A : i32 to vector<16xi32>
    %broadcast_in_dim3A_4 = arith.constant 1 : i32
    %broadcast_in_dim3A_5 = vector.broadcast %broadcast_in_dim3A_4 : i32 to vector<16xi32>
    tpu.enqueue_dma source(%arg2 : memref<2048xi32, #tpu.memory_space<hbm>>) target(%arg10 : memref<2048xi32, #tpu.memory_space<vmem>>) target_semaphore(%arg19 : memref<!tpu.dma_semaphore, #tpu.memory_space<semaphore_mem>>)
    tpu.enqueue_dma source(%arg3 : memref<2048xi32, #tpu.memory_space<hbm>>) target(%arg11 : memref<2048xi32, #tpu.memory_space<vmem>>) target_semaphore(%arg19 : memref<!tpu.dma_semaphore, #tpu.memory_space<semaphore_mem>>)
    %dma_start3A = tpu.memref_slice %arg2[%mul3A_2] : memref<2048xi32, #tpu.memory_space<hbm>> -> memref<64xi32, #tpu.memory_space<hbm>>
    %dma_start3A_6 = tpu.memref_slice %arg2[%mul3A_2] : memref<2048xi32, #tpu.memory_space<hbm>> -> memref<64xi32, #tpu.memory_space<hbm>>
    tpu.enqueue_dma source(%dma_start3A_6 : memref<64xi32, #tpu.memory_space<hbm>>) target(%arg12 : memref<64xi32, #tpu.memory_space<vmem>>) target_semaphore(%arg20 : memref<!tpu.dma_semaphore, #tpu.memory_space<semaphore_mem>>)
    %dma_start3A_7 = tpu.memref_slice %arg3[%mul3A_2] : memref<2048xi32, #tpu.memory_space<hbm>> -> memref<64xi32, #tpu.memory_space<hbm>>
    %dma_start3A_8 = tpu.memref_slice %arg3[%mul3A_2] : memref<2048xi32, #tpu.memory_space<hbm>> -> memref<64xi32, #tpu.memory_space<hbm>>
    tpu.enqueue_dma source(%dma_start3A_8 : memref<64xi32, #tpu.memory_space<hbm>>) target(%arg13 : memref<64xi32, #tpu.memory_space<vmem>>) target_semaphore(%arg20 : memref<!tpu.dma_semaphore, #tpu.memory_space<semaphore_mem>>)
    %dma_start3A_9 = arith.constant 0 : i32
    %dma_start3A_10 = tpu.memref_slice %arg4[%mul3A_2, %dma_start3A_9] : memref<2048x768xf32, #tpu.memory_space<hbm>> -> memref<64x768xf32, #tpu.memory_space<hbm>>
    %dma_start3A_11 = arith.constant 0 : i32
    %dma_start3A_12 = tpu.memref_slice %arg4[%mul3A_2, %dma_start3A_11] : memref<2048x768xf32, #tpu.memory_space<hbm>> -> memref<64x768xf32, #tpu.memory_space<hbm>>
    tpu.enqueue_dma source(%dma_start3A_12 : memref<64x768xf32, #tpu.memory_space<hbm>>) target(%arg16 : memref<64x768xf32, #tpu.memory_space<vmem>>) target_semaphore(%arg20 : memref<!tpu.dma_semaphore, #tpu.memory_space<semaphore_mem>>)
    tpu.wait_dma2 semaphore(%arg19 : memref<!tpu.dma_semaphore, #tpu.memory_space<semaphore_mem>>) src(%arg2 : memref<2048xi32, #tpu.memory_space<hbm>>) dst(%arg10 : memref<2048xi32, #tpu.memory_space<vmem>>)
    tpu.wait_dma2 semaphore(%arg19 : memref<!tpu.dma_semaphore, #tpu.memory_space<semaphore_mem>>) src(%arg3 : memref<2048xi32, #tpu.memory_space<hbm>>) dst(%arg11 : memref<2048xi32, #tpu.memory_space<vmem>>)
    %scan3A = arith.constant 0 : i32
    %scan3A_13 = arith.constant 128 : i32
    %scan3A_14 = arith.addi %scan3A, %scan3A_13 : i32
    %scan3A_15 = arith.constant 1 : i32
    %scan3A_16:16 = scf.for %scan3A_2101 = %scan3A to %scan3A_14 step %scan3A_15 iter_args(%scan3A_2102 = %broadcast_in_dim3A_3, %scan3A_2103 = %broadcast_in_dim3A_3, %scan3A_2104 = %broadcast_in_dim3A_3, %scan3A_2105 = %broadcast_in_dim3A_3, %scan3A_2106 = %broadcast_in_dim3A_3, %scan3A_2107 = %broadcast_in_dim3A_3, %scan3A_2108 = %broadcast_in_dim3A_3, %scan3A_2109 = %broadcast_in_dim3A_3, %scan3A_2110 = %broadcast_in_dim3A_3, %scan3A_2111 = %broadcast_in_dim3A_3, %scan3A_2112 = %broadcast_in_dim3A_3, %scan3A_2113 = %broadcast_in_dim3A_3, %scan3A_2114 = %broadcast_in_dim3A_3, %scan3A_2115 = %broadcast_in_dim3A_3, %scan3A_2116 = %broadcast_in_dim3A_3, %scan3A_2117 = %broadcast_in_dim3A_3) -> (vector<16xi32>, vector<16xi32>, vector<16xi32>, vector<16xi32>, vector<16xi32>, vector<16xi32>, vector<16xi32>, vector<16xi32>, vector<16xi32>, vector<16xi32>, vector<16xi32>, vector<16xi32>, vector<16xi32>, vector<16xi32>, vector<16xi32>, vector<16xi32>)  : i32 {
      %mul3A_2118 = arith.constant 16 : i32
      %mul3A_2119 = arith.muli %scan3A_2101, %mul3A_2118 : i32
      %get3A_2120 = arith.index_cast %mul3A_2119 : i32 to index
      %get3A_2121 = tpu.vector_load %arg10[%get3A_2120] {strides = array<i32>} : memref<2048xi32, #tpu.memory_space<vmem>>, vector<16xi32>,
      %mul3A_2122 = arith.constant 16 : i32
      %mul3A_2123 = arith.muli %scan3A_2101, %mul3A_2122 : i32
      %get3A_2124 = arith.index_cast %mul3A_2123 : i32 to index
      %get3A_2125 = tpu.vector_load %arg11[%get3A_2124] {strides = array<i32>} : memref<2048xi32, #tpu.memory_space<vmem>>, vector<16xi32>,
      %mul3A_2126 = arith.constant 4 : i32
      %mul3A_2127 = arith.muli %add3A, %mul3A_2126 : i32
      %lt3A = arith.cmpi slt, %scan3A_2101, %mul3A_2127 : i32
      %convert_element_type3A_2128 = arith.extui %lt3A : i1 to i32
      %broadcast_in_dim3A_2129 = vector.broadcast %convert_element_type3A_2128 : i32 to vector<16xi32>
      %eq3A_2130 = arith.constant 0 : i32
      %eq3A_2131 = vector.broadcast %eq3A_2130 : i32 to vector<16xi32>
      %eq3A_2132 = arith.cmpi eq, %get3A_2121, %eq3A_2131 : vector<16xi32>
      %convert_element_type3A_2133 = arith.extui %eq3A_2132 : vector<16xi1> to vector<16xi32>
      %eq3A_2134 = arith.constant 0 : i32
      %eq3A_2135 = vector.broadcast %eq3A_2134 : i32 to vector<16xi32>
      %eq3A_2136 = arith.cmpi eq, %get3A_2125, %eq3A_2135 : vector<16xi32>
      %convert_element_type3A_2137 = arith.extui %eq3A_2136 : vector<16xi1> to vector<16xi32>
      %add3A_2138 = arith.addi %convert_element_type3A_2133, %convert_element_type3A_2137 : vector<16xi32>
      %add3A_2139 = arith.addi %scan3A_2102, %add3A_2138 : vector<16xi32>
      %mul3A_2140 = arith.muli %add3A_2138, %broadcast_in_dim3A_2129 : vector<16xi32>
      %add3A_2141 = arith.addi %scan3A_2110, %mul3A_2140 : vector<16xi32>
      %eq3A_2142 = arith.constant 1 : i32
      %eq3A_2143 = vector.broadcast %eq3A_2142 : i32 to vector<16xi32>
      %eq3A_2144 = arith.cmpi eq, %get3A_2121, %eq3A_2143 : vector<16xi32>
      %convert_element_type3A_2145 = arith.extui %eq3A_2144 : vector<16xi1> to vector<16xi32>
      %eq3A_2146 = arith.constant 1 : i32
      %eq3A_2147 = vector.broadcast %eq3A_2146 : i32 to vector<16xi32>
      %eq3A_2148 = arith.cmpi eq, %get3A_2125, %eq3A_2147 : vector<16xi32>
      %convert_element_type3A_2149 = arith.extui %eq3A_2148 : vector<16xi1> to vector<16xi32>
      %add3A_2150 = arith.addi %convert_element_type3A_2145, %convert_element_type3A_2149 : vector<16xi32>
      %add3A_2151 = arith.addi %scan3A_2103, %add3A_2150 : vector<16xi32>
      %mul3A_2152 = arith.muli %add3A_2150, %broadcast_in_dim3A_2129 : vector<16xi32>
      %add3A_2153 = arith.addi %scan3A_2111, %mul3A_2152 : vector<16xi32>
      %eq3A_2154 = arith.constant 2 : i32
      %eq3A_2155 = vector.broadcast %eq3A_2154 : i32 to vector<16xi32>
      %eq3A_2156 = arith.cmpi eq, %get3A_2121, %eq3A_2155 : vector<16xi32>
      %convert_element_type3A_2157 = arith.extui %eq3A_2156 : vector<16xi1> to vector<16xi32>
      %eq3A_2158 = arith.constant 2 : i32
      %eq3A_2159 = vector.broadcast %eq3A_2158 : i32 to vector<16xi32>
      %eq3A_2160 = arith.cmpi eq, %get3A_2125, %eq3A_2159 : vector<16xi32>
      %convert_element_type3A_2161 = arith.extui %eq3A_2160 : vector<16xi1> to vector<16xi32>
      %add3A_2162 = arith.addi %convert_element_type3A_2157, %convert_element_type3A_2161 : vector<16xi32>
      %add3A_2163 = arith.addi %scan3A_2104, %add3A_2162 : vector<16xi32>
      %mul3A_2164 = arith.muli %add3A_2162, %broadcast_in_dim3A_2129 : vector<16xi32>
      %add3A_2165 = arith.addi %scan3A_2112, %mul3A_2164 : vector<16xi32>
      %eq3A_2166 = arith.constant 3 : i32
      %eq3A_2167 = vector.broadcast %eq3A_2166 : i32 to vector<16xi32>
      %eq3A_2168 = arith.cmpi eq, %get3A_2121, %eq3A_2167 : vector<16xi32>
      %convert_element_type3A_2169 = arith.extui %eq3A_2168 : vector<16xi1> to vector<16xi32>
      %eq3A_2170 = arith.constant 3 : i32
      %eq3A_2171 = vector.broadcast %eq3A_2170 : i32 to vector<16xi32>
      %eq3A_2172 = arith.cmpi eq, %get3A_2125, %eq3A_2171 : vector<16xi32>
      %convert_element_type3A_2173 = arith.extui %eq3A_2172 : vector<16xi1> to vector<16xi32>
      %add3A_2174 = arith.addi %convert_element_type3A_2169, %convert_element_type3A_2173 : vector<16xi32>
      %add3A_2175 = arith.addi %scan3A_2105, %add3A_2174 : vector<16xi32>
      %mul3A_2176 = arith.muli %add3A_2174, %broadcast_in_dim3A_2129 : vector<16xi32>
      %add3A_2177 = arith.addi %scan3A_2113, %mul3A_2176 : vector<16xi32>
      %eq3A_2178 = arith.constant 4 : i32
      %eq3A_2179 = vector.broadcast %eq3A_2178 : i32 to vector<16xi32>
      %eq3A_2180 = arith.cmpi eq, %get3A_2121, %eq3A_2179 : vector<16xi32>
      %convert_element_type3A_2181 = arith.extui %eq3A_2180 : vector<16xi1> to vector<16xi32>
      %eq3A_2182 = arith.constant 4 : i32
      %eq3A_2183 = vector.broadcast %eq3A_2182 : i32 to vector<16xi32>
      %eq3A_2184 = arith.cmpi eq, %get3A_2125, %eq3A_2183 : vector<16xi32>
      %convert_element_type3A_2185 = arith.extui %eq3A_2184 : vector<16xi1> to vector<16xi32>
      %add3A_2186 = arith.addi %convert_element_type3A_2181, %convert_element_type3A_2185 : vector<16xi32>
      %add3A_2187 = arith.addi %scan3A_2106, %add3A_2186 : vector<16xi32>
      %mul3A_2188 = arith.muli %add3A_2186, %broadcast_in_dim3A_2129 : vector<16xi32>
      %add3A_2189 = arith.addi %scan3A_2114, %mul3A_2188 : vector<16xi32>
      %eq3A_2190 = arith.constant 5 : i32
      %eq3A_2191 = vector.broadcast %eq3A_2190 : i32 to vector<16xi32>
      %eq3A_2192 = arith.cmpi eq, %get3A_2121, %eq3A_2191 : vector<16xi32>
      %convert_element_type3A_2193 = arith.extui %eq3A_2192 : vector<16xi1> to vector<16xi32>
      %eq3A_2194 = arith.constant 5 : i32
      %eq3A_2195 = vector.broadcast %eq3A_2194 : i32 to vector<16xi32>
      %eq3A_2196 = arith.cmpi eq, %get3A_2125, %eq3A_2195 : vector<16xi32>
      %convert_element_type3A_2197 = arith.extui %eq3A_2196 : vector<16xi1> to vector<16xi32>
      %add3A_2198 = arith.addi %convert_element_type3A_2193, %convert_element_type3A_2197 : vector<16xi32>
      %add3A_2199 = arith.addi %scan3A_2107, %add3A_2198 : vector<16xi32>
      %mul3A_2200 = arith.muli %add3A_2198, %broadcast_in_dim3A_2129 : vector<16xi32>
      %add3A_2201 = arith.addi %scan3A_2115, %mul3A_2200 : vector<16xi32>
      %eq3A_2202 = arith.constant 6 : i32
      %eq3A_2203 = vector.broadcast %eq3A_2202 : i32 to vector<16xi32>
      %eq3A_2204 = arith.cmpi eq, %get3A_2121, %eq3A_2203 : vector<16xi32>
      %convert_element_type3A_2205 = arith.extui %eq3A_2204 : vector<16xi1> to vector<16xi32>
      %eq3A_2206 = arith.constant 6 : i32
      %eq3A_2207 = vector.broadcast %eq3A_2206 : i32 to vector<16xi32>
      %eq3A_2208 = arith.cmpi eq, %get3A_2125, %eq3A_2207 : vector<16xi32>
      %convert_element_type3A_2209 = arith.extui %eq3A_2208 : vector<16xi1> to vector<16xi32>
      %add3A_2210 = arith.addi %convert_element_type3A_2205, %convert_element_type3A_2209 : vector<16xi32>
      %add3A_2211 = arith.addi %scan3A_2108, %add3A_2210 : vector<16xi32>
      %mul3A_2212 = arith.muli %add3A_2210, %broadcast_in_dim3A_2129 : vector<16xi32>
      %add3A_2213 = arith.addi %scan3A_2116, %mul3A_2212 : vector<16xi32>
      %eq3A_2214 = arith.constant 7 : i32
      %eq3A_2215 = vector.broadcast %eq3A_2214 : i32 to vector<16xi32>
      %eq3A_2216 = arith.cmpi eq, %get3A_2121, %eq3A_2215 : vector<16xi32>
      %convert_element_type3A_2217 = arith.extui %eq3A_2216 : vector<16xi1> to vector<16xi32>
      %eq3A_2218 = arith.constant 7 : i32
      %eq3A_2219 = vector.broadcast %eq3A_2218 : i32 to vector<16xi32>
      %eq3A_2220 = arith.cmpi eq, %get3A_2125, %eq3A_2219 : vector<16xi32>
      %convert_element_type3A_2221 = arith.extui %eq3A_2220 : vector<16xi1> to vector<16xi32>
      %add3A_2222 = arith.addi %convert_element_type3A_2217, %convert_element_type3A_2221 : vector<16xi32>
      %add3A_2223 = arith.addi %scan3A_2109, %add3A_2222 : vector<16xi32>
      %mul3A_2224 = arith.muli %add3A_2222, %broadcast_in_dim3A_2129 : vector<16xi32>
      %add3A_2225 = arith.addi %scan3A_2117, %mul3A_2224 : vector<16xi32>
      scf.yield %add3A_2139, %add3A_2151, %add3A_2163, %add3A_2175, %add3A_2187, %add3A_2199, %add3A_2211, %add3A_2223, %add3A_2141, %add3A_2153, %add3A_2165, %add3A_2177, %add3A_2189, %add3A_2201, %add3A_2213, %add3A_2225 : vector<16xi32>, vector<16xi32>, vector<16xi32>, vector<16xi32>, vector<16xi32>, vector<16xi32>, vector<16xi32>, vector<16xi32>, vector<16xi32>, vector<16xi32>, vector<16xi32>, vector<16xi32>, vector<16xi32>, vector<16xi32>, vector<16xi32>, vector<16xi32>
    }
    %scan3A_17 = arith.constant 128 : i32
    %eq3A = arith.constant 0 : i32
    %eq3A_18 = vector.broadcast %eq3A : i32 to vector<16xi32>
    %eq3A_19 = arith.cmpi eq, %iota3A, %eq3A_18 : vector<16xi32>
    %reduce_sum3A = arith.constant true
    %reduce_sum3A_20 = vector.broadcast %reduce_sum3A : i1 to vector<16xi1>
    %reduce_sum3A_21 = tpu.scan <sum>, %scan3A_16#0 masked %reduce_sum3A_20 : vector<16xi32>, vector<16xi1> -> vector<16xi32>
    %reduce_sum3A_22 = vector.extract %reduce_sum3A_21[15] : i32 from vector<16xi32>
    %broadcast_in_dim3A_23 = vector.broadcast %reduce_sum3A_22 : i32 to vector<16xi32>
    %select_n3A = arith.select %eq3A_19, %broadcast_in_dim3A_23, %broadcast_in_dim3A_3 : vector<16xi1>, vector<16xi32>
    %add3A_24 = arith.addi %broadcast_in_dim3A_3, %select_n3A : vector<16xi32>
    %eq3A_25 = arith.constant 0 : i32
    %eq3A_26 = vector.broadcast %eq3A_25 : i32 to vector<16xi32>
    %eq3A_27 = arith.cmpi eq, %iota3A, %eq3A_26 : vector<16xi32>
    %reduce_sum3A_28 = arith.constant true
    %reduce_sum3A_29 = vector.broadcast %reduce_sum3A_28 : i1 to vector<16xi1>
    %reduce_sum3A_30 = tpu.scan <sum>, %scan3A_16#8 masked %reduce_sum3A_29 : vector<16xi32>, vector<16xi1> -> vector<16xi32>
    %reduce_sum3A_31 = vector.extract %reduce_sum3A_30[15] : i32 from vector<16xi32>
    %broadcast_in_dim3A_32 = vector.broadcast %reduce_sum3A_31 : i32 to vector<16xi32>
    %select_n3A_33 = arith.select %eq3A_27, %broadcast_in_dim3A_32, %broadcast_in_dim3A_3 : vector<16xi1>, vector<16xi32>
    %add3A_34 = arith.addi %broadcast_in_dim3A_3, %select_n3A_33 : vector<16xi32>
    %eq3A_35 = arith.constant 1 : i32
    %eq3A_36 = vector.broadcast %eq3A_35 : i32 to vector<16xi32>
    %eq3A_37 = arith.cmpi eq, %iota3A, %eq3A_36 : vector<16xi32>
    %reduce_sum3A_38 = arith.constant true
    %reduce_sum3A_39 = vector.broadcast %reduce_sum3A_38 : i1 to vector<16xi1>
    %reduce_sum3A_40 = tpu.scan <sum>, %scan3A_16#1 masked %reduce_sum3A_39 : vector<16xi32>, vector<16xi1> -> vector<16xi32>
    %reduce_sum3A_41 = vector.extract %reduce_sum3A_40[15] : i32 from vector<16xi32>
    %broadcast_in_dim3A_42 = vector.broadcast %reduce_sum3A_41 : i32 to vector<16xi32>
    %select_n3A_43 = arith.select %eq3A_37, %broadcast_in_dim3A_42, %broadcast_in_dim3A_3 : vector<16xi1>, vector<16xi32>
    %add3A_44 = arith.addi %add3A_24, %select_n3A_43 : vector<16xi32>
    %eq3A_45 = arith.constant 1 : i32
    %eq3A_46 = vector.broadcast %eq3A_45 : i32 to vector<16xi32>
    %eq3A_47 = arith.cmpi eq, %iota3A, %eq3A_46 : vector<16xi32>
    %reduce_sum3A_48 = arith.constant true
    %reduce_sum3A_49 = vector.broadcast %reduce_sum3A_48 : i1 to vector<16xi1>
    %reduce_sum3A_50 = tpu.scan <sum>, %scan3A_16#9 masked %reduce_sum3A_49 : vector<16xi32>, vector<16xi1> -> vector<16xi32>
    %reduce_sum3A_51 = vector.extract %reduce_sum3A_50[15] : i32 from vector<16xi32>
    %broadcast_in_dim3A_52 = vector.broadcast %reduce_sum3A_51 : i32 to vector<16xi32>
    %select_n3A_53 = arith.select %eq3A_47, %broadcast_in_dim3A_52, %broadcast_in_dim3A_3 : vector<16xi1>, vector<16xi32>
    %add3A_54 = arith.addi %add3A_34, %select_n3A_53 : vector<16xi32>
    %eq3A_55 = arith.constant 2 : i32
    %eq3A_56 = vector.broadcast %eq3A_55 : i32 to vector<16xi32>
    %eq3A_57 = arith.cmpi eq, %iota3A, %eq3A_56 : vector<16xi32>
    %reduce_sum3A_58 = arith.constant true
    %reduce_sum3A_59 = vector.broadcast %reduce_sum3A_58 : i1 to vector<16xi1>
    %reduce_sum3A_60 = tpu.scan <sum>, %scan3A_16#2 masked %reduce_sum3A_59 : vector<16xi32>, vector<16xi1> -> vector<16xi32>
    %reduce_sum3A_61 = vector.extract %reduce_sum3A_60[15] : i32 from vector<16xi32>
    %broadcast_in_dim3A_62 = vector.broadcast %reduce_sum3A_61 : i32 to vector<16xi32>
    %select_n3A_63 = arith.select %eq3A_57, %broadcast_in_dim3A_62, %broadcast_in_dim3A_3 : vector<16xi1>, vector<16xi32>
    %add3A_64 = arith.addi %add3A_44, %select_n3A_63 : vector<16xi32>
    %eq3A_65 = arith.constant 2 : i32
    %eq3A_66 = vector.broadcast %eq3A_65 : i32 to vector<16xi32>
    %eq3A_67 = arith.cmpi eq, %iota3A, %eq3A_66 : vector<16xi32>
    %reduce_sum3A_68 = arith.constant true
    %reduce_sum3A_69 = vector.broadcast %reduce_sum3A_68 : i1 to vector<16xi1>
    %reduce_sum3A_70 = tpu.scan <sum>, %scan3A_16#10 masked %reduce_sum3A_69 : vector<16xi32>, vector<16xi1> -> vector<16xi32>
    %reduce_sum3A_71 = vector.extract %reduce_sum3A_70[15] : i32 from vector<16xi32>
    %broadcast_in_dim3A_72 = vector.broadcast %reduce_sum3A_71 : i32 to vector<16xi32>
    %select_n3A_73 = arith.select %eq3A_67, %broadcast_in_dim3A_72, %broadcast_in_dim3A_3 : vector<16xi1>, vector<16xi32>
    %add3A_74 = arith.addi %add3A_54, %select_n3A_73 : vector<16xi32>
    %eq3A_75 = arith.constant 3 : i32
    %eq3A_76 = vector.broadcast %eq3A_75 : i32 to vector<16xi32>
    %eq3A_77 = arith.cmpi eq, %iota3A, %eq3A_76 : vector<16xi32>
    %reduce_sum3A_78 = arith.constant true
    %reduce_sum3A_79 = vector.broadcast %reduce_sum3A_78 : i1 to vector<16xi1>
    %reduce_sum3A_80 = tpu.scan <sum>, %scan3A_16#3 masked %reduce_sum3A_79 : vector<16xi32>, vector<16xi1> -> vector<16xi32>
    %reduce_sum3A_81 = vector.extract %reduce_sum3A_80[15] : i32 from vector<16xi32>
    %broadcast_in_dim3A_82 = vector.broadcast %reduce_sum3A_81 : i32 to vector<16xi32>
    %select_n3A_83 = arith.select %eq3A_77, %broadcast_in_dim3A_82, %broadcast_in_dim3A_3 : vector<16xi1>, vector<16xi32>
    %add3A_84 = arith.addi %add3A_64, %select_n3A_83 : vector<16xi32>
    %eq3A_85 = arith.constant 3 : i32
    %eq3A_86 = vector.broadcast %eq3A_85 : i32 to vector<16xi32>
    %eq3A_87 = arith.cmpi eq, %iota3A, %eq3A_86 : vector<16xi32>
    %reduce_sum3A_88 = arith.constant true
    %reduce_sum3A_89 = vector.broadcast %reduce_sum3A_88 : i1 to vector<16xi1>
    %reduce_sum3A_90 = tpu.scan <sum>, %scan3A_16#11 masked %reduce_sum3A_89 : vector<16xi32>, vector<16xi1> -> vector<16xi32>
    %reduce_sum3A_91 = vector.extract %reduce_sum3A_90[15] : i32 from vector<16xi32>
    %broadcast_in_dim3A_92 = vector.broadcast %reduce_sum3A_91 : i32 to vector<16xi32>
    %select_n3A_93 = arith.select %eq3A_87, %broadcast_in_dim3A_92, %broadcast_in_dim3A_3 : vector<16xi1>, vector<16xi32>
    %add3A_94 = arith.addi %add3A_74, %select_n3A_93 : vector<16xi32>
    %eq3A_95 = arith.constant 4 : i32
    %eq3A_96 = vector.broadcast %eq3A_95 : i32 to vector<16xi32>
    %eq3A_97 = arith.cmpi eq, %iota3A, %eq3A_96 : vector<16xi32>
    %reduce_sum3A_98 = arith.constant true
    %reduce_sum3A_99 = vector.broadcast %reduce_sum3A_98 : i1 to vector<16xi1>
    %reduce_sum3A_100 = tpu.scan <sum>, %scan3A_16#4 masked %reduce_sum3A_99 : vector<16xi32>, vector<16xi1> -> vector<16xi32>
    %reduce_sum3A_101 = vector.extract %reduce_sum3A_100[15] : i32 from vector<16xi32>
    %broadcast_in_dim3A_102 = vector.broadcast %reduce_sum3A_101 : i32 to vector<16xi32>
    %select_n3A_103 = arith.select %eq3A_97, %broadcast_in_dim3A_102, %broadcast_in_dim3A_3 : vector<16xi1>, vector<16xi32>
    %add3A_104 = arith.addi %add3A_84, %select_n3A_103 : vector<16xi32>
    %eq3A_105 = arith.constant 4 : i32
    %eq3A_106 = vector.broadcast %eq3A_105 : i32 to vector<16xi32>
    %eq3A_107 = arith.cmpi eq, %iota3A, %eq3A_106 : vector<16xi32>
    %reduce_sum3A_108 = arith.constant true
    %reduce_sum3A_109 = vector.broadcast %reduce_sum3A_108 : i1 to vector<16xi1>
    %reduce_sum3A_110 = tpu.scan <sum>, %scan3A_16#12 masked %reduce_sum3A_109 : vector<16xi32>, vector<16xi1> -> vector<16xi32>
    %reduce_sum3A_111 = vector.extract %reduce_sum3A_110[15] : i32 from vector<16xi32>
    %broadcast_in_dim3A_112 = vector.broadcast %reduce_sum3A_111 : i32 to vector<16xi32>
    %select_n3A_113 = arith.select %eq3A_107, %broadcast_in_dim3A_112, %broadcast_in_dim3A_3 : vector<16xi1>, vector<16xi32>
    %add3A_114 = arith.addi %add3A_94, %select_n3A_113 : vector<16xi32>
    %eq3A_115 = arith.constant 5 : i32
    %eq3A_116 = vector.broadcast %eq3A_115 : i32 to vector<16xi32>
    %eq3A_117 = arith.cmpi eq, %iota3A, %eq3A_116 : vector<16xi32>
    %reduce_sum3A_118 = arith.constant true
    %reduce_sum3A_119 = vector.broadcast %reduce_sum3A_118 : i1 to vector<16xi1>
    %reduce_sum3A_120 = tpu.scan <sum>, %scan3A_16#5 masked %reduce_sum3A_119 : vector<16xi32>, vector<16xi1> -> vector<16xi32>
    %reduce_sum3A_121 = vector.extract %reduce_sum3A_120[15] : i32 from vector<16xi32>
    %broadcast_in_dim3A_122 = vector.broadcast %reduce_sum3A_121 : i32 to vector<16xi32>
    %select_n3A_123 = arith.select %eq3A_117, %broadcast_in_dim3A_122, %broadcast_in_dim3A_3 : vector<16xi1>, vector<16xi32>
    %add3A_124 = arith.addi %add3A_104, %select_n3A_123 : vector<16xi32>
    %eq3A_125 = arith.constant 5 : i32
    %eq3A_126 = vector.broadcast %eq3A_125 : i32 to vector<16xi32>
    %eq3A_127 = arith.cmpi eq, %iota3A, %eq3A_126 : vector<16xi32>
    %reduce_sum3A_128 = arith.constant true
    %reduce_sum3A_129 = vector.broadcast %reduce_sum3A_128 : i1 to vector<16xi1>
    %reduce_sum3A_130 = tpu.scan <sum>, %scan3A_16#13 masked %reduce_sum3A_129 : vector<16xi32>, vector<16xi1> -> vector<16xi32>
    %reduce_sum3A_131 = vector.extract %reduce_sum3A_130[15] : i32 from vector<16xi32>
    %broadcast_in_dim3A_132 = vector.broadcast %reduce_sum3A_131 : i32 to vector<16xi32>
    %select_n3A_133 = arith.select %eq3A_127, %broadcast_in_dim3A_132, %broadcast_in_dim3A_3 : vector<16xi1>, vector<16xi32>
    %add3A_134 = arith.addi %add3A_114, %select_n3A_133 : vector<16xi32>
    %eq3A_135 = arith.constant 6 : i32
    %eq3A_136 = vector.broadcast %eq3A_135 : i32 to vector<16xi32>
    %eq3A_137 = arith.cmpi eq, %iota3A, %eq3A_136 : vector<16xi32>
    %reduce_sum3A_138 = arith.constant true
    %reduce_sum3A_139 = vector.broadcast %reduce_sum3A_138 : i1 to vector<16xi1>
    %reduce_sum3A_140 = tpu.scan <sum>, %scan3A_16#6 masked %reduce_sum3A_139 : vector<16xi32>, vector<16xi1> -> vector<16xi32>
    %reduce_sum3A_141 = vector.extract %reduce_sum3A_140[15] : i32 from vector<16xi32>
    %broadcast_in_dim3A_142 = vector.broadcast %reduce_sum3A_141 : i32 to vector<16xi32>
    %select_n3A_143 = arith.select %eq3A_137, %broadcast_in_dim3A_142, %broadcast_in_dim3A_3 : vector<16xi1>, vector<16xi32>
    %add3A_144 = arith.addi %add3A_124, %select_n3A_143 : vector<16xi32>
    %eq3A_145 = arith.constant 6 : i32
    %eq3A_146 = vector.broadcast %eq3A_145 : i32 to vector<16xi32>
    %eq3A_147 = arith.cmpi eq, %iota3A, %eq3A_146 : vector<16xi32>
    %reduce_sum3A_148 = arith.constant true
    %reduce_sum3A_149 = vector.broadcast %reduce_sum3A_148 : i1 to vector<16xi1>
    %reduce_sum3A_150 = tpu.scan <sum>, %scan3A_16#14 masked %reduce_sum3A_149 : vector<16xi32>, vector<16xi1> -> vector<16xi32>
    %reduce_sum3A_151 = vector.extract %reduce_sum3A_150[15] : i32 from vector<16xi32>
    %broadcast_in_dim3A_152 = vector.broadcast %reduce_sum3A_151 : i32 to vector<16xi32>
    %select_n3A_153 = arith.select %eq3A_147, %broadcast_in_dim3A_152, %broadcast_in_dim3A_3 : vector<16xi1>, vector<16xi32>
    %add3A_154 = arith.addi %add3A_134, %select_n3A_153 : vector<16xi32>
    %eq3A_155 = arith.constant 7 : i32
    %eq3A_156 = vector.broadcast %eq3A_155 : i32 to vector<16xi32>
    %eq3A_157 = arith.cmpi eq, %iota3A, %eq3A_156 : vector<16xi32>
    %reduce_sum3A_158 = arith.constant true
    %reduce_sum3A_159 = vector.broadcast %reduce_sum3A_158 : i1 to vector<16xi1>
    %reduce_sum3A_160 = tpu.scan <sum>, %scan3A_16#7 masked %reduce_sum3A_159 : vector<16xi32>, vector<16xi1> -> vector<16xi32>
    %reduce_sum3A_161 = vector.extract %reduce_sum3A_160[15] : i32 from vector<16xi32>
    %broadcast_in_dim3A_162 = vector.broadcast %reduce_sum3A_161 : i32 to vector<16xi32>
    %select_n3A_163 = arith.select %eq3A_157, %broadcast_in_dim3A_162, %broadcast_in_dim3A_3 : vector<16xi1>, vector<16xi32>
    %add3A_164 = arith.addi %add3A_144, %select_n3A_163 : vector<16xi32>
    %eq3A_165 = arith.constant 7 : i32
    %eq3A_166 = vector.broadcast %eq3A_165 : i32 to vector<16xi32>
    %eq3A_167 = arith.cmpi eq, %iota3A, %eq3A_166 : vector<16xi32>
    %reduce_sum3A_168 = arith.constant true
    %reduce_sum3A_169 = vector.broadcast %reduce_sum3A_168 : i1 to vector<16xi1>
    %reduce_sum3A_170 = tpu.scan <sum>, %scan3A_16#15 masked %reduce_sum3A_169 : vector<16xi32>, vector<16xi1> -> vector<16xi32>
    %reduce_sum3A_171 = vector.extract %reduce_sum3A_170[15] : i32 from vector<16xi32>
    %broadcast_in_dim3A_172 = vector.broadcast %reduce_sum3A_171 : i32 to vector<16xi32>
    %select_n3A_173 = arith.select %eq3A_167, %broadcast_in_dim3A_172, %broadcast_in_dim3A_3 : vector<16xi1>, vector<16xi32>
    %add3A_174 = arith.addi %add3A_154, %select_n3A_173 : vector<16xi32>
    %broadcast_in_dim3A_175 = arith.constant 7 : i32
    %broadcast_in_dim3A_176 = vector.broadcast %broadcast_in_dim3A_175 : i32 to vector<16xi32>
    %add3A_177 = arith.addi %add3A_164, %broadcast_in_dim3A_176 : vector<16xi32>
    %broadcast_in_dim3A_178 = arith.constant 3 : i32
    %broadcast_in_dim3A_179 = vector.broadcast %broadcast_in_dim3A_178 : i32 to vector<16xi32>
    %shift_right_logical3A = arith.shrui %add3A_177, %broadcast_in_dim3A_179 : vector<16xi32>
    %broadcast_in_dim3A_180 = arith.constant true
    %broadcast_in_dim3A_181 = vector.broadcast %broadcast_in_dim3A_180 : i1 to vector<16xi1>
    %masked_cumsum3A = tpu.scan <sum>, %shift_right_logical3A masked %broadcast_in_dim3A_181 : vector<16xi32>, vector<16xi1> -> vector<16xi32>
    %sub3A = arith.subi %masked_cumsum3A, %shift_right_logical3A : vector<16xi32>
    %broadcast_in_dim3A_182 = arith.constant 8 : i32
    %broadcast_in_dim3A_183 = vector.broadcast %broadcast_in_dim3A_182 : i32 to vector<16xi32>
    %mul3A_184 = arith.muli %sub3A, %broadcast_in_dim3A_183 : vector<16xi32>
    %add3A_185 = arith.addi %mul3A_184, %add3A_174 : vector<16xi32>
    %eq3A_186 = arith.constant 0 : i32
    %eq3A_187 = arith.cmpi eq, %add3A, %eq3A_186 : i32
    %convert_element_type3A = arith.extui %eq3A_187 : i1 to i32
    %cond3A = arith.constant 0 : i32
    %cond3A_188 = arith.cmpi ne, %convert_element_type3A, %cond3A : i32
    scf.if %cond3A_188 {
      %broadcast_in_dim3A_2101 = arith.constant 255 : i32
      %broadcast_in_dim3A_2102 = vector.broadcast %broadcast_in_dim3A_2101 : i32 to vector<16xi32>
      %add3A_2103 = arith.addi %add3A_164, %broadcast_in_dim3A_2102 : vector<16xi32>
      %broadcast_in_dim3A_2104 = arith.constant 8 : i32
      %broadcast_in_dim3A_2105 = vector.broadcast %broadcast_in_dim3A_2104 : i32 to vector<16xi32>
      %shift_right_logical3A_2106 = arith.shrui %add3A_2103, %broadcast_in_dim3A_2105 : vector<16xi32>
      %swap3A_2107 = arith.constant 0 : index
      %swap3A_2108 = tpu.vector_load %arg17[%swap3A_2107] {strides = array<i32>} : memref<16xi32, #tpu.memory_space<vmem>>, vector<16xi32>,
      tpu.vector_store %arg17[%swap3A_2107], %mul3A_184 {strides = array<i32>} : memref<16xi32, #tpu.memory_space<vmem>>, vector<16xi32>,
      %swap3A_2109 = arith.constant 0 : index
      %swap3A_2110 = tpu.vector_load %arg18[%swap3A_2109] {strides = array<i32>} : memref<16xi32, #tpu.memory_space<vmem>>, vector<16xi32>,
      tpu.vector_store %arg18[%swap3A_2109], %shift_right_logical3A_2106 {strides = array<i32>} : memref<16xi32, #tpu.memory_space<vmem>>, vector<16xi32>,
      "tpu.region"() ({
        %run_scoped3A = tpu.sem_alloc : memref<!tpu.dma_semaphore, #tpu.memory_space<semaphore_mem>>
        tpu.enqueue_dma source(%arg17 : memref<16xi32, #tpu.memory_space<vmem>>) target(%arg8 : memref<16xi32, #tpu.memory_space<hbm>>) target_semaphore(%run_scoped3A : memref<!tpu.dma_semaphore, #tpu.memory_space<semaphore_mem>>)
        tpu.wait_dma2 semaphore(%run_scoped3A : memref<!tpu.dma_semaphore, #tpu.memory_space<semaphore_mem>>) src(%arg17 : memref<16xi32, #tpu.memory_space<vmem>>) dst(%arg8 : memref<16xi32, #tpu.memory_space<hbm>>)
        tpu.yield
      }) : () -> ()
      "tpu.region"() ({
        %run_scoped3A = tpu.sem_alloc : memref<!tpu.dma_semaphore, #tpu.memory_space<semaphore_mem>>
        tpu.enqueue_dma source(%arg18 : memref<16xi32, #tpu.memory_space<vmem>>) target(%arg9 : memref<16xi32, #tpu.memory_space<hbm>>) target_semaphore(%run_scoped3A : memref<!tpu.dma_semaphore, #tpu.memory_space<semaphore_mem>>)
        tpu.wait_dma2 semaphore(%run_scoped3A : memref<!tpu.dma_semaphore, #tpu.memory_space<semaphore_mem>>) src(%arg18 : memref<16xi32, #tpu.memory_space<vmem>>) dst(%arg9 : memref<16xi32, #tpu.memory_space<hbm>>)
        tpu.yield
      }) : () -> ()
    } else {
    }
    %dma_wait3A = tpu.memref_slice %arg2[%mul3A_2] : memref<2048xi32, #tpu.memory_space<hbm>> -> memref<64xi32, #tpu.memory_space<hbm>>
    %dma_wait3A_189 = tpu.memref_slice %arg2[%mul3A_2] : memref<2048xi32, #tpu.memory_space<hbm>> -> memref<64xi32, #tpu.memory_space<hbm>>
    tpu.wait_dma2 semaphore(%arg20 : memref<!tpu.dma_semaphore, #tpu.memory_space<semaphore_mem>>) src(%dma_wait3A_189 : memref<64xi32, #tpu.memory_space<hbm>>) dst(%arg12 : memref<64xi32, #tpu.memory_space<vmem>>)
    %dma_wait3A_190 = tpu.memref_slice %arg3[%mul3A_2] : memref<2048xi32, #tpu.memory_space<hbm>> -> memref<64xi32, #tpu.memory_space<hbm>>
    %dma_wait3A_191 = tpu.memref_slice %arg3[%mul3A_2] : memref<2048xi32, #tpu.memory_space<hbm>> -> memref<64xi32, #tpu.memory_space<hbm>>
    tpu.wait_dma2 semaphore(%arg20 : memref<!tpu.dma_semaphore, #tpu.memory_space<semaphore_mem>>) src(%dma_wait3A_191 : memref<64xi32, #tpu.memory_space<hbm>>) dst(%arg13 : memref<64xi32, #tpu.memory_space<vmem>>)
    %dma_wait3A_192 = arith.constant 0 : i32
    %dma_wait3A_193 = tpu.memref_slice %arg4[%mul3A_2, %dma_wait3A_192] : memref<2048x768xf32, #tpu.memory_space<hbm>> -> memref<64x768xf32, #tpu.memory_space<hbm>>
    %dma_wait3A_194 = arith.constant 0 : i32
    %dma_wait3A_195 = tpu.memref_slice %arg4[%mul3A_2, %dma_wait3A_194] : memref<2048x768xf32, #tpu.memory_space<hbm>> -> memref<64x768xf32, #tpu.memory_space<hbm>>
    tpu.wait_dma2 semaphore(%arg20 : memref<!tpu.dma_semaphore, #tpu.memory_space<semaphore_mem>>) src(%dma_wait3A_195 : memref<64x768xf32, #tpu.memory_space<hbm>>) dst(%arg16 : memref<64x768xf32, #tpu.memory_space<vmem>>)
    %get3A = arith.constant 0 : index
    %get3A_196 = tpu.vector_load %arg12[%get3A] {strides = array<i32>} : memref<64xi32, #tpu.memory_space<vmem>>, vector<16xi32>,
    %eq3A_197 = arith.constant 0 : i32
    %eq3A_198 = vector.broadcast %eq3A_197 : i32 to vector<16xi32>
    %eq3A_199 = arith.cmpi eq, %get3A_196, %eq3A_198 : vector<16xi32>
    %convert_element_type3A_200 = arith.extui %eq3A_199 : vector<16xi1> to vector<16xi32>
    %cumsum3A = arith.constant true
    %cumsum3A_201 = vector.broadcast %cumsum3A : i1 to vector<16xi1>
    %cumsum3A_202 = tpu.scan <sum>, %convert_element_type3A_200 masked %cumsum3A_201 : vector<16xi32>, vector<16xi1> -> vector<16xi32>
    %eq3A_203 = arith.constant 0 : i32
    %eq3A_204 = vector.broadcast %eq3A_203 : i32 to vector<16xi32>
    %eq3A_205 = arith.cmpi eq, %iota3A, %eq3A_204 : vector<16xi32>
    %select_n3A_206 = arith.select %eq3A_205, %add3A_185, %broadcast_in_dim3A_3 : vector<16xi1>, vector<16xi32>
    %reduce_sum3A_207 = arith.constant true
    %reduce_sum3A_208 = vector.broadcast %reduce_sum3A_207 : i1 to vector<16xi1>
    %reduce_sum3A_209 = tpu.scan <sum>, %select_n3A_206 masked %reduce_sum3A_208 : vector<16xi32>, vector<16xi1> -> vector<16xi32>
    %reduce_sum3A_210 = vector.extract %reduce_sum3A_209[15] : i32 from vector<16xi32>
    %broadcast_in_dim3A_211 = vector.broadcast %reduce_sum3A_210 : i32 to vector<16xi32>
    %add3A_212 = arith.addi %broadcast_in_dim3A_211, %cumsum3A_202 : vector<16xi32>
    %sub3A_213 = arith.subi %add3A_212, %broadcast_in_dim3A_5 : vector<16xi32>
    %select_n3A_214 = arith.select %eq3A_199, %sub3A_213, %broadcast_in_dim3A_3 : vector<16xi1>, vector<16xi32>
    %eq3A_215 = arith.constant 0 : i32
    %eq3A_216 = vector.broadcast %eq3A_215 : i32 to vector<16xi32>
    %eq3A_217 = arith.cmpi eq, %iota3A, %eq3A_216 : vector<16xi32>
    %reduce_sum3A_218 = arith.constant true
    %reduce_sum3A_219 = vector.broadcast %reduce_sum3A_218 : i1 to vector<16xi1>
    %reduce_sum3A_220 = tpu.scan <sum>, %convert_element_type3A_200 masked %reduce_sum3A_219 : vector<16xi32>, vector<16xi1> -> vector<16xi32>
    %reduce_sum3A_221 = vector.extract %reduce_sum3A_220[15] : i32 from vector<16xi32>
    %broadcast_in_dim3A_222 = vector.broadcast %reduce_sum3A_221 : i32 to vector<16xi32>
    %select_n3A_223 = arith.select %eq3A_217, %broadcast_in_dim3A_222, %broadcast_in_dim3A_3 : vector<16xi1>, vector<16xi32>
    %add3A_224 = arith.addi %add3A_185, %select_n3A_223 : vector<16xi32>
    %eq3A_225 = arith.constant 1 : i32
    %eq3A_226 = vector.broadcast %eq3A_225 : i32 to vector<16xi32>
    %eq3A_227 = arith.cmpi eq, %get3A_196, %eq3A_226 : vector<16xi32>
    %convert_element_type3A_228 = arith.extui %eq3A_227 : vector<16xi1> to vector<16xi32>
    %cumsum3A_229 = arith.constant true
    %cumsum3A_230 = vector.broadcast %cumsum3A_229 : i1 to vector<16xi1>
    %cumsum3A_231 = tpu.scan <sum>, %convert_element_type3A_228 masked %cumsum3A_230 : vector<16xi32>, vector<16xi1> -> vector<16xi32>
    %eq3A_232 = arith.constant 1 : i32
    %eq3A_233 = vector.broadcast %eq3A_232 : i32 to vector<16xi32>
    %eq3A_234 = arith.cmpi eq, %iota3A, %eq3A_233 : vector<16xi32>
    %select_n3A_235 = arith.select %eq3A_234, %add3A_224, %broadcast_in_dim3A_3 : vector<16xi1>, vector<16xi32>
    %reduce_sum3A_236 = arith.constant true
    %reduce_sum3A_237 = vector.broadcast %reduce_sum3A_236 : i1 to vector<16xi1>
    %reduce_sum3A_238 = tpu.scan <sum>, %select_n3A_235 masked %reduce_sum3A_237 : vector<16xi32>, vector<16xi1> -> vector<16xi32>
    %reduce_sum3A_239 = vector.extract %reduce_sum3A_238[15] : i32 from vector<16xi32>
    %broadcast_in_dim3A_240 = vector.broadcast %reduce_sum3A_239 : i32 to vector<16xi32>
    %add3A_241 = arith.addi %broadcast_in_dim3A_240, %cumsum3A_231 : vector<16xi32>
    %sub3A_242 = arith.subi %add3A_241, %broadcast_in_dim3A_5 : vector<16xi32>
    %select_n3A_243 = arith.select %eq3A_227, %sub3A_242, %select_n3A_214 : vector<16xi1>, vector<16xi32>
    %eq3A_244 = arith.constant 1 : i32
    %eq3A_245 = vector.broadcast %eq3A_244 : i32 to vector<16xi32>
    %eq3A_246 = arith.cmpi eq, %iota3A, %eq3A_245 : vector<16xi32>
    %reduce_sum3A_247 = arith.constant true
    %reduce_sum3A_248 = vector.broadcast %reduce_sum3A_247 : i1 to vector<16xi1>
    %reduce_sum3A_249 = tpu.scan <sum>, %convert_element_type3A_228 masked %reduce_sum3A_248 : vector<16xi32>, vector<16xi1> -> vector<16xi32>
    %reduce_sum3A_250 = vector.extract %reduce_sum3A_249[15] : i32 from vector<16xi32>
    %broadcast_in_dim3A_251 = vector.broadcast %reduce_sum3A_250 : i32 to vector<16xi32>
    %select_n3A_252 = arith.select %eq3A_246, %broadcast_in_dim3A_251, %broadcast_in_dim3A_3 : vector<16xi1>, vector<16xi32>
    %add3A_253 = arith.addi %add3A_224, %select_n3A_252 : vector<16xi32>
    %eq3A_254 = arith.constant 2 : i32
    %eq3A_255 = vector.broadcast %eq3A_254 : i32 to vector<16xi32>
    %eq3A_256 = arith.cmpi eq, %get3A_196, %eq3A_255 : vector<16xi32>
    %convert_element_type3A_257 = arith.extui %eq3A_256 : vector<16xi1> to vector<16xi32>
    %cumsum3A_258 = arith.constant true
    %cumsum3A_259 = vector.broadcast %cumsum3A_258 : i1 to vector<16xi1>
    %cumsum3A_260 = tpu.scan <sum>, %convert_element_type3A_257 masked %cumsum3A_259 : vector<16xi32>, vector<16xi1> -> vector<16xi32>
    %eq3A_261 = arith.constant 2 : i32
    %eq3A_262 = vector.broadcast %eq3A_261 : i32 to vector<16xi32>
    %eq3A_263 = arith.cmpi eq, %iota3A, %eq3A_262 : vector<16xi32>
    %select_n3A_264 = arith.select %eq3A_263, %add3A_253, %broadcast_in_dim3A_3 : vector<16xi1>, vector<16xi32>
    %reduce_sum3A_265 = arith.constant true
    %reduce_sum3A_266 = vector.broadcast %reduce_sum3A_265 : i1 to vector<16xi1>
    %reduce_sum3A_267 = tpu.scan <sum>, %select_n3A_264 masked %reduce_sum3A_266 : vector<16xi32>, vector<16xi1> -> vector<16xi32>
    %reduce_sum3A_268 = vector.extract %reduce_sum3A_267[15] : i32 from vector<16xi32>
    %broadcast_in_dim3A_269 = vector.broadcast %reduce_sum3A_268 : i32 to vector<16xi32>
    %add3A_270 = arith.addi %broadcast_in_dim3A_269, %cumsum3A_260 : vector<16xi32>
    %sub3A_271 = arith.subi %add3A_270, %broadcast_in_dim3A_5 : vector<16xi32>
    %select_n3A_272 = arith.select %eq3A_256, %sub3A_271, %select_n3A_243 : vector<16xi1>, vector<16xi32>
    %eq3A_273 = arith.constant 2 : i32
    %eq3A_274 = vector.broadcast %eq3A_273 : i32 to vector<16xi32>
    %eq3A_275 = arith.cmpi eq, %iota3A, %eq3A_274 : vector<16xi32>
    %reduce_sum3A_276 = arith.constant true
    %reduce_sum3A_277 = vector.broadcast %reduce_sum3A_276 : i1 to vector<16xi1>
    %reduce_sum3A_278 = tpu.scan <sum>, %convert_element_type3A_257 masked %reduce_sum3A_277 : vector<16xi32>, vector<16xi1> -> vector<16xi32>
    %reduce_sum3A_279 = vector.extract %reduce_sum3A_278[15] : i32 from vector<16xi32>
    %broadcast_in_dim3A_280 = vector.broadcast %reduce_sum3A_279 : i32 to vector<16xi32>
    %select_n3A_281 = arith.select %eq3A_275, %broadcast_in_dim3A_280, %broadcast_in_dim3A_3 : vector<16xi1>, vector<16xi32>
    %add3A_282 = arith.addi %add3A_253, %select_n3A_281 : vector<16xi32>
    %eq3A_283 = arith.constant 3 : i32
    %eq3A_284 = vector.broadcast %eq3A_283 : i32 to vector<16xi32>
    %eq3A_285 = arith.cmpi eq, %get3A_196, %eq3A_284 : vector<16xi32>
    %convert_element_type3A_286 = arith.extui %eq3A_285 : vector<16xi1> to vector<16xi32>
    %cumsum3A_287 = arith.constant true
    %cumsum3A_288 = vector.broadcast %cumsum3A_287 : i1 to vector<16xi1>
    %cumsum3A_289 = tpu.scan <sum>, %convert_element_type3A_286 masked %cumsum3A_288 : vector<16xi32>, vector<16xi1> -> vector<16xi32>
    %eq3A_290 = arith.constant 3 : i32
    %eq3A_291 = vector.broadcast %eq3A_290 : i32 to vector<16xi32>
    %eq3A_292 = arith.cmpi eq, %iota3A, %eq3A_291 : vector<16xi32>
    %select_n3A_293 = arith.select %eq3A_292, %add3A_282, %broadcast_in_dim3A_3 : vector<16xi1>, vector<16xi32>
    %reduce_sum3A_294 = arith.constant true
    %reduce_sum3A_295 = vector.broadcast %reduce_sum3A_294 : i1 to vector<16xi1>
    %reduce_sum3A_296 = tpu.scan <sum>, %select_n3A_293 masked %reduce_sum3A_295 : vector<16xi32>, vector<16xi1> -> vector<16xi32>
    %reduce_sum3A_297 = vector.extract %reduce_sum3A_296[15] : i32 from vector<16xi32>
    %broadcast_in_dim3A_298 = vector.broadcast %reduce_sum3A_297 : i32 to vector<16xi32>
    %add3A_299 = arith.addi %broadcast_in_dim3A_298, %cumsum3A_289 : vector<16xi32>
    %sub3A_300 = arith.subi %add3A_299, %broadcast_in_dim3A_5 : vector<16xi32>
    %select_n3A_301 = arith.select %eq3A_285, %sub3A_300, %select_n3A_272 : vector<16xi1>, vector<16xi32>
    %eq3A_302 = arith.constant 3 : i32
    %eq3A_303 = vector.broadcast %eq3A_302 : i32 to vector<16xi32>
    %eq3A_304 = arith.cmpi eq, %iota3A, %eq3A_303 : vector<16xi32>
    %reduce_sum3A_305 = arith.constant true
    %reduce_sum3A_306 = vector.broadcast %reduce_sum3A_305 : i1 to vector<16xi1>
    %reduce_sum3A_307 = tpu.scan <sum>, %convert_element_type3A_286 masked %reduce_sum3A_306 : vector<16xi32>, vector<16xi1> -> vector<16xi32>
    %reduce_sum3A_308 = vector.extract %reduce_sum3A_307[15] : i32 from vector<16xi32>
    %broadcast_in_dim3A_309 = vector.broadcast %reduce_sum3A_308 : i32 to vector<16xi32>
    %select_n3A_310 = arith.select %eq3A_304, %broadcast_in_dim3A_309, %broadcast_in_dim3A_3 : vector<16xi1>, vector<16xi32>
    %add3A_311 = arith.addi %add3A_282, %select_n3A_310 : vector<16xi32>
    %eq3A_312 = arith.constant 4 : i32
    %eq3A_313 = vector.broadcast %eq3A_312 : i32 to vector<16xi32>
    %eq3A_314 = arith.cmpi eq, %get3A_196, %eq3A_313 : vector<16xi32>
    %convert_element_type3A_315 = arith.extui %eq3A_314 : vector<16xi1> to vector<16xi32>
    %cumsum3A_316 = arith.constant true
    %cumsum3A_317 = vector.broadcast %cumsum3A_316 : i1 to vector<16xi1>
    %cumsum3A_318 = tpu.scan <sum>, %convert_element_type3A_315 masked %cumsum3A_317 : vector<16xi32>, vector<16xi1> -> vector<16xi32>
    %eq3A_319 = arith.constant 4 : i32
    %eq3A_320 = vector.broadcast %eq3A_319 : i32 to vector<16xi32>
    %eq3A_321 = arith.cmpi eq, %iota3A, %eq3A_320 : vector<16xi32>
    %select_n3A_322 = arith.select %eq3A_321, %add3A_311, %broadcast_in_dim3A_3 : vector<16xi1>, vector<16xi32>
    %reduce_sum3A_323 = arith.constant true
    %reduce_sum3A_324 = vector.broadcast %reduce_sum3A_323 : i1 to vector<16xi1>
    %reduce_sum3A_325 = tpu.scan <sum>, %select_n3A_322 masked %reduce_sum3A_324 : vector<16xi32>, vector<16xi1> -> vector<16xi32>
    %reduce_sum3A_326 = vector.extract %reduce_sum3A_325[15] : i32 from vector<16xi32>
    %broadcast_in_dim3A_327 = vector.broadcast %reduce_sum3A_326 : i32 to vector<16xi32>
    %add3A_328 = arith.addi %broadcast_in_dim3A_327, %cumsum3A_318 : vector<16xi32>
    %sub3A_329 = arith.subi %add3A_328, %broadcast_in_dim3A_5 : vector<16xi32>
    %select_n3A_330 = arith.select %eq3A_314, %sub3A_329, %select_n3A_301 : vector<16xi1>, vector<16xi32>
    %eq3A_331 = arith.constant 4 : i32
    %eq3A_332 = vector.broadcast %eq3A_331 : i32 to vector<16xi32>
    %eq3A_333 = arith.cmpi eq, %iota3A, %eq3A_332 : vector<16xi32>
    %reduce_sum3A_334 = arith.constant true
    %reduce_sum3A_335 = vector.broadcast %reduce_sum3A_334 : i1 to vector<16xi1>
    %reduce_sum3A_336 = tpu.scan <sum>, %convert_element_type3A_315 masked %reduce_sum3A_335 : vector<16xi32>, vector<16xi1> -> vector<16xi32>
    %reduce_sum3A_337 = vector.extract %reduce_sum3A_336[15] : i32 from vector<16xi32>
    %broadcast_in_dim3A_338 = vector.broadcast %reduce_sum3A_337 : i32 to vector<16xi32>
    %select_n3A_339 = arith.select %eq3A_333, %broadcast_in_dim3A_338, %broadcast_in_dim3A_3 : vector<16xi1>, vector<16xi32>
    %add3A_340 = arith.addi %add3A_311, %select_n3A_339 : vector<16xi32>
    %eq3A_341 = arith.constant 5 : i32
    %eq3A_342 = vector.broadcast %eq3A_341 : i32 to vector<16xi32>
    %eq3A_343 = arith.cmpi eq, %get3A_196, %eq3A_342 : vector<16xi32>
    %convert_element_type3A_344 = arith.extui %eq3A_343 : vector<16xi1> to vector<16xi32>
    %cumsum3A_345 = arith.constant true
    %cumsum3A_346 = vector.broadcast %cumsum3A_345 : i1 to vector<16xi1>
    %cumsum3A_347 = tpu.scan <sum>, %convert_element_type3A_344 masked %cumsum3A_346 : vector<16xi32>, vector<16xi1> -> vector<16xi32>
    %eq3A_348 = arith.constant 5 : i32
    %eq3A_349 = vector.broadcast %eq3A_348 : i32 to vector<16xi32>
    %eq3A_350 = arith.cmpi eq, %iota3A, %eq3A_349 : vector<16xi32>
    %select_n3A_351 = arith.select %eq3A_350, %add3A_340, %broadcast_in_dim3A_3 : vector<16xi1>, vector<16xi32>
    %reduce_sum3A_352 = arith.constant true
    %reduce_sum3A_353 = vector.broadcast %reduce_sum3A_352 : i1 to vector<16xi1>
    %reduce_sum3A_354 = tpu.scan <sum>, %select_n3A_351 masked %reduce_sum3A_353 : vector<16xi32>, vector<16xi1> -> vector<16xi32>
    %reduce_sum3A_355 = vector.extract %reduce_sum3A_354[15] : i32 from vector<16xi32>
    %broadcast_in_dim3A_356 = vector.broadcast %reduce_sum3A_355 : i32 to vector<16xi32>
    %add3A_357 = arith.addi %broadcast_in_dim3A_356, %cumsum3A_347 : vector<16xi32>
    %sub3A_358 = arith.subi %add3A_357, %broadcast_in_dim3A_5 : vector<16xi32>
    %select_n3A_359 = arith.select %eq3A_343, %sub3A_358, %select_n3A_330 : vector<16xi1>, vector<16xi32>
    %eq3A_360 = arith.constant 5 : i32
    %eq3A_361 = vector.broadcast %eq3A_360 : i32 to vector<16xi32>
    %eq3A_362 = arith.cmpi eq, %iota3A, %eq3A_361 : vector<16xi32>
    %reduce_sum3A_363 = arith.constant true
    %reduce_sum3A_364 = vector.broadcast %reduce_sum3A_363 : i1 to vector<16xi1>
    %reduce_sum3A_365 = tpu.scan <sum>, %convert_element_type3A_344 masked %reduce_sum3A_364 : vector<16xi32>, vector<16xi1> -> vector<16xi32>
    %reduce_sum3A_366 = vector.extract %reduce_sum3A_365[15] : i32 from vector<16xi32>
    %broadcast_in_dim3A_367 = vector.broadcast %reduce_sum3A_366 : i32 to vector<16xi32>
    %select_n3A_368 = arith.select %eq3A_362, %broadcast_in_dim3A_367, %broadcast_in_dim3A_3 : vector<16xi1>, vector<16xi32>
    %add3A_369 = arith.addi %add3A_340, %select_n3A_368 : vector<16xi32>
    %eq3A_370 = arith.constant 6 : i32
    %eq3A_371 = vector.broadcast %eq3A_370 : i32 to vector<16xi32>
    %eq3A_372 = arith.cmpi eq, %get3A_196, %eq3A_371 : vector<16xi32>
    %convert_element_type3A_373 = arith.extui %eq3A_372 : vector<16xi1> to vector<16xi32>
    %cumsum3A_374 = arith.constant true
    %cumsum3A_375 = vector.broadcast %cumsum3A_374 : i1 to vector<16xi1>
    %cumsum3A_376 = tpu.scan <sum>, %convert_element_type3A_373 masked %cumsum3A_375 : vector<16xi32>, vector<16xi1> -> vector<16xi32>
    %eq3A_377 = arith.constant 6 : i32
    %eq3A_378 = vector.broadcast %eq3A_377 : i32 to vector<16xi32>
    %eq3A_379 = arith.cmpi eq, %iota3A, %eq3A_378 : vector<16xi32>
    %select_n3A_380 = arith.select %eq3A_379, %add3A_369, %broadcast_in_dim3A_3 : vector<16xi1>, vector<16xi32>
    %reduce_sum3A_381 = arith.constant true
    %reduce_sum3A_382 = vector.broadcast %reduce_sum3A_381 : i1 to vector<16xi1>
    %reduce_sum3A_383 = tpu.scan <sum>, %select_n3A_380 masked %reduce_sum3A_382 : vector<16xi32>, vector<16xi1> -> vector<16xi32>
    %reduce_sum3A_384 = vector.extract %reduce_sum3A_383[15] : i32 from vector<16xi32>
    %broadcast_in_dim3A_385 = vector.broadcast %reduce_sum3A_384 : i32 to vector<16xi32>
    %add3A_386 = arith.addi %broadcast_in_dim3A_385, %cumsum3A_376 : vector<16xi32>
    %sub3A_387 = arith.subi %add3A_386, %broadcast_in_dim3A_5 : vector<16xi32>
    %select_n3A_388 = arith.select %eq3A_372, %sub3A_387, %select_n3A_359 : vector<16xi1>, vector<16xi32>
    %eq3A_389 = arith.constant 6 : i32
    %eq3A_390 = vector.broadcast %eq3A_389 : i32 to vector<16xi32>
    %eq3A_391 = arith.cmpi eq, %iota3A, %eq3A_390 : vector<16xi32>
    %reduce_sum3A_392 = arith.constant true
    %reduce_sum3A_393 = vector.broadcast %reduce_sum3A_392 : i1 to vector<16xi1>
    %reduce_sum3A_394 = tpu.scan <sum>, %convert_element_type3A_373 masked %reduce_sum3A_393 : vector<16xi32>, vector<16xi1> -> vector<16xi32>
    %reduce_sum3A_395 = vector.extract %reduce_sum3A_394[15] : i32 from vector<16xi32>
    %broadcast_in_dim3A_396 = vector.broadcast %reduce_sum3A_395 : i32 to vector<16xi32>
    %select_n3A_397 = arith.select %eq3A_391, %broadcast_in_dim3A_396, %broadcast_in_dim3A_3 : vector<16xi1>, vector<16xi32>
    %add3A_398 = arith.addi %add3A_369, %select_n3A_397 : vector<16xi32>
    %eq3A_399 = arith.constant 7 : i32
    %eq3A_400 = vector.broadcast %eq3A_399 : i32 to vector<16xi32>
    %eq3A_401 = arith.cmpi eq, %get3A_196, %eq3A_400 : vector<16xi32>
    %convert_element_type3A_402 = arith.extui %eq3A_401 : vector<16xi1> to vector<16xi32>
    %cumsum3A_403 = arith.constant true
    %cumsum3A_404 = vector.broadcast %cumsum3A_403 : i1 to vector<16xi1>
    %cumsum3A_405 = tpu.scan <sum>, %convert_element_type3A_402 masked %cumsum3A_404 : vector<16xi32>, vector<16xi1> -> vector<16xi32>
    %eq3A_406 = arith.constant 7 : i32
    %eq3A_407 = vector.broadcast %eq3A_406 : i32 to vector<16xi32>
    %eq3A_408 = arith.cmpi eq, %iota3A, %eq3A_407 : vector<16xi32>
    %select_n3A_409 = arith.select %eq3A_408, %add3A_398, %broadcast_in_dim3A_3 : vector<16xi1>, vector<16xi32>
    %reduce_sum3A_410 = arith.constant true
    %reduce_sum3A_411 = vector.broadcast %reduce_sum3A_410 : i1 to vector<16xi1>
    %reduce_sum3A_412 = tpu.scan <sum>, %select_n3A_409 masked %reduce_sum3A_411 : vector<16xi32>, vector<16xi1> -> vector<16xi32>
    %reduce_sum3A_413 = vector.extract %reduce_sum3A_412[15] : i32 from vector<16xi32>
    %broadcast_in_dim3A_414 = vector.broadcast %reduce_sum3A_413 : i32 to vector<16xi32>
    %add3A_415 = arith.addi %broadcast_in_dim3A_414, %cumsum3A_405 : vector<16xi32>
    %sub3A_416 = arith.subi %add3A_415, %broadcast_in_dim3A_5 : vector<16xi32>
    %select_n3A_417 = arith.select %eq3A_401, %sub3A_416, %select_n3A_388 : vector<16xi1>, vector<16xi32>
    %eq3A_418 = arith.constant 7 : i32
    %eq3A_419 = vector.broadcast %eq3A_418 : i32 to vector<16xi32>
    %eq3A_420 = arith.cmpi eq, %iota3A, %eq3A_419 : vector<16xi32>
    %reduce_sum3A_421 = arith.constant true
    %reduce_sum3A_422 = vector.broadcast %reduce_sum3A_421 : i1 to vector<16xi1>
    %reduce_sum3A_423 = tpu.scan <sum>, %convert_element_type3A_402 masked %reduce_sum3A_422 : vector<16xi32>, vector<16xi1> -> vector<16xi32>
    %reduce_sum3A_424 = vector.extract %reduce_sum3A_423[15] : i32 from vector<16xi32>
    %broadcast_in_dim3A_425 = vector.broadcast %reduce_sum3A_424 : i32 to vector<16xi32>
    %select_n3A_426 = arith.select %eq3A_420, %broadcast_in_dim3A_425, %broadcast_in_dim3A_3 : vector<16xi1>, vector<16xi32>
    %add3A_427 = arith.addi %add3A_398, %select_n3A_426 : vector<16xi32>
    %swap3A = arith.constant 0 : index
    %swap3A_428 = tpu.vector_load %arg14[%swap3A] {strides = array<i32>} : memref<64xi32, #tpu.memory_space<vmem>>, vector<16xi32>,
    tpu.vector_store %arg14[%swap3A], %select_n3A_417 {strides = array<i32>} : memref<64xi32, #tpu.memory_space<vmem>>, vector<16xi32>,
    %get3A_429 = arith.constant 16 : index
    %get3A_430 = tpu.vector_load %arg12[%get3A_429] {strides = array<i32>} : memref<64xi32, #tpu.memory_space<vmem>>, vector<16xi32>,
    %eq3A_431 = arith.constant 0 : i32
    %eq3A_432 = vector.broadcast %eq3A_431 : i32 to vector<16xi32>
    %eq3A_433 = arith.cmpi eq, %get3A_430, %eq3A_432 : vector<16xi32>
    %convert_element_type3A_434 = arith.extui %eq3A_433 : vector<16xi1> to vector<16xi32>
    %cumsum3A_435 = arith.constant true
    %cumsum3A_436 = vector.broadcast %cumsum3A_435 : i1 to vector<16xi1>
    %cumsum3A_437 = tpu.scan <sum>, %convert_element_type3A_434 masked %cumsum3A_436 : vector<16xi32>, vector<16xi1> -> vector<16xi32>
    %eq3A_438 = arith.constant 0 : i32
    %eq3A_439 = vector.broadcast %eq3A_438 : i32 to vector<16xi32>
    %eq3A_440 = arith.cmpi eq, %iota3A, %eq3A_439 : vector<16xi32>
    %select_n3A_441 = arith.select %eq3A_440, %add3A_427, %broadcast_in_dim3A_3 : vector<16xi1>, vector<16xi32>
    %reduce_sum3A_442 = arith.constant true
    %reduce_sum3A_443 = vector.broadcast %reduce_sum3A_442 : i1 to vector<16xi1>
    %reduce_sum3A_444 = tpu.scan <sum>, %select_n3A_441 masked %reduce_sum3A_443 : vector<16xi32>, vector<16xi1> -> vector<16xi32>
    %reduce_sum3A_445 = vector.extract %reduce_sum3A_444[15] : i32 from vector<16xi32>
    %broadcast_in_dim3A_446 = vector.broadcast %reduce_sum3A_445 : i32 to vector<16xi32>
    %add3A_447 = arith.addi %broadcast_in_dim3A_446, %cumsum3A_437 : vector<16xi32>
    %sub3A_448 = arith.subi %add3A_447, %broadcast_in_dim3A_5 : vector<16xi32>
    %select_n3A_449 = arith.select %eq3A_433, %sub3A_448, %broadcast_in_dim3A_3 : vector<16xi1>, vector<16xi32>
    %eq3A_450 = arith.constant 0 : i32
    %eq3A_451 = vector.broadcast %eq3A_450 : i32 to vector<16xi32>
    %eq3A_452 = arith.cmpi eq, %iota3A, %eq3A_451 : vector<16xi32>
    %reduce_sum3A_453 = arith.constant true
    %reduce_sum3A_454 = vector.broadcast %reduce_sum3A_453 : i1 to vector<16xi1>
    %reduce_sum3A_455 = tpu.scan <sum>, %convert_element_type3A_434 masked %reduce_sum3A_454 : vector<16xi32>, vector<16xi1> -> vector<16xi32>
    %reduce_sum3A_456 = vector.extract %reduce_sum3A_455[15] : i32 from vector<16xi32>
    %broadcast_in_dim3A_457 = vector.broadcast %reduce_sum3A_456 : i32 to vector<16xi32>
    %select_n3A_458 = arith.select %eq3A_452, %broadcast_in_dim3A_457, %broadcast_in_dim3A_3 : vector<16xi1>, vector<16xi32>
    %add3A_459 = arith.addi %add3A_427, %select_n3A_458 : vector<16xi32>
    %eq3A_460 = arith.constant 1 : i32
    %eq3A_461 = vector.broadcast %eq3A_460 : i32 to vector<16xi32>
    %eq3A_462 = arith.cmpi eq, %get3A_430, %eq3A_461 : vector<16xi32>
    %convert_element_type3A_463 = arith.extui %eq3A_462 : vector<16xi1> to vector<16xi32>
    %cumsum3A_464 = arith.constant true
    %cumsum3A_465 = vector.broadcast %cumsum3A_464 : i1 to vector<16xi1>
    %cumsum3A_466 = tpu.scan <sum>, %convert_element_type3A_463 masked %cumsum3A_465 : vector<16xi32>, vector<16xi1> -> vector<16xi32>
    %eq3A_467 = arith.constant 1 : i32
    %eq3A_468 = vector.broadcast %eq3A_467 : i32 to vector<16xi32>
    %eq3A_469 = arith.cmpi eq, %iota3A, %eq3A_468 : vector<16xi32>
    %select_n3A_470 = arith.select %eq3A_469, %add3A_459, %broadcast_in_dim3A_3 : vector<16xi1>, vector<16xi32>
    %reduce_sum3A_471 = arith.constant true
    %reduce_sum3A_472 = vector.broadcast %reduce_sum3A_471 : i1 to vector<16xi1>
    %reduce_sum3A_473 = tpu.scan <sum>, %select_n3A_470 masked %reduce_sum3A_472 : vector<16xi32>, vector<16xi1> -> vector<16xi32>
    %reduce_sum3A_474 = vector.extract %reduce_sum3A_473[15] : i32 from vector<16xi32>
    %broadcast_in_dim3A_475 = vector.broadcast %reduce_sum3A_474 : i32 to vector<16xi32>
    %add3A_476 = arith.addi %broadcast_in_dim3A_475, %cumsum3A_466 : vector<16xi32>
    %sub3A_477 = arith.subi %add3A_476, %broadcast_in_dim3A_5 : vector<16xi32>
    %select_n3A_478 = arith.select %eq3A_462, %sub3A_477, %select_n3A_449 : vector<16xi1>, vector<16xi32>
    %eq3A_479 = arith.constant 1 : i32
    %eq3A_480 = vector.broadcast %eq3A_479 : i32 to vector<16xi32>
    %eq3A_481 = arith.cmpi eq, %iota3A, %eq3A_480 : vector<16xi32>
    %reduce_sum3A_482 = arith.constant true
    %reduce_sum3A_483 = vector.broadcast %reduce_sum3A_482 : i1 to vector<16xi1>
    %reduce_sum3A_484 = tpu.scan <sum>, %convert_element_type3A_463 masked %reduce_sum3A_483 : vector<16xi32>, vector<16xi1> -> vector<16xi32>
    %reduce_sum3A_485 = vector.extract %reduce_sum3A_484[15] : i32 from vector<16xi32>
    %broadcast_in_dim3A_486 = vector.broadcast %reduce_sum3A_485 : i32 to vector<16xi32>
    %select_n3A_487 = arith.select %eq3A_481, %broadcast_in_dim3A_486, %broadcast_in_dim3A_3 : vector<16xi1>, vector<16xi32>
    %add3A_488 = arith.addi %add3A_459, %select_n3A_487 : vector<16xi32>
    %eq3A_489 = arith.constant 2 : i32
    %eq3A_490 = vector.broadcast %eq3A_489 : i32 to vector<16xi32>
    %eq3A_491 = arith.cmpi eq, %get3A_430, %eq3A_490 : vector<16xi32>
    %convert_element_type3A_492 = arith.extui %eq3A_491 : vector<16xi1> to vector<16xi32>
    %cumsum3A_493 = arith.constant true
    %cumsum3A_494 = vector.broadcast %cumsum3A_493 : i1 to vector<16xi1>
    %cumsum3A_495 = tpu.scan <sum>, %convert_element_type3A_492 masked %cumsum3A_494 : vector<16xi32>, vector<16xi1> -> vector<16xi32>
    %eq3A_496 = arith.constant 2 : i32
    %eq3A_497 = vector.broadcast %eq3A_496 : i32 to vector<16xi32>
    %eq3A_498 = arith.cmpi eq, %iota3A, %eq3A_497 : vector<16xi32>
    %select_n3A_499 = arith.select %eq3A_498, %add3A_488, %broadcast_in_dim3A_3 : vector<16xi1>, vector<16xi32>
    %reduce_sum3A_500 = arith.constant true
    %reduce_sum3A_501 = vector.broadcast %reduce_sum3A_500 : i1 to vector<16xi1>
    %reduce_sum3A_502 = tpu.scan <sum>, %select_n3A_499 masked %reduce_sum3A_501 : vector<16xi32>, vector<16xi1> -> vector<16xi32>
    %reduce_sum3A_503 = vector.extract %reduce_sum3A_502[15] : i32 from vector<16xi32>
    %broadcast_in_dim3A_504 = vector.broadcast %reduce_sum3A_503 : i32 to vector<16xi32>
    %add3A_505 = arith.addi %broadcast_in_dim3A_504, %cumsum3A_495 : vector<16xi32>
    %sub3A_506 = arith.subi %add3A_505, %broadcast_in_dim3A_5 : vector<16xi32>
    %select_n3A_507 = arith.select %eq3A_491, %sub3A_506, %select_n3A_478 : vector<16xi1>, vector<16xi32>
    %eq3A_508 = arith.constant 2 : i32
    %eq3A_509 = vector.broadcast %eq3A_508 : i32 to vector<16xi32>
    %eq3A_510 = arith.cmpi eq, %iota3A, %eq3A_509 : vector<16xi32>
    %reduce_sum3A_511 = arith.constant true
    %reduce_sum3A_512 = vector.broadcast %reduce_sum3A_511 : i1 to vector<16xi1>
    %reduce_sum3A_513 = tpu.scan <sum>, %convert_element_type3A_492 masked %reduce_sum3A_512 : vector<16xi32>, vector<16xi1> -> vector<16xi32>
    %reduce_sum3A_514 = vector.extract %reduce_sum3A_513[15] : i32 from vector<16xi32>
    %broadcast_in_dim3A_515 = vector.broadcast %reduce_sum3A_514 : i32 to vector<16xi32>
    %select_n3A_516 = arith.select %eq3A_510, %broadcast_in_dim3A_515, %broadcast_in_dim3A_3 : vector<16xi1>, vector<16xi32>
    %add3A_517 = arith.addi %add3A_488, %select_n3A_516 : vector<16xi32>
    %eq3A_518 = arith.constant 3 : i32
    %eq3A_519 = vector.broadcast %eq3A_518 : i32 to vector<16xi32>
    %eq3A_520 = arith.cmpi eq, %get3A_430, %eq3A_519 : vector<16xi32>
    %convert_element_type3A_521 = arith.extui %eq3A_520 : vector<16xi1> to vector<16xi32>
    %cumsum3A_522 = arith.constant true
    %cumsum3A_523 = vector.broadcast %cumsum3A_522 : i1 to vector<16xi1>
    %cumsum3A_524 = tpu.scan <sum>, %convert_element_type3A_521 masked %cumsum3A_523 : vector<16xi32>, vector<16xi1> -> vector<16xi32>
    %eq3A_525 = arith.constant 3 : i32
    %eq3A_526 = vector.broadcast %eq3A_525 : i32 to vector<16xi32>
    %eq3A_527 = arith.cmpi eq, %iota3A, %eq3A_526 : vector<16xi32>
    %select_n3A_528 = arith.select %eq3A_527, %add3A_517, %broadcast_in_dim3A_3 : vector<16xi1>, vector<16xi32>
    %reduce_sum3A_529 = arith.constant true
    %reduce_sum3A_530 = vector.broadcast %reduce_sum3A_529 : i1 to vector<16xi1>
    %reduce_sum3A_531 = tpu.scan <sum>, %select_n3A_528 masked %reduce_sum3A_530 : vector<16xi32>, vector<16xi1> -> vector<16xi32>
    %reduce_sum3A_532 = vector.extract %reduce_sum3A_531[15] : i32 from vector<16xi32>
    %broadcast_in_dim3A_533 = vector.broadcast %reduce_sum3A_532 : i32 to vector<16xi32>
    %add3A_534 = arith.addi %broadcast_in_dim3A_533, %cumsum3A_524 : vector<16xi32>
    %sub3A_535 = arith.subi %add3A_534, %broadcast_in_dim3A_5 : vector<16xi32>
    %select_n3A_536 = arith.select %eq3A_520, %sub3A_535, %select_n3A_507 : vector<16xi1>, vector<16xi32>
    %eq3A_537 = arith.constant 3 : i32
    %eq3A_538 = vector.broadcast %eq3A_537 : i32 to vector<16xi32>
    %eq3A_539 = arith.cmpi eq, %iota3A, %eq3A_538 : vector<16xi32>
    %reduce_sum3A_540 = arith.constant true
    %reduce_sum3A_541 = vector.broadcast %reduce_sum3A_540 : i1 to vector<16xi1>
    %reduce_sum3A_542 = tpu.scan <sum>, %convert_element_type3A_521 masked %reduce_sum3A_541 : vector<16xi32>, vector<16xi1> -> vector<16xi32>
    %reduce_sum3A_543 = vector.extract %reduce_sum3A_542[15] : i32 from vector<16xi32>
    %broadcast_in_dim3A_544 = vector.broadcast %reduce_sum3A_543 : i32 to vector<16xi32>
    %select_n3A_545 = arith.select %eq3A_539, %broadcast_in_dim3A_544, %broadcast_in_dim3A_3 : vector<16xi1>, vector<16xi32>
    %add3A_546 = arith.addi %add3A_517, %select_n3A_545 : vector<16xi32>
    %eq3A_547 = arith.constant 4 : i32
    %eq3A_548 = vector.broadcast %eq3A_547 : i32 to vector<16xi32>
    %eq3A_549 = arith.cmpi eq, %get3A_430, %eq3A_548 : vector<16xi32>
    %convert_element_type3A_550 = arith.extui %eq3A_549 : vector<16xi1> to vector<16xi32>
    %cumsum3A_551 = arith.constant true
    %cumsum3A_552 = vector.broadcast %cumsum3A_551 : i1 to vector<16xi1>
    %cumsum3A_553 = tpu.scan <sum>, %convert_element_type3A_550 masked %cumsum3A_552 : vector<16xi32>, vector<16xi1> -> vector<16xi32>
    %eq3A_554 = arith.constant 4 : i32
    %eq3A_555 = vector.broadcast %eq3A_554 : i32 to vector<16xi32>
    %eq3A_556 = arith.cmpi eq, %iota3A, %eq3A_555 : vector<16xi32>
    %select_n3A_557 = arith.select %eq3A_556, %add3A_546, %broadcast_in_dim3A_3 : vector<16xi1>, vector<16xi32>
    %reduce_sum3A_558 = arith.constant true
    %reduce_sum3A_559 = vector.broadcast %reduce_sum3A_558 : i1 to vector<16xi1>
    %reduce_sum3A_560 = tpu.scan <sum>, %select_n3A_557 masked %reduce_sum3A_559 : vector<16xi32>, vector<16xi1> -> vector<16xi32>
    %reduce_sum3A_561 = vector.extract %reduce_sum3A_560[15] : i32 from vector<16xi32>
    %broadcast_in_dim3A_562 = vector.broadcast %reduce_sum3A_561 : i32 to vector<16xi32>
    %add3A_563 = arith.addi %broadcast_in_dim3A_562, %cumsum3A_553 : vector<16xi32>
    %sub3A_564 = arith.subi %add3A_563, %broadcast_in_dim3A_5 : vector<16xi32>
    %select_n3A_565 = arith.select %eq3A_549, %sub3A_564, %select_n3A_536 : vector<16xi1>, vector<16xi32>
    %eq3A_566 = arith.constant 4 : i32
    %eq3A_567 = vector.broadcast %eq3A_566 : i32 to vector<16xi32>
    %eq3A_568 = arith.cmpi eq, %iota3A, %eq3A_567 : vector<16xi32>
    %reduce_sum3A_569 = arith.constant true
    %reduce_sum3A_570 = vector.broadcast %reduce_sum3A_569 : i1 to vector<16xi1>
    %reduce_sum3A_571 = tpu.scan <sum>, %convert_element_type3A_550 masked %reduce_sum3A_570 : vector<16xi32>, vector<16xi1> -> vector<16xi32>
    %reduce_sum3A_572 = vector.extract %reduce_sum3A_571[15] : i32 from vector<16xi32>
    %broadcast_in_dim3A_573 = vector.broadcast %reduce_sum3A_572 : i32 to vector<16xi32>
    %select_n3A_574 = arith.select %eq3A_568, %broadcast_in_dim3A_573, %broadcast_in_dim3A_3 : vector<16xi1>, vector<16xi32>
    %add3A_575 = arith.addi %add3A_546, %select_n3A_574 : vector<16xi32>
    %eq3A_576 = arith.constant 5 : i32
    %eq3A_577 = vector.broadcast %eq3A_576 : i32 to vector<16xi32>
    %eq3A_578 = arith.cmpi eq, %get3A_430, %eq3A_577 : vector<16xi32>
    %convert_element_type3A_579 = arith.extui %eq3A_578 : vector<16xi1> to vector<16xi32>
    %cumsum3A_580 = arith.constant true
    %cumsum3A_581 = vector.broadcast %cumsum3A_580 : i1 to vector<16xi1>
    %cumsum3A_582 = tpu.scan <sum>, %convert_element_type3A_579 masked %cumsum3A_581 : vector<16xi32>, vector<16xi1> -> vector<16xi32>
    %eq3A_583 = arith.constant 5 : i32
    %eq3A_584 = vector.broadcast %eq3A_583 : i32 to vector<16xi32>
    %eq3A_585 = arith.cmpi eq, %iota3A, %eq3A_584 : vector<16xi32>
    %select_n3A_586 = arith.select %eq3A_585, %add3A_575, %broadcast_in_dim3A_3 : vector<16xi1>, vector<16xi32>
    %reduce_sum3A_587 = arith.constant true
    %reduce_sum3A_588 = vector.broadcast %reduce_sum3A_587 : i1 to vector<16xi1>
    %reduce_sum3A_589 = tpu.scan <sum>, %select_n3A_586 masked %reduce_sum3A_588 : vector<16xi32>, vector<16xi1> -> vector<16xi32>
    %reduce_sum3A_590 = vector.extract %reduce_sum3A_589[15] : i32 from vector<16xi32>
    %broadcast_in_dim3A_591 = vector.broadcast %reduce_sum3A_590 : i32 to vector<16xi32>
    %add3A_592 = arith.addi %broadcast_in_dim3A_591, %cumsum3A_582 : vector<16xi32>
    %sub3A_593 = arith.subi %add3A_592, %broadcast_in_dim3A_5 : vector<16xi32>
    %select_n3A_594 = arith.select %eq3A_578, %sub3A_593, %select_n3A_565 : vector<16xi1>, vector<16xi32>
    %eq3A_595 = arith.constant 5 : i32
    %eq3A_596 = vector.broadcast %eq3A_595 : i32 to vector<16xi32>
    %eq3A_597 = arith.cmpi eq, %iota3A, %eq3A_596 : vector<16xi32>
    %reduce_sum3A_598 = arith.constant true
    %reduce_sum3A_599 = vector.broadcast %reduce_sum3A_598 : i1 to vector<16xi1>
    %reduce_sum3A_600 = tpu.scan <sum>, %convert_element_type3A_579 masked %reduce_sum3A_599 : vector<16xi32>, vector<16xi1> -> vector<16xi32>
    %reduce_sum3A_601 = vector.extract %reduce_sum3A_600[15] : i32 from vector<16xi32>
    %broadcast_in_dim3A_602 = vector.broadcast %reduce_sum3A_601 : i32 to vector<16xi32>
    %select_n3A_603 = arith.select %eq3A_597, %broadcast_in_dim3A_602, %broadcast_in_dim3A_3 : vector<16xi1>, vector<16xi32>
    %add3A_604 = arith.addi %add3A_575, %select_n3A_603 : vector<16xi32>
    %eq3A_605 = arith.constant 6 : i32
    %eq3A_606 = vector.broadcast %eq3A_605 : i32 to vector<16xi32>
    %eq3A_607 = arith.cmpi eq, %get3A_430, %eq3A_606 : vector<16xi32>
    %convert_element_type3A_608 = arith.extui %eq3A_607 : vector<16xi1> to vector<16xi32>
    %cumsum3A_609 = arith.constant true
    %cumsum3A_610 = vector.broadcast %cumsum3A_609 : i1 to vector<16xi1>
    %cumsum3A_611 = tpu.scan <sum>, %convert_element_type3A_608 masked %cumsum3A_610 : vector<16xi32>, vector<16xi1> -> vector<16xi32>
    %eq3A_612 = arith.constant 6 : i32
    %eq3A_613 = vector.broadcast %eq3A_612 : i32 to vector<16xi32>
    %eq3A_614 = arith.cmpi eq, %iota3A, %eq3A_613 : vector<16xi32>
    %select_n3A_615 = arith.select %eq3A_614, %add3A_604, %broadcast_in_dim3A_3 : vector<16xi1>, vector<16xi32>
    %reduce_sum3A_616 = arith.constant true
    %reduce_sum3A_617 = vector.broadcast %reduce_sum3A_616 : i1 to vector<16xi1>
    %reduce_sum3A_618 = tpu.scan <sum>, %select_n3A_615 masked %reduce_sum3A_617 : vector<16xi32>, vector<16xi1> -> vector<16xi32>
    %reduce_sum3A_619 = vector.extract %reduce_sum3A_618[15] : i32 from vector<16xi32>
    %broadcast_in_dim3A_620 = vector.broadcast %reduce_sum3A_619 : i32 to vector<16xi32>
    %add3A_621 = arith.addi %broadcast_in_dim3A_620, %cumsum3A_611 : vector<16xi32>
    %sub3A_622 = arith.subi %add3A_621, %broadcast_in_dim3A_5 : vector<16xi32>
    %select_n3A_623 = arith.select %eq3A_607, %sub3A_622, %select_n3A_594 : vector<16xi1>, vector<16xi32>
    %eq3A_624 = arith.constant 6 : i32
    %eq3A_625 = vector.broadcast %eq3A_624 : i32 to vector<16xi32>
    %eq3A_626 = arith.cmpi eq, %iota3A, %eq3A_625 : vector<16xi32>
    %reduce_sum3A_627 = arith.constant true
    %reduce_sum3A_628 = vector.broadcast %reduce_sum3A_627 : i1 to vector<16xi1>
    %reduce_sum3A_629 = tpu.scan <sum>, %convert_element_type3A_608 masked %reduce_sum3A_628 : vector<16xi32>, vector<16xi1> -> vector<16xi32>
    %reduce_sum3A_630 = vector.extract %reduce_sum3A_629[15] : i32 from vector<16xi32>
    %broadcast_in_dim3A_631 = vector.broadcast %reduce_sum3A_630 : i32 to vector<16xi32>
    %select_n3A_632 = arith.select %eq3A_626, %broadcast_in_dim3A_631, %broadcast_in_dim3A_3 : vector<16xi1>, vector<16xi32>
    %add3A_633 = arith.addi %add3A_604, %select_n3A_632 : vector<16xi32>
    %eq3A_634 = arith.constant 7 : i32
    %eq3A_635 = vector.broadcast %eq3A_634 : i32 to vector<16xi32>
    %eq3A_636 = arith.cmpi eq, %get3A_430, %eq3A_635 : vector<16xi32>
    %convert_element_type3A_637 = arith.extui %eq3A_636 : vector<16xi1> to vector<16xi32>
    %cumsum3A_638 = arith.constant true
    %cumsum3A_639 = vector.broadcast %cumsum3A_638 : i1 to vector<16xi1>
    %cumsum3A_640 = tpu.scan <sum>, %convert_element_type3A_637 masked %cumsum3A_639 : vector<16xi32>, vector<16xi1> -> vector<16xi32>
    %eq3A_641 = arith.constant 7 : i32
    %eq3A_642 = vector.broadcast %eq3A_641 : i32 to vector<16xi32>
    %eq3A_643 = arith.cmpi eq, %iota3A, %eq3A_642 : vector<16xi32>
    %select_n3A_644 = arith.select %eq3A_643, %add3A_633, %broadcast_in_dim3A_3 : vector<16xi1>, vector<16xi32>
    %reduce_sum3A_645 = arith.constant true
    %reduce_sum3A_646 = vector.broadcast %reduce_sum3A_645 : i1 to vector<16xi1>
    %reduce_sum3A_647 = tpu.scan <sum>, %select_n3A_644 masked %reduce_sum3A_646 : vector<16xi32>, vector<16xi1> -> vector<16xi32>
    %reduce_sum3A_648 = vector.extract %reduce_sum3A_647[15] : i32 from vector<16xi32>
    %broadcast_in_dim3A_649 = vector.broadcast %reduce_sum3A_648 : i32 to vector<16xi32>
    %add3A_650 = arith.addi %broadcast_in_dim3A_649, %cumsum3A_640 : vector<16xi32>
    %sub3A_651 = arith.subi %add3A_650, %broadcast_in_dim3A_5 : vector<16xi32>
    %select_n3A_652 = arith.select %eq3A_636, %sub3A_651, %select_n3A_623 : vector<16xi1>, vector<16xi32>
    %eq3A_653 = arith.constant 7 : i32
    %eq3A_654 = vector.broadcast %eq3A_653 : i32 to vector<16xi32>
    %eq3A_655 = arith.cmpi eq, %iota3A, %eq3A_654 : vector<16xi32>
    %reduce_sum3A_656 = arith.constant true
    %reduce_sum3A_657 = vector.broadcast %reduce_sum3A_656 : i1 to vector<16xi1>
    %reduce_sum3A_658 = tpu.scan <sum>, %convert_element_type3A_637 masked %reduce_sum3A_657 : vector<16xi32>, vector<16xi1> -> vector<16xi32>
    %reduce_sum3A_659 = vector.extract %reduce_sum3A_658[15] : i32 from vector<16xi32>
    %broadcast_in_dim3A_660 = vector.broadcast %reduce_sum3A_659 : i32 to vector<16xi32>
    %select_n3A_661 = arith.select %eq3A_655, %broadcast_in_dim3A_660, %broadcast_in_dim3A_3 : vector<16xi1>, vector<16xi32>
    %add3A_662 = arith.addi %add3A_633, %select_n3A_661 : vector<16xi32>
    %swap3A_663 = arith.constant 16 : index
    %swap3A_664 = tpu.vector_load %arg14[%swap3A_663] {strides = array<i32>} : memref<64xi32, #tpu.memory_space<vmem>>, vector<16xi32>,
    tpu.vector_store %arg14[%swap3A_663], %select_n3A_652 {strides = array<i32>} : memref<64xi32, #tpu.memory_space<vmem>>, vector<16xi32>,
    %get3A_665 = arith.constant 32 : index
    %get3A_666 = tpu.vector_load %arg12[%get3A_665] {strides = array<i32>} : memref<64xi32, #tpu.memory_space<vmem>>, vector<16xi32>,
    %eq3A_667 = arith.constant 0 : i32
    %eq3A_668 = vector.broadcast %eq3A_667 : i32 to vector<16xi32>
    %eq3A_669 = arith.cmpi eq, %get3A_666, %eq3A_668 : vector<16xi32>
    %convert_element_type3A_670 = arith.extui %eq3A_669 : vector<16xi1> to vector<16xi32>
    %cumsum3A_671 = arith.constant true
    %cumsum3A_672 = vector.broadcast %cumsum3A_671 : i1 to vector<16xi1>
    %cumsum3A_673 = tpu.scan <sum>, %convert_element_type3A_670 masked %cumsum3A_672 : vector<16xi32>, vector<16xi1> -> vector<16xi32>
    %eq3A_674 = arith.constant 0 : i32
    %eq3A_675 = vector.broadcast %eq3A_674 : i32 to vector<16xi32>
    %eq3A_676 = arith.cmpi eq, %iota3A, %eq3A_675 : vector<16xi32>
    %select_n3A_677 = arith.select %eq3A_676, %add3A_662, %broadcast_in_dim3A_3 : vector<16xi1>, vector<16xi32>
    %reduce_sum3A_678 = arith.constant true
    %reduce_sum3A_679 = vector.broadcast %reduce_sum3A_678 : i1 to vector<16xi1>
    %reduce_sum3A_680 = tpu.scan <sum>, %select_n3A_677 masked %reduce_sum3A_679 : vector<16xi32>, vector<16xi1> -> vector<16xi32>
    %reduce_sum3A_681 = vector.extract %reduce_sum3A_680[15] : i32 from vector<16xi32>
    %broadcast_in_dim3A_682 = vector.broadcast %reduce_sum3A_681 : i32 to vector<16xi32>
    %add3A_683 = arith.addi %broadcast_in_dim3A_682, %cumsum3A_673 : vector<16xi32>
    %sub3A_684 = arith.subi %add3A_683, %broadcast_in_dim3A_5 : vector<16xi32>
    %select_n3A_685 = arith.select %eq3A_669, %sub3A_684, %broadcast_in_dim3A_3 : vector<16xi1>, vector<16xi32>
    %eq3A_686 = arith.constant 0 : i32
    %eq3A_687 = vector.broadcast %eq3A_686 : i32 to vector<16xi32>
    %eq3A_688 = arith.cmpi eq, %iota3A, %eq3A_687 : vector<16xi32>
    %reduce_sum3A_689 = arith.constant true
    %reduce_sum3A_690 = vector.broadcast %reduce_sum3A_689 : i1 to vector<16xi1>
    %reduce_sum3A_691 = tpu.scan <sum>, %convert_element_type3A_670 masked %reduce_sum3A_690 : vector<16xi32>, vector<16xi1> -> vector<16xi32>
    %reduce_sum3A_692 = vector.extract %reduce_sum3A_691[15] : i32 from vector<16xi32>
    %broadcast_in_dim3A_693 = vector.broadcast %reduce_sum3A_692 : i32 to vector<16xi32>
    %select_n3A_694 = arith.select %eq3A_688, %broadcast_in_dim3A_693, %broadcast_in_dim3A_3 : vector<16xi1>, vector<16xi32>
    %add3A_695 = arith.addi %add3A_662, %select_n3A_694 : vector<16xi32>
    %eq3A_696 = arith.constant 1 : i32
    %eq3A_697 = vector.broadcast %eq3A_696 : i32 to vector<16xi32>
    %eq3A_698 = arith.cmpi eq, %get3A_666, %eq3A_697 : vector<16xi32>
    %convert_element_type3A_699 = arith.extui %eq3A_698 : vector<16xi1> to vector<16xi32>
    %cumsum3A_700 = arith.constant true
    %cumsum3A_701 = vector.broadcast %cumsum3A_700 : i1 to vector<16xi1>
    %cumsum3A_702 = tpu.scan <sum>, %convert_element_type3A_699 masked %cumsum3A_701 : vector<16xi32>, vector<16xi1> -> vector<16xi32>
    %eq3A_703 = arith.constant 1 : i32
    %eq3A_704 = vector.broadcast %eq3A_703 : i32 to vector<16xi32>
    %eq3A_705 = arith.cmpi eq, %iota3A, %eq3A_704 : vector<16xi32>
    %select_n3A_706 = arith.select %eq3A_705, %add3A_695, %broadcast_in_dim3A_3 : vector<16xi1>, vector<16xi32>
    %reduce_sum3A_707 = arith.constant true
    %reduce_sum3A_708 = vector.broadcast %reduce_sum3A_707 : i1 to vector<16xi1>
    %reduce_sum3A_709 = tpu.scan <sum>, %select_n3A_706 masked %reduce_sum3A_708 : vector<16xi32>, vector<16xi1> -> vector<16xi32>
    %reduce_sum3A_710 = vector.extract %reduce_sum3A_709[15] : i32 from vector<16xi32>
    %broadcast_in_dim3A_711 = vector.broadcast %reduce_sum3A_710 : i32 to vector<16xi32>
    %add3A_712 = arith.addi %broadcast_in_dim3A_711, %cumsum3A_702 : vector<16xi32>
    %sub3A_713 = arith.subi %add3A_712, %broadcast_in_dim3A_5 : vector<16xi32>
    %select_n3A_714 = arith.select %eq3A_698, %sub3A_713, %select_n3A_685 : vector<16xi1>, vector<16xi32>
    %eq3A_715 = arith.constant 1 : i32
    %eq3A_716 = vector.broadcast %eq3A_715 : i32 to vector<16xi32>
    %eq3A_717 = arith.cmpi eq, %iota3A, %eq3A_716 : vector<16xi32>
    %reduce_sum3A_718 = arith.constant true
    %reduce_sum3A_719 = vector.broadcast %reduce_sum3A_718 : i1 to vector<16xi1>
    %reduce_sum3A_720 = tpu.scan <sum>, %convert_element_type3A_699 masked %reduce_sum3A_719 : vector<16xi32>, vector<16xi1> -> vector<16xi32>
    %reduce_sum3A_721 = vector.extract %reduce_sum3A_720[15] : i32 from vector<16xi32>
    %broadcast_in_dim3A_722 = vector.broadcast %reduce_sum3A_721 : i32 to vector<16xi32>
    %select_n3A_723 = arith.select %eq3A_717, %broadcast_in_dim3A_722, %broadcast_in_dim3A_3 : vector<16xi1>, vector<16xi32>
    %add3A_724 = arith.addi %add3A_695, %select_n3A_723 : vector<16xi32>
    %eq3A_725 = arith.constant 2 : i32
    %eq3A_726 = vector.broadcast %eq3A_725 : i32 to vector<16xi32>
    %eq3A_727 = arith.cmpi eq, %get3A_666, %eq3A_726 : vector<16xi32>
    %convert_element_type3A_728 = arith.extui %eq3A_727 : vector<16xi1> to vector<16xi32>
    %cumsum3A_729 = arith.constant true
    %cumsum3A_730 = vector.broadcast %cumsum3A_729 : i1 to vector<16xi1>
    %cumsum3A_731 = tpu.scan <sum>, %convert_element_type3A_728 masked %cumsum3A_730 : vector<16xi32>, vector<16xi1> -> vector<16xi32>
    %eq3A_732 = arith.constant 2 : i32
    %eq3A_733 = vector.broadcast %eq3A_732 : i32 to vector<16xi32>
    %eq3A_734 = arith.cmpi eq, %iota3A, %eq3A_733 : vector<16xi32>
    %select_n3A_735 = arith.select %eq3A_734, %add3A_724, %broadcast_in_dim3A_3 : vector<16xi1>, vector<16xi32>
    %reduce_sum3A_736 = arith.constant true
    %reduce_sum3A_737 = vector.broadcast %reduce_sum3A_736 : i1 to vector<16xi1>
    %reduce_sum3A_738 = tpu.scan <sum>, %select_n3A_735 masked %reduce_sum3A_737 : vector<16xi32>, vector<16xi1> -> vector<16xi32>
    %reduce_sum3A_739 = vector.extract %reduce_sum3A_738[15] : i32 from vector<16xi32>
    %broadcast_in_dim3A_740 = vector.broadcast %reduce_sum3A_739 : i32 to vector<16xi32>
    %add3A_741 = arith.addi %broadcast_in_dim3A_740, %cumsum3A_731 : vector<16xi32>
    %sub3A_742 = arith.subi %add3A_741, %broadcast_in_dim3A_5 : vector<16xi32>
    %select_n3A_743 = arith.select %eq3A_727, %sub3A_742, %select_n3A_714 : vector<16xi1>, vector<16xi32>
    %eq3A_744 = arith.constant 2 : i32
    %eq3A_745 = vector.broadcast %eq3A_744 : i32 to vector<16xi32>
    %eq3A_746 = arith.cmpi eq, %iota3A, %eq3A_745 : vector<16xi32>
    %reduce_sum3A_747 = arith.constant true
    %reduce_sum3A_748 = vector.broadcast %reduce_sum3A_747 : i1 to vector<16xi1>
    %reduce_sum3A_749 = tpu.scan <sum>, %convert_element_type3A_728 masked %reduce_sum3A_748 : vector<16xi32>, vector<16xi1> -> vector<16xi32>
    %reduce_sum3A_750 = vector.extract %reduce_sum3A_749[15] : i32 from vector<16xi32>
    %broadcast_in_dim3A_751 = vector.broadcast %reduce_sum3A_750 : i32 to vector<16xi32>
    %select_n3A_752 = arith.select %eq3A_746, %broadcast_in_dim3A_751, %broadcast_in_dim3A_3 : vector<16xi1>, vector<16xi32>
    %add3A_753 = arith.addi %add3A_724, %select_n3A_752 : vector<16xi32>
    %eq3A_754 = arith.constant 3 : i32
    %eq3A_755 = vector.broadcast %eq3A_754 : i32 to vector<16xi32>
    %eq3A_756 = arith.cmpi eq, %get3A_666, %eq3A_755 : vector<16xi32>
    %convert_element_type3A_757 = arith.extui %eq3A_756 : vector<16xi1> to vector<16xi32>
    %cumsum3A_758 = arith.constant true
    %cumsum3A_759 = vector.broadcast %cumsum3A_758 : i1 to vector<16xi1>
    %cumsum3A_760 = tpu.scan <sum>, %convert_element_type3A_757 masked %cumsum3A_759 : vector<16xi32>, vector<16xi1> -> vector<16xi32>
    %eq3A_761 = arith.constant 3 : i32
    %eq3A_762 = vector.broadcast %eq3A_761 : i32 to vector<16xi32>
    %eq3A_763 = arith.cmpi eq, %iota3A, %eq3A_762 : vector<16xi32>
    %select_n3A_764 = arith.select %eq3A_763, %add3A_753, %broadcast_in_dim3A_3 : vector<16xi1>, vector<16xi32>
    %reduce_sum3A_765 = arith.constant true
    %reduce_sum3A_766 = vector.broadcast %reduce_sum3A_765 : i1 to vector<16xi1>
    %reduce_sum3A_767 = tpu.scan <sum>, %select_n3A_764 masked %reduce_sum3A_766 : vector<16xi32>, vector<16xi1> -> vector<16xi32>
    %reduce_sum3A_768 = vector.extract %reduce_sum3A_767[15] : i32 from vector<16xi32>
    %broadcast_in_dim3A_769 = vector.broadcast %reduce_sum3A_768 : i32 to vector<16xi32>
    %add3A_770 = arith.addi %broadcast_in_dim3A_769, %cumsum3A_760 : vector<16xi32>
    %sub3A_771 = arith.subi %add3A_770, %broadcast_in_dim3A_5 : vector<16xi32>
    %select_n3A_772 = arith.select %eq3A_756, %sub3A_771, %select_n3A_743 : vector<16xi1>, vector<16xi32>
    %eq3A_773 = arith.constant 3 : i32
    %eq3A_774 = vector.broadcast %eq3A_773 : i32 to vector<16xi32>
    %eq3A_775 = arith.cmpi eq, %iota3A, %eq3A_774 : vector<16xi32>
    %reduce_sum3A_776 = arith.constant true
    %reduce_sum3A_777 = vector.broadcast %reduce_sum3A_776 : i1 to vector<16xi1>
    %reduce_sum3A_778 = tpu.scan <sum>, %convert_element_type3A_757 masked %reduce_sum3A_777 : vector<16xi32>, vector<16xi1> -> vector<16xi32>
    %reduce_sum3A_779 = vector.extract %reduce_sum3A_778[15] : i32 from vector<16xi32>
    %broadcast_in_dim3A_780 = vector.broadcast %reduce_sum3A_779 : i32 to vector<16xi32>
    %select_n3A_781 = arith.select %eq3A_775, %broadcast_in_dim3A_780, %broadcast_in_dim3A_3 : vector<16xi1>, vector<16xi32>
    %add3A_782 = arith.addi %add3A_753, %select_n3A_781 : vector<16xi32>
    %eq3A_783 = arith.constant 4 : i32
    %eq3A_784 = vector.broadcast %eq3A_783 : i32 to vector<16xi32>
    %eq3A_785 = arith.cmpi eq, %get3A_666, %eq3A_784 : vector<16xi32>
    %convert_element_type3A_786 = arith.extui %eq3A_785 : vector<16xi1> to vector<16xi32>
    %cumsum3A_787 = arith.constant true
    %cumsum3A_788 = vector.broadcast %cumsum3A_787 : i1 to vector<16xi1>
    %cumsum3A_789 = tpu.scan <sum>, %convert_element_type3A_786 masked %cumsum3A_788 : vector<16xi32>, vector<16xi1> -> vector<16xi32>
    %eq3A_790 = arith.constant 4 : i32
    %eq3A_791 = vector.broadcast %eq3A_790 : i32 to vector<16xi32>
    %eq3A_792 = arith.cmpi eq, %iota3A, %eq3A_791 : vector<16xi32>
    %select_n3A_793 = arith.select %eq3A_792, %add3A_782, %broadcast_in_dim3A_3 : vector<16xi1>, vector<16xi32>
    %reduce_sum3A_794 = arith.constant true
    %reduce_sum3A_795 = vector.broadcast %reduce_sum3A_794 : i1 to vector<16xi1>
    %reduce_sum3A_796 = tpu.scan <sum>, %select_n3A_793 masked %reduce_sum3A_795 : vector<16xi32>, vector<16xi1> -> vector<16xi32>
    %reduce_sum3A_797 = vector.extract %reduce_sum3A_796[15] : i32 from vector<16xi32>
    %broadcast_in_dim3A_798 = vector.broadcast %reduce_sum3A_797 : i32 to vector<16xi32>
    %add3A_799 = arith.addi %broadcast_in_dim3A_798, %cumsum3A_789 : vector<16xi32>
    %sub3A_800 = arith.subi %add3A_799, %broadcast_in_dim3A_5 : vector<16xi32>
    %select_n3A_801 = arith.select %eq3A_785, %sub3A_800, %select_n3A_772 : vector<16xi1>, vector<16xi32>
    %eq3A_802 = arith.constant 4 : i32
    %eq3A_803 = vector.broadcast %eq3A_802 : i32 to vector<16xi32>
    %eq3A_804 = arith.cmpi eq, %iota3A, %eq3A_803 : vector<16xi32>
    %reduce_sum3A_805 = arith.constant true
    %reduce_sum3A_806 = vector.broadcast %reduce_sum3A_805 : i1 to vector<16xi1>
    %reduce_sum3A_807 = tpu.scan <sum>, %convert_element_type3A_786 masked %reduce_sum3A_806 : vector<16xi32>, vector<16xi1> -> vector<16xi32>
    %reduce_sum3A_808 = vector.extract %reduce_sum3A_807[15] : i32 from vector<16xi32>
    %broadcast_in_dim3A_809 = vector.broadcast %reduce_sum3A_808 : i32 to vector<16xi32>
    %select_n3A_810 = arith.select %eq3A_804, %broadcast_in_dim3A_809, %broadcast_in_dim3A_3 : vector<16xi1>, vector<16xi32>
    %add3A_811 = arith.addi %add3A_782, %select_n3A_810 : vector<16xi32>
    %eq3A_812 = arith.constant 5 : i32
    %eq3A_813 = vector.broadcast %eq3A_812 : i32 to vector<16xi32>
    %eq3A_814 = arith.cmpi eq, %get3A_666, %eq3A_813 : vector<16xi32>
    %convert_element_type3A_815 = arith.extui %eq3A_814 : vector<16xi1> to vector<16xi32>
    %cumsum3A_816 = arith.constant true
    %cumsum3A_817 = vector.broadcast %cumsum3A_816 : i1 to vector<16xi1>
    %cumsum3A_818 = tpu.scan <sum>, %convert_element_type3A_815 masked %cumsum3A_817 : vector<16xi32>, vector<16xi1> -> vector<16xi32>
    %eq3A_819 = arith.constant 5 : i32
    %eq3A_820 = vector.broadcast %eq3A_819 : i32 to vector<16xi32>
    %eq3A_821 = arith.cmpi eq, %iota3A, %eq3A_820 : vector<16xi32>
    %select_n3A_822 = arith.select %eq3A_821, %add3A_811, %broadcast_in_dim3A_3 : vector<16xi1>, vector<16xi32>
    %reduce_sum3A_823 = arith.constant true
    %reduce_sum3A_824 = vector.broadcast %reduce_sum3A_823 : i1 to vector<16xi1>
    %reduce_sum3A_825 = tpu.scan <sum>, %select_n3A_822 masked %reduce_sum3A_824 : vector<16xi32>, vector<16xi1> -> vector<16xi32>
    %reduce_sum3A_826 = vector.extract %reduce_sum3A_825[15] : i32 from vector<16xi32>
    %broadcast_in_dim3A_827 = vector.broadcast %reduce_sum3A_826 : i32 to vector<16xi32>
    %add3A_828 = arith.addi %broadcast_in_dim3A_827, %cumsum3A_818 : vector<16xi32>
    %sub3A_829 = arith.subi %add3A_828, %broadcast_in_dim3A_5 : vector<16xi32>
    %select_n3A_830 = arith.select %eq3A_814, %sub3A_829, %select_n3A_801 : vector<16xi1>, vector<16xi32>
    %eq3A_831 = arith.constant 5 : i32
    %eq3A_832 = vector.broadcast %eq3A_831 : i32 to vector<16xi32>
    %eq3A_833 = arith.cmpi eq, %iota3A, %eq3A_832 : vector<16xi32>
    %reduce_sum3A_834 = arith.constant true
    %reduce_sum3A_835 = vector.broadcast %reduce_sum3A_834 : i1 to vector<16xi1>
    %reduce_sum3A_836 = tpu.scan <sum>, %convert_element_type3A_815 masked %reduce_sum3A_835 : vector<16xi32>, vector<16xi1> -> vector<16xi32>
    %reduce_sum3A_837 = vector.extract %reduce_sum3A_836[15] : i32 from vector<16xi32>
    %broadcast_in_dim3A_838 = vector.broadcast %reduce_sum3A_837 : i32 to vector<16xi32>
    %select_n3A_839 = arith.select %eq3A_833, %broadcast_in_dim3A_838, %broadcast_in_dim3A_3 : vector<16xi1>, vector<16xi32>
    %add3A_840 = arith.addi %add3A_811, %select_n3A_839 : vector<16xi32>
    %eq3A_841 = arith.constant 6 : i32
    %eq3A_842 = vector.broadcast %eq3A_841 : i32 to vector<16xi32>
    %eq3A_843 = arith.cmpi eq, %get3A_666, %eq3A_842 : vector<16xi32>
    %convert_element_type3A_844 = arith.extui %eq3A_843 : vector<16xi1> to vector<16xi32>
    %cumsum3A_845 = arith.constant true
    %cumsum3A_846 = vector.broadcast %cumsum3A_845 : i1 to vector<16xi1>
    %cumsum3A_847 = tpu.scan <sum>, %convert_element_type3A_844 masked %cumsum3A_846 : vector<16xi32>, vector<16xi1> -> vector<16xi32>
    %eq3A_848 = arith.constant 6 : i32
    %eq3A_849 = vector.broadcast %eq3A_848 : i32 to vector<16xi32>
    %eq3A_850 = arith.cmpi eq, %iota3A, %eq3A_849 : vector<16xi32>
    %select_n3A_851 = arith.select %eq3A_850, %add3A_840, %broadcast_in_dim3A_3 : vector<16xi1>, vector<16xi32>
    %reduce_sum3A_852 = arith.constant true
    %reduce_sum3A_853 = vector.broadcast %reduce_sum3A_852 : i1 to vector<16xi1>
    %reduce_sum3A_854 = tpu.scan <sum>, %select_n3A_851 masked %reduce_sum3A_853 : vector<16xi32>, vector<16xi1> -> vector<16xi32>
    %reduce_sum3A_855 = vector.extract %reduce_sum3A_854[15] : i32 from vector<16xi32>
    %broadcast_in_dim3A_856 = vector.broadcast %reduce_sum3A_855 : i32 to vector<16xi32>
    %add3A_857 = arith.addi %broadcast_in_dim3A_856, %cumsum3A_847 : vector<16xi32>
    %sub3A_858 = arith.subi %add3A_857, %broadcast_in_dim3A_5 : vector<16xi32>
    %select_n3A_859 = arith.select %eq3A_843, %sub3A_858, %select_n3A_830 : vector<16xi1>, vector<16xi32>
    %eq3A_860 = arith.constant 6 : i32
    %eq3A_861 = vector.broadcast %eq3A_860 : i32 to vector<16xi32>
    %eq3A_862 = arith.cmpi eq, %iota3A, %eq3A_861 : vector<16xi32>
    %reduce_sum3A_863 = arith.constant true
    %reduce_sum3A_864 = vector.broadcast %reduce_sum3A_863 : i1 to vector<16xi1>
    %reduce_sum3A_865 = tpu.scan <sum>, %convert_element_type3A_844 masked %reduce_sum3A_864 : vector<16xi32>, vector<16xi1> -> vector<16xi32>
    %reduce_sum3A_866 = vector.extract %reduce_sum3A_865[15] : i32 from vector<16xi32>
    %broadcast_in_dim3A_867 = vector.broadcast %reduce_sum3A_866 : i32 to vector<16xi32>
    %select_n3A_868 = arith.select %eq3A_862, %broadcast_in_dim3A_867, %broadcast_in_dim3A_3 : vector<16xi1>, vector<16xi32>
    %add3A_869 = arith.addi %add3A_840, %select_n3A_868 : vector<16xi32>
    %eq3A_870 = arith.constant 7 : i32
    %eq3A_871 = vector.broadcast %eq3A_870 : i32 to vector<16xi32>
    %eq3A_872 = arith.cmpi eq, %get3A_666, %eq3A_871 : vector<16xi32>
    %convert_element_type3A_873 = arith.extui %eq3A_872 : vector<16xi1> to vector<16xi32>
    %cumsum3A_874 = arith.constant true
    %cumsum3A_875 = vector.broadcast %cumsum3A_874 : i1 to vector<16xi1>
    %cumsum3A_876 = tpu.scan <sum>, %convert_element_type3A_873 masked %cumsum3A_875 : vector<16xi32>, vector<16xi1> -> vector<16xi32>
    %eq3A_877 = arith.constant 7 : i32
    %eq3A_878 = vector.broadcast %eq3A_877 : i32 to vector<16xi32>
    %eq3A_879 = arith.cmpi eq, %iota3A, %eq3A_878 : vector<16xi32>
    %select_n3A_880 = arith.select %eq3A_879, %add3A_869, %broadcast_in_dim3A_3 : vector<16xi1>, vector<16xi32>
    %reduce_sum3A_881 = arith.constant true
    %reduce_sum3A_882 = vector.broadcast %reduce_sum3A_881 : i1 to vector<16xi1>
    %reduce_sum3A_883 = tpu.scan <sum>, %select_n3A_880 masked %reduce_sum3A_882 : vector<16xi32>, vector<16xi1> -> vector<16xi32>
    %reduce_sum3A_884 = vector.extract %reduce_sum3A_883[15] : i32 from vector<16xi32>
    %broadcast_in_dim3A_885 = vector.broadcast %reduce_sum3A_884 : i32 to vector<16xi32>
    %add3A_886 = arith.addi %broadcast_in_dim3A_885, %cumsum3A_876 : vector<16xi32>
    %sub3A_887 = arith.subi %add3A_886, %broadcast_in_dim3A_5 : vector<16xi32>
    %select_n3A_888 = arith.select %eq3A_872, %sub3A_887, %select_n3A_859 : vector<16xi1>, vector<16xi32>
    %eq3A_889 = arith.constant 7 : i32
    %eq3A_890 = vector.broadcast %eq3A_889 : i32 to vector<16xi32>
    %eq3A_891 = arith.cmpi eq, %iota3A, %eq3A_890 : vector<16xi32>
    %reduce_sum3A_892 = arith.constant true
    %reduce_sum3A_893 = vector.broadcast %reduce_sum3A_892 : i1 to vector<16xi1>
    %reduce_sum3A_894 = tpu.scan <sum>, %convert_element_type3A_873 masked %reduce_sum3A_893 : vector<16xi32>, vector<16xi1> -> vector<16xi32>
    %reduce_sum3A_895 = vector.extract %reduce_sum3A_894[15] : i32 from vector<16xi32>
    %broadcast_in_dim3A_896 = vector.broadcast %reduce_sum3A_895 : i32 to vector<16xi32>
    %select_n3A_897 = arith.select %eq3A_891, %broadcast_in_dim3A_896, %broadcast_in_dim3A_3 : vector<16xi1>, vector<16xi32>
    %add3A_898 = arith.addi %add3A_869, %select_n3A_897 : vector<16xi32>
    %swap3A_899 = arith.constant 32 : index
    %swap3A_900 = tpu.vector_load %arg14[%swap3A_899] {strides = array<i32>} : memref<64xi32, #tpu.memory_space<vmem>>, vector<16xi32>,
    tpu.vector_store %arg14[%swap3A_899], %select_n3A_888 {strides = array<i32>} : memref<64xi32, #tpu.memory_space<vmem>>, vector<16xi32>,
    %get3A_901 = arith.constant 48 : index
    %get3A_902 = tpu.vector_load %arg12[%get3A_901] {strides = array<i32>} : memref<64xi32, #tpu.memory_space<vmem>>, vector<16xi32>,
    %eq3A_903 = arith.constant 0 : i32
    %eq3A_904 = vector.broadcast %eq3A_903 : i32 to vector<16xi32>
    %eq3A_905 = arith.cmpi eq, %get3A_902, %eq3A_904 : vector<16xi32>
    %convert_element_type3A_906 = arith.extui %eq3A_905 : vector<16xi1> to vector<16xi32>
    %cumsum3A_907 = arith.constant true
    %cumsum3A_908 = vector.broadcast %cumsum3A_907 : i1 to vector<16xi1>
    %cumsum3A_909 = tpu.scan <sum>, %convert_element_type3A_906 masked %cumsum3A_908 : vector<16xi32>, vector<16xi1> -> vector<16xi32>
    %eq3A_910 = arith.constant 0 : i32
    %eq3A_911 = vector.broadcast %eq3A_910 : i32 to vector<16xi32>
    %eq3A_912 = arith.cmpi eq, %iota3A, %eq3A_911 : vector<16xi32>
    %select_n3A_913 = arith.select %eq3A_912, %add3A_898, %broadcast_in_dim3A_3 : vector<16xi1>, vector<16xi32>
    %reduce_sum3A_914 = arith.constant true
    %reduce_sum3A_915 = vector.broadcast %reduce_sum3A_914 : i1 to vector<16xi1>
    %reduce_sum3A_916 = tpu.scan <sum>, %select_n3A_913 masked %reduce_sum3A_915 : vector<16xi32>, vector<16xi1> -> vector<16xi32>
    %reduce_sum3A_917 = vector.extract %reduce_sum3A_916[15] : i32 from vector<16xi32>
    %broadcast_in_dim3A_918 = vector.broadcast %reduce_sum3A_917 : i32 to vector<16xi32>
    %add3A_919 = arith.addi %broadcast_in_dim3A_918, %cumsum3A_909 : vector<16xi32>
    %sub3A_920 = arith.subi %add3A_919, %broadcast_in_dim3A_5 : vector<16xi32>
    %select_n3A_921 = arith.select %eq3A_905, %sub3A_920, %broadcast_in_dim3A_3 : vector<16xi1>, vector<16xi32>
    %eq3A_922 = arith.constant 0 : i32
    %eq3A_923 = vector.broadcast %eq3A_922 : i32 to vector<16xi32>
    %eq3A_924 = arith.cmpi eq, %iota3A, %eq3A_923 : vector<16xi32>
    %reduce_sum3A_925 = arith.constant true
    %reduce_sum3A_926 = vector.broadcast %reduce_sum3A_925 : i1 to vector<16xi1>
    %reduce_sum3A_927 = tpu.scan <sum>, %convert_element_type3A_906 masked %reduce_sum3A_926 : vector<16xi32>, vector<16xi1> -> vector<16xi32>
    %reduce_sum3A_928 = vector.extract %reduce_sum3A_927[15] : i32 from vector<16xi32>
    %broadcast_in_dim3A_929 = vector.broadcast %reduce_sum3A_928 : i32 to vector<16xi32>
    %select_n3A_930 = arith.select %eq3A_924, %broadcast_in_dim3A_929, %broadcast_in_dim3A_3 : vector<16xi1>, vector<16xi32>
    %add3A_931 = arith.addi %add3A_898, %select_n3A_930 : vector<16xi32>
    %eq3A_932 = arith.constant 1 : i32
    %eq3A_933 = vector.broadcast %eq3A_932 : i32 to vector<16xi32>
    %eq3A_934 = arith.cmpi eq, %get3A_902, %eq3A_933 : vector<16xi32>
    %convert_element_type3A_935 = arith.extui %eq3A_934 : vector<16xi1> to vector<16xi32>
    %cumsum3A_936 = arith.constant true
    %cumsum3A_937 = vector.broadcast %cumsum3A_936 : i1 to vector<16xi1>
    %cumsum3A_938 = tpu.scan <sum>, %convert_element_type3A_935 masked %cumsum3A_937 : vector<16xi32>, vector<16xi1> -> vector<16xi32>
    %eq3A_939 = arith.constant 1 : i32
    %eq3A_940 = vector.broadcast %eq3A_939 : i32 to vector<16xi32>
    %eq3A_941 = arith.cmpi eq, %iota3A, %eq3A_940 : vector<16xi32>
    %select_n3A_942 = arith.select %eq3A_941, %add3A_931, %broadcast_in_dim3A_3 : vector<16xi1>, vector<16xi32>
    %reduce_sum3A_943 = arith.constant true
    %reduce_sum3A_944 = vector.broadcast %reduce_sum3A_943 : i1 to vector<16xi1>
    %reduce_sum3A_945 = tpu.scan <sum>, %select_n3A_942 masked %reduce_sum3A_944 : vector<16xi32>, vector<16xi1> -> vector<16xi32>
    %reduce_sum3A_946 = vector.extract %reduce_sum3A_945[15] : i32 from vector<16xi32>
    %broadcast_in_dim3A_947 = vector.broadcast %reduce_sum3A_946 : i32 to vector<16xi32>
    %add3A_948 = arith.addi %broadcast_in_dim3A_947, %cumsum3A_938 : vector<16xi32>
    %sub3A_949 = arith.subi %add3A_948, %broadcast_in_dim3A_5 : vector<16xi32>
    %select_n3A_950 = arith.select %eq3A_934, %sub3A_949, %select_n3A_921 : vector<16xi1>, vector<16xi32>
    %eq3A_951 = arith.constant 1 : i32
    %eq3A_952 = vector.broadcast %eq3A_951 : i32 to vector<16xi32>
    %eq3A_953 = arith.cmpi eq, %iota3A, %eq3A_952 : vector<16xi32>
    %reduce_sum3A_954 = arith.constant true
    %reduce_sum3A_955 = vector.broadcast %reduce_sum3A_954 : i1 to vector<16xi1>
    %reduce_sum3A_956 = tpu.scan <sum>, %convert_element_type3A_935 masked %reduce_sum3A_955 : vector<16xi32>, vector<16xi1> -> vector<16xi32>
    %reduce_sum3A_957 = vector.extract %reduce_sum3A_956[15] : i32 from vector<16xi32>
    %broadcast_in_dim3A_958 = vector.broadcast %reduce_sum3A_957 : i32 to vector<16xi32>
    %select_n3A_959 = arith.select %eq3A_953, %broadcast_in_dim3A_958, %broadcast_in_dim3A_3 : vector<16xi1>, vector<16xi32>
    %add3A_960 = arith.addi %add3A_931, %select_n3A_959 : vector<16xi32>
    %eq3A_961 = arith.constant 2 : i32
    %eq3A_962 = vector.broadcast %eq3A_961 : i32 to vector<16xi32>
    %eq3A_963 = arith.cmpi eq, %get3A_902, %eq3A_962 : vector<16xi32>
    %convert_element_type3A_964 = arith.extui %eq3A_963 : vector<16xi1> to vector<16xi32>
    %cumsum3A_965 = arith.constant true
    %cumsum3A_966 = vector.broadcast %cumsum3A_965 : i1 to vector<16xi1>
    %cumsum3A_967 = tpu.scan <sum>, %convert_element_type3A_964 masked %cumsum3A_966 : vector<16xi32>, vector<16xi1> -> vector<16xi32>
    %eq3A_968 = arith.constant 2 : i32
    %eq3A_969 = vector.broadcast %eq3A_968 : i32 to vector<16xi32>
    %eq3A_970 = arith.cmpi eq, %iota3A, %eq3A_969 : vector<16xi32>
    %select_n3A_971 = arith.select %eq3A_970, %add3A_960, %broadcast_in_dim3A_3 : vector<16xi1>, vector<16xi32>
    %reduce_sum3A_972 = arith.constant true
    %reduce_sum3A_973 = vector.broadcast %reduce_sum3A_972 : i1 to vector<16xi1>
    %reduce_sum3A_974 = tpu.scan <sum>, %select_n3A_971 masked %reduce_sum3A_973 : vector<16xi32>, vector<16xi1> -> vector<16xi32>
    %reduce_sum3A_975 = vector.extract %reduce_sum3A_974[15] : i32 from vector<16xi32>
    %broadcast_in_dim3A_976 = vector.broadcast %reduce_sum3A_975 : i32 to vector<16xi32>
    %add3A_977 = arith.addi %broadcast_in_dim3A_976, %cumsum3A_967 : vector<16xi32>
    %sub3A_978 = arith.subi %add3A_977, %broadcast_in_dim3A_5 : vector<16xi32>
    %select_n3A_979 = arith.select %eq3A_963, %sub3A_978, %select_n3A_950 : vector<16xi1>, vector<16xi32>
    %eq3A_980 = arith.constant 2 : i32
    %eq3A_981 = vector.broadcast %eq3A_980 : i32 to vector<16xi32>
    %eq3A_982 = arith.cmpi eq, %iota3A, %eq3A_981 : vector<16xi32>
    %reduce_sum3A_983 = arith.constant true
    %reduce_sum3A_984 = vector.broadcast %reduce_sum3A_983 : i1 to vector<16xi1>
    %reduce_sum3A_985 = tpu.scan <sum>, %convert_element_type3A_964 masked %reduce_sum3A_984 : vector<16xi32>, vector<16xi1> -> vector<16xi32>
    %reduce_sum3A_986 = vector.extract %reduce_sum3A_985[15] : i32 from vector<16xi32>
    %broadcast_in_dim3A_987 = vector.broadcast %reduce_sum3A_986 : i32 to vector<16xi32>
    %select_n3A_988 = arith.select %eq3A_982, %broadcast_in_dim3A_987, %broadcast_in_dim3A_3 : vector<16xi1>, vector<16xi32>
    %add3A_989 = arith.addi %add3A_960, %select_n3A_988 : vector<16xi32>
    %eq3A_990 = arith.constant 3 : i32
    %eq3A_991 = vector.broadcast %eq3A_990 : i32 to vector<16xi32>
    %eq3A_992 = arith.cmpi eq, %get3A_902, %eq3A_991 : vector<16xi32>
    %convert_element_type3A_993 = arith.extui %eq3A_992 : vector<16xi1> to vector<16xi32>
    %cumsum3A_994 = arith.constant true
    %cumsum3A_995 = vector.broadcast %cumsum3A_994 : i1 to vector<16xi1>
    %cumsum3A_996 = tpu.scan <sum>, %convert_element_type3A_993 masked %cumsum3A_995 : vector<16xi32>, vector<16xi1> -> vector<16xi32>
    %eq3A_997 = arith.constant 3 : i32
    %eq3A_998 = vector.broadcast %eq3A_997 : i32 to vector<16xi32>
    %eq3A_999 = arith.cmpi eq, %iota3A, %eq3A_998 : vector<16xi32>
    %select_n3A_1000 = arith.select %eq3A_999, %add3A_989, %broadcast_in_dim3A_3 : vector<16xi1>, vector<16xi32>
    %reduce_sum3A_1001 = arith.constant true
    %reduce_sum3A_1002 = vector.broadcast %reduce_sum3A_1001 : i1 to vector<16xi1>
    %reduce_sum3A_1003 = tpu.scan <sum>, %select_n3A_1000 masked %reduce_sum3A_1002 : vector<16xi32>, vector<16xi1> -> vector<16xi32>
    %reduce_sum3A_1004 = vector.extract %reduce_sum3A_1003[15] : i32 from vector<16xi32>
    %broadcast_in_dim3A_1005 = vector.broadcast %reduce_sum3A_1004 : i32 to vector<16xi32>
    %add3A_1006 = arith.addi %broadcast_in_dim3A_1005, %cumsum3A_996 : vector<16xi32>
    %sub3A_1007 = arith.subi %add3A_1006, %broadcast_in_dim3A_5 : vector<16xi32>
    %select_n3A_1008 = arith.select %eq3A_992, %sub3A_1007, %select_n3A_979 : vector<16xi1>, vector<16xi32>
    %eq3A_1009 = arith.constant 3 : i32
    %eq3A_1010 = vector.broadcast %eq3A_1009 : i32 to vector<16xi32>
    %eq3A_1011 = arith.cmpi eq, %iota3A, %eq3A_1010 : vector<16xi32>
    %reduce_sum3A_1012 = arith.constant true
    %reduce_sum3A_1013 = vector.broadcast %reduce_sum3A_1012 : i1 to vector<16xi1>
    %reduce_sum3A_1014 = tpu.scan <sum>, %convert_element_type3A_993 masked %reduce_sum3A_1013 : vector<16xi32>, vector<16xi1> -> vector<16xi32>
    %reduce_sum3A_1015 = vector.extract %reduce_sum3A_1014[15] : i32 from vector<16xi32>
    %broadcast_in_dim3A_1016 = vector.broadcast %reduce_sum3A_1015 : i32 to vector<16xi32>
    %select_n3A_1017 = arith.select %eq3A_1011, %broadcast_in_dim3A_1016, %broadcast_in_dim3A_3 : vector<16xi1>, vector<16xi32>
    %add3A_1018 = arith.addi %add3A_989, %select_n3A_1017 : vector<16xi32>
    %eq3A_1019 = arith.constant 4 : i32
    %eq3A_1020 = vector.broadcast %eq3A_1019 : i32 to vector<16xi32>
    %eq3A_1021 = arith.cmpi eq, %get3A_902, %eq3A_1020 : vector<16xi32>
    %convert_element_type3A_1022 = arith.extui %eq3A_1021 : vector<16xi1> to vector<16xi32>
    %cumsum3A_1023 = arith.constant true
    %cumsum3A_1024 = vector.broadcast %cumsum3A_1023 : i1 to vector<16xi1>
    %cumsum3A_1025 = tpu.scan <sum>, %convert_element_type3A_1022 masked %cumsum3A_1024 : vector<16xi32>, vector<16xi1> -> vector<16xi32>
    %eq3A_1026 = arith.constant 4 : i32
    %eq3A_1027 = vector.broadcast %eq3A_1026 : i32 to vector<16xi32>
    %eq3A_1028 = arith.cmpi eq, %iota3A, %eq3A_1027 : vector<16xi32>
    %select_n3A_1029 = arith.select %eq3A_1028, %add3A_1018, %broadcast_in_dim3A_3 : vector<16xi1>, vector<16xi32>
    %reduce_sum3A_1030 = arith.constant true
    %reduce_sum3A_1031 = vector.broadcast %reduce_sum3A_1030 : i1 to vector<16xi1>
    %reduce_sum3A_1032 = tpu.scan <sum>, %select_n3A_1029 masked %reduce_sum3A_1031 : vector<16xi32>, vector<16xi1> -> vector<16xi32>
    %reduce_sum3A_1033 = vector.extract %reduce_sum3A_1032[15] : i32 from vector<16xi32>
    %broadcast_in_dim3A_1034 = vector.broadcast %reduce_sum3A_1033 : i32 to vector<16xi32>
    %add3A_1035 = arith.addi %broadcast_in_dim3A_1034, %cumsum3A_1025 : vector<16xi32>
    %sub3A_1036 = arith.subi %add3A_1035, %broadcast_in_dim3A_5 : vector<16xi32>
    %select_n3A_1037 = arith.select %eq3A_1021, %sub3A_1036, %select_n3A_1008 : vector<16xi1>, vector<16xi32>
    %eq3A_1038 = arith.constant 4 : i32
    %eq3A_1039 = vector.broadcast %eq3A_1038 : i32 to vector<16xi32>
    %eq3A_1040 = arith.cmpi eq, %iota3A, %eq3A_1039 : vector<16xi32>
    %reduce_sum3A_1041 = arith.constant true
    %reduce_sum3A_1042 = vector.broadcast %reduce_sum3A_1041 : i1 to vector<16xi1>
    %reduce_sum3A_1043 = tpu.scan <sum>, %convert_element_type3A_1022 masked %reduce_sum3A_1042 : vector<16xi32>, vector<16xi1> -> vector<16xi32>
    %reduce_sum3A_1044 = vector.extract %reduce_sum3A_1043[15] : i32 from vector<16xi32>
    %broadcast_in_dim3A_1045 = vector.broadcast %reduce_sum3A_1044 : i32 to vector<16xi32>
    %select_n3A_1046 = arith.select %eq3A_1040, %broadcast_in_dim3A_1045, %broadcast_in_dim3A_3 : vector<16xi1>, vector<16xi32>
    %add3A_1047 = arith.addi %add3A_1018, %select_n3A_1046 : vector<16xi32>
    %eq3A_1048 = arith.constant 5 : i32
    %eq3A_1049 = vector.broadcast %eq3A_1048 : i32 to vector<16xi32>
    %eq3A_1050 = arith.cmpi eq, %get3A_902, %eq3A_1049 : vector<16xi32>
    %convert_element_type3A_1051 = arith.extui %eq3A_1050 : vector<16xi1> to vector<16xi32>
    %cumsum3A_1052 = arith.constant true
    %cumsum3A_1053 = vector.broadcast %cumsum3A_1052 : i1 to vector<16xi1>
    %cumsum3A_1054 = tpu.scan <sum>, %convert_element_type3A_1051 masked %cumsum3A_1053 : vector<16xi32>, vector<16xi1> -> vector<16xi32>
    %eq3A_1055 = arith.constant 5 : i32
    %eq3A_1056 = vector.broadcast %eq3A_1055 : i32 to vector<16xi32>
    %eq3A_1057 = arith.cmpi eq, %iota3A, %eq3A_1056 : vector<16xi32>
    %select_n3A_1058 = arith.select %eq3A_1057, %add3A_1047, %broadcast_in_dim3A_3 : vector<16xi1>, vector<16xi32>
    %reduce_sum3A_1059 = arith.constant true
    %reduce_sum3A_1060 = vector.broadcast %reduce_sum3A_1059 : i1 to vector<16xi1>
    %reduce_sum3A_1061 = tpu.scan <sum>, %select_n3A_1058 masked %reduce_sum3A_1060 : vector<16xi32>, vector<16xi1> -> vector<16xi32>
    %reduce_sum3A_1062 = vector.extract %reduce_sum3A_1061[15] : i32 from vector<16xi32>
    %broadcast_in_dim3A_1063 = vector.broadcast %reduce_sum3A_1062 : i32 to vector<16xi32>
    %add3A_1064 = arith.addi %broadcast_in_dim3A_1063, %cumsum3A_1054 : vector<16xi32>
    %sub3A_1065 = arith.subi %add3A_1064, %broadcast_in_dim3A_5 : vector<16xi32>
    %select_n3A_1066 = arith.select %eq3A_1050, %sub3A_1065, %select_n3A_1037 : vector<16xi1>, vector<16xi32>
    %eq3A_1067 = arith.constant 5 : i32
    %eq3A_1068 = vector.broadcast %eq3A_1067 : i32 to vector<16xi32>
    %eq3A_1069 = arith.cmpi eq, %iota3A, %eq3A_1068 : vector<16xi32>
    %reduce_sum3A_1070 = arith.constant true
    %reduce_sum3A_1071 = vector.broadcast %reduce_sum3A_1070 : i1 to vector<16xi1>
    %reduce_sum3A_1072 = tpu.scan <sum>, %convert_element_type3A_1051 masked %reduce_sum3A_1071 : vector<16xi32>, vector<16xi1> -> vector<16xi32>
    %reduce_sum3A_1073 = vector.extract %reduce_sum3A_1072[15] : i32 from vector<16xi32>
    %broadcast_in_dim3A_1074 = vector.broadcast %reduce_sum3A_1073 : i32 to vector<16xi32>
    %select_n3A_1075 = arith.select %eq3A_1069, %broadcast_in_dim3A_1074, %broadcast_in_dim3A_3 : vector<16xi1>, vector<16xi32>
    %add3A_1076 = arith.addi %add3A_1047, %select_n3A_1075 : vector<16xi32>
    %eq3A_1077 = arith.constant 6 : i32
    %eq3A_1078 = vector.broadcast %eq3A_1077 : i32 to vector<16xi32>
    %eq3A_1079 = arith.cmpi eq, %get3A_902, %eq3A_1078 : vector<16xi32>
    %convert_element_type3A_1080 = arith.extui %eq3A_1079 : vector<16xi1> to vector<16xi32>
    %cumsum3A_1081 = arith.constant true
    %cumsum3A_1082 = vector.broadcast %cumsum3A_1081 : i1 to vector<16xi1>
    %cumsum3A_1083 = tpu.scan <sum>, %convert_element_type3A_1080 masked %cumsum3A_1082 : vector<16xi32>, vector<16xi1> -> vector<16xi32>
    %eq3A_1084 = arith.constant 6 : i32
    %eq3A_1085 = vector.broadcast %eq3A_1084 : i32 to vector<16xi32>
    %eq3A_1086 = arith.cmpi eq, %iota3A, %eq3A_1085 : vector<16xi32>
    %select_n3A_1087 = arith.select %eq3A_1086, %add3A_1076, %broadcast_in_dim3A_3 : vector<16xi1>, vector<16xi32>
    %reduce_sum3A_1088 = arith.constant true
    %reduce_sum3A_1089 = vector.broadcast %reduce_sum3A_1088 : i1 to vector<16xi1>
    %reduce_sum3A_1090 = tpu.scan <sum>, %select_n3A_1087 masked %reduce_sum3A_1089 : vector<16xi32>, vector<16xi1> -> vector<16xi32>
    %reduce_sum3A_1091 = vector.extract %reduce_sum3A_1090[15] : i32 from vector<16xi32>
    %broadcast_in_dim3A_1092 = vector.broadcast %reduce_sum3A_1091 : i32 to vector<16xi32>
    %add3A_1093 = arith.addi %broadcast_in_dim3A_1092, %cumsum3A_1083 : vector<16xi32>
    %sub3A_1094 = arith.subi %add3A_1093, %broadcast_in_dim3A_5 : vector<16xi32>
    %select_n3A_1095 = arith.select %eq3A_1079, %sub3A_1094, %select_n3A_1066 : vector<16xi1>, vector<16xi32>
    %eq3A_1096 = arith.constant 6 : i32
    %eq3A_1097 = vector.broadcast %eq3A_1096 : i32 to vector<16xi32>
    %eq3A_1098 = arith.cmpi eq, %iota3A, %eq3A_1097 : vector<16xi32>
    %reduce_sum3A_1099 = arith.constant true
    %reduce_sum3A_1100 = vector.broadcast %reduce_sum3A_1099 : i1 to vector<16xi1>
    %reduce_sum3A_1101 = tpu.scan <sum>, %convert_element_type3A_1080 masked %reduce_sum3A_1100 : vector<16xi32>, vector<16xi1> -> vector<16xi32>
    %reduce_sum3A_1102 = vector.extract %reduce_sum3A_1101[15] : i32 from vector<16xi32>
    %broadcast_in_dim3A_1103 = vector.broadcast %reduce_sum3A_1102 : i32 to vector<16xi32>
    %select_n3A_1104 = arith.select %eq3A_1098, %broadcast_in_dim3A_1103, %broadcast_in_dim3A_3 : vector<16xi1>, vector<16xi32>
    %add3A_1105 = arith.addi %add3A_1076, %select_n3A_1104 : vector<16xi32>
    %eq3A_1106 = arith.constant 7 : i32
    %eq3A_1107 = vector.broadcast %eq3A_1106 : i32 to vector<16xi32>
    %eq3A_1108 = arith.cmpi eq, %get3A_902, %eq3A_1107 : vector<16xi32>
    %convert_element_type3A_1109 = arith.extui %eq3A_1108 : vector<16xi1> to vector<16xi32>
    %cumsum3A_1110 = arith.constant true
    %cumsum3A_1111 = vector.broadcast %cumsum3A_1110 : i1 to vector<16xi1>
    %cumsum3A_1112 = tpu.scan <sum>, %convert_element_type3A_1109 masked %cumsum3A_1111 : vector<16xi32>, vector<16xi1> -> vector<16xi32>
    %eq3A_1113 = arith.constant 7 : i32
    %eq3A_1114 = vector.broadcast %eq3A_1113 : i32 to vector<16xi32>
    %eq3A_1115 = arith.cmpi eq, %iota3A, %eq3A_1114 : vector<16xi32>
    %select_n3A_1116 = arith.select %eq3A_1115, %add3A_1105, %broadcast_in_dim3A_3 : vector<16xi1>, vector<16xi32>
    %reduce_sum3A_1117 = arith.constant true
    %reduce_sum3A_1118 = vector.broadcast %reduce_sum3A_1117 : i1 to vector<16xi1>
    %reduce_sum3A_1119 = tpu.scan <sum>, %select_n3A_1116 masked %reduce_sum3A_1118 : vector<16xi32>, vector<16xi1> -> vector<16xi32>
    %reduce_sum3A_1120 = vector.extract %reduce_sum3A_1119[15] : i32 from vector<16xi32>
    %broadcast_in_dim3A_1121 = vector.broadcast %reduce_sum3A_1120 : i32 to vector<16xi32>
    %add3A_1122 = arith.addi %broadcast_in_dim3A_1121, %cumsum3A_1112 : vector<16xi32>
    %sub3A_1123 = arith.subi %add3A_1122, %broadcast_in_dim3A_5 : vector<16xi32>
    %select_n3A_1124 = arith.select %eq3A_1108, %sub3A_1123, %select_n3A_1095 : vector<16xi1>, vector<16xi32>
    %eq3A_1125 = arith.constant 7 : i32
    %eq3A_1126 = vector.broadcast %eq3A_1125 : i32 to vector<16xi32>
    %eq3A_1127 = arith.cmpi eq, %iota3A, %eq3A_1126 : vector<16xi32>
    %reduce_sum3A_1128 = arith.constant true
    %reduce_sum3A_1129 = vector.broadcast %reduce_sum3A_1128 : i1 to vector<16xi1>
    %reduce_sum3A_1130 = tpu.scan <sum>, %convert_element_type3A_1109 masked %reduce_sum3A_1129 : vector<16xi32>, vector<16xi1> -> vector<16xi32>
    %reduce_sum3A_1131 = vector.extract %reduce_sum3A_1130[15] : i32 from vector<16xi32>
    %broadcast_in_dim3A_1132 = vector.broadcast %reduce_sum3A_1131 : i32 to vector<16xi32>
    %select_n3A_1133 = arith.select %eq3A_1127, %broadcast_in_dim3A_1132, %broadcast_in_dim3A_3 : vector<16xi1>, vector<16xi32>
    %add3A_1134 = arith.addi %add3A_1105, %select_n3A_1133 : vector<16xi32>
    %swap3A_1135 = arith.constant 48 : index
    %swap3A_1136 = tpu.vector_load %arg14[%swap3A_1135] {strides = array<i32>} : memref<64xi32, #tpu.memory_space<vmem>>, vector<16xi32>,
    tpu.vector_store %arg14[%swap3A_1135], %select_n3A_1124 {strides = array<i32>} : memref<64xi32, #tpu.memory_space<vmem>>, vector<16xi32>,
    %dma_start3A_1137 = tpu.memref_slice %arg5[%mul3A_2] : memref<2048xi32, #tpu.memory_space<hbm>> -> memref<64xi32, #tpu.memory_space<hbm>>
    %dma_start3A_1138 = tpu.memref_slice %arg5[%mul3A_2] : memref<2048xi32, #tpu.memory_space<hbm>> -> memref<64xi32, #tpu.memory_space<hbm>>
    tpu.enqueue_dma source(%arg14 : memref<64xi32, #tpu.memory_space<vmem>>) target(%dma_start3A_1138 : memref<64xi32, #tpu.memory_space<hbm>>) target_semaphore(%arg20 : memref<!tpu.dma_semaphore, #tpu.memory_space<semaphore_mem>>)
    %dma_start3A_1139 = arith.constant 0 : i32
    %dma_start3A_1140 = arith.constant 0 : i32
    %dma_start3A_1141 = tpu.memref_slice %arg7[%dma_start3A_1139, %dma_start3A_1140] : memref<4608x768xf32, #tpu.memory_space<hbm>> -> memref<4608x768xf32, #tpu.memory_space<hbm>>
    tpu.enqueue_indirect_dma source(%arg16 : memref<64x768xf32, #tpu.memory_space<vmem>>) target(%dma_start3A_1141 : memref<4608x768xf32, #tpu.memory_space<hbm>>) offsets(%arg14 : memref<64xi32, #tpu.memory_space<vmem>>) semaphore(%arg20 : memref<!tpu.dma_semaphore, #tpu.memory_space<semaphore_mem>>)
    %get3A_1142 = arith.constant 0 : index
    %get3A_1143 = tpu.vector_load %arg13[%get3A_1142] {strides = array<i32>} : memref<64xi32, #tpu.memory_space<vmem>>, vector<16xi32>,
    %eq3A_1144 = arith.constant 0 : i32
    %eq3A_1145 = vector.broadcast %eq3A_1144 : i32 to vector<16xi32>
    %eq3A_1146 = arith.cmpi eq, %get3A_1143, %eq3A_1145 : vector<16xi32>
    %convert_element_type3A_1147 = arith.extui %eq3A_1146 : vector<16xi1> to vector<16xi32>
    %cumsum3A_1148 = arith.constant true
    %cumsum3A_1149 = vector.broadcast %cumsum3A_1148 : i1 to vector<16xi1>
    %cumsum3A_1150 = tpu.scan <sum>, %convert_element_type3A_1147 masked %cumsum3A_1149 : vector<16xi32>, vector<16xi1> -> vector<16xi32>
    %eq3A_1151 = arith.constant 0 : i32
    %eq3A_1152 = vector.broadcast %eq3A_1151 : i32 to vector<16xi32>
    %eq3A_1153 = arith.cmpi eq, %iota3A, %eq3A_1152 : vector<16xi32>
    %select_n3A_1154 = arith.select %eq3A_1153, %add3A_1134, %broadcast_in_dim3A_3 : vector<16xi1>, vector<16xi32>
    %reduce_sum3A_1155 = arith.constant true
    %reduce_sum3A_1156 = vector.broadcast %reduce_sum3A_1155 : i1 to vector<16xi1>
    %reduce_sum3A_1157 = tpu.scan <sum>, %select_n3A_1154 masked %reduce_sum3A_1156 : vector<16xi32>, vector<16xi1> -> vector<16xi32>
    %reduce_sum3A_1158 = vector.extract %reduce_sum3A_1157[15] : i32 from vector<16xi32>
    %broadcast_in_dim3A_1159 = vector.broadcast %reduce_sum3A_1158 : i32 to vector<16xi32>
    %add3A_1160 = arith.addi %broadcast_in_dim3A_1159, %cumsum3A_1150 : vector<16xi32>
    %sub3A_1161 = arith.subi %add3A_1160, %broadcast_in_dim3A_5 : vector<16xi32>
    %select_n3A_1162 = arith.select %eq3A_1146, %sub3A_1161, %broadcast_in_dim3A_3 : vector<16xi1>, vector<16xi32>
    %eq3A_1163 = arith.constant 0 : i32
    %eq3A_1164 = vector.broadcast %eq3A_1163 : i32 to vector<16xi32>
    %eq3A_1165 = arith.cmpi eq, %iota3A, %eq3A_1164 : vector<16xi32>
    %reduce_sum3A_1166 = arith.constant true
    %reduce_sum3A_1167 = vector.broadcast %reduce_sum3A_1166 : i1 to vector<16xi1>
    %reduce_sum3A_1168 = tpu.scan <sum>, %convert_element_type3A_1147 masked %reduce_sum3A_1167 : vector<16xi32>, vector<16xi1> -> vector<16xi32>
    %reduce_sum3A_1169 = vector.extract %reduce_sum3A_1168[15] : i32 from vector<16xi32>
    %broadcast_in_dim3A_1170 = vector.broadcast %reduce_sum3A_1169 : i32 to vector<16xi32>
    %select_n3A_1171 = arith.select %eq3A_1165, %broadcast_in_dim3A_1170, %broadcast_in_dim3A_3 : vector<16xi1>, vector<16xi32>
    %add3A_1172 = arith.addi %add3A_1134, %select_n3A_1171 : vector<16xi32>
    %eq3A_1173 = arith.constant 1 : i32
    %eq3A_1174 = vector.broadcast %eq3A_1173 : i32 to vector<16xi32>
    %eq3A_1175 = arith.cmpi eq, %get3A_1143, %eq3A_1174 : vector<16xi32>
    %convert_element_type3A_1176 = arith.extui %eq3A_1175 : vector<16xi1> to vector<16xi32>
    %cumsum3A_1177 = arith.constant true
    %cumsum3A_1178 = vector.broadcast %cumsum3A_1177 : i1 to vector<16xi1>
    %cumsum3A_1179 = tpu.scan <sum>, %convert_element_type3A_1176 masked %cumsum3A_1178 : vector<16xi32>, vector<16xi1> -> vector<16xi32>
    %eq3A_1180 = arith.constant 1 : i32
    %eq3A_1181 = vector.broadcast %eq3A_1180 : i32 to vector<16xi32>
    %eq3A_1182 = arith.cmpi eq, %iota3A, %eq3A_1181 : vector<16xi32>
    %select_n3A_1183 = arith.select %eq3A_1182, %add3A_1172, %broadcast_in_dim3A_3 : vector<16xi1>, vector<16xi32>
    %reduce_sum3A_1184 = arith.constant true
    %reduce_sum3A_1185 = vector.broadcast %reduce_sum3A_1184 : i1 to vector<16xi1>
    %reduce_sum3A_1186 = tpu.scan <sum>, %select_n3A_1183 masked %reduce_sum3A_1185 : vector<16xi32>, vector<16xi1> -> vector<16xi32>
    %reduce_sum3A_1187 = vector.extract %reduce_sum3A_1186[15] : i32 from vector<16xi32>
    %broadcast_in_dim3A_1188 = vector.broadcast %reduce_sum3A_1187 : i32 to vector<16xi32>
    %add3A_1189 = arith.addi %broadcast_in_dim3A_1188, %cumsum3A_1179 : vector<16xi32>
    %sub3A_1190 = arith.subi %add3A_1189, %broadcast_in_dim3A_5 : vector<16xi32>
    %select_n3A_1191 = arith.select %eq3A_1175, %sub3A_1190, %select_n3A_1162 : vector<16xi1>, vector<16xi32>
    %eq3A_1192 = arith.constant 1 : i32
    %eq3A_1193 = vector.broadcast %eq3A_1192 : i32 to vector<16xi32>
    %eq3A_1194 = arith.cmpi eq, %iota3A, %eq3A_1193 : vector<16xi32>
    %reduce_sum3A_1195 = arith.constant true
    %reduce_sum3A_1196 = vector.broadcast %reduce_sum3A_1195 : i1 to vector<16xi1>
    %reduce_sum3A_1197 = tpu.scan <sum>, %convert_element_type3A_1176 masked %reduce_sum3A_1196 : vector<16xi32>, vector<16xi1> -> vector<16xi32>
    %reduce_sum3A_1198 = vector.extract %reduce_sum3A_1197[15] : i32 from vector<16xi32>
    %broadcast_in_dim3A_1199 = vector.broadcast %reduce_sum3A_1198 : i32 to vector<16xi32>
    %select_n3A_1200 = arith.select %eq3A_1194, %broadcast_in_dim3A_1199, %broadcast_in_dim3A_3 : vector<16xi1>, vector<16xi32>
    %add3A_1201 = arith.addi %add3A_1172, %select_n3A_1200 : vector<16xi32>
    %eq3A_1202 = arith.constant 2 : i32
    %eq3A_1203 = vector.broadcast %eq3A_1202 : i32 to vector<16xi32>
    %eq3A_1204 = arith.cmpi eq, %get3A_1143, %eq3A_1203 : vector<16xi32>
    %convert_element_type3A_1205 = arith.extui %eq3A_1204 : vector<16xi1> to vector<16xi32>
    %cumsum3A_1206 = arith.constant true
    %cumsum3A_1207 = vector.broadcast %cumsum3A_1206 : i1 to vector<16xi1>
    %cumsum3A_1208 = tpu.scan <sum>, %convert_element_type3A_1205 masked %cumsum3A_1207 : vector<16xi32>, vector<16xi1> -> vector<16xi32>
    %eq3A_1209 = arith.constant 2 : i32
    %eq3A_1210 = vector.broadcast %eq3A_1209 : i32 to vector<16xi32>
    %eq3A_1211 = arith.cmpi eq, %iota3A, %eq3A_1210 : vector<16xi32>
    %select_n3A_1212 = arith.select %eq3A_1211, %add3A_1201, %broadcast_in_dim3A_3 : vector<16xi1>, vector<16xi32>
    %reduce_sum3A_1213 = arith.constant true
    %reduce_sum3A_1214 = vector.broadcast %reduce_sum3A_1213 : i1 to vector<16xi1>
    %reduce_sum3A_1215 = tpu.scan <sum>, %select_n3A_1212 masked %reduce_sum3A_1214 : vector<16xi32>, vector<16xi1> -> vector<16xi32>
    %reduce_sum3A_1216 = vector.extract %reduce_sum3A_1215[15] : i32 from vector<16xi32>
    %broadcast_in_dim3A_1217 = vector.broadcast %reduce_sum3A_1216 : i32 to vector<16xi32>
    %add3A_1218 = arith.addi %broadcast_in_dim3A_1217, %cumsum3A_1208 : vector<16xi32>
    %sub3A_1219 = arith.subi %add3A_1218, %broadcast_in_dim3A_5 : vector<16xi32>
    %select_n3A_1220 = arith.select %eq3A_1204, %sub3A_1219, %select_n3A_1191 : vector<16xi1>, vector<16xi32>
    %eq3A_1221 = arith.constant 2 : i32
    %eq3A_1222 = vector.broadcast %eq3A_1221 : i32 to vector<16xi32>
    %eq3A_1223 = arith.cmpi eq, %iota3A, %eq3A_1222 : vector<16xi32>
    %reduce_sum3A_1224 = arith.constant true
    %reduce_sum3A_1225 = vector.broadcast %reduce_sum3A_1224 : i1 to vector<16xi1>
    %reduce_sum3A_1226 = tpu.scan <sum>, %convert_element_type3A_1205 masked %reduce_sum3A_1225 : vector<16xi32>, vector<16xi1> -> vector<16xi32>
    %reduce_sum3A_1227 = vector.extract %reduce_sum3A_1226[15] : i32 from vector<16xi32>
    %broadcast_in_dim3A_1228 = vector.broadcast %reduce_sum3A_1227 : i32 to vector<16xi32>
    %select_n3A_1229 = arith.select %eq3A_1223, %broadcast_in_dim3A_1228, %broadcast_in_dim3A_3 : vector<16xi1>, vector<16xi32>
    %add3A_1230 = arith.addi %add3A_1201, %select_n3A_1229 : vector<16xi32>
    %eq3A_1231 = arith.constant 3 : i32
    %eq3A_1232 = vector.broadcast %eq3A_1231 : i32 to vector<16xi32>
    %eq3A_1233 = arith.cmpi eq, %get3A_1143, %eq3A_1232 : vector<16xi32>
    %convert_element_type3A_1234 = arith.extui %eq3A_1233 : vector<16xi1> to vector<16xi32>
    %cumsum3A_1235 = arith.constant true
    %cumsum3A_1236 = vector.broadcast %cumsum3A_1235 : i1 to vector<16xi1>
    %cumsum3A_1237 = tpu.scan <sum>, %convert_element_type3A_1234 masked %cumsum3A_1236 : vector<16xi32>, vector<16xi1> -> vector<16xi32>
    %eq3A_1238 = arith.constant 3 : i32
    %eq3A_1239 = vector.broadcast %eq3A_1238 : i32 to vector<16xi32>
    %eq3A_1240 = arith.cmpi eq, %iota3A, %eq3A_1239 : vector<16xi32>
    %select_n3A_1241 = arith.select %eq3A_1240, %add3A_1230, %broadcast_in_dim3A_3 : vector<16xi1>, vector<16xi32>
    %reduce_sum3A_1242 = arith.constant true
    %reduce_sum3A_1243 = vector.broadcast %reduce_sum3A_1242 : i1 to vector<16xi1>
    %reduce_sum3A_1244 = tpu.scan <sum>, %select_n3A_1241 masked %reduce_sum3A_1243 : vector<16xi32>, vector<16xi1> -> vector<16xi32>
    %reduce_sum3A_1245 = vector.extract %reduce_sum3A_1244[15] : i32 from vector<16xi32>
    %broadcast_in_dim3A_1246 = vector.broadcast %reduce_sum3A_1245 : i32 to vector<16xi32>
    %add3A_1247 = arith.addi %broadcast_in_dim3A_1246, %cumsum3A_1237 : vector<16xi32>
    %sub3A_1248 = arith.subi %add3A_1247, %broadcast_in_dim3A_5 : vector<16xi32>
    %select_n3A_1249 = arith.select %eq3A_1233, %sub3A_1248, %select_n3A_1220 : vector<16xi1>, vector<16xi32>
    %eq3A_1250 = arith.constant 3 : i32
    %eq3A_1251 = vector.broadcast %eq3A_1250 : i32 to vector<16xi32>
    %eq3A_1252 = arith.cmpi eq, %iota3A, %eq3A_1251 : vector<16xi32>
    %reduce_sum3A_1253 = arith.constant true
    %reduce_sum3A_1254 = vector.broadcast %reduce_sum3A_1253 : i1 to vector<16xi1>
    %reduce_sum3A_1255 = tpu.scan <sum>, %convert_element_type3A_1234 masked %reduce_sum3A_1254 : vector<16xi32>, vector<16xi1> -> vector<16xi32>
    %reduce_sum3A_1256 = vector.extract %reduce_sum3A_1255[15] : i32 from vector<16xi32>
    %broadcast_in_dim3A_1257 = vector.broadcast %reduce_sum3A_1256 : i32 to vector<16xi32>
    %select_n3A_1258 = arith.select %eq3A_1252, %broadcast_in_dim3A_1257, %broadcast_in_dim3A_3 : vector<16xi1>, vector<16xi32>
    %add3A_1259 = arith.addi %add3A_1230, %select_n3A_1258 : vector<16xi32>
    %eq3A_1260 = arith.constant 4 : i32
    %eq3A_1261 = vector.broadcast %eq3A_1260 : i32 to vector<16xi32>
    %eq3A_1262 = arith.cmpi eq, %get3A_1143, %eq3A_1261 : vector<16xi32>
    %convert_element_type3A_1263 = arith.extui %eq3A_1262 : vector<16xi1> to vector<16xi32>
    %cumsum3A_1264 = arith.constant true
    %cumsum3A_1265 = vector.broadcast %cumsum3A_1264 : i1 to vector<16xi1>
    %cumsum3A_1266 = tpu.scan <sum>, %convert_element_type3A_1263 masked %cumsum3A_1265 : vector<16xi32>, vector<16xi1> -> vector<16xi32>
    %eq3A_1267 = arith.constant 4 : i32
    %eq3A_1268 = vector.broadcast %eq3A_1267 : i32 to vector<16xi32>
    %eq3A_1269 = arith.cmpi eq, %iota3A, %eq3A_1268 : vector<16xi32>
    %select_n3A_1270 = arith.select %eq3A_1269, %add3A_1259, %broadcast_in_dim3A_3 : vector<16xi1>, vector<16xi32>
    %reduce_sum3A_1271 = arith.constant true
    %reduce_sum3A_1272 = vector.broadcast %reduce_sum3A_1271 : i1 to vector<16xi1>
    %reduce_sum3A_1273 = tpu.scan <sum>, %select_n3A_1270 masked %reduce_sum3A_1272 : vector<16xi32>, vector<16xi1> -> vector<16xi32>
    %reduce_sum3A_1274 = vector.extract %reduce_sum3A_1273[15] : i32 from vector<16xi32>
    %broadcast_in_dim3A_1275 = vector.broadcast %reduce_sum3A_1274 : i32 to vector<16xi32>
    %add3A_1276 = arith.addi %broadcast_in_dim3A_1275, %cumsum3A_1266 : vector<16xi32>
    %sub3A_1277 = arith.subi %add3A_1276, %broadcast_in_dim3A_5 : vector<16xi32>
    %select_n3A_1278 = arith.select %eq3A_1262, %sub3A_1277, %select_n3A_1249 : vector<16xi1>, vector<16xi32>
    %eq3A_1279 = arith.constant 4 : i32
    %eq3A_1280 = vector.broadcast %eq3A_1279 : i32 to vector<16xi32>
    %eq3A_1281 = arith.cmpi eq, %iota3A, %eq3A_1280 : vector<16xi32>
    %reduce_sum3A_1282 = arith.constant true
    %reduce_sum3A_1283 = vector.broadcast %reduce_sum3A_1282 : i1 to vector<16xi1>
    %reduce_sum3A_1284 = tpu.scan <sum>, %convert_element_type3A_1263 masked %reduce_sum3A_1283 : vector<16xi32>, vector<16xi1> -> vector<16xi32>
    %reduce_sum3A_1285 = vector.extract %reduce_sum3A_1284[15] : i32 from vector<16xi32>
    %broadcast_in_dim3A_1286 = vector.broadcast %reduce_sum3A_1285 : i32 to vector<16xi32>
    %select_n3A_1287 = arith.select %eq3A_1281, %broadcast_in_dim3A_1286, %broadcast_in_dim3A_3 : vector<16xi1>, vector<16xi32>
    %add3A_1288 = arith.addi %add3A_1259, %select_n3A_1287 : vector<16xi32>
    %eq3A_1289 = arith.constant 5 : i32
    %eq3A_1290 = vector.broadcast %eq3A_1289 : i32 to vector<16xi32>
    %eq3A_1291 = arith.cmpi eq, %get3A_1143, %eq3A_1290 : vector<16xi32>
    %convert_element_type3A_1292 = arith.extui %eq3A_1291 : vector<16xi1> to vector<16xi32>
    %cumsum3A_1293 = arith.constant true
    %cumsum3A_1294 = vector.broadcast %cumsum3A_1293 : i1 to vector<16xi1>
    %cumsum3A_1295 = tpu.scan <sum>, %convert_element_type3A_1292 masked %cumsum3A_1294 : vector<16xi32>, vector<16xi1> -> vector<16xi32>
    %eq3A_1296 = arith.constant 5 : i32
    %eq3A_1297 = vector.broadcast %eq3A_1296 : i32 to vector<16xi32>
    %eq3A_1298 = arith.cmpi eq, %iota3A, %eq3A_1297 : vector<16xi32>
    %select_n3A_1299 = arith.select %eq3A_1298, %add3A_1288, %broadcast_in_dim3A_3 : vector<16xi1>, vector<16xi32>
    %reduce_sum3A_1300 = arith.constant true
    %reduce_sum3A_1301 = vector.broadcast %reduce_sum3A_1300 : i1 to vector<16xi1>
    %reduce_sum3A_1302 = tpu.scan <sum>, %select_n3A_1299 masked %reduce_sum3A_1301 : vector<16xi32>, vector<16xi1> -> vector<16xi32>
    %reduce_sum3A_1303 = vector.extract %reduce_sum3A_1302[15] : i32 from vector<16xi32>
    %broadcast_in_dim3A_1304 = vector.broadcast %reduce_sum3A_1303 : i32 to vector<16xi32>
    %add3A_1305 = arith.addi %broadcast_in_dim3A_1304, %cumsum3A_1295 : vector<16xi32>
    %sub3A_1306 = arith.subi %add3A_1305, %broadcast_in_dim3A_5 : vector<16xi32>
    %select_n3A_1307 = arith.select %eq3A_1291, %sub3A_1306, %select_n3A_1278 : vector<16xi1>, vector<16xi32>
    %eq3A_1308 = arith.constant 5 : i32
    %eq3A_1309 = vector.broadcast %eq3A_1308 : i32 to vector<16xi32>
    %eq3A_1310 = arith.cmpi eq, %iota3A, %eq3A_1309 : vector<16xi32>
    %reduce_sum3A_1311 = arith.constant true
    %reduce_sum3A_1312 = vector.broadcast %reduce_sum3A_1311 : i1 to vector<16xi1>
    %reduce_sum3A_1313 = tpu.scan <sum>, %convert_element_type3A_1292 masked %reduce_sum3A_1312 : vector<16xi32>, vector<16xi1> -> vector<16xi32>
    %reduce_sum3A_1314 = vector.extract %reduce_sum3A_1313[15] : i32 from vector<16xi32>
    %broadcast_in_dim3A_1315 = vector.broadcast %reduce_sum3A_1314 : i32 to vector<16xi32>
    %select_n3A_1316 = arith.select %eq3A_1310, %broadcast_in_dim3A_1315, %broadcast_in_dim3A_3 : vector<16xi1>, vector<16xi32>
    %add3A_1317 = arith.addi %add3A_1288, %select_n3A_1316 : vector<16xi32>
    %eq3A_1318 = arith.constant 6 : i32
    %eq3A_1319 = vector.broadcast %eq3A_1318 : i32 to vector<16xi32>
    %eq3A_1320 = arith.cmpi eq, %get3A_1143, %eq3A_1319 : vector<16xi32>
    %convert_element_type3A_1321 = arith.extui %eq3A_1320 : vector<16xi1> to vector<16xi32>
    %cumsum3A_1322 = arith.constant true
    %cumsum3A_1323 = vector.broadcast %cumsum3A_1322 : i1 to vector<16xi1>
    %cumsum3A_1324 = tpu.scan <sum>, %convert_element_type3A_1321 masked %cumsum3A_1323 : vector<16xi32>, vector<16xi1> -> vector<16xi32>
    %eq3A_1325 = arith.constant 6 : i32
    %eq3A_1326 = vector.broadcast %eq3A_1325 : i32 to vector<16xi32>
    %eq3A_1327 = arith.cmpi eq, %iota3A, %eq3A_1326 : vector<16xi32>
    %select_n3A_1328 = arith.select %eq3A_1327, %add3A_1317, %broadcast_in_dim3A_3 : vector<16xi1>, vector<16xi32>
    %reduce_sum3A_1329 = arith.constant true
    %reduce_sum3A_1330 = vector.broadcast %reduce_sum3A_1329 : i1 to vector<16xi1>
    %reduce_sum3A_1331 = tpu.scan <sum>, %select_n3A_1328 masked %reduce_sum3A_1330 : vector<16xi32>, vector<16xi1> -> vector<16xi32>
    %reduce_sum3A_1332 = vector.extract %reduce_sum3A_1331[15] : i32 from vector<16xi32>
    %broadcast_in_dim3A_1333 = vector.broadcast %reduce_sum3A_1332 : i32 to vector<16xi32>
    %add3A_1334 = arith.addi %broadcast_in_dim3A_1333, %cumsum3A_1324 : vector<16xi32>
    %sub3A_1335 = arith.subi %add3A_1334, %broadcast_in_dim3A_5 : vector<16xi32>
    %select_n3A_1336 = arith.select %eq3A_1320, %sub3A_1335, %select_n3A_1307 : vector<16xi1>, vector<16xi32>
    %eq3A_1337 = arith.constant 6 : i32
    %eq3A_1338 = vector.broadcast %eq3A_1337 : i32 to vector<16xi32>
    %eq3A_1339 = arith.cmpi eq, %iota3A, %eq3A_1338 : vector<16xi32>
    %reduce_sum3A_1340 = arith.constant true
    %reduce_sum3A_1341 = vector.broadcast %reduce_sum3A_1340 : i1 to vector<16xi1>
    %reduce_sum3A_1342 = tpu.scan <sum>, %convert_element_type3A_1321 masked %reduce_sum3A_1341 : vector<16xi32>, vector<16xi1> -> vector<16xi32>
    %reduce_sum3A_1343 = vector.extract %reduce_sum3A_1342[15] : i32 from vector<16xi32>
    %broadcast_in_dim3A_1344 = vector.broadcast %reduce_sum3A_1343 : i32 to vector<16xi32>
    %select_n3A_1345 = arith.select %eq3A_1339, %broadcast_in_dim3A_1344, %broadcast_in_dim3A_3 : vector<16xi1>, vector<16xi32>
    %add3A_1346 = arith.addi %add3A_1317, %select_n3A_1345 : vector<16xi32>
    %eq3A_1347 = arith.constant 7 : i32
    %eq3A_1348 = vector.broadcast %eq3A_1347 : i32 to vector<16xi32>
    %eq3A_1349 = arith.cmpi eq, %get3A_1143, %eq3A_1348 : vector<16xi32>
    %convert_element_type3A_1350 = arith.extui %eq3A_1349 : vector<16xi1> to vector<16xi32>
    %cumsum3A_1351 = arith.constant true
    %cumsum3A_1352 = vector.broadcast %cumsum3A_1351 : i1 to vector<16xi1>
    %cumsum3A_1353 = tpu.scan <sum>, %convert_element_type3A_1350 masked %cumsum3A_1352 : vector<16xi32>, vector<16xi1> -> vector<16xi32>
    %eq3A_1354 = arith.constant 7 : i32
    %eq3A_1355 = vector.broadcast %eq3A_1354 : i32 to vector<16xi32>
    %eq3A_1356 = arith.cmpi eq, %iota3A, %eq3A_1355 : vector<16xi32>
    %select_n3A_1357 = arith.select %eq3A_1356, %add3A_1346, %broadcast_in_dim3A_3 : vector<16xi1>, vector<16xi32>
    %reduce_sum3A_1358 = arith.constant true
    %reduce_sum3A_1359 = vector.broadcast %reduce_sum3A_1358 : i1 to vector<16xi1>
    %reduce_sum3A_1360 = tpu.scan <sum>, %select_n3A_1357 masked %reduce_sum3A_1359 : vector<16xi32>, vector<16xi1> -> vector<16xi32>
    %reduce_sum3A_1361 = vector.extract %reduce_sum3A_1360[15] : i32 from vector<16xi32>
    %broadcast_in_dim3A_1362 = vector.broadcast %reduce_sum3A_1361 : i32 to vector<16xi32>
    %add3A_1363 = arith.addi %broadcast_in_dim3A_1362, %cumsum3A_1353 : vector<16xi32>
    %sub3A_1364 = arith.subi %add3A_1363, %broadcast_in_dim3A_5 : vector<16xi32>
    %select_n3A_1365 = arith.select %eq3A_1349, %sub3A_1364, %select_n3A_1336 : vector<16xi1>, vector<16xi32>
    %eq3A_1366 = arith.constant 7 : i32
    %eq3A_1367 = vector.broadcast %eq3A_1366 : i32 to vector<16xi32>
    %eq3A_1368 = arith.cmpi eq, %iota3A, %eq3A_1367 : vector<16xi32>
    %reduce_sum3A_1369 = arith.constant true
    %reduce_sum3A_1370 = vector.broadcast %reduce_sum3A_1369 : i1 to vector<16xi1>
    %reduce_sum3A_1371 = tpu.scan <sum>, %convert_element_type3A_1350 masked %reduce_sum3A_1370 : vector<16xi32>, vector<16xi1> -> vector<16xi32>
    %reduce_sum3A_1372 = vector.extract %reduce_sum3A_1371[15] : i32 from vector<16xi32>
    %broadcast_in_dim3A_1373 = vector.broadcast %reduce_sum3A_1372 : i32 to vector<16xi32>
    %select_n3A_1374 = arith.select %eq3A_1368, %broadcast_in_dim3A_1373, %broadcast_in_dim3A_3 : vector<16xi1>, vector<16xi32>
    %add3A_1375 = arith.addi %add3A_1346, %select_n3A_1374 : vector<16xi32>
    %swap3A_1376 = arith.constant 0 : index
    %swap3A_1377 = tpu.vector_load %arg15[%swap3A_1376] {strides = array<i32>} : memref<64xi32, #tpu.memory_space<vmem>>, vector<16xi32>,
    tpu.vector_store %arg15[%swap3A_1376], %select_n3A_1365 {strides = array<i32>} : memref<64xi32, #tpu.memory_space<vmem>>, vector<16xi32>,
    %get3A_1378 = arith.constant 16 : index
    %get3A_1379 = tpu.vector_load %arg13[%get3A_1378] {strides = array<i32>} : memref<64xi32, #tpu.memory_space<vmem>>, vector<16xi32>,
    %eq3A_1380 = arith.constant 0 : i32
    %eq3A_1381 = vector.broadcast %eq3A_1380 : i32 to vector<16xi32>
    %eq3A_1382 = arith.cmpi eq, %get3A_1379, %eq3A_1381 : vector<16xi32>
    %convert_element_type3A_1383 = arith.extui %eq3A_1382 : vector<16xi1> to vector<16xi32>
    %cumsum3A_1384 = arith.constant true
    %cumsum3A_1385 = vector.broadcast %cumsum3A_1384 : i1 to vector<16xi1>
    %cumsum3A_1386 = tpu.scan <sum>, %convert_element_type3A_1383 masked %cumsum3A_1385 : vector<16xi32>, vector<16xi1> -> vector<16xi32>
    %eq3A_1387 = arith.constant 0 : i32
    %eq3A_1388 = vector.broadcast %eq3A_1387 : i32 to vector<16xi32>
    %eq3A_1389 = arith.cmpi eq, %iota3A, %eq3A_1388 : vector<16xi32>
    %select_n3A_1390 = arith.select %eq3A_1389, %add3A_1375, %broadcast_in_dim3A_3 : vector<16xi1>, vector<16xi32>
    %reduce_sum3A_1391 = arith.constant true
    %reduce_sum3A_1392 = vector.broadcast %reduce_sum3A_1391 : i1 to vector<16xi1>
    %reduce_sum3A_1393 = tpu.scan <sum>, %select_n3A_1390 masked %reduce_sum3A_1392 : vector<16xi32>, vector<16xi1> -> vector<16xi32>
    %reduce_sum3A_1394 = vector.extract %reduce_sum3A_1393[15] : i32 from vector<16xi32>
    %broadcast_in_dim3A_1395 = vector.broadcast %reduce_sum3A_1394 : i32 to vector<16xi32>
    %add3A_1396 = arith.addi %broadcast_in_dim3A_1395, %cumsum3A_1386 : vector<16xi32>
    %sub3A_1397 = arith.subi %add3A_1396, %broadcast_in_dim3A_5 : vector<16xi32>
    %select_n3A_1398 = arith.select %eq3A_1382, %sub3A_1397, %broadcast_in_dim3A_3 : vector<16xi1>, vector<16xi32>
    %eq3A_1399 = arith.constant 0 : i32
    %eq3A_1400 = vector.broadcast %eq3A_1399 : i32 to vector<16xi32>
    %eq3A_1401 = arith.cmpi eq, %iota3A, %eq3A_1400 : vector<16xi32>
    %reduce_sum3A_1402 = arith.constant true
    %reduce_sum3A_1403 = vector.broadcast %reduce_sum3A_1402 : i1 to vector<16xi1>
    %reduce_sum3A_1404 = tpu.scan <sum>, %convert_element_type3A_1383 masked %reduce_sum3A_1403 : vector<16xi32>, vector<16xi1> -> vector<16xi32>
    %reduce_sum3A_1405 = vector.extract %reduce_sum3A_1404[15] : i32 from vector<16xi32>
    %broadcast_in_dim3A_1406 = vector.broadcast %reduce_sum3A_1405 : i32 to vector<16xi32>
    %select_n3A_1407 = arith.select %eq3A_1401, %broadcast_in_dim3A_1406, %broadcast_in_dim3A_3 : vector<16xi1>, vector<16xi32>
    %add3A_1408 = arith.addi %add3A_1375, %select_n3A_1407 : vector<16xi32>
    %eq3A_1409 = arith.constant 1 : i32
    %eq3A_1410 = vector.broadcast %eq3A_1409 : i32 to vector<16xi32>
    %eq3A_1411 = arith.cmpi eq, %get3A_1379, %eq3A_1410 : vector<16xi32>
    %convert_element_type3A_1412 = arith.extui %eq3A_1411 : vector<16xi1> to vector<16xi32>
    %cumsum3A_1413 = arith.constant true
    %cumsum3A_1414 = vector.broadcast %cumsum3A_1413 : i1 to vector<16xi1>
    %cumsum3A_1415 = tpu.scan <sum>, %convert_element_type3A_1412 masked %cumsum3A_1414 : vector<16xi32>, vector<16xi1> -> vector<16xi32>
    %eq3A_1416 = arith.constant 1 : i32
    %eq3A_1417 = vector.broadcast %eq3A_1416 : i32 to vector<16xi32>
    %eq3A_1418 = arith.cmpi eq, %iota3A, %eq3A_1417 : vector<16xi32>
    %select_n3A_1419 = arith.select %eq3A_1418, %add3A_1408, %broadcast_in_dim3A_3 : vector<16xi1>, vector<16xi32>
    %reduce_sum3A_1420 = arith.constant true
    %reduce_sum3A_1421 = vector.broadcast %reduce_sum3A_1420 : i1 to vector<16xi1>
    %reduce_sum3A_1422 = tpu.scan <sum>, %select_n3A_1419 masked %reduce_sum3A_1421 : vector<16xi32>, vector<16xi1> -> vector<16xi32>
    %reduce_sum3A_1423 = vector.extract %reduce_sum3A_1422[15] : i32 from vector<16xi32>
    %broadcast_in_dim3A_1424 = vector.broadcast %reduce_sum3A_1423 : i32 to vector<16xi32>
    %add3A_1425 = arith.addi %broadcast_in_dim3A_1424, %cumsum3A_1415 : vector<16xi32>
    %sub3A_1426 = arith.subi %add3A_1425, %broadcast_in_dim3A_5 : vector<16xi32>
    %select_n3A_1427 = arith.select %eq3A_1411, %sub3A_1426, %select_n3A_1398 : vector<16xi1>, vector<16xi32>
    %eq3A_1428 = arith.constant 1 : i32
    %eq3A_1429 = vector.broadcast %eq3A_1428 : i32 to vector<16xi32>
    %eq3A_1430 = arith.cmpi eq, %iota3A, %eq3A_1429 : vector<16xi32>
    %reduce_sum3A_1431 = arith.constant true
    %reduce_sum3A_1432 = vector.broadcast %reduce_sum3A_1431 : i1 to vector<16xi1>
    %reduce_sum3A_1433 = tpu.scan <sum>, %convert_element_type3A_1412 masked %reduce_sum3A_1432 : vector<16xi32>, vector<16xi1> -> vector<16xi32>
    %reduce_sum3A_1434 = vector.extract %reduce_sum3A_1433[15] : i32 from vector<16xi32>
    %broadcast_in_dim3A_1435 = vector.broadcast %reduce_sum3A_1434 : i32 to vector<16xi32>
    %select_n3A_1436 = arith.select %eq3A_1430, %broadcast_in_dim3A_1435, %broadcast_in_dim3A_3 : vector<16xi1>, vector<16xi32>
    %add3A_1437 = arith.addi %add3A_1408, %select_n3A_1436 : vector<16xi32>
    %eq3A_1438 = arith.constant 2 : i32
    %eq3A_1439 = vector.broadcast %eq3A_1438 : i32 to vector<16xi32>
    %eq3A_1440 = arith.cmpi eq, %get3A_1379, %eq3A_1439 : vector<16xi32>
    %convert_element_type3A_1441 = arith.extui %eq3A_1440 : vector<16xi1> to vector<16xi32>
    %cumsum3A_1442 = arith.constant true
    %cumsum3A_1443 = vector.broadcast %cumsum3A_1442 : i1 to vector<16xi1>
    %cumsum3A_1444 = tpu.scan <sum>, %convert_element_type3A_1441 masked %cumsum3A_1443 : vector<16xi32>, vector<16xi1> -> vector<16xi32>
    %eq3A_1445 = arith.constant 2 : i32
    %eq3A_1446 = vector.broadcast %eq3A_1445 : i32 to vector<16xi32>
    %eq3A_1447 = arith.cmpi eq, %iota3A, %eq3A_1446 : vector<16xi32>
    %select_n3A_1448 = arith.select %eq3A_1447, %add3A_1437, %broadcast_in_dim3A_3 : vector<16xi1>, vector<16xi32>
    %reduce_sum3A_1449 = arith.constant true
    %reduce_sum3A_1450 = vector.broadcast %reduce_sum3A_1449 : i1 to vector<16xi1>
    %reduce_sum3A_1451 = tpu.scan <sum>, %select_n3A_1448 masked %reduce_sum3A_1450 : vector<16xi32>, vector<16xi1> -> vector<16xi32>
    %reduce_sum3A_1452 = vector.extract %reduce_sum3A_1451[15] : i32 from vector<16xi32>
    %broadcast_in_dim3A_1453 = vector.broadcast %reduce_sum3A_1452 : i32 to vector<16xi32>
    %add3A_1454 = arith.addi %broadcast_in_dim3A_1453, %cumsum3A_1444 : vector<16xi32>
    %sub3A_1455 = arith.subi %add3A_1454, %broadcast_in_dim3A_5 : vector<16xi32>
    %select_n3A_1456 = arith.select %eq3A_1440, %sub3A_1455, %select_n3A_1427 : vector<16xi1>, vector<16xi32>
    %eq3A_1457 = arith.constant 2 : i32
    %eq3A_1458 = vector.broadcast %eq3A_1457 : i32 to vector<16xi32>
    %eq3A_1459 = arith.cmpi eq, %iota3A, %eq3A_1458 : vector<16xi32>
    %reduce_sum3A_1460 = arith.constant true
    %reduce_sum3A_1461 = vector.broadcast %reduce_sum3A_1460 : i1 to vector<16xi1>
    %reduce_sum3A_1462 = tpu.scan <sum>, %convert_element_type3A_1441 masked %reduce_sum3A_1461 : vector<16xi32>, vector<16xi1> -> vector<16xi32>
    %reduce_sum3A_1463 = vector.extract %reduce_sum3A_1462[15] : i32 from vector<16xi32>
    %broadcast_in_dim3A_1464 = vector.broadcast %reduce_sum3A_1463 : i32 to vector<16xi32>
    %select_n3A_1465 = arith.select %eq3A_1459, %broadcast_in_dim3A_1464, %broadcast_in_dim3A_3 : vector<16xi1>, vector<16xi32>
    %add3A_1466 = arith.addi %add3A_1437, %select_n3A_1465 : vector<16xi32>
    %eq3A_1467 = arith.constant 3 : i32
    %eq3A_1468 = vector.broadcast %eq3A_1467 : i32 to vector<16xi32>
    %eq3A_1469 = arith.cmpi eq, %get3A_1379, %eq3A_1468 : vector<16xi32>
    %convert_element_type3A_1470 = arith.extui %eq3A_1469 : vector<16xi1> to vector<16xi32>
    %cumsum3A_1471 = arith.constant true
    %cumsum3A_1472 = vector.broadcast %cumsum3A_1471 : i1 to vector<16xi1>
    %cumsum3A_1473 = tpu.scan <sum>, %convert_element_type3A_1470 masked %cumsum3A_1472 : vector<16xi32>, vector<16xi1> -> vector<16xi32>
    %eq3A_1474 = arith.constant 3 : i32
    %eq3A_1475 = vector.broadcast %eq3A_1474 : i32 to vector<16xi32>
    %eq3A_1476 = arith.cmpi eq, %iota3A, %eq3A_1475 : vector<16xi32>
    %select_n3A_1477 = arith.select %eq3A_1476, %add3A_1466, %broadcast_in_dim3A_3 : vector<16xi1>, vector<16xi32>
    %reduce_sum3A_1478 = arith.constant true
    %reduce_sum3A_1479 = vector.broadcast %reduce_sum3A_1478 : i1 to vector<16xi1>
    %reduce_sum3A_1480 = tpu.scan <sum>, %select_n3A_1477 masked %reduce_sum3A_1479 : vector<16xi32>, vector<16xi1> -> vector<16xi32>
    %reduce_sum3A_1481 = vector.extract %reduce_sum3A_1480[15] : i32 from vector<16xi32>
    %broadcast_in_dim3A_1482 = vector.broadcast %reduce_sum3A_1481 : i32 to vector<16xi32>
    %add3A_1483 = arith.addi %broadcast_in_dim3A_1482, %cumsum3A_1473 : vector<16xi32>
    %sub3A_1484 = arith.subi %add3A_1483, %broadcast_in_dim3A_5 : vector<16xi32>
    %select_n3A_1485 = arith.select %eq3A_1469, %sub3A_1484, %select_n3A_1456 : vector<16xi1>, vector<16xi32>
    %eq3A_1486 = arith.constant 3 : i32
    %eq3A_1487 = vector.broadcast %eq3A_1486 : i32 to vector<16xi32>
    %eq3A_1488 = arith.cmpi eq, %iota3A, %eq3A_1487 : vector<16xi32>
    %reduce_sum3A_1489 = arith.constant true
    %reduce_sum3A_1490 = vector.broadcast %reduce_sum3A_1489 : i1 to vector<16xi1>
    %reduce_sum3A_1491 = tpu.scan <sum>, %convert_element_type3A_1470 masked %reduce_sum3A_1490 : vector<16xi32>, vector<16xi1> -> vector<16xi32>
    %reduce_sum3A_1492 = vector.extract %reduce_sum3A_1491[15] : i32 from vector<16xi32>
    %broadcast_in_dim3A_1493 = vector.broadcast %reduce_sum3A_1492 : i32 to vector<16xi32>
    %select_n3A_1494 = arith.select %eq3A_1488, %broadcast_in_dim3A_1493, %broadcast_in_dim3A_3 : vector<16xi1>, vector<16xi32>
    %add3A_1495 = arith.addi %add3A_1466, %select_n3A_1494 : vector<16xi32>
    %eq3A_1496 = arith.constant 4 : i32
    %eq3A_1497 = vector.broadcast %eq3A_1496 : i32 to vector<16xi32>
    %eq3A_1498 = arith.cmpi eq, %get3A_1379, %eq3A_1497 : vector<16xi32>
    %convert_element_type3A_1499 = arith.extui %eq3A_1498 : vector<16xi1> to vector<16xi32>
    %cumsum3A_1500 = arith.constant true
    %cumsum3A_1501 = vector.broadcast %cumsum3A_1500 : i1 to vector<16xi1>
    %cumsum3A_1502 = tpu.scan <sum>, %convert_element_type3A_1499 masked %cumsum3A_1501 : vector<16xi32>, vector<16xi1> -> vector<16xi32>
    %eq3A_1503 = arith.constant 4 : i32
    %eq3A_1504 = vector.broadcast %eq3A_1503 : i32 to vector<16xi32>
    %eq3A_1505 = arith.cmpi eq, %iota3A, %eq3A_1504 : vector<16xi32>
    %select_n3A_1506 = arith.select %eq3A_1505, %add3A_1495, %broadcast_in_dim3A_3 : vector<16xi1>, vector<16xi32>
    %reduce_sum3A_1507 = arith.constant true
    %reduce_sum3A_1508 = vector.broadcast %reduce_sum3A_1507 : i1 to vector<16xi1>
    %reduce_sum3A_1509 = tpu.scan <sum>, %select_n3A_1506 masked %reduce_sum3A_1508 : vector<16xi32>, vector<16xi1> -> vector<16xi32>
    %reduce_sum3A_1510 = vector.extract %reduce_sum3A_1509[15] : i32 from vector<16xi32>
    %broadcast_in_dim3A_1511 = vector.broadcast %reduce_sum3A_1510 : i32 to vector<16xi32>
    %add3A_1512 = arith.addi %broadcast_in_dim3A_1511, %cumsum3A_1502 : vector<16xi32>
    %sub3A_1513 = arith.subi %add3A_1512, %broadcast_in_dim3A_5 : vector<16xi32>
    %select_n3A_1514 = arith.select %eq3A_1498, %sub3A_1513, %select_n3A_1485 : vector<16xi1>, vector<16xi32>
    %eq3A_1515 = arith.constant 4 : i32
    %eq3A_1516 = vector.broadcast %eq3A_1515 : i32 to vector<16xi32>
    %eq3A_1517 = arith.cmpi eq, %iota3A, %eq3A_1516 : vector<16xi32>
    %reduce_sum3A_1518 = arith.constant true
    %reduce_sum3A_1519 = vector.broadcast %reduce_sum3A_1518 : i1 to vector<16xi1>
    %reduce_sum3A_1520 = tpu.scan <sum>, %convert_element_type3A_1499 masked %reduce_sum3A_1519 : vector<16xi32>, vector<16xi1> -> vector<16xi32>
    %reduce_sum3A_1521 = vector.extract %reduce_sum3A_1520[15] : i32 from vector<16xi32>
    %broadcast_in_dim3A_1522 = vector.broadcast %reduce_sum3A_1521 : i32 to vector<16xi32>
    %select_n3A_1523 = arith.select %eq3A_1517, %broadcast_in_dim3A_1522, %broadcast_in_dim3A_3 : vector<16xi1>, vector<16xi32>
    %add3A_1524 = arith.addi %add3A_1495, %select_n3A_1523 : vector<16xi32>
    %eq3A_1525 = arith.constant 5 : i32
    %eq3A_1526 = vector.broadcast %eq3A_1525 : i32 to vector<16xi32>
    %eq3A_1527 = arith.cmpi eq, %get3A_1379, %eq3A_1526 : vector<16xi32>
    %convert_element_type3A_1528 = arith.extui %eq3A_1527 : vector<16xi1> to vector<16xi32>
    %cumsum3A_1529 = arith.constant true
    %cumsum3A_1530 = vector.broadcast %cumsum3A_1529 : i1 to vector<16xi1>
    %cumsum3A_1531 = tpu.scan <sum>, %convert_element_type3A_1528 masked %cumsum3A_1530 : vector<16xi32>, vector<16xi1> -> vector<16xi32>
    %eq3A_1532 = arith.constant 5 : i32
    %eq3A_1533 = vector.broadcast %eq3A_1532 : i32 to vector<16xi32>
    %eq3A_1534 = arith.cmpi eq, %iota3A, %eq3A_1533 : vector<16xi32>
    %select_n3A_1535 = arith.select %eq3A_1534, %add3A_1524, %broadcast_in_dim3A_3 : vector<16xi1>, vector<16xi32>
    %reduce_sum3A_1536 = arith.constant true
    %reduce_sum3A_1537 = vector.broadcast %reduce_sum3A_1536 : i1 to vector<16xi1>
    %reduce_sum3A_1538 = tpu.scan <sum>, %select_n3A_1535 masked %reduce_sum3A_1537 : vector<16xi32>, vector<16xi1> -> vector<16xi32>
    %reduce_sum3A_1539 = vector.extract %reduce_sum3A_1538[15] : i32 from vector<16xi32>
    %broadcast_in_dim3A_1540 = vector.broadcast %reduce_sum3A_1539 : i32 to vector<16xi32>
    %add3A_1541 = arith.addi %broadcast_in_dim3A_1540, %cumsum3A_1531 : vector<16xi32>
    %sub3A_1542 = arith.subi %add3A_1541, %broadcast_in_dim3A_5 : vector<16xi32>
    %select_n3A_1543 = arith.select %eq3A_1527, %sub3A_1542, %select_n3A_1514 : vector<16xi1>, vector<16xi32>
    %eq3A_1544 = arith.constant 5 : i32
    %eq3A_1545 = vector.broadcast %eq3A_1544 : i32 to vector<16xi32>
    %eq3A_1546 = arith.cmpi eq, %iota3A, %eq3A_1545 : vector<16xi32>
    %reduce_sum3A_1547 = arith.constant true
    %reduce_sum3A_1548 = vector.broadcast %reduce_sum3A_1547 : i1 to vector<16xi1>
    %reduce_sum3A_1549 = tpu.scan <sum>, %convert_element_type3A_1528 masked %reduce_sum3A_1548 : vector<16xi32>, vector<16xi1> -> vector<16xi32>
    %reduce_sum3A_1550 = vector.extract %reduce_sum3A_1549[15] : i32 from vector<16xi32>
    %broadcast_in_dim3A_1551 = vector.broadcast %reduce_sum3A_1550 : i32 to vector<16xi32>
    %select_n3A_1552 = arith.select %eq3A_1546, %broadcast_in_dim3A_1551, %broadcast_in_dim3A_3 : vector<16xi1>, vector<16xi32>
    %add3A_1553 = arith.addi %add3A_1524, %select_n3A_1552 : vector<16xi32>
    %eq3A_1554 = arith.constant 6 : i32
    %eq3A_1555 = vector.broadcast %eq3A_1554 : i32 to vector<16xi32>
    %eq3A_1556 = arith.cmpi eq, %get3A_1379, %eq3A_1555 : vector<16xi32>
    %convert_element_type3A_1557 = arith.extui %eq3A_1556 : vector<16xi1> to vector<16xi32>
    %cumsum3A_1558 = arith.constant true
    %cumsum3A_1559 = vector.broadcast %cumsum3A_1558 : i1 to vector<16xi1>
    %cumsum3A_1560 = tpu.scan <sum>, %convert_element_type3A_1557 masked %cumsum3A_1559 : vector<16xi32>, vector<16xi1> -> vector<16xi32>
    %eq3A_1561 = arith.constant 6 : i32
    %eq3A_1562 = vector.broadcast %eq3A_1561 : i32 to vector<16xi32>
    %eq3A_1563 = arith.cmpi eq, %iota3A, %eq3A_1562 : vector<16xi32>
    %select_n3A_1564 = arith.select %eq3A_1563, %add3A_1553, %broadcast_in_dim3A_3 : vector<16xi1>, vector<16xi32>
    %reduce_sum3A_1565 = arith.constant true
    %reduce_sum3A_1566 = vector.broadcast %reduce_sum3A_1565 : i1 to vector<16xi1>
    %reduce_sum3A_1567 = tpu.scan <sum>, %select_n3A_1564 masked %reduce_sum3A_1566 : vector<16xi32>, vector<16xi1> -> vector<16xi32>
    %reduce_sum3A_1568 = vector.extract %reduce_sum3A_1567[15] : i32 from vector<16xi32>
    %broadcast_in_dim3A_1569 = vector.broadcast %reduce_sum3A_1568 : i32 to vector<16xi32>
    %add3A_1570 = arith.addi %broadcast_in_dim3A_1569, %cumsum3A_1560 : vector<16xi32>
    %sub3A_1571 = arith.subi %add3A_1570, %broadcast_in_dim3A_5 : vector<16xi32>
    %select_n3A_1572 = arith.select %eq3A_1556, %sub3A_1571, %select_n3A_1543 : vector<16xi1>, vector<16xi32>
    %eq3A_1573 = arith.constant 6 : i32
    %eq3A_1574 = vector.broadcast %eq3A_1573 : i32 to vector<16xi32>
    %eq3A_1575 = arith.cmpi eq, %iota3A, %eq3A_1574 : vector<16xi32>
    %reduce_sum3A_1576 = arith.constant true
    %reduce_sum3A_1577 = vector.broadcast %reduce_sum3A_1576 : i1 to vector<16xi1>
    %reduce_sum3A_1578 = tpu.scan <sum>, %convert_element_type3A_1557 masked %reduce_sum3A_1577 : vector<16xi32>, vector<16xi1> -> vector<16xi32>
    %reduce_sum3A_1579 = vector.extract %reduce_sum3A_1578[15] : i32 from vector<16xi32>
    %broadcast_in_dim3A_1580 = vector.broadcast %reduce_sum3A_1579 : i32 to vector<16xi32>
    %select_n3A_1581 = arith.select %eq3A_1575, %broadcast_in_dim3A_1580, %broadcast_in_dim3A_3 : vector<16xi1>, vector<16xi32>
    %add3A_1582 = arith.addi %add3A_1553, %select_n3A_1581 : vector<16xi32>
    %eq3A_1583 = arith.constant 7 : i32
    %eq3A_1584 = vector.broadcast %eq3A_1583 : i32 to vector<16xi32>
    %eq3A_1585 = arith.cmpi eq, %get3A_1379, %eq3A_1584 : vector<16xi32>
    %convert_element_type3A_1586 = arith.extui %eq3A_1585 : vector<16xi1> to vector<16xi32>
    %cumsum3A_1587 = arith.constant true
    %cumsum3A_1588 = vector.broadcast %cumsum3A_1587 : i1 to vector<16xi1>
    %cumsum3A_1589 = tpu.scan <sum>, %convert_element_type3A_1586 masked %cumsum3A_1588 : vector<16xi32>, vector<16xi1> -> vector<16xi32>
    %eq3A_1590 = arith.constant 7 : i32
    %eq3A_1591 = vector.broadcast %eq3A_1590 : i32 to vector<16xi32>
    %eq3A_1592 = arith.cmpi eq, %iota3A, %eq3A_1591 : vector<16xi32>
    %select_n3A_1593 = arith.select %eq3A_1592, %add3A_1582, %broadcast_in_dim3A_3 : vector<16xi1>, vector<16xi32>
    %reduce_sum3A_1594 = arith.constant true
    %reduce_sum3A_1595 = vector.broadcast %reduce_sum3A_1594 : i1 to vector<16xi1>
    %reduce_sum3A_1596 = tpu.scan <sum>, %select_n3A_1593 masked %reduce_sum3A_1595 : vector<16xi32>, vector<16xi1> -> vector<16xi32>
    %reduce_sum3A_1597 = vector.extract %reduce_sum3A_1596[15] : i32 from vector<16xi32>
    %broadcast_in_dim3A_1598 = vector.broadcast %reduce_sum3A_1597 : i32 to vector<16xi32>
    %add3A_1599 = arith.addi %broadcast_in_dim3A_1598, %cumsum3A_1589 : vector<16xi32>
    %sub3A_1600 = arith.subi %add3A_1599, %broadcast_in_dim3A_5 : vector<16xi32>
    %select_n3A_1601 = arith.select %eq3A_1585, %sub3A_1600, %select_n3A_1572 : vector<16xi1>, vector<16xi32>
    %eq3A_1602 = arith.constant 7 : i32
    %eq3A_1603 = vector.broadcast %eq3A_1602 : i32 to vector<16xi32>
    %eq3A_1604 = arith.cmpi eq, %iota3A, %eq3A_1603 : vector<16xi32>
    %reduce_sum3A_1605 = arith.constant true
    %reduce_sum3A_1606 = vector.broadcast %reduce_sum3A_1605 : i1 to vector<16xi1>
    %reduce_sum3A_1607 = tpu.scan <sum>, %convert_element_type3A_1586 masked %reduce_sum3A_1606 : vector<16xi32>, vector<16xi1> -> vector<16xi32>
    %reduce_sum3A_1608 = vector.extract %reduce_sum3A_1607[15] : i32 from vector<16xi32>
    %broadcast_in_dim3A_1609 = vector.broadcast %reduce_sum3A_1608 : i32 to vector<16xi32>
    %select_n3A_1610 = arith.select %eq3A_1604, %broadcast_in_dim3A_1609, %broadcast_in_dim3A_3 : vector<16xi1>, vector<16xi32>
    %add3A_1611 = arith.addi %add3A_1582, %select_n3A_1610 : vector<16xi32>
    %swap3A_1612 = arith.constant 16 : index
    %swap3A_1613 = tpu.vector_load %arg15[%swap3A_1612] {strides = array<i32>} : memref<64xi32, #tpu.memory_space<vmem>>, vector<16xi32>,
    tpu.vector_store %arg15[%swap3A_1612], %select_n3A_1601 {strides = array<i32>} : memref<64xi32, #tpu.memory_space<vmem>>, vector<16xi32>,
    %get3A_1614 = arith.constant 32 : index
    %get3A_1615 = tpu.vector_load %arg13[%get3A_1614] {strides = array<i32>} : memref<64xi32, #tpu.memory_space<vmem>>, vector<16xi32>,
    %eq3A_1616 = arith.constant 0 : i32
    %eq3A_1617 = vector.broadcast %eq3A_1616 : i32 to vector<16xi32>
    %eq3A_1618 = arith.cmpi eq, %get3A_1615, %eq3A_1617 : vector<16xi32>
    %convert_element_type3A_1619 = arith.extui %eq3A_1618 : vector<16xi1> to vector<16xi32>
    %cumsum3A_1620 = arith.constant true
    %cumsum3A_1621 = vector.broadcast %cumsum3A_1620 : i1 to vector<16xi1>
    %cumsum3A_1622 = tpu.scan <sum>, %convert_element_type3A_1619 masked %cumsum3A_1621 : vector<16xi32>, vector<16xi1> -> vector<16xi32>
    %eq3A_1623 = arith.constant 0 : i32
    %eq3A_1624 = vector.broadcast %eq3A_1623 : i32 to vector<16xi32>
    %eq3A_1625 = arith.cmpi eq, %iota3A, %eq3A_1624 : vector<16xi32>
    %select_n3A_1626 = arith.select %eq3A_1625, %add3A_1611, %broadcast_in_dim3A_3 : vector<16xi1>, vector<16xi32>
    %reduce_sum3A_1627 = arith.constant true
    %reduce_sum3A_1628 = vector.broadcast %reduce_sum3A_1627 : i1 to vector<16xi1>
    %reduce_sum3A_1629 = tpu.scan <sum>, %select_n3A_1626 masked %reduce_sum3A_1628 : vector<16xi32>, vector<16xi1> -> vector<16xi32>
    %reduce_sum3A_1630 = vector.extract %reduce_sum3A_1629[15] : i32 from vector<16xi32>
    %broadcast_in_dim3A_1631 = vector.broadcast %reduce_sum3A_1630 : i32 to vector<16xi32>
    %add3A_1632 = arith.addi %broadcast_in_dim3A_1631, %cumsum3A_1622 : vector<16xi32>
    %sub3A_1633 = arith.subi %add3A_1632, %broadcast_in_dim3A_5 : vector<16xi32>
    %select_n3A_1634 = arith.select %eq3A_1618, %sub3A_1633, %broadcast_in_dim3A_3 : vector<16xi1>, vector<16xi32>
    %eq3A_1635 = arith.constant 0 : i32
    %eq3A_1636 = vector.broadcast %eq3A_1635 : i32 to vector<16xi32>
    %eq3A_1637 = arith.cmpi eq, %iota3A, %eq3A_1636 : vector<16xi32>
    %reduce_sum3A_1638 = arith.constant true
    %reduce_sum3A_1639 = vector.broadcast %reduce_sum3A_1638 : i1 to vector<16xi1>
    %reduce_sum3A_1640 = tpu.scan <sum>, %convert_element_type3A_1619 masked %reduce_sum3A_1639 : vector<16xi32>, vector<16xi1> -> vector<16xi32>
    %reduce_sum3A_1641 = vector.extract %reduce_sum3A_1640[15] : i32 from vector<16xi32>
    %broadcast_in_dim3A_1642 = vector.broadcast %reduce_sum3A_1641 : i32 to vector<16xi32>
    %select_n3A_1643 = arith.select %eq3A_1637, %broadcast_in_dim3A_1642, %broadcast_in_dim3A_3 : vector<16xi1>, vector<16xi32>
    %add3A_1644 = arith.addi %add3A_1611, %select_n3A_1643 : vector<16xi32>
    %eq3A_1645 = arith.constant 1 : i32
    %eq3A_1646 = vector.broadcast %eq3A_1645 : i32 to vector<16xi32>
    %eq3A_1647 = arith.cmpi eq, %get3A_1615, %eq3A_1646 : vector<16xi32>
    %convert_element_type3A_1648 = arith.extui %eq3A_1647 : vector<16xi1> to vector<16xi32>
    %cumsum3A_1649 = arith.constant true
    %cumsum3A_1650 = vector.broadcast %cumsum3A_1649 : i1 to vector<16xi1>
    %cumsum3A_1651 = tpu.scan <sum>, %convert_element_type3A_1648 masked %cumsum3A_1650 : vector<16xi32>, vector<16xi1> -> vector<16xi32>
    %eq3A_1652 = arith.constant 1 : i32
    %eq3A_1653 = vector.broadcast %eq3A_1652 : i32 to vector<16xi32>
    %eq3A_1654 = arith.cmpi eq, %iota3A, %eq3A_1653 : vector<16xi32>
    %select_n3A_1655 = arith.select %eq3A_1654, %add3A_1644, %broadcast_in_dim3A_3 : vector<16xi1>, vector<16xi32>
    %reduce_sum3A_1656 = arith.constant true
    %reduce_sum3A_1657 = vector.broadcast %reduce_sum3A_1656 : i1 to vector<16xi1>
    %reduce_sum3A_1658 = tpu.scan <sum>, %select_n3A_1655 masked %reduce_sum3A_1657 : vector<16xi32>, vector<16xi1> -> vector<16xi32>
    %reduce_sum3A_1659 = vector.extract %reduce_sum3A_1658[15] : i32 from vector<16xi32>
    %broadcast_in_dim3A_1660 = vector.broadcast %reduce_sum3A_1659 : i32 to vector<16xi32>
    %add3A_1661 = arith.addi %broadcast_in_dim3A_1660, %cumsum3A_1651 : vector<16xi32>
    %sub3A_1662 = arith.subi %add3A_1661, %broadcast_in_dim3A_5 : vector<16xi32>
    %select_n3A_1663 = arith.select %eq3A_1647, %sub3A_1662, %select_n3A_1634 : vector<16xi1>, vector<16xi32>
    %eq3A_1664 = arith.constant 1 : i32
    %eq3A_1665 = vector.broadcast %eq3A_1664 : i32 to vector<16xi32>
    %eq3A_1666 = arith.cmpi eq, %iota3A, %eq3A_1665 : vector<16xi32>
    %reduce_sum3A_1667 = arith.constant true
    %reduce_sum3A_1668 = vector.broadcast %reduce_sum3A_1667 : i1 to vector<16xi1>
    %reduce_sum3A_1669 = tpu.scan <sum>, %convert_element_type3A_1648 masked %reduce_sum3A_1668 : vector<16xi32>, vector<16xi1> -> vector<16xi32>
    %reduce_sum3A_1670 = vector.extract %reduce_sum3A_1669[15] : i32 from vector<16xi32>
    %broadcast_in_dim3A_1671 = vector.broadcast %reduce_sum3A_1670 : i32 to vector<16xi32>
    %select_n3A_1672 = arith.select %eq3A_1666, %broadcast_in_dim3A_1671, %broadcast_in_dim3A_3 : vector<16xi1>, vector<16xi32>
    %add3A_1673 = arith.addi %add3A_1644, %select_n3A_1672 : vector<16xi32>
    %eq3A_1674 = arith.constant 2 : i32
    %eq3A_1675 = vector.broadcast %eq3A_1674 : i32 to vector<16xi32>
    %eq3A_1676 = arith.cmpi eq, %get3A_1615, %eq3A_1675 : vector<16xi32>
    %convert_element_type3A_1677 = arith.extui %eq3A_1676 : vector<16xi1> to vector<16xi32>
    %cumsum3A_1678 = arith.constant true
    %cumsum3A_1679 = vector.broadcast %cumsum3A_1678 : i1 to vector<16xi1>
    %cumsum3A_1680 = tpu.scan <sum>, %convert_element_type3A_1677 masked %cumsum3A_1679 : vector<16xi32>, vector<16xi1> -> vector<16xi32>
    %eq3A_1681 = arith.constant 2 : i32
    %eq3A_1682 = vector.broadcast %eq3A_1681 : i32 to vector<16xi32>
    %eq3A_1683 = arith.cmpi eq, %iota3A, %eq3A_1682 : vector<16xi32>
    %select_n3A_1684 = arith.select %eq3A_1683, %add3A_1673, %broadcast_in_dim3A_3 : vector<16xi1>, vector<16xi32>
    %reduce_sum3A_1685 = arith.constant true
    %reduce_sum3A_1686 = vector.broadcast %reduce_sum3A_1685 : i1 to vector<16xi1>
    %reduce_sum3A_1687 = tpu.scan <sum>, %select_n3A_1684 masked %reduce_sum3A_1686 : vector<16xi32>, vector<16xi1> -> vector<16xi32>
    %reduce_sum3A_1688 = vector.extract %reduce_sum3A_1687[15] : i32 from vector<16xi32>
    %broadcast_in_dim3A_1689 = vector.broadcast %reduce_sum3A_1688 : i32 to vector<16xi32>
    %add3A_1690 = arith.addi %broadcast_in_dim3A_1689, %cumsum3A_1680 : vector<16xi32>
    %sub3A_1691 = arith.subi %add3A_1690, %broadcast_in_dim3A_5 : vector<16xi32>
    %select_n3A_1692 = arith.select %eq3A_1676, %sub3A_1691, %select_n3A_1663 : vector<16xi1>, vector<16xi32>
    %eq3A_1693 = arith.constant 2 : i32
    %eq3A_1694 = vector.broadcast %eq3A_1693 : i32 to vector<16xi32>
    %eq3A_1695 = arith.cmpi eq, %iota3A, %eq3A_1694 : vector<16xi32>
    %reduce_sum3A_1696 = arith.constant true
    %reduce_sum3A_1697 = vector.broadcast %reduce_sum3A_1696 : i1 to vector<16xi1>
    %reduce_sum3A_1698 = tpu.scan <sum>, %convert_element_type3A_1677 masked %reduce_sum3A_1697 : vector<16xi32>, vector<16xi1> -> vector<16xi32>
    %reduce_sum3A_1699 = vector.extract %reduce_sum3A_1698[15] : i32 from vector<16xi32>
    %broadcast_in_dim3A_1700 = vector.broadcast %reduce_sum3A_1699 : i32 to vector<16xi32>
    %select_n3A_1701 = arith.select %eq3A_1695, %broadcast_in_dim3A_1700, %broadcast_in_dim3A_3 : vector<16xi1>, vector<16xi32>
    %add3A_1702 = arith.addi %add3A_1673, %select_n3A_1701 : vector<16xi32>
    %eq3A_1703 = arith.constant 3 : i32
    %eq3A_1704 = vector.broadcast %eq3A_1703 : i32 to vector<16xi32>
    %eq3A_1705 = arith.cmpi eq, %get3A_1615, %eq3A_1704 : vector<16xi32>
    %convert_element_type3A_1706 = arith.extui %eq3A_1705 : vector<16xi1> to vector<16xi32>
    %cumsum3A_1707 = arith.constant true
    %cumsum3A_1708 = vector.broadcast %cumsum3A_1707 : i1 to vector<16xi1>
    %cumsum3A_1709 = tpu.scan <sum>, %convert_element_type3A_1706 masked %cumsum3A_1708 : vector<16xi32>, vector<16xi1> -> vector<16xi32>
    %eq3A_1710 = arith.constant 3 : i32
    %eq3A_1711 = vector.broadcast %eq3A_1710 : i32 to vector<16xi32>
    %eq3A_1712 = arith.cmpi eq, %iota3A, %eq3A_1711 : vector<16xi32>
    %select_n3A_1713 = arith.select %eq3A_1712, %add3A_1702, %broadcast_in_dim3A_3 : vector<16xi1>, vector<16xi32>
    %reduce_sum3A_1714 = arith.constant true
    %reduce_sum3A_1715 = vector.broadcast %reduce_sum3A_1714 : i1 to vector<16xi1>
    %reduce_sum3A_1716 = tpu.scan <sum>, %select_n3A_1713 masked %reduce_sum3A_1715 : vector<16xi32>, vector<16xi1> -> vector<16xi32>
    %reduce_sum3A_1717 = vector.extract %reduce_sum3A_1716[15] : i32 from vector<16xi32>
    %broadcast_in_dim3A_1718 = vector.broadcast %reduce_sum3A_1717 : i32 to vector<16xi32>
    %add3A_1719 = arith.addi %broadcast_in_dim3A_1718, %cumsum3A_1709 : vector<16xi32>
    %sub3A_1720 = arith.subi %add3A_1719, %broadcast_in_dim3A_5 : vector<16xi32>
    %select_n3A_1721 = arith.select %eq3A_1705, %sub3A_1720, %select_n3A_1692 : vector<16xi1>, vector<16xi32>
    %eq3A_1722 = arith.constant 3 : i32
    %eq3A_1723 = vector.broadcast %eq3A_1722 : i32 to vector<16xi32>
    %eq3A_1724 = arith.cmpi eq, %iota3A, %eq3A_1723 : vector<16xi32>
    %reduce_sum3A_1725 = arith.constant true
    %reduce_sum3A_1726 = vector.broadcast %reduce_sum3A_1725 : i1 to vector<16xi1>
    %reduce_sum3A_1727 = tpu.scan <sum>, %convert_element_type3A_1706 masked %reduce_sum3A_1726 : vector<16xi32>, vector<16xi1> -> vector<16xi32>
    %reduce_sum3A_1728 = vector.extract %reduce_sum3A_1727[15] : i32 from vector<16xi32>
    %broadcast_in_dim3A_1729 = vector.broadcast %reduce_sum3A_1728 : i32 to vector<16xi32>
    %select_n3A_1730 = arith.select %eq3A_1724, %broadcast_in_dim3A_1729, %broadcast_in_dim3A_3 : vector<16xi1>, vector<16xi32>
    %add3A_1731 = arith.addi %add3A_1702, %select_n3A_1730 : vector<16xi32>
    %eq3A_1732 = arith.constant 4 : i32
    %eq3A_1733 = vector.broadcast %eq3A_1732 : i32 to vector<16xi32>
    %eq3A_1734 = arith.cmpi eq, %get3A_1615, %eq3A_1733 : vector<16xi32>
    %convert_element_type3A_1735 = arith.extui %eq3A_1734 : vector<16xi1> to vector<16xi32>
    %cumsum3A_1736 = arith.constant true
    %cumsum3A_1737 = vector.broadcast %cumsum3A_1736 : i1 to vector<16xi1>
    %cumsum3A_1738 = tpu.scan <sum>, %convert_element_type3A_1735 masked %cumsum3A_1737 : vector<16xi32>, vector<16xi1> -> vector<16xi32>
    %eq3A_1739 = arith.constant 4 : i32
    %eq3A_1740 = vector.broadcast %eq3A_1739 : i32 to vector<16xi32>
    %eq3A_1741 = arith.cmpi eq, %iota3A, %eq3A_1740 : vector<16xi32>
    %select_n3A_1742 = arith.select %eq3A_1741, %add3A_1731, %broadcast_in_dim3A_3 : vector<16xi1>, vector<16xi32>
    %reduce_sum3A_1743 = arith.constant true
    %reduce_sum3A_1744 = vector.broadcast %reduce_sum3A_1743 : i1 to vector<16xi1>
    %reduce_sum3A_1745 = tpu.scan <sum>, %select_n3A_1742 masked %reduce_sum3A_1744 : vector<16xi32>, vector<16xi1> -> vector<16xi32>
    %reduce_sum3A_1746 = vector.extract %reduce_sum3A_1745[15] : i32 from vector<16xi32>
    %broadcast_in_dim3A_1747 = vector.broadcast %reduce_sum3A_1746 : i32 to vector<16xi32>
    %add3A_1748 = arith.addi %broadcast_in_dim3A_1747, %cumsum3A_1738 : vector<16xi32>
    %sub3A_1749 = arith.subi %add3A_1748, %broadcast_in_dim3A_5 : vector<16xi32>
    %select_n3A_1750 = arith.select %eq3A_1734, %sub3A_1749, %select_n3A_1721 : vector<16xi1>, vector<16xi32>
    %eq3A_1751 = arith.constant 4 : i32
    %eq3A_1752 = vector.broadcast %eq3A_1751 : i32 to vector<16xi32>
    %eq3A_1753 = arith.cmpi eq, %iota3A, %eq3A_1752 : vector<16xi32>
    %reduce_sum3A_1754 = arith.constant true
    %reduce_sum3A_1755 = vector.broadcast %reduce_sum3A_1754 : i1 to vector<16xi1>
    %reduce_sum3A_1756 = tpu.scan <sum>, %convert_element_type3A_1735 masked %reduce_sum3A_1755 : vector<16xi32>, vector<16xi1> -> vector<16xi32>
    %reduce_sum3A_1757 = vector.extract %reduce_sum3A_1756[15] : i32 from vector<16xi32>
    %broadcast_in_dim3A_1758 = vector.broadcast %reduce_sum3A_1757 : i32 to vector<16xi32>
    %select_n3A_1759 = arith.select %eq3A_1753, %broadcast_in_dim3A_1758, %broadcast_in_dim3A_3 : vector<16xi1>, vector<16xi32>
    %add3A_1760 = arith.addi %add3A_1731, %select_n3A_1759 : vector<16xi32>
    %eq3A_1761 = arith.constant 5 : i32
    %eq3A_1762 = vector.broadcast %eq3A_1761 : i32 to vector<16xi32>
    %eq3A_1763 = arith.cmpi eq, %get3A_1615, %eq3A_1762 : vector<16xi32>
    %convert_element_type3A_1764 = arith.extui %eq3A_1763 : vector<16xi1> to vector<16xi32>
    %cumsum3A_1765 = arith.constant true
    %cumsum3A_1766 = vector.broadcast %cumsum3A_1765 : i1 to vector<16xi1>
    %cumsum3A_1767 = tpu.scan <sum>, %convert_element_type3A_1764 masked %cumsum3A_1766 : vector<16xi32>, vector<16xi1> -> vector<16xi32>
    %eq3A_1768 = arith.constant 5 : i32
    %eq3A_1769 = vector.broadcast %eq3A_1768 : i32 to vector<16xi32>
    %eq3A_1770 = arith.cmpi eq, %iota3A, %eq3A_1769 : vector<16xi32>
    %select_n3A_1771 = arith.select %eq3A_1770, %add3A_1760, %broadcast_in_dim3A_3 : vector<16xi1>, vector<16xi32>
    %reduce_sum3A_1772 = arith.constant true
    %reduce_sum3A_1773 = vector.broadcast %reduce_sum3A_1772 : i1 to vector<16xi1>
    %reduce_sum3A_1774 = tpu.scan <sum>, %select_n3A_1771 masked %reduce_sum3A_1773 : vector<16xi32>, vector<16xi1> -> vector<16xi32>
    %reduce_sum3A_1775 = vector.extract %reduce_sum3A_1774[15] : i32 from vector<16xi32>
    %broadcast_in_dim3A_1776 = vector.broadcast %reduce_sum3A_1775 : i32 to vector<16xi32>
    %add3A_1777 = arith.addi %broadcast_in_dim3A_1776, %cumsum3A_1767 : vector<16xi32>
    %sub3A_1778 = arith.subi %add3A_1777, %broadcast_in_dim3A_5 : vector<16xi32>
    %select_n3A_1779 = arith.select %eq3A_1763, %sub3A_1778, %select_n3A_1750 : vector<16xi1>, vector<16xi32>
    %eq3A_1780 = arith.constant 5 : i32
    %eq3A_1781 = vector.broadcast %eq3A_1780 : i32 to vector<16xi32>
    %eq3A_1782 = arith.cmpi eq, %iota3A, %eq3A_1781 : vector<16xi32>
    %reduce_sum3A_1783 = arith.constant true
    %reduce_sum3A_1784 = vector.broadcast %reduce_sum3A_1783 : i1 to vector<16xi1>
    %reduce_sum3A_1785 = tpu.scan <sum>, %convert_element_type3A_1764 masked %reduce_sum3A_1784 : vector<16xi32>, vector<16xi1> -> vector<16xi32>
    %reduce_sum3A_1786 = vector.extract %reduce_sum3A_1785[15] : i32 from vector<16xi32>
    %broadcast_in_dim3A_1787 = vector.broadcast %reduce_sum3A_1786 : i32 to vector<16xi32>
    %select_n3A_1788 = arith.select %eq3A_1782, %broadcast_in_dim3A_1787, %broadcast_in_dim3A_3 : vector<16xi1>, vector<16xi32>
    %add3A_1789 = arith.addi %add3A_1760, %select_n3A_1788 : vector<16xi32>
    %eq3A_1790 = arith.constant 6 : i32
    %eq3A_1791 = vector.broadcast %eq3A_1790 : i32 to vector<16xi32>
    %eq3A_1792 = arith.cmpi eq, %get3A_1615, %eq3A_1791 : vector<16xi32>
    %convert_element_type3A_1793 = arith.extui %eq3A_1792 : vector<16xi1> to vector<16xi32>
    %cumsum3A_1794 = arith.constant true
    %cumsum3A_1795 = vector.broadcast %cumsum3A_1794 : i1 to vector<16xi1>
    %cumsum3A_1796 = tpu.scan <sum>, %convert_element_type3A_1793 masked %cumsum3A_1795 : vector<16xi32>, vector<16xi1> -> vector<16xi32>
    %eq3A_1797 = arith.constant 6 : i32
    %eq3A_1798 = vector.broadcast %eq3A_1797 : i32 to vector<16xi32>
    %eq3A_1799 = arith.cmpi eq, %iota3A, %eq3A_1798 : vector<16xi32>
    %select_n3A_1800 = arith.select %eq3A_1799, %add3A_1789, %broadcast_in_dim3A_3 : vector<16xi1>, vector<16xi32>
    %reduce_sum3A_1801 = arith.constant true
    %reduce_sum3A_1802 = vector.broadcast %reduce_sum3A_1801 : i1 to vector<16xi1>
    %reduce_sum3A_1803 = tpu.scan <sum>, %select_n3A_1800 masked %reduce_sum3A_1802 : vector<16xi32>, vector<16xi1> -> vector<16xi32>
    %reduce_sum3A_1804 = vector.extract %reduce_sum3A_1803[15] : i32 from vector<16xi32>
    %broadcast_in_dim3A_1805 = vector.broadcast %reduce_sum3A_1804 : i32 to vector<16xi32>
    %add3A_1806 = arith.addi %broadcast_in_dim3A_1805, %cumsum3A_1796 : vector<16xi32>
    %sub3A_1807 = arith.subi %add3A_1806, %broadcast_in_dim3A_5 : vector<16xi32>
    %select_n3A_1808 = arith.select %eq3A_1792, %sub3A_1807, %select_n3A_1779 : vector<16xi1>, vector<16xi32>
    %eq3A_1809 = arith.constant 6 : i32
    %eq3A_1810 = vector.broadcast %eq3A_1809 : i32 to vector<16xi32>
    %eq3A_1811 = arith.cmpi eq, %iota3A, %eq3A_1810 : vector<16xi32>
    %reduce_sum3A_1812 = arith.constant true
    %reduce_sum3A_1813 = vector.broadcast %reduce_sum3A_1812 : i1 to vector<16xi1>
    %reduce_sum3A_1814 = tpu.scan <sum>, %convert_element_type3A_1793 masked %reduce_sum3A_1813 : vector<16xi32>, vector<16xi1> -> vector<16xi32>
    %reduce_sum3A_1815 = vector.extract %reduce_sum3A_1814[15] : i32 from vector<16xi32>
    %broadcast_in_dim3A_1816 = vector.broadcast %reduce_sum3A_1815 : i32 to vector<16xi32>
    %select_n3A_1817 = arith.select %eq3A_1811, %broadcast_in_dim3A_1816, %broadcast_in_dim3A_3 : vector<16xi1>, vector<16xi32>
    %add3A_1818 = arith.addi %add3A_1789, %select_n3A_1817 : vector<16xi32>
    %eq3A_1819 = arith.constant 7 : i32
    %eq3A_1820 = vector.broadcast %eq3A_1819 : i32 to vector<16xi32>
    %eq3A_1821 = arith.cmpi eq, %get3A_1615, %eq3A_1820 : vector<16xi32>
    %convert_element_type3A_1822 = arith.extui %eq3A_1821 : vector<16xi1> to vector<16xi32>
    %cumsum3A_1823 = arith.constant true
    %cumsum3A_1824 = vector.broadcast %cumsum3A_1823 : i1 to vector<16xi1>
    %cumsum3A_1825 = tpu.scan <sum>, %convert_element_type3A_1822 masked %cumsum3A_1824 : vector<16xi32>, vector<16xi1> -> vector<16xi32>
    %eq3A_1826 = arith.constant 7 : i32
    %eq3A_1827 = vector.broadcast %eq3A_1826 : i32 to vector<16xi32>
    %eq3A_1828 = arith.cmpi eq, %iota3A, %eq3A_1827 : vector<16xi32>
    %select_n3A_1829 = arith.select %eq3A_1828, %add3A_1818, %broadcast_in_dim3A_3 : vector<16xi1>, vector<16xi32>
    %reduce_sum3A_1830 = arith.constant true
    %reduce_sum3A_1831 = vector.broadcast %reduce_sum3A_1830 : i1 to vector<16xi1>
    %reduce_sum3A_1832 = tpu.scan <sum>, %select_n3A_1829 masked %reduce_sum3A_1831 : vector<16xi32>, vector<16xi1> -> vector<16xi32>
    %reduce_sum3A_1833 = vector.extract %reduce_sum3A_1832[15] : i32 from vector<16xi32>
    %broadcast_in_dim3A_1834 = vector.broadcast %reduce_sum3A_1833 : i32 to vector<16xi32>
    %add3A_1835 = arith.addi %broadcast_in_dim3A_1834, %cumsum3A_1825 : vector<16xi32>
    %sub3A_1836 = arith.subi %add3A_1835, %broadcast_in_dim3A_5 : vector<16xi32>
    %select_n3A_1837 = arith.select %eq3A_1821, %sub3A_1836, %select_n3A_1808 : vector<16xi1>, vector<16xi32>
    %eq3A_1838 = arith.constant 7 : i32
    %eq3A_1839 = vector.broadcast %eq3A_1838 : i32 to vector<16xi32>
    %eq3A_1840 = arith.cmpi eq, %iota3A, %eq3A_1839 : vector<16xi32>
    %reduce_sum3A_1841 = arith.constant true
    %reduce_sum3A_1842 = vector.broadcast %reduce_sum3A_1841 : i1 to vector<16xi1>
    %reduce_sum3A_1843 = tpu.scan <sum>, %convert_element_type3A_1822 masked %reduce_sum3A_1842 : vector<16xi32>, vector<16xi1> -> vector<16xi32>
    %reduce_sum3A_1844 = vector.extract %reduce_sum3A_1843[15] : i32 from vector<16xi32>
    %broadcast_in_dim3A_1845 = vector.broadcast %reduce_sum3A_1844 : i32 to vector<16xi32>
    %select_n3A_1846 = arith.select %eq3A_1840, %broadcast_in_dim3A_1845, %broadcast_in_dim3A_3 : vector<16xi1>, vector<16xi32>
    %add3A_1847 = arith.addi %add3A_1818, %select_n3A_1846 : vector<16xi32>
    %swap3A_1848 = arith.constant 32 : index
    %swap3A_1849 = tpu.vector_load %arg15[%swap3A_1848] {strides = array<i32>} : memref<64xi32, #tpu.memory_space<vmem>>, vector<16xi32>,
    tpu.vector_store %arg15[%swap3A_1848], %select_n3A_1837 {strides = array<i32>} : memref<64xi32, #tpu.memory_space<vmem>>, vector<16xi32>,
    %get3A_1850 = arith.constant 48 : index
    %get3A_1851 = tpu.vector_load %arg13[%get3A_1850] {strides = array<i32>} : memref<64xi32, #tpu.memory_space<vmem>>, vector<16xi32>,
    %eq3A_1852 = arith.constant 0 : i32
    %eq3A_1853 = vector.broadcast %eq3A_1852 : i32 to vector<16xi32>
    %eq3A_1854 = arith.cmpi eq, %get3A_1851, %eq3A_1853 : vector<16xi32>
    %convert_element_type3A_1855 = arith.extui %eq3A_1854 : vector<16xi1> to vector<16xi32>
    %cumsum3A_1856 = arith.constant true
    %cumsum3A_1857 = vector.broadcast %cumsum3A_1856 : i1 to vector<16xi1>
    %cumsum3A_1858 = tpu.scan <sum>, %convert_element_type3A_1855 masked %cumsum3A_1857 : vector<16xi32>, vector<16xi1> -> vector<16xi32>
    %eq3A_1859 = arith.constant 0 : i32
    %eq3A_1860 = vector.broadcast %eq3A_1859 : i32 to vector<16xi32>
    %eq3A_1861 = arith.cmpi eq, %iota3A, %eq3A_1860 : vector<16xi32>
    %select_n3A_1862 = arith.select %eq3A_1861, %add3A_1847, %broadcast_in_dim3A_3 : vector<16xi1>, vector<16xi32>
    %reduce_sum3A_1863 = arith.constant true
    %reduce_sum3A_1864 = vector.broadcast %reduce_sum3A_1863 : i1 to vector<16xi1>
    %reduce_sum3A_1865 = tpu.scan <sum>, %select_n3A_1862 masked %reduce_sum3A_1864 : vector<16xi32>, vector<16xi1> -> vector<16xi32>
    %reduce_sum3A_1866 = vector.extract %reduce_sum3A_1865[15] : i32 from vector<16xi32>
    %broadcast_in_dim3A_1867 = vector.broadcast %reduce_sum3A_1866 : i32 to vector<16xi32>
    %add3A_1868 = arith.addi %broadcast_in_dim3A_1867, %cumsum3A_1858 : vector<16xi32>
    %sub3A_1869 = arith.subi %add3A_1868, %broadcast_in_dim3A_5 : vector<16xi32>
    %select_n3A_1870 = arith.select %eq3A_1854, %sub3A_1869, %broadcast_in_dim3A_3 : vector<16xi1>, vector<16xi32>
    %eq3A_1871 = arith.constant 0 : i32
    %eq3A_1872 = vector.broadcast %eq3A_1871 : i32 to vector<16xi32>
    %eq3A_1873 = arith.cmpi eq, %iota3A, %eq3A_1872 : vector<16xi32>
    %reduce_sum3A_1874 = arith.constant true
    %reduce_sum3A_1875 = vector.broadcast %reduce_sum3A_1874 : i1 to vector<16xi1>
    %reduce_sum3A_1876 = tpu.scan <sum>, %convert_element_type3A_1855 masked %reduce_sum3A_1875 : vector<16xi32>, vector<16xi1> -> vector<16xi32>
    %reduce_sum3A_1877 = vector.extract %reduce_sum3A_1876[15] : i32 from vector<16xi32>
    %broadcast_in_dim3A_1878 = vector.broadcast %reduce_sum3A_1877 : i32 to vector<16xi32>
    %select_n3A_1879 = arith.select %eq3A_1873, %broadcast_in_dim3A_1878, %broadcast_in_dim3A_3 : vector<16xi1>, vector<16xi32>
    %add3A_1880 = arith.addi %add3A_1847, %select_n3A_1879 : vector<16xi32>
    %eq3A_1881 = arith.constant 1 : i32
    %eq3A_1882 = vector.broadcast %eq3A_1881 : i32 to vector<16xi32>
    %eq3A_1883 = arith.cmpi eq, %get3A_1851, %eq3A_1882 : vector<16xi32>
    %convert_element_type3A_1884 = arith.extui %eq3A_1883 : vector<16xi1> to vector<16xi32>
    %cumsum3A_1885 = arith.constant true
    %cumsum3A_1886 = vector.broadcast %cumsum3A_1885 : i1 to vector<16xi1>
    %cumsum3A_1887 = tpu.scan <sum>, %convert_element_type3A_1884 masked %cumsum3A_1886 : vector<16xi32>, vector<16xi1> -> vector<16xi32>
    %eq3A_1888 = arith.constant 1 : i32
    %eq3A_1889 = vector.broadcast %eq3A_1888 : i32 to vector<16xi32>
    %eq3A_1890 = arith.cmpi eq, %iota3A, %eq3A_1889 : vector<16xi32>
    %select_n3A_1891 = arith.select %eq3A_1890, %add3A_1880, %broadcast_in_dim3A_3 : vector<16xi1>, vector<16xi32>
    %reduce_sum3A_1892 = arith.constant true
    %reduce_sum3A_1893 = vector.broadcast %reduce_sum3A_1892 : i1 to vector<16xi1>
    %reduce_sum3A_1894 = tpu.scan <sum>, %select_n3A_1891 masked %reduce_sum3A_1893 : vector<16xi32>, vector<16xi1> -> vector<16xi32>
    %reduce_sum3A_1895 = vector.extract %reduce_sum3A_1894[15] : i32 from vector<16xi32>
    %broadcast_in_dim3A_1896 = vector.broadcast %reduce_sum3A_1895 : i32 to vector<16xi32>
    %add3A_1897 = arith.addi %broadcast_in_dim3A_1896, %cumsum3A_1887 : vector<16xi32>
    %sub3A_1898 = arith.subi %add3A_1897, %broadcast_in_dim3A_5 : vector<16xi32>
    %select_n3A_1899 = arith.select %eq3A_1883, %sub3A_1898, %select_n3A_1870 : vector<16xi1>, vector<16xi32>
    %eq3A_1900 = arith.constant 1 : i32
    %eq3A_1901 = vector.broadcast %eq3A_1900 : i32 to vector<16xi32>
    %eq3A_1902 = arith.cmpi eq, %iota3A, %eq3A_1901 : vector<16xi32>
    %reduce_sum3A_1903 = arith.constant true
    %reduce_sum3A_1904 = vector.broadcast %reduce_sum3A_1903 : i1 to vector<16xi1>
    %reduce_sum3A_1905 = tpu.scan <sum>, %convert_element_type3A_1884 masked %reduce_sum3A_1904 : vector<16xi32>, vector<16xi1> -> vector<16xi32>
    %reduce_sum3A_1906 = vector.extract %reduce_sum3A_1905[15] : i32 from vector<16xi32>
    %broadcast_in_dim3A_1907 = vector.broadcast %reduce_sum3A_1906 : i32 to vector<16xi32>
    %select_n3A_1908 = arith.select %eq3A_1902, %broadcast_in_dim3A_1907, %broadcast_in_dim3A_3 : vector<16xi1>, vector<16xi32>
    %add3A_1909 = arith.addi %add3A_1880, %select_n3A_1908 : vector<16xi32>
    %eq3A_1910 = arith.constant 2 : i32
    %eq3A_1911 = vector.broadcast %eq3A_1910 : i32 to vector<16xi32>
    %eq3A_1912 = arith.cmpi eq, %get3A_1851, %eq3A_1911 : vector<16xi32>
    %convert_element_type3A_1913 = arith.extui %eq3A_1912 : vector<16xi1> to vector<16xi32>
    %cumsum3A_1914 = arith.constant true
    %cumsum3A_1915 = vector.broadcast %cumsum3A_1914 : i1 to vector<16xi1>
    %cumsum3A_1916 = tpu.scan <sum>, %convert_element_type3A_1913 masked %cumsum3A_1915 : vector<16xi32>, vector<16xi1> -> vector<16xi32>
    %eq3A_1917 = arith.constant 2 : i32
    %eq3A_1918 = vector.broadcast %eq3A_1917 : i32 to vector<16xi32>
    %eq3A_1919 = arith.cmpi eq, %iota3A, %eq3A_1918 : vector<16xi32>
    %select_n3A_1920 = arith.select %eq3A_1919, %add3A_1909, %broadcast_in_dim3A_3 : vector<16xi1>, vector<16xi32>
    %reduce_sum3A_1921 = arith.constant true
    %reduce_sum3A_1922 = vector.broadcast %reduce_sum3A_1921 : i1 to vector<16xi1>
    %reduce_sum3A_1923 = tpu.scan <sum>, %select_n3A_1920 masked %reduce_sum3A_1922 : vector<16xi32>, vector<16xi1> -> vector<16xi32>
    %reduce_sum3A_1924 = vector.extract %reduce_sum3A_1923[15] : i32 from vector<16xi32>
    %broadcast_in_dim3A_1925 = vector.broadcast %reduce_sum3A_1924 : i32 to vector<16xi32>
    %add3A_1926 = arith.addi %broadcast_in_dim3A_1925, %cumsum3A_1916 : vector<16xi32>
    %sub3A_1927 = arith.subi %add3A_1926, %broadcast_in_dim3A_5 : vector<16xi32>
    %select_n3A_1928 = arith.select %eq3A_1912, %sub3A_1927, %select_n3A_1899 : vector<16xi1>, vector<16xi32>
    %eq3A_1929 = arith.constant 2 : i32
    %eq3A_1930 = vector.broadcast %eq3A_1929 : i32 to vector<16xi32>
    %eq3A_1931 = arith.cmpi eq, %iota3A, %eq3A_1930 : vector<16xi32>
    %reduce_sum3A_1932 = arith.constant true
    %reduce_sum3A_1933 = vector.broadcast %reduce_sum3A_1932 : i1 to vector<16xi1>
    %reduce_sum3A_1934 = tpu.scan <sum>, %convert_element_type3A_1913 masked %reduce_sum3A_1933 : vector<16xi32>, vector<16xi1> -> vector<16xi32>
    %reduce_sum3A_1935 = vector.extract %reduce_sum3A_1934[15] : i32 from vector<16xi32>
    %broadcast_in_dim3A_1936 = vector.broadcast %reduce_sum3A_1935 : i32 to vector<16xi32>
    %select_n3A_1937 = arith.select %eq3A_1931, %broadcast_in_dim3A_1936, %broadcast_in_dim3A_3 : vector<16xi1>, vector<16xi32>
    %add3A_1938 = arith.addi %add3A_1909, %select_n3A_1937 : vector<16xi32>
    %eq3A_1939 = arith.constant 3 : i32
    %eq3A_1940 = vector.broadcast %eq3A_1939 : i32 to vector<16xi32>
    %eq3A_1941 = arith.cmpi eq, %get3A_1851, %eq3A_1940 : vector<16xi32>
    %convert_element_type3A_1942 = arith.extui %eq3A_1941 : vector<16xi1> to vector<16xi32>
    %cumsum3A_1943 = arith.constant true
    %cumsum3A_1944 = vector.broadcast %cumsum3A_1943 : i1 to vector<16xi1>
    %cumsum3A_1945 = tpu.scan <sum>, %convert_element_type3A_1942 masked %cumsum3A_1944 : vector<16xi32>, vector<16xi1> -> vector<16xi32>
    %eq3A_1946 = arith.constant 3 : i32
    %eq3A_1947 = vector.broadcast %eq3A_1946 : i32 to vector<16xi32>
    %eq3A_1948 = arith.cmpi eq, %iota3A, %eq3A_1947 : vector<16xi32>
    %select_n3A_1949 = arith.select %eq3A_1948, %add3A_1938, %broadcast_in_dim3A_3 : vector<16xi1>, vector<16xi32>
    %reduce_sum3A_1950 = arith.constant true
    %reduce_sum3A_1951 = vector.broadcast %reduce_sum3A_1950 : i1 to vector<16xi1>
    %reduce_sum3A_1952 = tpu.scan <sum>, %select_n3A_1949 masked %reduce_sum3A_1951 : vector<16xi32>, vector<16xi1> -> vector<16xi32>
    %reduce_sum3A_1953 = vector.extract %reduce_sum3A_1952[15] : i32 from vector<16xi32>
    %broadcast_in_dim3A_1954 = vector.broadcast %reduce_sum3A_1953 : i32 to vector<16xi32>
    %add3A_1955 = arith.addi %broadcast_in_dim3A_1954, %cumsum3A_1945 : vector<16xi32>
    %sub3A_1956 = arith.subi %add3A_1955, %broadcast_in_dim3A_5 : vector<16xi32>
    %select_n3A_1957 = arith.select %eq3A_1941, %sub3A_1956, %select_n3A_1928 : vector<16xi1>, vector<16xi32>
    %eq3A_1958 = arith.constant 3 : i32
    %eq3A_1959 = vector.broadcast %eq3A_1958 : i32 to vector<16xi32>
    %eq3A_1960 = arith.cmpi eq, %iota3A, %eq3A_1959 : vector<16xi32>
    %reduce_sum3A_1961 = arith.constant true
    %reduce_sum3A_1962 = vector.broadcast %reduce_sum3A_1961 : i1 to vector<16xi1>
    %reduce_sum3A_1963 = tpu.scan <sum>, %convert_element_type3A_1942 masked %reduce_sum3A_1962 : vector<16xi32>, vector<16xi1> -> vector<16xi32>
    %reduce_sum3A_1964 = vector.extract %reduce_sum3A_1963[15] : i32 from vector<16xi32>
    %broadcast_in_dim3A_1965 = vector.broadcast %reduce_sum3A_1964 : i32 to vector<16xi32>
    %select_n3A_1966 = arith.select %eq3A_1960, %broadcast_in_dim3A_1965, %broadcast_in_dim3A_3 : vector<16xi1>, vector<16xi32>
    %add3A_1967 = arith.addi %add3A_1938, %select_n3A_1966 : vector<16xi32>
    %eq3A_1968 = arith.constant 4 : i32
    %eq3A_1969 = vector.broadcast %eq3A_1968 : i32 to vector<16xi32>
    %eq3A_1970 = arith.cmpi eq, %get3A_1851, %eq3A_1969 : vector<16xi32>
    %convert_element_type3A_1971 = arith.extui %eq3A_1970 : vector<16xi1> to vector<16xi32>
    %cumsum3A_1972 = arith.constant true
    %cumsum3A_1973 = vector.broadcast %cumsum3A_1972 : i1 to vector<16xi1>
    %cumsum3A_1974 = tpu.scan <sum>, %convert_element_type3A_1971 masked %cumsum3A_1973 : vector<16xi32>, vector<16xi1> -> vector<16xi32>
    %eq3A_1975 = arith.constant 4 : i32
    %eq3A_1976 = vector.broadcast %eq3A_1975 : i32 to vector<16xi32>
    %eq3A_1977 = arith.cmpi eq, %iota3A, %eq3A_1976 : vector<16xi32>
    %select_n3A_1978 = arith.select %eq3A_1977, %add3A_1967, %broadcast_in_dim3A_3 : vector<16xi1>, vector<16xi32>
    %reduce_sum3A_1979 = arith.constant true
    %reduce_sum3A_1980 = vector.broadcast %reduce_sum3A_1979 : i1 to vector<16xi1>
    %reduce_sum3A_1981 = tpu.scan <sum>, %select_n3A_1978 masked %reduce_sum3A_1980 : vector<16xi32>, vector<16xi1> -> vector<16xi32>
    %reduce_sum3A_1982 = vector.extract %reduce_sum3A_1981[15] : i32 from vector<16xi32>
    %broadcast_in_dim3A_1983 = vector.broadcast %reduce_sum3A_1982 : i32 to vector<16xi32>
    %add3A_1984 = arith.addi %broadcast_in_dim3A_1983, %cumsum3A_1974 : vector<16xi32>
    %sub3A_1985 = arith.subi %add3A_1984, %broadcast_in_dim3A_5 : vector<16xi32>
    %select_n3A_1986 = arith.select %eq3A_1970, %sub3A_1985, %select_n3A_1957 : vector<16xi1>, vector<16xi32>
    %eq3A_1987 = arith.constant 4 : i32
    %eq3A_1988 = vector.broadcast %eq3A_1987 : i32 to vector<16xi32>
    %eq3A_1989 = arith.cmpi eq, %iota3A, %eq3A_1988 : vector<16xi32>
    %reduce_sum3A_1990 = arith.constant true
    %reduce_sum3A_1991 = vector.broadcast %reduce_sum3A_1990 : i1 to vector<16xi1>
    %reduce_sum3A_1992 = tpu.scan <sum>, %convert_element_type3A_1971 masked %reduce_sum3A_1991 : vector<16xi32>, vector<16xi1> -> vector<16xi32>
    %reduce_sum3A_1993 = vector.extract %reduce_sum3A_1992[15] : i32 from vector<16xi32>
    %broadcast_in_dim3A_1994 = vector.broadcast %reduce_sum3A_1993 : i32 to vector<16xi32>
    %select_n3A_1995 = arith.select %eq3A_1989, %broadcast_in_dim3A_1994, %broadcast_in_dim3A_3 : vector<16xi1>, vector<16xi32>
    %add3A_1996 = arith.addi %add3A_1967, %select_n3A_1995 : vector<16xi32>
    %eq3A_1997 = arith.constant 5 : i32
    %eq3A_1998 = vector.broadcast %eq3A_1997 : i32 to vector<16xi32>
    %eq3A_1999 = arith.cmpi eq, %get3A_1851, %eq3A_1998 : vector<16xi32>
    %convert_element_type3A_2000 = arith.extui %eq3A_1999 : vector<16xi1> to vector<16xi32>
    %cumsum3A_2001 = arith.constant true
    %cumsum3A_2002 = vector.broadcast %cumsum3A_2001 : i1 to vector<16xi1>
    %cumsum3A_2003 = tpu.scan <sum>, %convert_element_type3A_2000 masked %cumsum3A_2002 : vector<16xi32>, vector<16xi1> -> vector<16xi32>
    %eq3A_2004 = arith.constant 5 : i32
    %eq3A_2005 = vector.broadcast %eq3A_2004 : i32 to vector<16xi32>
    %eq3A_2006 = arith.cmpi eq, %iota3A, %eq3A_2005 : vector<16xi32>
    %select_n3A_2007 = arith.select %eq3A_2006, %add3A_1996, %broadcast_in_dim3A_3 : vector<16xi1>, vector<16xi32>
    %reduce_sum3A_2008 = arith.constant true
    %reduce_sum3A_2009 = vector.broadcast %reduce_sum3A_2008 : i1 to vector<16xi1>
    %reduce_sum3A_2010 = tpu.scan <sum>, %select_n3A_2007 masked %reduce_sum3A_2009 : vector<16xi32>, vector<16xi1> -> vector<16xi32>
    %reduce_sum3A_2011 = vector.extract %reduce_sum3A_2010[15] : i32 from vector<16xi32>
    %broadcast_in_dim3A_2012 = vector.broadcast %reduce_sum3A_2011 : i32 to vector<16xi32>
    %add3A_2013 = arith.addi %broadcast_in_dim3A_2012, %cumsum3A_2003 : vector<16xi32>
    %sub3A_2014 = arith.subi %add3A_2013, %broadcast_in_dim3A_5 : vector<16xi32>
    %select_n3A_2015 = arith.select %eq3A_1999, %sub3A_2014, %select_n3A_1986 : vector<16xi1>, vector<16xi32>
    %eq3A_2016 = arith.constant 5 : i32
    %eq3A_2017 = vector.broadcast %eq3A_2016 : i32 to vector<16xi32>
    %eq3A_2018 = arith.cmpi eq, %iota3A, %eq3A_2017 : vector<16xi32>
    %reduce_sum3A_2019 = arith.constant true
    %reduce_sum3A_2020 = vector.broadcast %reduce_sum3A_2019 : i1 to vector<16xi1>
    %reduce_sum3A_2021 = tpu.scan <sum>, %convert_element_type3A_2000 masked %reduce_sum3A_2020 : vector<16xi32>, vector<16xi1> -> vector<16xi32>
    %reduce_sum3A_2022 = vector.extract %reduce_sum3A_2021[15] : i32 from vector<16xi32>
    %broadcast_in_dim3A_2023 = vector.broadcast %reduce_sum3A_2022 : i32 to vector<16xi32>
    %select_n3A_2024 = arith.select %eq3A_2018, %broadcast_in_dim3A_2023, %broadcast_in_dim3A_3 : vector<16xi1>, vector<16xi32>
    %add3A_2025 = arith.addi %add3A_1996, %select_n3A_2024 : vector<16xi32>
    %eq3A_2026 = arith.constant 6 : i32
    %eq3A_2027 = vector.broadcast %eq3A_2026 : i32 to vector<16xi32>
    %eq3A_2028 = arith.cmpi eq, %get3A_1851, %eq3A_2027 : vector<16xi32>
    %convert_element_type3A_2029 = arith.extui %eq3A_2028 : vector<16xi1> to vector<16xi32>
    %cumsum3A_2030 = arith.constant true
    %cumsum3A_2031 = vector.broadcast %cumsum3A_2030 : i1 to vector<16xi1>
    %cumsum3A_2032 = tpu.scan <sum>, %convert_element_type3A_2029 masked %cumsum3A_2031 : vector<16xi32>, vector<16xi1> -> vector<16xi32>
    %eq3A_2033 = arith.constant 6 : i32
    %eq3A_2034 = vector.broadcast %eq3A_2033 : i32 to vector<16xi32>
    %eq3A_2035 = arith.cmpi eq, %iota3A, %eq3A_2034 : vector<16xi32>
    %select_n3A_2036 = arith.select %eq3A_2035, %add3A_2025, %broadcast_in_dim3A_3 : vector<16xi1>, vector<16xi32>
    %reduce_sum3A_2037 = arith.constant true
    %reduce_sum3A_2038 = vector.broadcast %reduce_sum3A_2037 : i1 to vector<16xi1>
    %reduce_sum3A_2039 = tpu.scan <sum>, %select_n3A_2036 masked %reduce_sum3A_2038 : vector<16xi32>, vector<16xi1> -> vector<16xi32>
    %reduce_sum3A_2040 = vector.extract %reduce_sum3A_2039[15] : i32 from vector<16xi32>
    %broadcast_in_dim3A_2041 = vector.broadcast %reduce_sum3A_2040 : i32 to vector<16xi32>
    %add3A_2042 = arith.addi %broadcast_in_dim3A_2041, %cumsum3A_2032 : vector<16xi32>
    %sub3A_2043 = arith.subi %add3A_2042, %broadcast_in_dim3A_5 : vector<16xi32>
    %select_n3A_2044 = arith.select %eq3A_2028, %sub3A_2043, %select_n3A_2015 : vector<16xi1>, vector<16xi32>
    %eq3A_2045 = arith.constant 6 : i32
    %eq3A_2046 = vector.broadcast %eq3A_2045 : i32 to vector<16xi32>
    %eq3A_2047 = arith.cmpi eq, %iota3A, %eq3A_2046 : vector<16xi32>
    %reduce_sum3A_2048 = arith.constant true
    %reduce_sum3A_2049 = vector.broadcast %reduce_sum3A_2048 : i1 to vector<16xi1>
    %reduce_sum3A_2050 = tpu.scan <sum>, %convert_element_type3A_2029 masked %reduce_sum3A_2049 : vector<16xi32>, vector<16xi1> -> vector<16xi32>
    %reduce_sum3A_2051 = vector.extract %reduce_sum3A_2050[15] : i32 from vector<16xi32>
    %broadcast_in_dim3A_2052 = vector.broadcast %reduce_sum3A_2051 : i32 to vector<16xi32>
    %select_n3A_2053 = arith.select %eq3A_2047, %broadcast_in_dim3A_2052, %broadcast_in_dim3A_3 : vector<16xi1>, vector<16xi32>
    %add3A_2054 = arith.addi %add3A_2025, %select_n3A_2053 : vector<16xi32>
    %eq3A_2055 = arith.constant 7 : i32
    %eq3A_2056 = vector.broadcast %eq3A_2055 : i32 to vector<16xi32>
    %eq3A_2057 = arith.cmpi eq, %get3A_1851, %eq3A_2056 : vector<16xi32>
    %convert_element_type3A_2058 = arith.extui %eq3A_2057 : vector<16xi1> to vector<16xi32>
    %cumsum3A_2059 = arith.constant true
    %cumsum3A_2060 = vector.broadcast %cumsum3A_2059 : i1 to vector<16xi1>
    %cumsum3A_2061 = tpu.scan <sum>, %convert_element_type3A_2058 masked %cumsum3A_2060 : vector<16xi32>, vector<16xi1> -> vector<16xi32>
    %eq3A_2062 = arith.constant 7 : i32
    %eq3A_2063 = vector.broadcast %eq3A_2062 : i32 to vector<16xi32>
    %eq3A_2064 = arith.cmpi eq, %iota3A, %eq3A_2063 : vector<16xi32>
    %select_n3A_2065 = arith.select %eq3A_2064, %add3A_2054, %broadcast_in_dim3A_3 : vector<16xi1>, vector<16xi32>
    %reduce_sum3A_2066 = arith.constant true
    %reduce_sum3A_2067 = vector.broadcast %reduce_sum3A_2066 : i1 to vector<16xi1>
    %reduce_sum3A_2068 = tpu.scan <sum>, %select_n3A_2065 masked %reduce_sum3A_2067 : vector<16xi32>, vector<16xi1> -> vector<16xi32>
    %reduce_sum3A_2069 = vector.extract %reduce_sum3A_2068[15] : i32 from vector<16xi32>
    %broadcast_in_dim3A_2070 = vector.broadcast %reduce_sum3A_2069 : i32 to vector<16xi32>
    %add3A_2071 = arith.addi %broadcast_in_dim3A_2070, %cumsum3A_2061 : vector<16xi32>
    %sub3A_2072 = arith.subi %add3A_2071, %broadcast_in_dim3A_5 : vector<16xi32>
    %select_n3A_2073 = arith.select %eq3A_2057, %sub3A_2072, %select_n3A_2044 : vector<16xi1>, vector<16xi32>
    %eq3A_2074 = arith.constant 7 : i32
    %eq3A_2075 = vector.broadcast %eq3A_2074 : i32 to vector<16xi32>
    %eq3A_2076 = arith.cmpi eq, %iota3A, %eq3A_2075 : vector<16xi32>
    %reduce_sum3A_2077 = arith.constant true
    %reduce_sum3A_2078 = vector.broadcast %reduce_sum3A_2077 : i1 to vector<16xi1>
    %reduce_sum3A_2079 = tpu.scan <sum>, %convert_element_type3A_2058 masked %reduce_sum3A_2078 : vector<16xi32>, vector<16xi1> -> vector<16xi32>
    %reduce_sum3A_2080 = vector.extract %reduce_sum3A_2079[15] : i32 from vector<16xi32>
    %broadcast_in_dim3A_2081 = vector.broadcast %reduce_sum3A_2080 : i32 to vector<16xi32>
    %select_n3A_2082 = arith.select %eq3A_2076, %broadcast_in_dim3A_2081, %broadcast_in_dim3A_3 : vector<16xi1>, vector<16xi32>
    %add3A_2083 = arith.addi %add3A_2054, %select_n3A_2082 : vector<16xi32>
    %swap3A_2084 = arith.constant 48 : index
    %swap3A_2085 = tpu.vector_load %arg15[%swap3A_2084] {strides = array<i32>} : memref<64xi32, #tpu.memory_space<vmem>>, vector<16xi32>,
    tpu.vector_store %arg15[%swap3A_2084], %select_n3A_2073 {strides = array<i32>} : memref<64xi32, #tpu.memory_space<vmem>>, vector<16xi32>,
    %dma_start3A_2086 = tpu.memref_slice %arg6[%mul3A_2] : memref<2048xi32, #tpu.memory_space<hbm>> -> memref<64xi32, #tpu.memory_space<hbm>>
    %dma_start3A_2087 = tpu.memref_slice %arg6[%mul3A_2] : memref<2048xi32, #tpu.memory_space<hbm>> -> memref<64xi32, #tpu.memory_space<hbm>>
    tpu.enqueue_dma source(%arg15 : memref<64xi32, #tpu.memory_space<vmem>>) target(%dma_start3A_2087 : memref<64xi32, #tpu.memory_space<hbm>>) target_semaphore(%arg20 : memref<!tpu.dma_semaphore, #tpu.memory_space<semaphore_mem>>)
    %dma_start3A_2088 = arith.constant 0 : i32
    %dma_start3A_2089 = arith.constant 0 : i32
    %dma_start3A_2090 = tpu.memref_slice %arg7[%dma_start3A_2088, %dma_start3A_2089] : memref<4608x768xf32, #tpu.memory_space<hbm>> -> memref<4608x768xf32, #tpu.memory_space<hbm>>
    tpu.enqueue_indirect_dma source(%arg16 : memref<64x768xf32, #tpu.memory_space<vmem>>) target(%dma_start3A_2090 : memref<4608x768xf32, #tpu.memory_space<hbm>>) offsets(%arg15 : memref<64xi32, #tpu.memory_space<vmem>>) semaphore(%arg20 : memref<!tpu.dma_semaphore, #tpu.memory_space<semaphore_mem>>)
    %dma_wait3A_2091 = tpu.memref_slice %arg5[%mul3A_2] : memref<2048xi32, #tpu.memory_space<hbm>> -> memref<64xi32, #tpu.memory_space<hbm>>
    %dma_wait3A_2092 = tpu.memref_slice %arg5[%mul3A_2] : memref<2048xi32, #tpu.memory_space<hbm>> -> memref<64xi32, #tpu.memory_space<hbm>>
    tpu.wait_dma2 semaphore(%arg20 : memref<!tpu.dma_semaphore, #tpu.memory_space<semaphore_mem>>) src(%arg14 : memref<64xi32, #tpu.memory_space<vmem>>) dst(%dma_wait3A_2092 : memref<64xi32, #tpu.memory_space<hbm>>)
    %dma_wait3A_2093 = arith.constant 0 : i32
    %dma_wait3A_2094 = arith.constant 0 : i32
    %dma_wait3A_2095 = tpu.memref_slice %arg7[%dma_wait3A_2093, %dma_wait3A_2094] : memref<4608x768xf32, #tpu.memory_space<hbm>> -> memref<4608x768xf32, #tpu.memory_space<hbm>>
    tpu.wait_indirect_dma semaphore(%arg20 : memref<!tpu.dma_semaphore, #tpu.memory_space<semaphore_mem>>) src(%arg16 : memref<64x768xf32, #tpu.memory_space<vmem>>) dst(%dma_wait3A_2095 : memref<4608x768xf32, #tpu.memory_space<hbm>>)
    %dma_wait3A_2096 = tpu.memref_slice %arg6[%mul3A_2] : memref<2048xi32, #tpu.memory_space<hbm>> -> memref<64xi32, #tpu.memory_space<hbm>>
    %dma_wait3A_2097 = tpu.memref_slice %arg6[%mul3A_2] : memref<2048xi32, #tpu.memory_space<hbm>> -> memref<64xi32, #tpu.memory_space<hbm>>
    tpu.wait_dma2 semaphore(%arg20 : memref<!tpu.dma_semaphore, #tpu.memory_space<semaphore_mem>>) src(%arg15 : memref<64xi32, #tpu.memory_space<vmem>>) dst(%dma_wait3A_2097 : memref<64xi32, #tpu.memory_space<hbm>>)
    %dma_wait3A_2098 = arith.constant 0 : i32
    %dma_wait3A_2099 = arith.constant 0 : i32
    %dma_wait3A_2100 = tpu.memref_slice %arg7[%dma_wait3A_2098, %dma_wait3A_2099] : memref<4608x768xf32, #tpu.memory_space<hbm>> -> memref<4608x768xf32, #tpu.memory_space<hbm>>
    tpu.wait_indirect_dma semaphore(%arg20 : memref<!tpu.dma_semaphore, #tpu.memory_space<semaphore_mem>>) src(%arg16 : memref<64x768xf32, #tpu.memory_space<vmem>>) dst(%dma_wait3A_2100 : memref<4608x768xf32, #tpu.memory_space<hbm>>)
    return
  }
}

#map = affine_map<(d0, d1) -> (0, 0)>
#map1 = affine_map<(d0, d1) -> (0)>
module attributes {stable_mosaic.version = 14 : i64} {
  func.func @_combine_body(%arg0: i32, %arg1: i32, %arg2: memref<4608x768xf32, #tpu.memory_space<hbm>>, %arg3: memref<2048xi32, #tpu.memory_space<hbm>>, %arg4: memref<2048xi32, #tpu.memory_space<hbm>>, %arg5: memref<2048xf32, #tpu.memory_space<hbm>>, %arg6: memref<2048xf32, #tpu.memory_space<hbm>>, %arg7: memref<2048x768xf32, #tpu.memory_space<hbm>>, %arg8: memref<64xi32, #tpu.memory_space<vmem>>, %arg9: memref<64xi32, #tpu.memory_space<vmem>>, %arg10: memref<64xf32, #tpu.memory_space<vmem>>, %arg11: memref<64xf32, #tpu.memory_space<vmem>>, %arg12: memref<64x768xf32, #tpu.memory_space<vmem>>, %arg13: memref<64x768xf32, #tpu.memory_space<vmem>>, %arg14: memref<!tpu.dma_semaphore, #tpu.memory_space<semaphore_mem>>, %arg15: memref<!tpu.dma_semaphore, #tpu.memory_space<semaphore_mem>>) attributes {dimension_semantics = [#tpu.dimension_semantics<core_parallel>, #tpu.dimension_semantics<subcore_parallel>], iteration_bounds = array<i64: 2, 16>, scalar_prefetch = 0 : i64, scratch_operands = 8 : i64, tpu.core_type = #tpu.core_type<sc_vector_subcore>, window_params = [{transform_indices = #map}, {transform_indices = #map1}, {transform_indices = #map1}, {transform_indices = #map1}, {transform_indices = #map1}, {transform_indices = #map}]} {
    %mul3A = arith.constant 16 : i32
    %mul3A_0 = arith.muli %arg0, %mul3A : i32
    %add3A = arith.addi %mul3A_0, %arg1 : i32
    %mul3A_1 = arith.constant 64 : i32
    %mul3A_2 = arith.muli %add3A, %mul3A_1 : i32
    %dma_start3A = tpu.memref_slice %arg3[%mul3A_2] : memref<2048xi32, #tpu.memory_space<hbm>> -> memref<64xi32, #tpu.memory_space<hbm>>
    %dma_start3A_3 = tpu.memref_slice %arg3[%mul3A_2] : memref<2048xi32, #tpu.memory_space<hbm>> -> memref<64xi32, #tpu.memory_space<hbm>>
    tpu.enqueue_dma source(%dma_start3A_3 : memref<64xi32, #tpu.memory_space<hbm>>) target(%arg8 : memref<64xi32, #tpu.memory_space<vmem>>) target_semaphore(%arg14 : memref<!tpu.dma_semaphore, #tpu.memory_space<semaphore_mem>>)
    %dma_start3A_4 = tpu.memref_slice %arg4[%mul3A_2] : memref<2048xi32, #tpu.memory_space<hbm>> -> memref<64xi32, #tpu.memory_space<hbm>>
    %dma_start3A_5 = tpu.memref_slice %arg4[%mul3A_2] : memref<2048xi32, #tpu.memory_space<hbm>> -> memref<64xi32, #tpu.memory_space<hbm>>
    tpu.enqueue_dma source(%dma_start3A_5 : memref<64xi32, #tpu.memory_space<hbm>>) target(%arg9 : memref<64xi32, #tpu.memory_space<vmem>>) target_semaphore(%arg14 : memref<!tpu.dma_semaphore, #tpu.memory_space<semaphore_mem>>)
    %dma_start3A_6 = tpu.memref_slice %arg5[%mul3A_2] : memref<2048xf32, #tpu.memory_space<hbm>> -> memref<64xf32, #tpu.memory_space<hbm>>
    %dma_start3A_7 = tpu.memref_slice %arg5[%mul3A_2] : memref<2048xf32, #tpu.memory_space<hbm>> -> memref<64xf32, #tpu.memory_space<hbm>>
    tpu.enqueue_dma source(%dma_start3A_7 : memref<64xf32, #tpu.memory_space<hbm>>) target(%arg10 : memref<64xf32, #tpu.memory_space<vmem>>) target_semaphore(%arg14 : memref<!tpu.dma_semaphore, #tpu.memory_space<semaphore_mem>>)
    %dma_start3A_8 = tpu.memref_slice %arg6[%mul3A_2] : memref<2048xf32, #tpu.memory_space<hbm>> -> memref<64xf32, #tpu.memory_space<hbm>>
    %dma_start3A_9 = tpu.memref_slice %arg6[%mul3A_2] : memref<2048xf32, #tpu.memory_space<hbm>> -> memref<64xf32, #tpu.memory_space<hbm>>
    tpu.enqueue_dma source(%dma_start3A_9 : memref<64xf32, #tpu.memory_space<hbm>>) target(%arg11 : memref<64xf32, #tpu.memory_space<vmem>>) target_semaphore(%arg14 : memref<!tpu.dma_semaphore, #tpu.memory_space<semaphore_mem>>)
    %dma_wait3A = tpu.memref_slice %arg3[%mul3A_2] : memref<2048xi32, #tpu.memory_space<hbm>> -> memref<64xi32, #tpu.memory_space<hbm>>
    %dma_wait3A_10 = tpu.memref_slice %arg3[%mul3A_2] : memref<2048xi32, #tpu.memory_space<hbm>> -> memref<64xi32, #tpu.memory_space<hbm>>
    tpu.wait_dma2 semaphore(%arg14 : memref<!tpu.dma_semaphore, #tpu.memory_space<semaphore_mem>>) src(%dma_wait3A_10 : memref<64xi32, #tpu.memory_space<hbm>>) dst(%arg8 : memref<64xi32, #tpu.memory_space<vmem>>)
    %dma_wait3A_11 = tpu.memref_slice %arg4[%mul3A_2] : memref<2048xi32, #tpu.memory_space<hbm>> -> memref<64xi32, #tpu.memory_space<hbm>>
    %dma_wait3A_12 = tpu.memref_slice %arg4[%mul3A_2] : memref<2048xi32, #tpu.memory_space<hbm>> -> memref<64xi32, #tpu.memory_space<hbm>>
    tpu.wait_dma2 semaphore(%arg14 : memref<!tpu.dma_semaphore, #tpu.memory_space<semaphore_mem>>) src(%dma_wait3A_12 : memref<64xi32, #tpu.memory_space<hbm>>) dst(%arg9 : memref<64xi32, #tpu.memory_space<vmem>>)
    %dma_start3A_13 = arith.constant 0 : i32
    %dma_start3A_14 = arith.constant 0 : i32
    %dma_start3A_15 = tpu.memref_slice %arg12[%dma_start3A_13, %dma_start3A_14] : memref<64x768xf32, #tpu.memory_space<vmem>> -> memref<32x768xf32, #tpu.memory_space<vmem>>
    %dma_start3A_16 = arith.constant 0 : i32
    %dma_start3A_17 = tpu.memref_slice %arg8[%dma_start3A_16] : memref<64xi32, #tpu.memory_space<vmem>> -> memref<32xi32, #tpu.memory_space<vmem>>
    %dma_start3A_18 = arith.constant 0 : i32
    %dma_start3A_19 = arith.constant 0 : i32
    %dma_start3A_20 = tpu.memref_slice %arg2[%dma_start3A_18, %dma_start3A_19] : memref<4608x768xf32, #tpu.memory_space<hbm>> -> memref<4608x768xf32, #tpu.memory_space<hbm>>
    tpu.enqueue_indirect_dma source(%dma_start3A_20 : memref<4608x768xf32, #tpu.memory_space<hbm>>) target(%dma_start3A_15 : memref<32x768xf32, #tpu.memory_space<vmem>>) offsets(%dma_start3A_17 : memref<32xi32, #tpu.memory_space<vmem>>) semaphore(%arg15 : memref<!tpu.dma_semaphore, #tpu.memory_space<semaphore_mem>>)
    %dma_start3A_21 = arith.constant 0 : i32
    %dma_start3A_22 = arith.constant 0 : i32
    %dma_start3A_23 = tpu.memref_slice %arg13[%dma_start3A_21, %dma_start3A_22] : memref<64x768xf32, #tpu.memory_space<vmem>> -> memref<32x768xf32, #tpu.memory_space<vmem>>
    %dma_start3A_24 = arith.constant 0 : i32
    %dma_start3A_25 = tpu.memref_slice %arg9[%dma_start3A_24] : memref<64xi32, #tpu.memory_space<vmem>> -> memref<32xi32, #tpu.memory_space<vmem>>
    %dma_start3A_26 = arith.constant 0 : i32
    %dma_start3A_27 = arith.constant 0 : i32
    %dma_start3A_28 = tpu.memref_slice %arg2[%dma_start3A_26, %dma_start3A_27] : memref<4608x768xf32, #tpu.memory_space<hbm>> -> memref<4608x768xf32, #tpu.memory_space<hbm>>
    tpu.enqueue_indirect_dma source(%dma_start3A_28 : memref<4608x768xf32, #tpu.memory_space<hbm>>) target(%dma_start3A_23 : memref<32x768xf32, #tpu.memory_space<vmem>>) offsets(%dma_start3A_25 : memref<32xi32, #tpu.memory_space<vmem>>) semaphore(%arg15 : memref<!tpu.dma_semaphore, #tpu.memory_space<semaphore_mem>>)
    %dma_start3A_29 = arith.constant 32 : i32
    %dma_start3A_30 = arith.constant 0 : i32
    %dma_start3A_31 = tpu.memref_slice %arg12[%dma_start3A_29, %dma_start3A_30] : memref<64x768xf32, #tpu.memory_space<vmem>> -> memref<32x768xf32, #tpu.memory_space<vmem>>
    %dma_start3A_32 = arith.constant 32 : i32
    %dma_start3A_33 = tpu.memref_slice %arg8[%dma_start3A_32] : memref<64xi32, #tpu.memory_space<vmem>> -> memref<32xi32, #tpu.memory_space<vmem>>
    %dma_start3A_34 = arith.constant 0 : i32
    %dma_start3A_35 = arith.constant 0 : i32
    %dma_start3A_36 = tpu.memref_slice %arg2[%dma_start3A_34, %dma_start3A_35] : memref<4608x768xf32, #tpu.memory_space<hbm>> -> memref<4608x768xf32, #tpu.memory_space<hbm>>
    tpu.enqueue_indirect_dma source(%dma_start3A_36 : memref<4608x768xf32, #tpu.memory_space<hbm>>) target(%dma_start3A_31 : memref<32x768xf32, #tpu.memory_space<vmem>>) offsets(%dma_start3A_33 : memref<32xi32, #tpu.memory_space<vmem>>) semaphore(%arg15 : memref<!tpu.dma_semaphore, #tpu.memory_space<semaphore_mem>>)
    %dma_start3A_37 = arith.constant 32 : i32
    %dma_start3A_38 = arith.constant 0 : i32
    %dma_start3A_39 = tpu.memref_slice %arg13[%dma_start3A_37, %dma_start3A_38] : memref<64x768xf32, #tpu.memory_space<vmem>> -> memref<32x768xf32, #tpu.memory_space<vmem>>
    %dma_start3A_40 = arith.constant 32 : i32
    %dma_start3A_41 = tpu.memref_slice %arg9[%dma_start3A_40] : memref<64xi32, #tpu.memory_space<vmem>> -> memref<32xi32, #tpu.memory_space<vmem>>
    %dma_start3A_42 = arith.constant 0 : i32
    %dma_start3A_43 = arith.constant 0 : i32
    %dma_start3A_44 = tpu.memref_slice %arg2[%dma_start3A_42, %dma_start3A_43] : memref<4608x768xf32, #tpu.memory_space<hbm>> -> memref<4608x768xf32, #tpu.memory_space<hbm>>
    tpu.enqueue_indirect_dma source(%dma_start3A_44 : memref<4608x768xf32, #tpu.memory_space<hbm>>) target(%dma_start3A_39 : memref<32x768xf32, #tpu.memory_space<vmem>>) offsets(%dma_start3A_41 : memref<32xi32, #tpu.memory_space<vmem>>) semaphore(%arg15 : memref<!tpu.dma_semaphore, #tpu.memory_space<semaphore_mem>>)
    %dma_wait3A_45 = tpu.memref_slice %arg5[%mul3A_2] : memref<2048xf32, #tpu.memory_space<hbm>> -> memref<64xf32, #tpu.memory_space<hbm>>
    %dma_wait3A_46 = tpu.memref_slice %arg5[%mul3A_2] : memref<2048xf32, #tpu.memory_space<hbm>> -> memref<64xf32, #tpu.memory_space<hbm>>
    tpu.wait_dma2 semaphore(%arg14 : memref<!tpu.dma_semaphore, #tpu.memory_space<semaphore_mem>>) src(%dma_wait3A_46 : memref<64xf32, #tpu.memory_space<hbm>>) dst(%arg10 : memref<64xf32, #tpu.memory_space<vmem>>)
    %dma_wait3A_47 = tpu.memref_slice %arg6[%mul3A_2] : memref<2048xf32, #tpu.memory_space<hbm>> -> memref<64xf32, #tpu.memory_space<hbm>>
    %dma_wait3A_48 = tpu.memref_slice %arg6[%mul3A_2] : memref<2048xf32, #tpu.memory_space<hbm>> -> memref<64xf32, #tpu.memory_space<hbm>>
    tpu.wait_dma2 semaphore(%arg14 : memref<!tpu.dma_semaphore, #tpu.memory_space<semaphore_mem>>) src(%dma_wait3A_48 : memref<64xf32, #tpu.memory_space<hbm>>) dst(%arg11 : memref<64xf32, #tpu.memory_space<vmem>>)
    %dma_wait3A_49 = arith.constant 0 : i32
    %dma_wait3A_50 = arith.constant 0 : i32
    %dma_wait3A_51 = tpu.memref_slice %arg12[%dma_wait3A_49, %dma_wait3A_50] : memref<64x768xf32, #tpu.memory_space<vmem>> -> memref<32x768xf32, #tpu.memory_space<vmem>>
    %dma_wait3A_52 = arith.constant 0 : i32
    %dma_wait3A_53 = tpu.memref_slice %arg8[%dma_wait3A_52] : memref<64xi32, #tpu.memory_space<vmem>> -> memref<32xi32, #tpu.memory_space<vmem>>
    %dma_wait3A_54 = arith.constant 0 : i32
    %dma_wait3A_55 = arith.constant 0 : i32
    %dma_wait3A_56 = tpu.memref_slice %arg2[%dma_wait3A_54, %dma_wait3A_55] : memref<4608x768xf32, #tpu.memory_space<hbm>> -> memref<4608x768xf32, #tpu.memory_space<hbm>>
    tpu.wait_indirect_dma semaphore(%arg15 : memref<!tpu.dma_semaphore, #tpu.memory_space<semaphore_mem>>) src(%dma_wait3A_56 : memref<4608x768xf32, #tpu.memory_space<hbm>>) dst(%dma_wait3A_51 : memref<32x768xf32, #tpu.memory_space<vmem>>)
    %dma_wait3A_57 = arith.constant 0 : i32
    %dma_wait3A_58 = arith.constant 0 : i32
    %dma_wait3A_59 = tpu.memref_slice %arg13[%dma_wait3A_57, %dma_wait3A_58] : memref<64x768xf32, #tpu.memory_space<vmem>> -> memref<32x768xf32, #tpu.memory_space<vmem>>
    %dma_wait3A_60 = arith.constant 0 : i32
    %dma_wait3A_61 = tpu.memref_slice %arg9[%dma_wait3A_60] : memref<64xi32, #tpu.memory_space<vmem>> -> memref<32xi32, #tpu.memory_space<vmem>>
    %dma_wait3A_62 = arith.constant 0 : i32
    %dma_wait3A_63 = arith.constant 0 : i32
    %dma_wait3A_64 = tpu.memref_slice %arg2[%dma_wait3A_62, %dma_wait3A_63] : memref<4608x768xf32, #tpu.memory_space<hbm>> -> memref<4608x768xf32, #tpu.memory_space<hbm>>
    tpu.wait_indirect_dma semaphore(%arg15 : memref<!tpu.dma_semaphore, #tpu.memory_space<semaphore_mem>>) src(%dma_wait3A_64 : memref<4608x768xf32, #tpu.memory_space<hbm>>) dst(%dma_wait3A_59 : memref<32x768xf32, #tpu.memory_space<vmem>>)
    %scan3A = arith.constant 0 : i32
    %scan3A_65 = arith.constant 0 : i32
    %scan3A_66 = arith.constant 32 : i32
    %scan3A_67 = arith.addi %scan3A_65, %scan3A_66 : i32
    %scan3A_68 = arith.constant 1 : i32
    scf.for %scan3A_114 = %scan3A_65 to %scan3A_67 step %scan3A_68  : i32 {
      %broadcast_in_dim3A = vector.broadcast %scan3A_114 : i32 to vector<16xi32>
      %gather3A = tpu.vector_load_idx %arg10[%broadcast_in_dim3A] : memref<64xf32, #tpu.memory_space<vmem>>[vector<16xi32>], vector<16xf32>,
      %gather3A_115 = tpu.vector_load_idx %arg11[%broadcast_in_dim3A] : memref<64xf32, #tpu.memory_space<vmem>>[vector<16xi32>], vector<16xf32>,
      %get3A = arith.index_cast %scan3A_114 : i32 to index
      %get3A_116 = arith.constant 0 : index
      %get3A_117 = tpu.vector_load %arg12[%get3A, %get3A_116] {strides = array<i32>} : memref<64x768xf32, #tpu.memory_space<vmem>>, vector<16xf32>,
      %get3A_118 = arith.index_cast %scan3A_114 : i32 to index
      %get3A_119 = arith.constant 0 : index
      %get3A_120 = tpu.vector_load %arg13[%get3A_118, %get3A_119] {strides = array<i32>} : memref<64x768xf32, #tpu.memory_space<vmem>>, vector<16xf32>,
      %mul3A_121 = arith.mulf %gather3A, %get3A_117 : vector<16xf32>
      %mul3A_122 = arith.mulf %gather3A_115, %get3A_120 : vector<16xf32>
      %add3A_123 = arith.addf %mul3A_121, %mul3A_122 : vector<16xf32>
      %swap3A = arith.index_cast %scan3A_114 : i32 to index
      %swap3A_124 = arith.constant 0 : index
      %swap3A_125 = tpu.vector_load %arg12[%swap3A, %swap3A_124] {strides = array<i32>} : memref<64x768xf32, #tpu.memory_space<vmem>>, vector<16xf32>,
      tpu.vector_store %arg12[%swap3A, %swap3A_124], %add3A_123 {strides = array<i32>} : memref<64x768xf32, #tpu.memory_space<vmem>>, vector<16xf32>,
      %get3A_126 = arith.index_cast %scan3A_114 : i32 to index
      %get3A_127 = arith.constant 16 : index
      %get3A_128 = tpu.vector_load %arg12[%get3A_126, %get3A_127] {strides = array<i32>} : memref<64x768xf32, #tpu.memory_space<vmem>>, vector<16xf32>,
      %get3A_129 = arith.index_cast %scan3A_114 : i32 to index
      %get3A_130 = arith.constant 16 : index
      %get3A_131 = tpu.vector_load %arg13[%get3A_129, %get3A_130] {strides = array<i32>} : memref<64x768xf32, #tpu.memory_space<vmem>>, vector<16xf32>,
      %mul3A_132 = arith.mulf %gather3A, %get3A_128 : vector<16xf32>
      %mul3A_133 = arith.mulf %gather3A_115, %get3A_131 : vector<16xf32>
      %add3A_134 = arith.addf %mul3A_132, %mul3A_133 : vector<16xf32>
      %swap3A_135 = arith.index_cast %scan3A_114 : i32 to index
      %swap3A_136 = arith.constant 16 : index
      %swap3A_137 = tpu.vector_load %arg12[%swap3A_135, %swap3A_136] {strides = array<i32>} : memref<64x768xf32, #tpu.memory_space<vmem>>, vector<16xf32>,
      tpu.vector_store %arg12[%swap3A_135, %swap3A_136], %add3A_134 {strides = array<i32>} : memref<64x768xf32, #tpu.memory_space<vmem>>, vector<16xf32>,
      %get3A_138 = arith.index_cast %scan3A_114 : i32 to index
      %get3A_139 = arith.constant 32 : index
      %get3A_140 = tpu.vector_load %arg12[%get3A_138, %get3A_139] {strides = array<i32>} : memref<64x768xf32, #tpu.memory_space<vmem>>, vector<16xf32>,
      %get3A_141 = arith.index_cast %scan3A_114 : i32 to index
      %get3A_142 = arith.constant 32 : index
      %get3A_143 = tpu.vector_load %arg13[%get3A_141, %get3A_142] {strides = array<i32>} : memref<64x768xf32, #tpu.memory_space<vmem>>, vector<16xf32>,
      %mul3A_144 = arith.mulf %gather3A, %get3A_140 : vector<16xf32>
      %mul3A_145 = arith.mulf %gather3A_115, %get3A_143 : vector<16xf32>
      %add3A_146 = arith.addf %mul3A_144, %mul3A_145 : vector<16xf32>
      %swap3A_147 = arith.index_cast %scan3A_114 : i32 to index
      %swap3A_148 = arith.constant 32 : index
      %swap3A_149 = tpu.vector_load %arg12[%swap3A_147, %swap3A_148] {strides = array<i32>} : memref<64x768xf32, #tpu.memory_space<vmem>>, vector<16xf32>,
      tpu.vector_store %arg12[%swap3A_147, %swap3A_148], %add3A_146 {strides = array<i32>} : memref<64x768xf32, #tpu.memory_space<vmem>>, vector<16xf32>,
      %get3A_150 = arith.index_cast %scan3A_114 : i32 to index
      %get3A_151 = arith.constant 48 : index
      %get3A_152 = tpu.vector_load %arg12[%get3A_150, %get3A_151] {strides = array<i32>} : memref<64x768xf32, #tpu.memory_space<vmem>>, vector<16xf32>,
      %get3A_153 = arith.index_cast %scan3A_114 : i32 to index
      %get3A_154 = arith.constant 48 : index
      %get3A_155 = tpu.vector_load %arg13[%get3A_153, %get3A_154] {strides = array<i32>} : memref<64x768xf32, #tpu.memory_space<vmem>>, vector<16xf32>,
      %mul3A_156 = arith.mulf %gather3A, %get3A_152 : vector<16xf32>
      %mul3A_157 = arith.mulf %gather3A_115, %get3A_155 : vector<16xf32>
      %add3A_158 = arith.addf %mul3A_156, %mul3A_157 : vector<16xf32>
      %swap3A_159 = arith.index_cast %scan3A_114 : i32 to index
      %swap3A_160 = arith.constant 48 : index
      %swap3A_161 = tpu.vector_load %arg12[%swap3A_159, %swap3A_160] {strides = array<i32>} : memref<64x768xf32, #tpu.memory_space<vmem>>, vector<16xf32>,
      tpu.vector_store %arg12[%swap3A_159, %swap3A_160], %add3A_158 {strides = array<i32>} : memref<64x768xf32, #tpu.memory_space<vmem>>, vector<16xf32>,
      %get3A_162 = arith.index_cast %scan3A_114 : i32 to index
      %get3A_163 = arith.constant 64 : index
      %get3A_164 = tpu.vector_load %arg12[%get3A_162, %get3A_163] {strides = array<i32>} : memref<64x768xf32, #tpu.memory_space<vmem>>, vector<16xf32>,
      %get3A_165 = arith.index_cast %scan3A_114 : i32 to index
      %get3A_166 = arith.constant 64 : index
      %get3A_167 = tpu.vector_load %arg13[%get3A_165, %get3A_166] {strides = array<i32>} : memref<64x768xf32, #tpu.memory_space<vmem>>, vector<16xf32>,
      %mul3A_168 = arith.mulf %gather3A, %get3A_164 : vector<16xf32>
      %mul3A_169 = arith.mulf %gather3A_115, %get3A_167 : vector<16xf32>
      %add3A_170 = arith.addf %mul3A_168, %mul3A_169 : vector<16xf32>
      %swap3A_171 = arith.index_cast %scan3A_114 : i32 to index
      %swap3A_172 = arith.constant 64 : index
      %swap3A_173 = tpu.vector_load %arg12[%swap3A_171, %swap3A_172] {strides = array<i32>} : memref<64x768xf32, #tpu.memory_space<vmem>>, vector<16xf32>,
      tpu.vector_store %arg12[%swap3A_171, %swap3A_172], %add3A_170 {strides = array<i32>} : memref<64x768xf32, #tpu.memory_space<vmem>>, vector<16xf32>,
      %get3A_174 = arith.index_cast %scan3A_114 : i32 to index
      %get3A_175 = arith.constant 80 : index
      %get3A_176 = tpu.vector_load %arg12[%get3A_174, %get3A_175] {strides = array<i32>} : memref<64x768xf32, #tpu.memory_space<vmem>>, vector<16xf32>,
      %get3A_177 = arith.index_cast %scan3A_114 : i32 to index
      %get3A_178 = arith.constant 80 : index
      %get3A_179 = tpu.vector_load %arg13[%get3A_177, %get3A_178] {strides = array<i32>} : memref<64x768xf32, #tpu.memory_space<vmem>>, vector<16xf32>,
      %mul3A_180 = arith.mulf %gather3A, %get3A_176 : vector<16xf32>
      %mul3A_181 = arith.mulf %gather3A_115, %get3A_179 : vector<16xf32>
      %add3A_182 = arith.addf %mul3A_180, %mul3A_181 : vector<16xf32>
      %swap3A_183 = arith.index_cast %scan3A_114 : i32 to index
      %swap3A_184 = arith.constant 80 : index
      %swap3A_185 = tpu.vector_load %arg12[%swap3A_183, %swap3A_184] {strides = array<i32>} : memref<64x768xf32, #tpu.memory_space<vmem>>, vector<16xf32>,
      tpu.vector_store %arg12[%swap3A_183, %swap3A_184], %add3A_182 {strides = array<i32>} : memref<64x768xf32, #tpu.memory_space<vmem>>, vector<16xf32>,
      %get3A_186 = arith.index_cast %scan3A_114 : i32 to index
      %get3A_187 = arith.constant 96 : index
      %get3A_188 = tpu.vector_load %arg12[%get3A_186, %get3A_187] {strides = array<i32>} : memref<64x768xf32, #tpu.memory_space<vmem>>, vector<16xf32>,
      %get3A_189 = arith.index_cast %scan3A_114 : i32 to index
      %get3A_190 = arith.constant 96 : index
      %get3A_191 = tpu.vector_load %arg13[%get3A_189, %get3A_190] {strides = array<i32>} : memref<64x768xf32, #tpu.memory_space<vmem>>, vector<16xf32>,
      %mul3A_192 = arith.mulf %gather3A, %get3A_188 : vector<16xf32>
      %mul3A_193 = arith.mulf %gather3A_115, %get3A_191 : vector<16xf32>
      %add3A_194 = arith.addf %mul3A_192, %mul3A_193 : vector<16xf32>
      %swap3A_195 = arith.index_cast %scan3A_114 : i32 to index
      %swap3A_196 = arith.constant 96 : index
      %swap3A_197 = tpu.vector_load %arg12[%swap3A_195, %swap3A_196] {strides = array<i32>} : memref<64x768xf32, #tpu.memory_space<vmem>>, vector<16xf32>,
      tpu.vector_store %arg12[%swap3A_195, %swap3A_196], %add3A_194 {strides = array<i32>} : memref<64x768xf32, #tpu.memory_space<vmem>>, vector<16xf32>,
      %get3A_198 = arith.index_cast %scan3A_114 : i32 to index
      %get3A_199 = arith.constant 112 : index
      %get3A_200 = tpu.vector_load %arg12[%get3A_198, %get3A_199] {strides = array<i32>} : memref<64x768xf32, #tpu.memory_space<vmem>>, vector<16xf32>,
      %get3A_201 = arith.index_cast %scan3A_114 : i32 to index
      %get3A_202 = arith.constant 112 : index
      %get3A_203 = tpu.vector_load %arg13[%get3A_201, %get3A_202] {strides = array<i32>} : memref<64x768xf32, #tpu.memory_space<vmem>>, vector<16xf32>,
      %mul3A_204 = arith.mulf %gather3A, %get3A_200 : vector<16xf32>
      %mul3A_205 = arith.mulf %gather3A_115, %get3A_203 : vector<16xf32>
      %add3A_206 = arith.addf %mul3A_204, %mul3A_205 : vector<16xf32>
      %swap3A_207 = arith.index_cast %scan3A_114 : i32 to index
      %swap3A_208 = arith.constant 112 : index
      %swap3A_209 = tpu.vector_load %arg12[%swap3A_207, %swap3A_208] {strides = array<i32>} : memref<64x768xf32, #tpu.memory_space<vmem>>, vector<16xf32>,
      tpu.vector_store %arg12[%swap3A_207, %swap3A_208], %add3A_206 {strides = array<i32>} : memref<64x768xf32, #tpu.memory_space<vmem>>, vector<16xf32>,
      %get3A_210 = arith.index_cast %scan3A_114 : i32 to index
      %get3A_211 = arith.constant 128 : index
      %get3A_212 = tpu.vector_load %arg12[%get3A_210, %get3A_211] {strides = array<i32>} : memref<64x768xf32, #tpu.memory_space<vmem>>, vector<16xf32>,
      %get3A_213 = arith.index_cast %scan3A_114 : i32 to index
      %get3A_214 = arith.constant 128 : index
      %get3A_215 = tpu.vector_load %arg13[%get3A_213, %get3A_214] {strides = array<i32>} : memref<64x768xf32, #tpu.memory_space<vmem>>, vector<16xf32>,
      %mul3A_216 = arith.mulf %gather3A, %get3A_212 : vector<16xf32>
      %mul3A_217 = arith.mulf %gather3A_115, %get3A_215 : vector<16xf32>
      %add3A_218 = arith.addf %mul3A_216, %mul3A_217 : vector<16xf32>
      %swap3A_219 = arith.index_cast %scan3A_114 : i32 to index
      %swap3A_220 = arith.constant 128 : index
      %swap3A_221 = tpu.vector_load %arg12[%swap3A_219, %swap3A_220] {strides = array<i32>} : memref<64x768xf32, #tpu.memory_space<vmem>>, vector<16xf32>,
      tpu.vector_store %arg12[%swap3A_219, %swap3A_220], %add3A_218 {strides = array<i32>} : memref<64x768xf32, #tpu.memory_space<vmem>>, vector<16xf32>,
      %get3A_222 = arith.index_cast %scan3A_114 : i32 to index
      %get3A_223 = arith.constant 144 : index
      %get3A_224 = tpu.vector_load %arg12[%get3A_222, %get3A_223] {strides = array<i32>} : memref<64x768xf32, #tpu.memory_space<vmem>>, vector<16xf32>,
      %get3A_225 = arith.index_cast %scan3A_114 : i32 to index
      %get3A_226 = arith.constant 144 : index
      %get3A_227 = tpu.vector_load %arg13[%get3A_225, %get3A_226] {strides = array<i32>} : memref<64x768xf32, #tpu.memory_space<vmem>>, vector<16xf32>,
      %mul3A_228 = arith.mulf %gather3A, %get3A_224 : vector<16xf32>
      %mul3A_229 = arith.mulf %gather3A_115, %get3A_227 : vector<16xf32>
      %add3A_230 = arith.addf %mul3A_228, %mul3A_229 : vector<16xf32>
      %swap3A_231 = arith.index_cast %scan3A_114 : i32 to index
      %swap3A_232 = arith.constant 144 : index
      %swap3A_233 = tpu.vector_load %arg12[%swap3A_231, %swap3A_232] {strides = array<i32>} : memref<64x768xf32, #tpu.memory_space<vmem>>, vector<16xf32>,
      tpu.vector_store %arg12[%swap3A_231, %swap3A_232], %add3A_230 {strides = array<i32>} : memref<64x768xf32, #tpu.memory_space<vmem>>, vector<16xf32>,
      %get3A_234 = arith.index_cast %scan3A_114 : i32 to index
      %get3A_235 = arith.constant 160 : index
      %get3A_236 = tpu.vector_load %arg12[%get3A_234, %get3A_235] {strides = array<i32>} : memref<64x768xf32, #tpu.memory_space<vmem>>, vector<16xf32>,
      %get3A_237 = arith.index_cast %scan3A_114 : i32 to index
      %get3A_238 = arith.constant 160 : index
      %get3A_239 = tpu.vector_load %arg13[%get3A_237, %get3A_238] {strides = array<i32>} : memref<64x768xf32, #tpu.memory_space<vmem>>, vector<16xf32>,
      %mul3A_240 = arith.mulf %gather3A, %get3A_236 : vector<16xf32>
      %mul3A_241 = arith.mulf %gather3A_115, %get3A_239 : vector<16xf32>
      %add3A_242 = arith.addf %mul3A_240, %mul3A_241 : vector<16xf32>
      %swap3A_243 = arith.index_cast %scan3A_114 : i32 to index
      %swap3A_244 = arith.constant 160 : index
      %swap3A_245 = tpu.vector_load %arg12[%swap3A_243, %swap3A_244] {strides = array<i32>} : memref<64x768xf32, #tpu.memory_space<vmem>>, vector<16xf32>,
      tpu.vector_store %arg12[%swap3A_243, %swap3A_244], %add3A_242 {strides = array<i32>} : memref<64x768xf32, #tpu.memory_space<vmem>>, vector<16xf32>,
      %get3A_246 = arith.index_cast %scan3A_114 : i32 to index
      %get3A_247 = arith.constant 176 : index
      %get3A_248 = tpu.vector_load %arg12[%get3A_246, %get3A_247] {strides = array<i32>} : memref<64x768xf32, #tpu.memory_space<vmem>>, vector<16xf32>,
      %get3A_249 = arith.index_cast %scan3A_114 : i32 to index
      %get3A_250 = arith.constant 176 : index
      %get3A_251 = tpu.vector_load %arg13[%get3A_249, %get3A_250] {strides = array<i32>} : memref<64x768xf32, #tpu.memory_space<vmem>>, vector<16xf32>,
      %mul3A_252 = arith.mulf %gather3A, %get3A_248 : vector<16xf32>
      %mul3A_253 = arith.mulf %gather3A_115, %get3A_251 : vector<16xf32>
      %add3A_254 = arith.addf %mul3A_252, %mul3A_253 : vector<16xf32>
      %swap3A_255 = arith.index_cast %scan3A_114 : i32 to index
      %swap3A_256 = arith.constant 176 : index
      %swap3A_257 = tpu.vector_load %arg12[%swap3A_255, %swap3A_256] {strides = array<i32>} : memref<64x768xf32, #tpu.memory_space<vmem>>, vector<16xf32>,
      tpu.vector_store %arg12[%swap3A_255, %swap3A_256], %add3A_254 {strides = array<i32>} : memref<64x768xf32, #tpu.memory_space<vmem>>, vector<16xf32>,
      %get3A_258 = arith.index_cast %scan3A_114 : i32 to index
      %get3A_259 = arith.constant 192 : index
      %get3A_260 = tpu.vector_load %arg12[%get3A_258, %get3A_259] {strides = array<i32>} : memref<64x768xf32, #tpu.memory_space<vmem>>, vector<16xf32>,
      %get3A_261 = arith.index_cast %scan3A_114 : i32 to index
      %get3A_262 = arith.constant 192 : index
      %get3A_263 = tpu.vector_load %arg13[%get3A_261, %get3A_262] {strides = array<i32>} : memref<64x768xf32, #tpu.memory_space<vmem>>, vector<16xf32>,
      %mul3A_264 = arith.mulf %gather3A, %get3A_260 : vector<16xf32>
      %mul3A_265 = arith.mulf %gather3A_115, %get3A_263 : vector<16xf32>
      %add3A_266 = arith.addf %mul3A_264, %mul3A_265 : vector<16xf32>
      %swap3A_267 = arith.index_cast %scan3A_114 : i32 to index
      %swap3A_268 = arith.constant 192 : index
      %swap3A_269 = tpu.vector_load %arg12[%swap3A_267, %swap3A_268] {strides = array<i32>} : memref<64x768xf32, #tpu.memory_space<vmem>>, vector<16xf32>,
      tpu.vector_store %arg12[%swap3A_267, %swap3A_268], %add3A_266 {strides = array<i32>} : memref<64x768xf32, #tpu.memory_space<vmem>>, vector<16xf32>,
      %get3A_270 = arith.index_cast %scan3A_114 : i32 to index
      %get3A_271 = arith.constant 208 : index
      %get3A_272 = tpu.vector_load %arg12[%get3A_270, %get3A_271] {strides = array<i32>} : memref<64x768xf32, #tpu.memory_space<vmem>>, vector<16xf32>,
      %get3A_273 = arith.index_cast %scan3A_114 : i32 to index
      %get3A_274 = arith.constant 208 : index
      %get3A_275 = tpu.vector_load %arg13[%get3A_273, %get3A_274] {strides = array<i32>} : memref<64x768xf32, #tpu.memory_space<vmem>>, vector<16xf32>,
      %mul3A_276 = arith.mulf %gather3A, %get3A_272 : vector<16xf32>
      %mul3A_277 = arith.mulf %gather3A_115, %get3A_275 : vector<16xf32>
      %add3A_278 = arith.addf %mul3A_276, %mul3A_277 : vector<16xf32>
      %swap3A_279 = arith.index_cast %scan3A_114 : i32 to index
      %swap3A_280 = arith.constant 208 : index
      %swap3A_281 = tpu.vector_load %arg12[%swap3A_279, %swap3A_280] {strides = array<i32>} : memref<64x768xf32, #tpu.memory_space<vmem>>, vector<16xf32>,
      tpu.vector_store %arg12[%swap3A_279, %swap3A_280], %add3A_278 {strides = array<i32>} : memref<64x768xf32, #tpu.memory_space<vmem>>, vector<16xf32>,
      %get3A_282 = arith.index_cast %scan3A_114 : i32 to index
      %get3A_283 = arith.constant 224 : index
      %get3A_284 = tpu.vector_load %arg12[%get3A_282, %get3A_283] {strides = array<i32>} : memref<64x768xf32, #tpu.memory_space<vmem>>, vector<16xf32>,
      %get3A_285 = arith.index_cast %scan3A_114 : i32 to index
      %get3A_286 = arith.constant 224 : index
      %get3A_287 = tpu.vector_load %arg13[%get3A_285, %get3A_286] {strides = array<i32>} : memref<64x768xf32, #tpu.memory_space<vmem>>, vector<16xf32>,
      %mul3A_288 = arith.mulf %gather3A, %get3A_284 : vector<16xf32>
      %mul3A_289 = arith.mulf %gather3A_115, %get3A_287 : vector<16xf32>
      %add3A_290 = arith.addf %mul3A_288, %mul3A_289 : vector<16xf32>
      %swap3A_291 = arith.index_cast %scan3A_114 : i32 to index
      %swap3A_292 = arith.constant 224 : index
      %swap3A_293 = tpu.vector_load %arg12[%swap3A_291, %swap3A_292] {strides = array<i32>} : memref<64x768xf32, #tpu.memory_space<vmem>>, vector<16xf32>,
      tpu.vector_store %arg12[%swap3A_291, %swap3A_292], %add3A_290 {strides = array<i32>} : memref<64x768xf32, #tpu.memory_space<vmem>>, vector<16xf32>,
      %get3A_294 = arith.index_cast %scan3A_114 : i32 to index
      %get3A_295 = arith.constant 240 : index
      %get3A_296 = tpu.vector_load %arg12[%get3A_294, %get3A_295] {strides = array<i32>} : memref<64x768xf32, #tpu.memory_space<vmem>>, vector<16xf32>,
      %get3A_297 = arith.index_cast %scan3A_114 : i32 to index
      %get3A_298 = arith.constant 240 : index
      %get3A_299 = tpu.vector_load %arg13[%get3A_297, %get3A_298] {strides = array<i32>} : memref<64x768xf32, #tpu.memory_space<vmem>>, vector<16xf32>,
      %mul3A_300 = arith.mulf %gather3A, %get3A_296 : vector<16xf32>
      %mul3A_301 = arith.mulf %gather3A_115, %get3A_299 : vector<16xf32>
      %add3A_302 = arith.addf %mul3A_300, %mul3A_301 : vector<16xf32>
      %swap3A_303 = arith.index_cast %scan3A_114 : i32 to index
      %swap3A_304 = arith.constant 240 : index
      %swap3A_305 = tpu.vector_load %arg12[%swap3A_303, %swap3A_304] {strides = array<i32>} : memref<64x768xf32, #tpu.memory_space<vmem>>, vector<16xf32>,
      tpu.vector_store %arg12[%swap3A_303, %swap3A_304], %add3A_302 {strides = array<i32>} : memref<64x768xf32, #tpu.memory_space<vmem>>, vector<16xf32>,
      %get3A_306 = arith.index_cast %scan3A_114 : i32 to index
      %get3A_307 = arith.constant 256 : index
      %get3A_308 = tpu.vector_load %arg12[%get3A_306, %get3A_307] {strides = array<i32>} : memref<64x768xf32, #tpu.memory_space<vmem>>, vector<16xf32>,
      %get3A_309 = arith.index_cast %scan3A_114 : i32 to index
      %get3A_310 = arith.constant 256 : index
      %get3A_311 = tpu.vector_load %arg13[%get3A_309, %get3A_310] {strides = array<i32>} : memref<64x768xf32, #tpu.memory_space<vmem>>, vector<16xf32>,
      %mul3A_312 = arith.mulf %gather3A, %get3A_308 : vector<16xf32>
      %mul3A_313 = arith.mulf %gather3A_115, %get3A_311 : vector<16xf32>
      %add3A_314 = arith.addf %mul3A_312, %mul3A_313 : vector<16xf32>
      %swap3A_315 = arith.index_cast %scan3A_114 : i32 to index
      %swap3A_316 = arith.constant 256 : index
      %swap3A_317 = tpu.vector_load %arg12[%swap3A_315, %swap3A_316] {strides = array<i32>} : memref<64x768xf32, #tpu.memory_space<vmem>>, vector<16xf32>,
      tpu.vector_store %arg12[%swap3A_315, %swap3A_316], %add3A_314 {strides = array<i32>} : memref<64x768xf32, #tpu.memory_space<vmem>>, vector<16xf32>,
      %get3A_318 = arith.index_cast %scan3A_114 : i32 to index
      %get3A_319 = arith.constant 272 : index
      %get3A_320 = tpu.vector_load %arg12[%get3A_318, %get3A_319] {strides = array<i32>} : memref<64x768xf32, #tpu.memory_space<vmem>>, vector<16xf32>,
      %get3A_321 = arith.index_cast %scan3A_114 : i32 to index
      %get3A_322 = arith.constant 272 : index
      %get3A_323 = tpu.vector_load %arg13[%get3A_321, %get3A_322] {strides = array<i32>} : memref<64x768xf32, #tpu.memory_space<vmem>>, vector<16xf32>,
      %mul3A_324 = arith.mulf %gather3A, %get3A_320 : vector<16xf32>
      %mul3A_325 = arith.mulf %gather3A_115, %get3A_323 : vector<16xf32>
      %add3A_326 = arith.addf %mul3A_324, %mul3A_325 : vector<16xf32>
      %swap3A_327 = arith.index_cast %scan3A_114 : i32 to index
      %swap3A_328 = arith.constant 272 : index
      %swap3A_329 = tpu.vector_load %arg12[%swap3A_327, %swap3A_328] {strides = array<i32>} : memref<64x768xf32, #tpu.memory_space<vmem>>, vector<16xf32>,
      tpu.vector_store %arg12[%swap3A_327, %swap3A_328], %add3A_326 {strides = array<i32>} : memref<64x768xf32, #tpu.memory_space<vmem>>, vector<16xf32>,
      %get3A_330 = arith.index_cast %scan3A_114 : i32 to index
      %get3A_331 = arith.constant 288 : index
      %get3A_332 = tpu.vector_load %arg12[%get3A_330, %get3A_331] {strides = array<i32>} : memref<64x768xf32, #tpu.memory_space<vmem>>, vector<16xf32>,
      %get3A_333 = arith.index_cast %scan3A_114 : i32 to index
      %get3A_334 = arith.constant 288 : index
      %get3A_335 = tpu.vector_load %arg13[%get3A_333, %get3A_334] {strides = array<i32>} : memref<64x768xf32, #tpu.memory_space<vmem>>, vector<16xf32>,
      %mul3A_336 = arith.mulf %gather3A, %get3A_332 : vector<16xf32>
      %mul3A_337 = arith.mulf %gather3A_115, %get3A_335 : vector<16xf32>
      %add3A_338 = arith.addf %mul3A_336, %mul3A_337 : vector<16xf32>
      %swap3A_339 = arith.index_cast %scan3A_114 : i32 to index
      %swap3A_340 = arith.constant 288 : index
      %swap3A_341 = tpu.vector_load %arg12[%swap3A_339, %swap3A_340] {strides = array<i32>} : memref<64x768xf32, #tpu.memory_space<vmem>>, vector<16xf32>,
      tpu.vector_store %arg12[%swap3A_339, %swap3A_340], %add3A_338 {strides = array<i32>} : memref<64x768xf32, #tpu.memory_space<vmem>>, vector<16xf32>,
      %get3A_342 = arith.index_cast %scan3A_114 : i32 to index
      %get3A_343 = arith.constant 304 : index
      %get3A_344 = tpu.vector_load %arg12[%get3A_342, %get3A_343] {strides = array<i32>} : memref<64x768xf32, #tpu.memory_space<vmem>>, vector<16xf32>,
      %get3A_345 = arith.index_cast %scan3A_114 : i32 to index
      %get3A_346 = arith.constant 304 : index
      %get3A_347 = tpu.vector_load %arg13[%get3A_345, %get3A_346] {strides = array<i32>} : memref<64x768xf32, #tpu.memory_space<vmem>>, vector<16xf32>,
      %mul3A_348 = arith.mulf %gather3A, %get3A_344 : vector<16xf32>
      %mul3A_349 = arith.mulf %gather3A_115, %get3A_347 : vector<16xf32>
      %add3A_350 = arith.addf %mul3A_348, %mul3A_349 : vector<16xf32>
      %swap3A_351 = arith.index_cast %scan3A_114 : i32 to index
      %swap3A_352 = arith.constant 304 : index
      %swap3A_353 = tpu.vector_load %arg12[%swap3A_351, %swap3A_352] {strides = array<i32>} : memref<64x768xf32, #tpu.memory_space<vmem>>, vector<16xf32>,
      tpu.vector_store %arg12[%swap3A_351, %swap3A_352], %add3A_350 {strides = array<i32>} : memref<64x768xf32, #tpu.memory_space<vmem>>, vector<16xf32>,
      %get3A_354 = arith.index_cast %scan3A_114 : i32 to index
      %get3A_355 = arith.constant 320 : index
      %get3A_356 = tpu.vector_load %arg12[%get3A_354, %get3A_355] {strides = array<i32>} : memref<64x768xf32, #tpu.memory_space<vmem>>, vector<16xf32>,
      %get3A_357 = arith.index_cast %scan3A_114 : i32 to index
      %get3A_358 = arith.constant 320 : index
      %get3A_359 = tpu.vector_load %arg13[%get3A_357, %get3A_358] {strides = array<i32>} : memref<64x768xf32, #tpu.memory_space<vmem>>, vector<16xf32>,
      %mul3A_360 = arith.mulf %gather3A, %get3A_356 : vector<16xf32>
      %mul3A_361 = arith.mulf %gather3A_115, %get3A_359 : vector<16xf32>
      %add3A_362 = arith.addf %mul3A_360, %mul3A_361 : vector<16xf32>
      %swap3A_363 = arith.index_cast %scan3A_114 : i32 to index
      %swap3A_364 = arith.constant 320 : index
      %swap3A_365 = tpu.vector_load %arg12[%swap3A_363, %swap3A_364] {strides = array<i32>} : memref<64x768xf32, #tpu.memory_space<vmem>>, vector<16xf32>,
      tpu.vector_store %arg12[%swap3A_363, %swap3A_364], %add3A_362 {strides = array<i32>} : memref<64x768xf32, #tpu.memory_space<vmem>>, vector<16xf32>,
      %get3A_366 = arith.index_cast %scan3A_114 : i32 to index
      %get3A_367 = arith.constant 336 : index
      %get3A_368 = tpu.vector_load %arg12[%get3A_366, %get3A_367] {strides = array<i32>} : memref<64x768xf32, #tpu.memory_space<vmem>>, vector<16xf32>,
      %get3A_369 = arith.index_cast %scan3A_114 : i32 to index
      %get3A_370 = arith.constant 336 : index
      %get3A_371 = tpu.vector_load %arg13[%get3A_369, %get3A_370] {strides = array<i32>} : memref<64x768xf32, #tpu.memory_space<vmem>>, vector<16xf32>,
      %mul3A_372 = arith.mulf %gather3A, %get3A_368 : vector<16xf32>
      %mul3A_373 = arith.mulf %gather3A_115, %get3A_371 : vector<16xf32>
      %add3A_374 = arith.addf %mul3A_372, %mul3A_373 : vector<16xf32>
      %swap3A_375 = arith.index_cast %scan3A_114 : i32 to index
      %swap3A_376 = arith.constant 336 : index
      %swap3A_377 = tpu.vector_load %arg12[%swap3A_375, %swap3A_376] {strides = array<i32>} : memref<64x768xf32, #tpu.memory_space<vmem>>, vector<16xf32>,
      tpu.vector_store %arg12[%swap3A_375, %swap3A_376], %add3A_374 {strides = array<i32>} : memref<64x768xf32, #tpu.memory_space<vmem>>, vector<16xf32>,
      %get3A_378 = arith.index_cast %scan3A_114 : i32 to index
      %get3A_379 = arith.constant 352 : index
      %get3A_380 = tpu.vector_load %arg12[%get3A_378, %get3A_379] {strides = array<i32>} : memref<64x768xf32, #tpu.memory_space<vmem>>, vector<16xf32>,
      %get3A_381 = arith.index_cast %scan3A_114 : i32 to index
      %get3A_382 = arith.constant 352 : index
      %get3A_383 = tpu.vector_load %arg13[%get3A_381, %get3A_382] {strides = array<i32>} : memref<64x768xf32, #tpu.memory_space<vmem>>, vector<16xf32>,
      %mul3A_384 = arith.mulf %gather3A, %get3A_380 : vector<16xf32>
      %mul3A_385 = arith.mulf %gather3A_115, %get3A_383 : vector<16xf32>
      %add3A_386 = arith.addf %mul3A_384, %mul3A_385 : vector<16xf32>
      %swap3A_387 = arith.index_cast %scan3A_114 : i32 to index
      %swap3A_388 = arith.constant 352 : index
      %swap3A_389 = tpu.vector_load %arg12[%swap3A_387, %swap3A_388] {strides = array<i32>} : memref<64x768xf32, #tpu.memory_space<vmem>>, vector<16xf32>,
      tpu.vector_store %arg12[%swap3A_387, %swap3A_388], %add3A_386 {strides = array<i32>} : memref<64x768xf32, #tpu.memory_space<vmem>>, vector<16xf32>,
      %get3A_390 = arith.index_cast %scan3A_114 : i32 to index
      %get3A_391 = arith.constant 368 : index
      %get3A_392 = tpu.vector_load %arg12[%get3A_390, %get3A_391] {strides = array<i32>} : memref<64x768xf32, #tpu.memory_space<vmem>>, vector<16xf32>,
      %get3A_393 = arith.index_cast %scan3A_114 : i32 to index
      %get3A_394 = arith.constant 368 : index
      %get3A_395 = tpu.vector_load %arg13[%get3A_393, %get3A_394] {strides = array<i32>} : memref<64x768xf32, #tpu.memory_space<vmem>>, vector<16xf32>,
      %mul3A_396 = arith.mulf %gather3A, %get3A_392 : vector<16xf32>
      %mul3A_397 = arith.mulf %gather3A_115, %get3A_395 : vector<16xf32>
      %add3A_398 = arith.addf %mul3A_396, %mul3A_397 : vector<16xf32>
      %swap3A_399 = arith.index_cast %scan3A_114 : i32 to index
      %swap3A_400 = arith.constant 368 : index
      %swap3A_401 = tpu.vector_load %arg12[%swap3A_399, %swap3A_400] {strides = array<i32>} : memref<64x768xf32, #tpu.memory_space<vmem>>, vector<16xf32>,
      tpu.vector_store %arg12[%swap3A_399, %swap3A_400], %add3A_398 {strides = array<i32>} : memref<64x768xf32, #tpu.memory_space<vmem>>, vector<16xf32>,
      %get3A_402 = arith.index_cast %scan3A_114 : i32 to index
      %get3A_403 = arith.constant 384 : index
      %get3A_404 = tpu.vector_load %arg12[%get3A_402, %get3A_403] {strides = array<i32>} : memref<64x768xf32, #tpu.memory_space<vmem>>, vector<16xf32>,
      %get3A_405 = arith.index_cast %scan3A_114 : i32 to index
      %get3A_406 = arith.constant 384 : index
      %get3A_407 = tpu.vector_load %arg13[%get3A_405, %get3A_406] {strides = array<i32>} : memref<64x768xf32, #tpu.memory_space<vmem>>, vector<16xf32>,
      %mul3A_408 = arith.mulf %gather3A, %get3A_404 : vector<16xf32>
      %mul3A_409 = arith.mulf %gather3A_115, %get3A_407 : vector<16xf32>
      %add3A_410 = arith.addf %mul3A_408, %mul3A_409 : vector<16xf32>
      %swap3A_411 = arith.index_cast %scan3A_114 : i32 to index
      %swap3A_412 = arith.constant 384 : index
      %swap3A_413 = tpu.vector_load %arg12[%swap3A_411, %swap3A_412] {strides = array<i32>} : memref<64x768xf32, #tpu.memory_space<vmem>>, vector<16xf32>,
      tpu.vector_store %arg12[%swap3A_411, %swap3A_412], %add3A_410 {strides = array<i32>} : memref<64x768xf32, #tpu.memory_space<vmem>>, vector<16xf32>,
      %get3A_414 = arith.index_cast %scan3A_114 : i32 to index
      %get3A_415 = arith.constant 400 : index
      %get3A_416 = tpu.vector_load %arg12[%get3A_414, %get3A_415] {strides = array<i32>} : memref<64x768xf32, #tpu.memory_space<vmem>>, vector<16xf32>,
      %get3A_417 = arith.index_cast %scan3A_114 : i32 to index
      %get3A_418 = arith.constant 400 : index
      %get3A_419 = tpu.vector_load %arg13[%get3A_417, %get3A_418] {strides = array<i32>} : memref<64x768xf32, #tpu.memory_space<vmem>>, vector<16xf32>,
      %mul3A_420 = arith.mulf %gather3A, %get3A_416 : vector<16xf32>
      %mul3A_421 = arith.mulf %gather3A_115, %get3A_419 : vector<16xf32>
      %add3A_422 = arith.addf %mul3A_420, %mul3A_421 : vector<16xf32>
      %swap3A_423 = arith.index_cast %scan3A_114 : i32 to index
      %swap3A_424 = arith.constant 400 : index
      %swap3A_425 = tpu.vector_load %arg12[%swap3A_423, %swap3A_424] {strides = array<i32>} : memref<64x768xf32, #tpu.memory_space<vmem>>, vector<16xf32>,
      tpu.vector_store %arg12[%swap3A_423, %swap3A_424], %add3A_422 {strides = array<i32>} : memref<64x768xf32, #tpu.memory_space<vmem>>, vector<16xf32>,
      %get3A_426 = arith.index_cast %scan3A_114 : i32 to index
      %get3A_427 = arith.constant 416 : index
      %get3A_428 = tpu.vector_load %arg12[%get3A_426, %get3A_427] {strides = array<i32>} : memref<64x768xf32, #tpu.memory_space<vmem>>, vector<16xf32>,
      %get3A_429 = arith.index_cast %scan3A_114 : i32 to index
      %get3A_430 = arith.constant 416 : index
      %get3A_431 = tpu.vector_load %arg13[%get3A_429, %get3A_430] {strides = array<i32>} : memref<64x768xf32, #tpu.memory_space<vmem>>, vector<16xf32>,
      %mul3A_432 = arith.mulf %gather3A, %get3A_428 : vector<16xf32>
      %mul3A_433 = arith.mulf %gather3A_115, %get3A_431 : vector<16xf32>
      %add3A_434 = arith.addf %mul3A_432, %mul3A_433 : vector<16xf32>
      %swap3A_435 = arith.index_cast %scan3A_114 : i32 to index
      %swap3A_436 = arith.constant 416 : index
      %swap3A_437 = tpu.vector_load %arg12[%swap3A_435, %swap3A_436] {strides = array<i32>} : memref<64x768xf32, #tpu.memory_space<vmem>>, vector<16xf32>,
      tpu.vector_store %arg12[%swap3A_435, %swap3A_436], %add3A_434 {strides = array<i32>} : memref<64x768xf32, #tpu.memory_space<vmem>>, vector<16xf32>,
      %get3A_438 = arith.index_cast %scan3A_114 : i32 to index
      %get3A_439 = arith.constant 432 : index
      %get3A_440 = tpu.vector_load %arg12[%get3A_438, %get3A_439] {strides = array<i32>} : memref<64x768xf32, #tpu.memory_space<vmem>>, vector<16xf32>,
      %get3A_441 = arith.index_cast %scan3A_114 : i32 to index
      %get3A_442 = arith.constant 432 : index
      %get3A_443 = tpu.vector_load %arg13[%get3A_441, %get3A_442] {strides = array<i32>} : memref<64x768xf32, #tpu.memory_space<vmem>>, vector<16xf32>,
      %mul3A_444 = arith.mulf %gather3A, %get3A_440 : vector<16xf32>
      %mul3A_445 = arith.mulf %gather3A_115, %get3A_443 : vector<16xf32>
      %add3A_446 = arith.addf %mul3A_444, %mul3A_445 : vector<16xf32>
      %swap3A_447 = arith.index_cast %scan3A_114 : i32 to index
      %swap3A_448 = arith.constant 432 : index
      %swap3A_449 = tpu.vector_load %arg12[%swap3A_447, %swap3A_448] {strides = array<i32>} : memref<64x768xf32, #tpu.memory_space<vmem>>, vector<16xf32>,
      tpu.vector_store %arg12[%swap3A_447, %swap3A_448], %add3A_446 {strides = array<i32>} : memref<64x768xf32, #tpu.memory_space<vmem>>, vector<16xf32>,
      %get3A_450 = arith.index_cast %scan3A_114 : i32 to index
      %get3A_451 = arith.constant 448 : index
      %get3A_452 = tpu.vector_load %arg12[%get3A_450, %get3A_451] {strides = array<i32>} : memref<64x768xf32, #tpu.memory_space<vmem>>, vector<16xf32>,
      %get3A_453 = arith.index_cast %scan3A_114 : i32 to index
      %get3A_454 = arith.constant 448 : index
      %get3A_455 = tpu.vector_load %arg13[%get3A_453, %get3A_454] {strides = array<i32>} : memref<64x768xf32, #tpu.memory_space<vmem>>, vector<16xf32>,
      %mul3A_456 = arith.mulf %gather3A, %get3A_452 : vector<16xf32>
      %mul3A_457 = arith.mulf %gather3A_115, %get3A_455 : vector<16xf32>
      %add3A_458 = arith.addf %mul3A_456, %mul3A_457 : vector<16xf32>
      %swap3A_459 = arith.index_cast %scan3A_114 : i32 to index
      %swap3A_460 = arith.constant 448 : index
      %swap3A_461 = tpu.vector_load %arg12[%swap3A_459, %swap3A_460] {strides = array<i32>} : memref<64x768xf32, #tpu.memory_space<vmem>>, vector<16xf32>,
      tpu.vector_store %arg12[%swap3A_459, %swap3A_460], %add3A_458 {strides = array<i32>} : memref<64x768xf32, #tpu.memory_space<vmem>>, vector<16xf32>,
      %get3A_462 = arith.index_cast %scan3A_114 : i32 to index
      %get3A_463 = arith.constant 464 : index
      %get3A_464 = tpu.vector_load %arg12[%get3A_462, %get3A_463] {strides = array<i32>} : memref<64x768xf32, #tpu.memory_space<vmem>>, vector<16xf32>,
      %get3A_465 = arith.index_cast %scan3A_114 : i32 to index
      %get3A_466 = arith.constant 464 : index
      %get3A_467 = tpu.vector_load %arg13[%get3A_465, %get3A_466] {strides = array<i32>} : memref<64x768xf32, #tpu.memory_space<vmem>>, vector<16xf32>,
      %mul3A_468 = arith.mulf %gather3A, %get3A_464 : vector<16xf32>
      %mul3A_469 = arith.mulf %gather3A_115, %get3A_467 : vector<16xf32>
      %add3A_470 = arith.addf %mul3A_468, %mul3A_469 : vector<16xf32>
      %swap3A_471 = arith.index_cast %scan3A_114 : i32 to index
      %swap3A_472 = arith.constant 464 : index
      %swap3A_473 = tpu.vector_load %arg12[%swap3A_471, %swap3A_472] {strides = array<i32>} : memref<64x768xf32, #tpu.memory_space<vmem>>, vector<16xf32>,
      tpu.vector_store %arg12[%swap3A_471, %swap3A_472], %add3A_470 {strides = array<i32>} : memref<64x768xf32, #tpu.memory_space<vmem>>, vector<16xf32>,
      %get3A_474 = arith.index_cast %scan3A_114 : i32 to index
      %get3A_475 = arith.constant 480 : index
      %get3A_476 = tpu.vector_load %arg12[%get3A_474, %get3A_475] {strides = array<i32>} : memref<64x768xf32, #tpu.memory_space<vmem>>, vector<16xf32>,
      %get3A_477 = arith.index_cast %scan3A_114 : i32 to index
      %get3A_478 = arith.constant 480 : index
      %get3A_479 = tpu.vector_load %arg13[%get3A_477, %get3A_478] {strides = array<i32>} : memref<64x768xf32, #tpu.memory_space<vmem>>, vector<16xf32>,
      %mul3A_480 = arith.mulf %gather3A, %get3A_476 : vector<16xf32>
      %mul3A_481 = arith.mulf %gather3A_115, %get3A_479 : vector<16xf32>
      %add3A_482 = arith.addf %mul3A_480, %mul3A_481 : vector<16xf32>
      %swap3A_483 = arith.index_cast %scan3A_114 : i32 to index
      %swap3A_484 = arith.constant 480 : index
      %swap3A_485 = tpu.vector_load %arg12[%swap3A_483, %swap3A_484] {strides = array<i32>} : memref<64x768xf32, #tpu.memory_space<vmem>>, vector<16xf32>,
      tpu.vector_store %arg12[%swap3A_483, %swap3A_484], %add3A_482 {strides = array<i32>} : memref<64x768xf32, #tpu.memory_space<vmem>>, vector<16xf32>,
      %get3A_486 = arith.index_cast %scan3A_114 : i32 to index
      %get3A_487 = arith.constant 496 : index
      %get3A_488 = tpu.vector_load %arg12[%get3A_486, %get3A_487] {strides = array<i32>} : memref<64x768xf32, #tpu.memory_space<vmem>>, vector<16xf32>,
      %get3A_489 = arith.index_cast %scan3A_114 : i32 to index
      %get3A_490 = arith.constant 496 : index
      %get3A_491 = tpu.vector_load %arg13[%get3A_489, %get3A_490] {strides = array<i32>} : memref<64x768xf32, #tpu.memory_space<vmem>>, vector<16xf32>,
      %mul3A_492 = arith.mulf %gather3A, %get3A_488 : vector<16xf32>
      %mul3A_493 = arith.mulf %gather3A_115, %get3A_491 : vector<16xf32>
      %add3A_494 = arith.addf %mul3A_492, %mul3A_493 : vector<16xf32>
      %swap3A_495 = arith.index_cast %scan3A_114 : i32 to index
      %swap3A_496 = arith.constant 496 : index
      %swap3A_497 = tpu.vector_load %arg12[%swap3A_495, %swap3A_496] {strides = array<i32>} : memref<64x768xf32, #tpu.memory_space<vmem>>, vector<16xf32>,
      tpu.vector_store %arg12[%swap3A_495, %swap3A_496], %add3A_494 {strides = array<i32>} : memref<64x768xf32, #tpu.memory_space<vmem>>, vector<16xf32>,
      %get3A_498 = arith.index_cast %scan3A_114 : i32 to index
      %get3A_499 = arith.constant 512 : index
      %get3A_500 = tpu.vector_load %arg12[%get3A_498, %get3A_499] {strides = array<i32>} : memref<64x768xf32, #tpu.memory_space<vmem>>, vector<16xf32>,
      %get3A_501 = arith.index_cast %scan3A_114 : i32 to index
      %get3A_502 = arith.constant 512 : index
      %get3A_503 = tpu.vector_load %arg13[%get3A_501, %get3A_502] {strides = array<i32>} : memref<64x768xf32, #tpu.memory_space<vmem>>, vector<16xf32>,
      %mul3A_504 = arith.mulf %gather3A, %get3A_500 : vector<16xf32>
      %mul3A_505 = arith.mulf %gather3A_115, %get3A_503 : vector<16xf32>
      %add3A_506 = arith.addf %mul3A_504, %mul3A_505 : vector<16xf32>
      %swap3A_507 = arith.index_cast %scan3A_114 : i32 to index
      %swap3A_508 = arith.constant 512 : index
      %swap3A_509 = tpu.vector_load %arg12[%swap3A_507, %swap3A_508] {strides = array<i32>} : memref<64x768xf32, #tpu.memory_space<vmem>>, vector<16xf32>,
      tpu.vector_store %arg12[%swap3A_507, %swap3A_508], %add3A_506 {strides = array<i32>} : memref<64x768xf32, #tpu.memory_space<vmem>>, vector<16xf32>,
      %get3A_510 = arith.index_cast %scan3A_114 : i32 to index
      %get3A_511 = arith.constant 528 : index
      %get3A_512 = tpu.vector_load %arg12[%get3A_510, %get3A_511] {strides = array<i32>} : memref<64x768xf32, #tpu.memory_space<vmem>>, vector<16xf32>,
      %get3A_513 = arith.index_cast %scan3A_114 : i32 to index
      %get3A_514 = arith.constant 528 : index
      %get3A_515 = tpu.vector_load %arg13[%get3A_513, %get3A_514] {strides = array<i32>} : memref<64x768xf32, #tpu.memory_space<vmem>>, vector<16xf32>,
      %mul3A_516 = arith.mulf %gather3A, %get3A_512 : vector<16xf32>
      %mul3A_517 = arith.mulf %gather3A_115, %get3A_515 : vector<16xf32>
      %add3A_518 = arith.addf %mul3A_516, %mul3A_517 : vector<16xf32>
      %swap3A_519 = arith.index_cast %scan3A_114 : i32 to index
      %swap3A_520 = arith.constant 528 : index
      %swap3A_521 = tpu.vector_load %arg12[%swap3A_519, %swap3A_520] {strides = array<i32>} : memref<64x768xf32, #tpu.memory_space<vmem>>, vector<16xf32>,
      tpu.vector_store %arg12[%swap3A_519, %swap3A_520], %add3A_518 {strides = array<i32>} : memref<64x768xf32, #tpu.memory_space<vmem>>, vector<16xf32>,
      %get3A_522 = arith.index_cast %scan3A_114 : i32 to index
      %get3A_523 = arith.constant 544 : index
      %get3A_524 = tpu.vector_load %arg12[%get3A_522, %get3A_523] {strides = array<i32>} : memref<64x768xf32, #tpu.memory_space<vmem>>, vector<16xf32>,
      %get3A_525 = arith.index_cast %scan3A_114 : i32 to index
      %get3A_526 = arith.constant 544 : index
      %get3A_527 = tpu.vector_load %arg13[%get3A_525, %get3A_526] {strides = array<i32>} : memref<64x768xf32, #tpu.memory_space<vmem>>, vector<16xf32>,
      %mul3A_528 = arith.mulf %gather3A, %get3A_524 : vector<16xf32>
      %mul3A_529 = arith.mulf %gather3A_115, %get3A_527 : vector<16xf32>
      %add3A_530 = arith.addf %mul3A_528, %mul3A_529 : vector<16xf32>
      %swap3A_531 = arith.index_cast %scan3A_114 : i32 to index
      %swap3A_532 = arith.constant 544 : index
      %swap3A_533 = tpu.vector_load %arg12[%swap3A_531, %swap3A_532] {strides = array<i32>} : memref<64x768xf32, #tpu.memory_space<vmem>>, vector<16xf32>,
      tpu.vector_store %arg12[%swap3A_531, %swap3A_532], %add3A_530 {strides = array<i32>} : memref<64x768xf32, #tpu.memory_space<vmem>>, vector<16xf32>,
      %get3A_534 = arith.index_cast %scan3A_114 : i32 to index
      %get3A_535 = arith.constant 560 : index
      %get3A_536 = tpu.vector_load %arg12[%get3A_534, %get3A_535] {strides = array<i32>} : memref<64x768xf32, #tpu.memory_space<vmem>>, vector<16xf32>,
      %get3A_537 = arith.index_cast %scan3A_114 : i32 to index
      %get3A_538 = arith.constant 560 : index
      %get3A_539 = tpu.vector_load %arg13[%get3A_537, %get3A_538] {strides = array<i32>} : memref<64x768xf32, #tpu.memory_space<vmem>>, vector<16xf32>,
      %mul3A_540 = arith.mulf %gather3A, %get3A_536 : vector<16xf32>
      %mul3A_541 = arith.mulf %gather3A_115, %get3A_539 : vector<16xf32>
      %add3A_542 = arith.addf %mul3A_540, %mul3A_541 : vector<16xf32>
      %swap3A_543 = arith.index_cast %scan3A_114 : i32 to index
      %swap3A_544 = arith.constant 560 : index
      %swap3A_545 = tpu.vector_load %arg12[%swap3A_543, %swap3A_544] {strides = array<i32>} : memref<64x768xf32, #tpu.memory_space<vmem>>, vector<16xf32>,
      tpu.vector_store %arg12[%swap3A_543, %swap3A_544], %add3A_542 {strides = array<i32>} : memref<64x768xf32, #tpu.memory_space<vmem>>, vector<16xf32>,
      %get3A_546 = arith.index_cast %scan3A_114 : i32 to index
      %get3A_547 = arith.constant 576 : index
      %get3A_548 = tpu.vector_load %arg12[%get3A_546, %get3A_547] {strides = array<i32>} : memref<64x768xf32, #tpu.memory_space<vmem>>, vector<16xf32>,
      %get3A_549 = arith.index_cast %scan3A_114 : i32 to index
      %get3A_550 = arith.constant 576 : index
      %get3A_551 = tpu.vector_load %arg13[%get3A_549, %get3A_550] {strides = array<i32>} : memref<64x768xf32, #tpu.memory_space<vmem>>, vector<16xf32>,
      %mul3A_552 = arith.mulf %gather3A, %get3A_548 : vector<16xf32>
      %mul3A_553 = arith.mulf %gather3A_115, %get3A_551 : vector<16xf32>
      %add3A_554 = arith.addf %mul3A_552, %mul3A_553 : vector<16xf32>
      %swap3A_555 = arith.index_cast %scan3A_114 : i32 to index
      %swap3A_556 = arith.constant 576 : index
      %swap3A_557 = tpu.vector_load %arg12[%swap3A_555, %swap3A_556] {strides = array<i32>} : memref<64x768xf32, #tpu.memory_space<vmem>>, vector<16xf32>,
      tpu.vector_store %arg12[%swap3A_555, %swap3A_556], %add3A_554 {strides = array<i32>} : memref<64x768xf32, #tpu.memory_space<vmem>>, vector<16xf32>,
      %get3A_558 = arith.index_cast %scan3A_114 : i32 to index
      %get3A_559 = arith.constant 592 : index
      %get3A_560 = tpu.vector_load %arg12[%get3A_558, %get3A_559] {strides = array<i32>} : memref<64x768xf32, #tpu.memory_space<vmem>>, vector<16xf32>,
      %get3A_561 = arith.index_cast %scan3A_114 : i32 to index
      %get3A_562 = arith.constant 592 : index
      %get3A_563 = tpu.vector_load %arg13[%get3A_561, %get3A_562] {strides = array<i32>} : memref<64x768xf32, #tpu.memory_space<vmem>>, vector<16xf32>,
      %mul3A_564 = arith.mulf %gather3A, %get3A_560 : vector<16xf32>
      %mul3A_565 = arith.mulf %gather3A_115, %get3A_563 : vector<16xf32>
      %add3A_566 = arith.addf %mul3A_564, %mul3A_565 : vector<16xf32>
      %swap3A_567 = arith.index_cast %scan3A_114 : i32 to index
      %swap3A_568 = arith.constant 592 : index
      %swap3A_569 = tpu.vector_load %arg12[%swap3A_567, %swap3A_568] {strides = array<i32>} : memref<64x768xf32, #tpu.memory_space<vmem>>, vector<16xf32>,
      tpu.vector_store %arg12[%swap3A_567, %swap3A_568], %add3A_566 {strides = array<i32>} : memref<64x768xf32, #tpu.memory_space<vmem>>, vector<16xf32>,
      %get3A_570 = arith.index_cast %scan3A_114 : i32 to index
      %get3A_571 = arith.constant 608 : index
      %get3A_572 = tpu.vector_load %arg12[%get3A_570, %get3A_571] {strides = array<i32>} : memref<64x768xf32, #tpu.memory_space<vmem>>, vector<16xf32>,
      %get3A_573 = arith.index_cast %scan3A_114 : i32 to index
      %get3A_574 = arith.constant 608 : index
      %get3A_575 = tpu.vector_load %arg13[%get3A_573, %get3A_574] {strides = array<i32>} : memref<64x768xf32, #tpu.memory_space<vmem>>, vector<16xf32>,
      %mul3A_576 = arith.mulf %gather3A, %get3A_572 : vector<16xf32>
      %mul3A_577 = arith.mulf %gather3A_115, %get3A_575 : vector<16xf32>
      %add3A_578 = arith.addf %mul3A_576, %mul3A_577 : vector<16xf32>
      %swap3A_579 = arith.index_cast %scan3A_114 : i32 to index
      %swap3A_580 = arith.constant 608 : index
      %swap3A_581 = tpu.vector_load %arg12[%swap3A_579, %swap3A_580] {strides = array<i32>} : memref<64x768xf32, #tpu.memory_space<vmem>>, vector<16xf32>,
      tpu.vector_store %arg12[%swap3A_579, %swap3A_580], %add3A_578 {strides = array<i32>} : memref<64x768xf32, #tpu.memory_space<vmem>>, vector<16xf32>,
      %get3A_582 = arith.index_cast %scan3A_114 : i32 to index
      %get3A_583 = arith.constant 624 : index
      %get3A_584 = tpu.vector_load %arg12[%get3A_582, %get3A_583] {strides = array<i32>} : memref<64x768xf32, #tpu.memory_space<vmem>>, vector<16xf32>,
      %get3A_585 = arith.index_cast %scan3A_114 : i32 to index
      %get3A_586 = arith.constant 624 : index
      %get3A_587 = tpu.vector_load %arg13[%get3A_585, %get3A_586] {strides = array<i32>} : memref<64x768xf32, #tpu.memory_space<vmem>>, vector<16xf32>,
      %mul3A_588 = arith.mulf %gather3A, %get3A_584 : vector<16xf32>
      %mul3A_589 = arith.mulf %gather3A_115, %get3A_587 : vector<16xf32>
      %add3A_590 = arith.addf %mul3A_588, %mul3A_589 : vector<16xf32>
      %swap3A_591 = arith.index_cast %scan3A_114 : i32 to index
      %swap3A_592 = arith.constant 624 : index
      %swap3A_593 = tpu.vector_load %arg12[%swap3A_591, %swap3A_592] {strides = array<i32>} : memref<64x768xf32, #tpu.memory_space<vmem>>, vector<16xf32>,
      tpu.vector_store %arg12[%swap3A_591, %swap3A_592], %add3A_590 {strides = array<i32>} : memref<64x768xf32, #tpu.memory_space<vmem>>, vector<16xf32>,
      %get3A_594 = arith.index_cast %scan3A_114 : i32 to index
      %get3A_595 = arith.constant 640 : index
      %get3A_596 = tpu.vector_load %arg12[%get3A_594, %get3A_595] {strides = array<i32>} : memref<64x768xf32, #tpu.memory_space<vmem>>, vector<16xf32>,
      %get3A_597 = arith.index_cast %scan3A_114 : i32 to index
      %get3A_598 = arith.constant 640 : index
      %get3A_599 = tpu.vector_load %arg13[%get3A_597, %get3A_598] {strides = array<i32>} : memref<64x768xf32, #tpu.memory_space<vmem>>, vector<16xf32>,
      %mul3A_600 = arith.mulf %gather3A, %get3A_596 : vector<16xf32>
      %mul3A_601 = arith.mulf %gather3A_115, %get3A_599 : vector<16xf32>
      %add3A_602 = arith.addf %mul3A_600, %mul3A_601 : vector<16xf32>
      %swap3A_603 = arith.index_cast %scan3A_114 : i32 to index
      %swap3A_604 = arith.constant 640 : index
      %swap3A_605 = tpu.vector_load %arg12[%swap3A_603, %swap3A_604] {strides = array<i32>} : memref<64x768xf32, #tpu.memory_space<vmem>>, vector<16xf32>,
      tpu.vector_store %arg12[%swap3A_603, %swap3A_604], %add3A_602 {strides = array<i32>} : memref<64x768xf32, #tpu.memory_space<vmem>>, vector<16xf32>,
      %get3A_606 = arith.index_cast %scan3A_114 : i32 to index
      %get3A_607 = arith.constant 656 : index
      %get3A_608 = tpu.vector_load %arg12[%get3A_606, %get3A_607] {strides = array<i32>} : memref<64x768xf32, #tpu.memory_space<vmem>>, vector<16xf32>,
      %get3A_609 = arith.index_cast %scan3A_114 : i32 to index
      %get3A_610 = arith.constant 656 : index
      %get3A_611 = tpu.vector_load %arg13[%get3A_609, %get3A_610] {strides = array<i32>} : memref<64x768xf32, #tpu.memory_space<vmem>>, vector<16xf32>,
      %mul3A_612 = arith.mulf %gather3A, %get3A_608 : vector<16xf32>
      %mul3A_613 = arith.mulf %gather3A_115, %get3A_611 : vector<16xf32>
      %add3A_614 = arith.addf %mul3A_612, %mul3A_613 : vector<16xf32>
      %swap3A_615 = arith.index_cast %scan3A_114 : i32 to index
      %swap3A_616 = arith.constant 656 : index
      %swap3A_617 = tpu.vector_load %arg12[%swap3A_615, %swap3A_616] {strides = array<i32>} : memref<64x768xf32, #tpu.memory_space<vmem>>, vector<16xf32>,
      tpu.vector_store %arg12[%swap3A_615, %swap3A_616], %add3A_614 {strides = array<i32>} : memref<64x768xf32, #tpu.memory_space<vmem>>, vector<16xf32>,
      %get3A_618 = arith.index_cast %scan3A_114 : i32 to index
      %get3A_619 = arith.constant 672 : index
      %get3A_620 = tpu.vector_load %arg12[%get3A_618, %get3A_619] {strides = array<i32>} : memref<64x768xf32, #tpu.memory_space<vmem>>, vector<16xf32>,
      %get3A_621 = arith.index_cast %scan3A_114 : i32 to index
      %get3A_622 = arith.constant 672 : index
      %get3A_623 = tpu.vector_load %arg13[%get3A_621, %get3A_622] {strides = array<i32>} : memref<64x768xf32, #tpu.memory_space<vmem>>, vector<16xf32>,
      %mul3A_624 = arith.mulf %gather3A, %get3A_620 : vector<16xf32>
      %mul3A_625 = arith.mulf %gather3A_115, %get3A_623 : vector<16xf32>
      %add3A_626 = arith.addf %mul3A_624, %mul3A_625 : vector<16xf32>
      %swap3A_627 = arith.index_cast %scan3A_114 : i32 to index
      %swap3A_628 = arith.constant 672 : index
      %swap3A_629 = tpu.vector_load %arg12[%swap3A_627, %swap3A_628] {strides = array<i32>} : memref<64x768xf32, #tpu.memory_space<vmem>>, vector<16xf32>,
      tpu.vector_store %arg12[%swap3A_627, %swap3A_628], %add3A_626 {strides = array<i32>} : memref<64x768xf32, #tpu.memory_space<vmem>>, vector<16xf32>,
      %get3A_630 = arith.index_cast %scan3A_114 : i32 to index
      %get3A_631 = arith.constant 688 : index
      %get3A_632 = tpu.vector_load %arg12[%get3A_630, %get3A_631] {strides = array<i32>} : memref<64x768xf32, #tpu.memory_space<vmem>>, vector<16xf32>,
      %get3A_633 = arith.index_cast %scan3A_114 : i32 to index
      %get3A_634 = arith.constant 688 : index
      %get3A_635 = tpu.vector_load %arg13[%get3A_633, %get3A_634] {strides = array<i32>} : memref<64x768xf32, #tpu.memory_space<vmem>>, vector<16xf32>,
      %mul3A_636 = arith.mulf %gather3A, %get3A_632 : vector<16xf32>
      %mul3A_637 = arith.mulf %gather3A_115, %get3A_635 : vector<16xf32>
      %add3A_638 = arith.addf %mul3A_636, %mul3A_637 : vector<16xf32>
      %swap3A_639 = arith.index_cast %scan3A_114 : i32 to index
      %swap3A_640 = arith.constant 688 : index
      %swap3A_641 = tpu.vector_load %arg12[%swap3A_639, %swap3A_640] {strides = array<i32>} : memref<64x768xf32, #tpu.memory_space<vmem>>, vector<16xf32>,
      tpu.vector_store %arg12[%swap3A_639, %swap3A_640], %add3A_638 {strides = array<i32>} : memref<64x768xf32, #tpu.memory_space<vmem>>, vector<16xf32>,
      %get3A_642 = arith.index_cast %scan3A_114 : i32 to index
      %get3A_643 = arith.constant 704 : index
      %get3A_644 = tpu.vector_load %arg12[%get3A_642, %get3A_643] {strides = array<i32>} : memref<64x768xf32, #tpu.memory_space<vmem>>, vector<16xf32>,
      %get3A_645 = arith.index_cast %scan3A_114 : i32 to index
      %get3A_646 = arith.constant 704 : index
      %get3A_647 = tpu.vector_load %arg13[%get3A_645, %get3A_646] {strides = array<i32>} : memref<64x768xf32, #tpu.memory_space<vmem>>, vector<16xf32>,
      %mul3A_648 = arith.mulf %gather3A, %get3A_644 : vector<16xf32>
      %mul3A_649 = arith.mulf %gather3A_115, %get3A_647 : vector<16xf32>
      %add3A_650 = arith.addf %mul3A_648, %mul3A_649 : vector<16xf32>
      %swap3A_651 = arith.index_cast %scan3A_114 : i32 to index
      %swap3A_652 = arith.constant 704 : index
      %swap3A_653 = tpu.vector_load %arg12[%swap3A_651, %swap3A_652] {strides = array<i32>} : memref<64x768xf32, #tpu.memory_space<vmem>>, vector<16xf32>,
      tpu.vector_store %arg12[%swap3A_651, %swap3A_652], %add3A_650 {strides = array<i32>} : memref<64x768xf32, #tpu.memory_space<vmem>>, vector<16xf32>,
      %get3A_654 = arith.index_cast %scan3A_114 : i32 to index
      %get3A_655 = arith.constant 720 : index
      %get3A_656 = tpu.vector_load %arg12[%get3A_654, %get3A_655] {strides = array<i32>} : memref<64x768xf32, #tpu.memory_space<vmem>>, vector<16xf32>,
      %get3A_657 = arith.index_cast %scan3A_114 : i32 to index
      %get3A_658 = arith.constant 720 : index
      %get3A_659 = tpu.vector_load %arg13[%get3A_657, %get3A_658] {strides = array<i32>} : memref<64x768xf32, #tpu.memory_space<vmem>>, vector<16xf32>,
      %mul3A_660 = arith.mulf %gather3A, %get3A_656 : vector<16xf32>
      %mul3A_661 = arith.mulf %gather3A_115, %get3A_659 : vector<16xf32>
      %add3A_662 = arith.addf %mul3A_660, %mul3A_661 : vector<16xf32>
      %swap3A_663 = arith.index_cast %scan3A_114 : i32 to index
      %swap3A_664 = arith.constant 720 : index
      %swap3A_665 = tpu.vector_load %arg12[%swap3A_663, %swap3A_664] {strides = array<i32>} : memref<64x768xf32, #tpu.memory_space<vmem>>, vector<16xf32>,
      tpu.vector_store %arg12[%swap3A_663, %swap3A_664], %add3A_662 {strides = array<i32>} : memref<64x768xf32, #tpu.memory_space<vmem>>, vector<16xf32>,
      %get3A_666 = arith.index_cast %scan3A_114 : i32 to index
      %get3A_667 = arith.constant 736 : index
      %get3A_668 = tpu.vector_load %arg12[%get3A_666, %get3A_667] {strides = array<i32>} : memref<64x768xf32, #tpu.memory_space<vmem>>, vector<16xf32>,
      %get3A_669 = arith.index_cast %scan3A_114 : i32 to index
      %get3A_670 = arith.constant 736 : index
      %get3A_671 = tpu.vector_load %arg13[%get3A_669, %get3A_670] {strides = array<i32>} : memref<64x768xf32, #tpu.memory_space<vmem>>, vector<16xf32>,
      %mul3A_672 = arith.mulf %gather3A, %get3A_668 : vector<16xf32>
      %mul3A_673 = arith.mulf %gather3A_115, %get3A_671 : vector<16xf32>
      %add3A_674 = arith.addf %mul3A_672, %mul3A_673 : vector<16xf32>
      %swap3A_675 = arith.index_cast %scan3A_114 : i32 to index
      %swap3A_676 = arith.constant 736 : index
      %swap3A_677 = tpu.vector_load %arg12[%swap3A_675, %swap3A_676] {strides = array<i32>} : memref<64x768xf32, #tpu.memory_space<vmem>>, vector<16xf32>,
      tpu.vector_store %arg12[%swap3A_675, %swap3A_676], %add3A_674 {strides = array<i32>} : memref<64x768xf32, #tpu.memory_space<vmem>>, vector<16xf32>,
      %get3A_678 = arith.index_cast %scan3A_114 : i32 to index
      %get3A_679 = arith.constant 752 : index
      %get3A_680 = tpu.vector_load %arg12[%get3A_678, %get3A_679] {strides = array<i32>} : memref<64x768xf32, #tpu.memory_space<vmem>>, vector<16xf32>,
      %get3A_681 = arith.index_cast %scan3A_114 : i32 to index
      %get3A_682 = arith.constant 752 : index
      %get3A_683 = tpu.vector_load %arg13[%get3A_681, %get3A_682] {strides = array<i32>} : memref<64x768xf32, #tpu.memory_space<vmem>>, vector<16xf32>,
      %mul3A_684 = arith.mulf %gather3A, %get3A_680 : vector<16xf32>
      %mul3A_685 = arith.mulf %gather3A_115, %get3A_683 : vector<16xf32>
      %add3A_686 = arith.addf %mul3A_684, %mul3A_685 : vector<16xf32>
      %swap3A_687 = arith.index_cast %scan3A_114 : i32 to index
      %swap3A_688 = arith.constant 752 : index
      %swap3A_689 = tpu.vector_load %arg12[%swap3A_687, %swap3A_688] {strides = array<i32>} : memref<64x768xf32, #tpu.memory_space<vmem>>, vector<16xf32>,
      tpu.vector_store %arg12[%swap3A_687, %swap3A_688], %add3A_686 {strides = array<i32>} : memref<64x768xf32, #tpu.memory_space<vmem>>, vector<16xf32>,
    }
    %scan3A_69 = arith.constant 32 : i32
    %dma_start3A_70 = arith.constant 0 : i32
    %dma_start3A_71 = arith.constant 0 : i32
    %dma_start3A_72 = tpu.memref_slice %arg12[%dma_start3A_70, %dma_start3A_71] : memref<64x768xf32, #tpu.memory_space<vmem>> -> memref<32x768xf32, #tpu.memory_space<vmem>>
    %dma_start3A_73 = arith.constant 0 : i32
    %dma_start3A_74 = tpu.memref_slice %arg7[%mul3A_2, %dma_start3A_73] : memref<2048x768xf32, #tpu.memory_space<hbm>> -> memref<32x768xf32, #tpu.memory_space<hbm>>
    %dma_start3A_75 = arith.constant 0 : i32
    %dma_start3A_76 = tpu.memref_slice %arg7[%mul3A_2, %dma_start3A_75] : memref<2048x768xf32, #tpu.memory_space<hbm>> -> memref<32x768xf32, #tpu.memory_space<hbm>>
    %dma_start3A_77 = arith.constant 0 : i32
    %dma_start3A_78 = arith.constant 0 : i32
    %dma_start3A_79 = tpu.memref_slice %arg12[%dma_start3A_77, %dma_start3A_78] : memref<64x768xf32, #tpu.memory_space<vmem>> -> memref<32x768xf32, #tpu.memory_space<vmem>>
    tpu.enqueue_dma source(%dma_start3A_79 : memref<32x768xf32, #tpu.memory_space<vmem>>) target(%dma_start3A_76 : memref<32x768xf32, #tpu.memory_space<hbm>>) target_semaphore(%arg14 : memref<!tpu.dma_semaphore, #tpu.memory_space<semaphore_mem>>)
    %dma_wait3A_80 = arith.constant 32 : i32
    %dma_wait3A_81 = arith.constant 0 : i32
    %dma_wait3A_82 = tpu.memref_slice %arg12[%dma_wait3A_80, %dma_wait3A_81] : memref<64x768xf32, #tpu.memory_space<vmem>> -> memref<32x768xf32, #tpu.memory_space<vmem>>
    %dma_wait3A_83 = arith.constant 32 : i32
    %dma_wait3A_84 = tpu.memref_slice %arg8[%dma_wait3A_83] : memref<64xi32, #tpu.memory_space<vmem>> -> memref<32xi32, #tpu.memory_space<vmem>>
    %dma_wait3A_85 = arith.constant 0 : i32
    %dma_wait3A_86 = arith.constant 0 : i32
    %dma_wait3A_87 = tpu.memref_slice %arg2[%dma_wait3A_85, %dma_wait3A_86] : memref<4608x768xf32, #tpu.memory_space<hbm>> -> memref<4608x768xf32, #tpu.memory_space<hbm>>
    tpu.wait_indirect_dma semaphore(%arg15 : memref<!tpu.dma_semaphore, #tpu.memory_space<semaphore_mem>>) src(%dma_wait3A_87 : memref<4608x768xf32, #tpu.memory_space<hbm>>) dst(%dma_wait3A_82 : memref<32x768xf32, #tpu.memory_space<vmem>>)
    %dma_wait3A_88 = arith.constant 32 : i32
    %dma_wait3A_89 = arith.constant 0 : i32
    %dma_wait3A_90 = tpu.memref_slice %arg13[%dma_wait3A_88, %dma_wait3A_89] : memref<64x768xf32, #tpu.memory_space<vmem>> -> memref<32x768xf32, #tpu.memory_space<vmem>>
    %dma_wait3A_91 = arith.constant 32 : i32
    %dma_wait3A_92 = tpu.memref_slice %arg9[%dma_wait3A_91] : memref<64xi32, #tpu.memory_space<vmem>> -> memref<32xi32, #tpu.memory_space<vmem>>
    %dma_wait3A_93 = arith.constant 0 : i32
    %dma_wait3A_94 = arith.constant 0 : i32
    %dma_wait3A_95 = tpu.memref_slice %arg2[%dma_wait3A_93, %dma_wait3A_94] : memref<4608x768xf32, #tpu.memory_space<hbm>> -> memref<4608x768xf32, #tpu.memory_space<hbm>>
    tpu.wait_indirect_dma semaphore(%arg15 : memref<!tpu.dma_semaphore, #tpu.memory_space<semaphore_mem>>) src(%dma_wait3A_95 : memref<4608x768xf32, #tpu.memory_space<hbm>>) dst(%dma_wait3A_90 : memref<32x768xf32, #tpu.memory_space<vmem>>)
    %scan3A_96 = arith.constant 0 : i32
    %scan3A_97 = arith.constant 32 : i32
    %scan3A_98 = arith.constant 32 : i32
    %scan3A_99 = arith.addi %scan3A_97, %scan3A_98 : i32
    %scan3A_100 = arith.constant 1 : i32
    scf.for %scan3A_114 = %scan3A_97 to %scan3A_99 step %scan3A_100  : i32 {
      %broadcast_in_dim3A = vector.broadcast %scan3A_114 : i32 to vector<16xi32>
      %gather3A = tpu.vector_load_idx %arg10[%broadcast_in_dim3A] : memref<64xf32, #tpu.memory_space<vmem>>[vector<16xi32>], vector<16xf32>,
      %gather3A_115 = tpu.vector_load_idx %arg11[%broadcast_in_dim3A] : memref<64xf32, #tpu.memory_space<vmem>>[vector<16xi32>], vector<16xf32>,
      %get3A = arith.index_cast %scan3A_114 : i32 to index
      %get3A_116 = arith.constant 0 : index
      %get3A_117 = tpu.vector_load %arg12[%get3A, %get3A_116] {strides = array<i32>} : memref<64x768xf32, #tpu.memory_space<vmem>>, vector<16xf32>,
      %get3A_118 = arith.index_cast %scan3A_114 : i32 to index
      %get3A_119 = arith.constant 0 : index
      %get3A_120 = tpu.vector_load %arg13[%get3A_118, %get3A_119] {strides = array<i32>} : memref<64x768xf32, #tpu.memory_space<vmem>>, vector<16xf32>,
      %mul3A_121 = arith.mulf %gather3A, %get3A_117 : vector<16xf32>
      %mul3A_122 = arith.mulf %gather3A_115, %get3A_120 : vector<16xf32>
      %add3A_123 = arith.addf %mul3A_121, %mul3A_122 : vector<16xf32>
      %swap3A = arith.index_cast %scan3A_114 : i32 to index
      %swap3A_124 = arith.constant 0 : index
      %swap3A_125 = tpu.vector_load %arg12[%swap3A, %swap3A_124] {strides = array<i32>} : memref<64x768xf32, #tpu.memory_space<vmem>>, vector<16xf32>,
      tpu.vector_store %arg12[%swap3A, %swap3A_124], %add3A_123 {strides = array<i32>} : memref<64x768xf32, #tpu.memory_space<vmem>>, vector<16xf32>,
      %get3A_126 = arith.index_cast %scan3A_114 : i32 to index
      %get3A_127 = arith.constant 16 : index
      %get3A_128 = tpu.vector_load %arg12[%get3A_126, %get3A_127] {strides = array<i32>} : memref<64x768xf32, #tpu.memory_space<vmem>>, vector<16xf32>,
      %get3A_129 = arith.index_cast %scan3A_114 : i32 to index
      %get3A_130 = arith.constant 16 : index
      %get3A_131 = tpu.vector_load %arg13[%get3A_129, %get3A_130] {strides = array<i32>} : memref<64x768xf32, #tpu.memory_space<vmem>>, vector<16xf32>,
      %mul3A_132 = arith.mulf %gather3A, %get3A_128 : vector<16xf32>
      %mul3A_133 = arith.mulf %gather3A_115, %get3A_131 : vector<16xf32>
      %add3A_134 = arith.addf %mul3A_132, %mul3A_133 : vector<16xf32>
      %swap3A_135 = arith.index_cast %scan3A_114 : i32 to index
      %swap3A_136 = arith.constant 16 : index
      %swap3A_137 = tpu.vector_load %arg12[%swap3A_135, %swap3A_136] {strides = array<i32>} : memref<64x768xf32, #tpu.memory_space<vmem>>, vector<16xf32>,
      tpu.vector_store %arg12[%swap3A_135, %swap3A_136], %add3A_134 {strides = array<i32>} : memref<64x768xf32, #tpu.memory_space<vmem>>, vector<16xf32>,
      %get3A_138 = arith.index_cast %scan3A_114 : i32 to index
      %get3A_139 = arith.constant 32 : index
      %get3A_140 = tpu.vector_load %arg12[%get3A_138, %get3A_139] {strides = array<i32>} : memref<64x768xf32, #tpu.memory_space<vmem>>, vector<16xf32>,
      %get3A_141 = arith.index_cast %scan3A_114 : i32 to index
      %get3A_142 = arith.constant 32 : index
      %get3A_143 = tpu.vector_load %arg13[%get3A_141, %get3A_142] {strides = array<i32>} : memref<64x768xf32, #tpu.memory_space<vmem>>, vector<16xf32>,
      %mul3A_144 = arith.mulf %gather3A, %get3A_140 : vector<16xf32>
      %mul3A_145 = arith.mulf %gather3A_115, %get3A_143 : vector<16xf32>
      %add3A_146 = arith.addf %mul3A_144, %mul3A_145 : vector<16xf32>
      %swap3A_147 = arith.index_cast %scan3A_114 : i32 to index
      %swap3A_148 = arith.constant 32 : index
      %swap3A_149 = tpu.vector_load %arg12[%swap3A_147, %swap3A_148] {strides = array<i32>} : memref<64x768xf32, #tpu.memory_space<vmem>>, vector<16xf32>,
      tpu.vector_store %arg12[%swap3A_147, %swap3A_148], %add3A_146 {strides = array<i32>} : memref<64x768xf32, #tpu.memory_space<vmem>>, vector<16xf32>,
      %get3A_150 = arith.index_cast %scan3A_114 : i32 to index
      %get3A_151 = arith.constant 48 : index
      %get3A_152 = tpu.vector_load %arg12[%get3A_150, %get3A_151] {strides = array<i32>} : memref<64x768xf32, #tpu.memory_space<vmem>>, vector<16xf32>,
      %get3A_153 = arith.index_cast %scan3A_114 : i32 to index
      %get3A_154 = arith.constant 48 : index
      %get3A_155 = tpu.vector_load %arg13[%get3A_153, %get3A_154] {strides = array<i32>} : memref<64x768xf32, #tpu.memory_space<vmem>>, vector<16xf32>,
      %mul3A_156 = arith.mulf %gather3A, %get3A_152 : vector<16xf32>
      %mul3A_157 = arith.mulf %gather3A_115, %get3A_155 : vector<16xf32>
      %add3A_158 = arith.addf %mul3A_156, %mul3A_157 : vector<16xf32>
      %swap3A_159 = arith.index_cast %scan3A_114 : i32 to index
      %swap3A_160 = arith.constant 48 : index
      %swap3A_161 = tpu.vector_load %arg12[%swap3A_159, %swap3A_160] {strides = array<i32>} : memref<64x768xf32, #tpu.memory_space<vmem>>, vector<16xf32>,
      tpu.vector_store %arg12[%swap3A_159, %swap3A_160], %add3A_158 {strides = array<i32>} : memref<64x768xf32, #tpu.memory_space<vmem>>, vector<16xf32>,
      %get3A_162 = arith.index_cast %scan3A_114 : i32 to index
      %get3A_163 = arith.constant 64 : index
      %get3A_164 = tpu.vector_load %arg12[%get3A_162, %get3A_163] {strides = array<i32>} : memref<64x768xf32, #tpu.memory_space<vmem>>, vector<16xf32>,
      %get3A_165 = arith.index_cast %scan3A_114 : i32 to index
      %get3A_166 = arith.constant 64 : index
      %get3A_167 = tpu.vector_load %arg13[%get3A_165, %get3A_166] {strides = array<i32>} : memref<64x768xf32, #tpu.memory_space<vmem>>, vector<16xf32>,
      %mul3A_168 = arith.mulf %gather3A, %get3A_164 : vector<16xf32>
      %mul3A_169 = arith.mulf %gather3A_115, %get3A_167 : vector<16xf32>
      %add3A_170 = arith.addf %mul3A_168, %mul3A_169 : vector<16xf32>
      %swap3A_171 = arith.index_cast %scan3A_114 : i32 to index
      %swap3A_172 = arith.constant 64 : index
      %swap3A_173 = tpu.vector_load %arg12[%swap3A_171, %swap3A_172] {strides = array<i32>} : memref<64x768xf32, #tpu.memory_space<vmem>>, vector<16xf32>,
      tpu.vector_store %arg12[%swap3A_171, %swap3A_172], %add3A_170 {strides = array<i32>} : memref<64x768xf32, #tpu.memory_space<vmem>>, vector<16xf32>,
      %get3A_174 = arith.index_cast %scan3A_114 : i32 to index
      %get3A_175 = arith.constant 80 : index
      %get3A_176 = tpu.vector_load %arg12[%get3A_174, %get3A_175] {strides = array<i32>} : memref<64x768xf32, #tpu.memory_space<vmem>>, vector<16xf32>,
      %get3A_177 = arith.index_cast %scan3A_114 : i32 to index
      %get3A_178 = arith.constant 80 : index
      %get3A_179 = tpu.vector_load %arg13[%get3A_177, %get3A_178] {strides = array<i32>} : memref<64x768xf32, #tpu.memory_space<vmem>>, vector<16xf32>,
      %mul3A_180 = arith.mulf %gather3A, %get3A_176 : vector<16xf32>
      %mul3A_181 = arith.mulf %gather3A_115, %get3A_179 : vector<16xf32>
      %add3A_182 = arith.addf %mul3A_180, %mul3A_181 : vector<16xf32>
      %swap3A_183 = arith.index_cast %scan3A_114 : i32 to index
      %swap3A_184 = arith.constant 80 : index
      %swap3A_185 = tpu.vector_load %arg12[%swap3A_183, %swap3A_184] {strides = array<i32>} : memref<64x768xf32, #tpu.memory_space<vmem>>, vector<16xf32>,
      tpu.vector_store %arg12[%swap3A_183, %swap3A_184], %add3A_182 {strides = array<i32>} : memref<64x768xf32, #tpu.memory_space<vmem>>, vector<16xf32>,
      %get3A_186 = arith.index_cast %scan3A_114 : i32 to index
      %get3A_187 = arith.constant 96 : index
      %get3A_188 = tpu.vector_load %arg12[%get3A_186, %get3A_187] {strides = array<i32>} : memref<64x768xf32, #tpu.memory_space<vmem>>, vector<16xf32>,
      %get3A_189 = arith.index_cast %scan3A_114 : i32 to index
      %get3A_190 = arith.constant 96 : index
      %get3A_191 = tpu.vector_load %arg13[%get3A_189, %get3A_190] {strides = array<i32>} : memref<64x768xf32, #tpu.memory_space<vmem>>, vector<16xf32>,
      %mul3A_192 = arith.mulf %gather3A, %get3A_188 : vector<16xf32>
      %mul3A_193 = arith.mulf %gather3A_115, %get3A_191 : vector<16xf32>
      %add3A_194 = arith.addf %mul3A_192, %mul3A_193 : vector<16xf32>
      %swap3A_195 = arith.index_cast %scan3A_114 : i32 to index
      %swap3A_196 = arith.constant 96 : index
      %swap3A_197 = tpu.vector_load %arg12[%swap3A_195, %swap3A_196] {strides = array<i32>} : memref<64x768xf32, #tpu.memory_space<vmem>>, vector<16xf32>,
      tpu.vector_store %arg12[%swap3A_195, %swap3A_196], %add3A_194 {strides = array<i32>} : memref<64x768xf32, #tpu.memory_space<vmem>>, vector<16xf32>,
      %get3A_198 = arith.index_cast %scan3A_114 : i32 to index
      %get3A_199 = arith.constant 112 : index
      %get3A_200 = tpu.vector_load %arg12[%get3A_198, %get3A_199] {strides = array<i32>} : memref<64x768xf32, #tpu.memory_space<vmem>>, vector<16xf32>,
      %get3A_201 = arith.index_cast %scan3A_114 : i32 to index
      %get3A_202 = arith.constant 112 : index
      %get3A_203 = tpu.vector_load %arg13[%get3A_201, %get3A_202] {strides = array<i32>} : memref<64x768xf32, #tpu.memory_space<vmem>>, vector<16xf32>,
      %mul3A_204 = arith.mulf %gather3A, %get3A_200 : vector<16xf32>
      %mul3A_205 = arith.mulf %gather3A_115, %get3A_203 : vector<16xf32>
      %add3A_206 = arith.addf %mul3A_204, %mul3A_205 : vector<16xf32>
      %swap3A_207 = arith.index_cast %scan3A_114 : i32 to index
      %swap3A_208 = arith.constant 112 : index
      %swap3A_209 = tpu.vector_load %arg12[%swap3A_207, %swap3A_208] {strides = array<i32>} : memref<64x768xf32, #tpu.memory_space<vmem>>, vector<16xf32>,
      tpu.vector_store %arg12[%swap3A_207, %swap3A_208], %add3A_206 {strides = array<i32>} : memref<64x768xf32, #tpu.memory_space<vmem>>, vector<16xf32>,
      %get3A_210 = arith.index_cast %scan3A_114 : i32 to index
      %get3A_211 = arith.constant 128 : index
      %get3A_212 = tpu.vector_load %arg12[%get3A_210, %get3A_211] {strides = array<i32>} : memref<64x768xf32, #tpu.memory_space<vmem>>, vector<16xf32>,
      %get3A_213 = arith.index_cast %scan3A_114 : i32 to index
      %get3A_214 = arith.constant 128 : index
      %get3A_215 = tpu.vector_load %arg13[%get3A_213, %get3A_214] {strides = array<i32>} : memref<64x768xf32, #tpu.memory_space<vmem>>, vector<16xf32>,
      %mul3A_216 = arith.mulf %gather3A, %get3A_212 : vector<16xf32>
      %mul3A_217 = arith.mulf %gather3A_115, %get3A_215 : vector<16xf32>
      %add3A_218 = arith.addf %mul3A_216, %mul3A_217 : vector<16xf32>
      %swap3A_219 = arith.index_cast %scan3A_114 : i32 to index
      %swap3A_220 = arith.constant 128 : index
      %swap3A_221 = tpu.vector_load %arg12[%swap3A_219, %swap3A_220] {strides = array<i32>} : memref<64x768xf32, #tpu.memory_space<vmem>>, vector<16xf32>,
      tpu.vector_store %arg12[%swap3A_219, %swap3A_220], %add3A_218 {strides = array<i32>} : memref<64x768xf32, #tpu.memory_space<vmem>>, vector<16xf32>,
      %get3A_222 = arith.index_cast %scan3A_114 : i32 to index
      %get3A_223 = arith.constant 144 : index
      %get3A_224 = tpu.vector_load %arg12[%get3A_222, %get3A_223] {strides = array<i32>} : memref<64x768xf32, #tpu.memory_space<vmem>>, vector<16xf32>,
      %get3A_225 = arith.index_cast %scan3A_114 : i32 to index
      %get3A_226 = arith.constant 144 : index
      %get3A_227 = tpu.vector_load %arg13[%get3A_225, %get3A_226] {strides = array<i32>} : memref<64x768xf32, #tpu.memory_space<vmem>>, vector<16xf32>,
      %mul3A_228 = arith.mulf %gather3A, %get3A_224 : vector<16xf32>
      %mul3A_229 = arith.mulf %gather3A_115, %get3A_227 : vector<16xf32>
      %add3A_230 = arith.addf %mul3A_228, %mul3A_229 : vector<16xf32>
      %swap3A_231 = arith.index_cast %scan3A_114 : i32 to index
      %swap3A_232 = arith.constant 144 : index
      %swap3A_233 = tpu.vector_load %arg12[%swap3A_231, %swap3A_232] {strides = array<i32>} : memref<64x768xf32, #tpu.memory_space<vmem>>, vector<16xf32>,
      tpu.vector_store %arg12[%swap3A_231, %swap3A_232], %add3A_230 {strides = array<i32>} : memref<64x768xf32, #tpu.memory_space<vmem>>, vector<16xf32>,
      %get3A_234 = arith.index_cast %scan3A_114 : i32 to index
      %get3A_235 = arith.constant 160 : index
      %get3A_236 = tpu.vector_load %arg12[%get3A_234, %get3A_235] {strides = array<i32>} : memref<64x768xf32, #tpu.memory_space<vmem>>, vector<16xf32>,
      %get3A_237 = arith.index_cast %scan3A_114 : i32 to index
      %get3A_238 = arith.constant 160 : index
      %get3A_239 = tpu.vector_load %arg13[%get3A_237, %get3A_238] {strides = array<i32>} : memref<64x768xf32, #tpu.memory_space<vmem>>, vector<16xf32>,
      %mul3A_240 = arith.mulf %gather3A, %get3A_236 : vector<16xf32>
      %mul3A_241 = arith.mulf %gather3A_115, %get3A_239 : vector<16xf32>
      %add3A_242 = arith.addf %mul3A_240, %mul3A_241 : vector<16xf32>
      %swap3A_243 = arith.index_cast %scan3A_114 : i32 to index
      %swap3A_244 = arith.constant 160 : index
      %swap3A_245 = tpu.vector_load %arg12[%swap3A_243, %swap3A_244] {strides = array<i32>} : memref<64x768xf32, #tpu.memory_space<vmem>>, vector<16xf32>,
      tpu.vector_store %arg12[%swap3A_243, %swap3A_244], %add3A_242 {strides = array<i32>} : memref<64x768xf32, #tpu.memory_space<vmem>>, vector<16xf32>,
      %get3A_246 = arith.index_cast %scan3A_114 : i32 to index
      %get3A_247 = arith.constant 176 : index
      %get3A_248 = tpu.vector_load %arg12[%get3A_246, %get3A_247] {strides = array<i32>} : memref<64x768xf32, #tpu.memory_space<vmem>>, vector<16xf32>,
      %get3A_249 = arith.index_cast %scan3A_114 : i32 to index
      %get3A_250 = arith.constant 176 : index
      %get3A_251 = tpu.vector_load %arg13[%get3A_249, %get3A_250] {strides = array<i32>} : memref<64x768xf32, #tpu.memory_space<vmem>>, vector<16xf32>,
      %mul3A_252 = arith.mulf %gather3A, %get3A_248 : vector<16xf32>
      %mul3A_253 = arith.mulf %gather3A_115, %get3A_251 : vector<16xf32>
      %add3A_254 = arith.addf %mul3A_252, %mul3A_253 : vector<16xf32>
      %swap3A_255 = arith.index_cast %scan3A_114 : i32 to index
      %swap3A_256 = arith.constant 176 : index
      %swap3A_257 = tpu.vector_load %arg12[%swap3A_255, %swap3A_256] {strides = array<i32>} : memref<64x768xf32, #tpu.memory_space<vmem>>, vector<16xf32>,
      tpu.vector_store %arg12[%swap3A_255, %swap3A_256], %add3A_254 {strides = array<i32>} : memref<64x768xf32, #tpu.memory_space<vmem>>, vector<16xf32>,
      %get3A_258 = arith.index_cast %scan3A_114 : i32 to index
      %get3A_259 = arith.constant 192 : index
      %get3A_260 = tpu.vector_load %arg12[%get3A_258, %get3A_259] {strides = array<i32>} : memref<64x768xf32, #tpu.memory_space<vmem>>, vector<16xf32>,
      %get3A_261 = arith.index_cast %scan3A_114 : i32 to index
      %get3A_262 = arith.constant 192 : index
      %get3A_263 = tpu.vector_load %arg13[%get3A_261, %get3A_262] {strides = array<i32>} : memref<64x768xf32, #tpu.memory_space<vmem>>, vector<16xf32>,
      %mul3A_264 = arith.mulf %gather3A, %get3A_260 : vector<16xf32>
      %mul3A_265 = arith.mulf %gather3A_115, %get3A_263 : vector<16xf32>
      %add3A_266 = arith.addf %mul3A_264, %mul3A_265 : vector<16xf32>
      %swap3A_267 = arith.index_cast %scan3A_114 : i32 to index
      %swap3A_268 = arith.constant 192 : index
      %swap3A_269 = tpu.vector_load %arg12[%swap3A_267, %swap3A_268] {strides = array<i32>} : memref<64x768xf32, #tpu.memory_space<vmem>>, vector<16xf32>,
      tpu.vector_store %arg12[%swap3A_267, %swap3A_268], %add3A_266 {strides = array<i32>} : memref<64x768xf32, #tpu.memory_space<vmem>>, vector<16xf32>,
      %get3A_270 = arith.index_cast %scan3A_114 : i32 to index
      %get3A_271 = arith.constant 208 : index
      %get3A_272 = tpu.vector_load %arg12[%get3A_270, %get3A_271] {strides = array<i32>} : memref<64x768xf32, #tpu.memory_space<vmem>>, vector<16xf32>,
      %get3A_273 = arith.index_cast %scan3A_114 : i32 to index
      %get3A_274 = arith.constant 208 : index
      %get3A_275 = tpu.vector_load %arg13[%get3A_273, %get3A_274] {strides = array<i32>} : memref<64x768xf32, #tpu.memory_space<vmem>>, vector<16xf32>,
      %mul3A_276 = arith.mulf %gather3A, %get3A_272 : vector<16xf32>
      %mul3A_277 = arith.mulf %gather3A_115, %get3A_275 : vector<16xf32>
      %add3A_278 = arith.addf %mul3A_276, %mul3A_277 : vector<16xf32>
      %swap3A_279 = arith.index_cast %scan3A_114 : i32 to index
      %swap3A_280 = arith.constant 208 : index
      %swap3A_281 = tpu.vector_load %arg12[%swap3A_279, %swap3A_280] {strides = array<i32>} : memref<64x768xf32, #tpu.memory_space<vmem>>, vector<16xf32>,
      tpu.vector_store %arg12[%swap3A_279, %swap3A_280], %add3A_278 {strides = array<i32>} : memref<64x768xf32, #tpu.memory_space<vmem>>, vector<16xf32>,
      %get3A_282 = arith.index_cast %scan3A_114 : i32 to index
      %get3A_283 = arith.constant 224 : index
      %get3A_284 = tpu.vector_load %arg12[%get3A_282, %get3A_283] {strides = array<i32>} : memref<64x768xf32, #tpu.memory_space<vmem>>, vector<16xf32>,
      %get3A_285 = arith.index_cast %scan3A_114 : i32 to index
      %get3A_286 = arith.constant 224 : index
      %get3A_287 = tpu.vector_load %arg13[%get3A_285, %get3A_286] {strides = array<i32>} : memref<64x768xf32, #tpu.memory_space<vmem>>, vector<16xf32>,
      %mul3A_288 = arith.mulf %gather3A, %get3A_284 : vector<16xf32>
      %mul3A_289 = arith.mulf %gather3A_115, %get3A_287 : vector<16xf32>
      %add3A_290 = arith.addf %mul3A_288, %mul3A_289 : vector<16xf32>
      %swap3A_291 = arith.index_cast %scan3A_114 : i32 to index
      %swap3A_292 = arith.constant 224 : index
      %swap3A_293 = tpu.vector_load %arg12[%swap3A_291, %swap3A_292] {strides = array<i32>} : memref<64x768xf32, #tpu.memory_space<vmem>>, vector<16xf32>,
      tpu.vector_store %arg12[%swap3A_291, %swap3A_292], %add3A_290 {strides = array<i32>} : memref<64x768xf32, #tpu.memory_space<vmem>>, vector<16xf32>,
      %get3A_294 = arith.index_cast %scan3A_114 : i32 to index
      %get3A_295 = arith.constant 240 : index
      %get3A_296 = tpu.vector_load %arg12[%get3A_294, %get3A_295] {strides = array<i32>} : memref<64x768xf32, #tpu.memory_space<vmem>>, vector<16xf32>,
      %get3A_297 = arith.index_cast %scan3A_114 : i32 to index
      %get3A_298 = arith.constant 240 : index
      %get3A_299 = tpu.vector_load %arg13[%get3A_297, %get3A_298] {strides = array<i32>} : memref<64x768xf32, #tpu.memory_space<vmem>>, vector<16xf32>,
      %mul3A_300 = arith.mulf %gather3A, %get3A_296 : vector<16xf32>
      %mul3A_301 = arith.mulf %gather3A_115, %get3A_299 : vector<16xf32>
      %add3A_302 = arith.addf %mul3A_300, %mul3A_301 : vector<16xf32>
      %swap3A_303 = arith.index_cast %scan3A_114 : i32 to index
      %swap3A_304 = arith.constant 240 : index
      %swap3A_305 = tpu.vector_load %arg12[%swap3A_303, %swap3A_304] {strides = array<i32>} : memref<64x768xf32, #tpu.memory_space<vmem>>, vector<16xf32>,
      tpu.vector_store %arg12[%swap3A_303, %swap3A_304], %add3A_302 {strides = array<i32>} : memref<64x768xf32, #tpu.memory_space<vmem>>, vector<16xf32>,
      %get3A_306 = arith.index_cast %scan3A_114 : i32 to index
      %get3A_307 = arith.constant 256 : index
      %get3A_308 = tpu.vector_load %arg12[%get3A_306, %get3A_307] {strides = array<i32>} : memref<64x768xf32, #tpu.memory_space<vmem>>, vector<16xf32>,
      %get3A_309 = arith.index_cast %scan3A_114 : i32 to index
      %get3A_310 = arith.constant 256 : index
      %get3A_311 = tpu.vector_load %arg13[%get3A_309, %get3A_310] {strides = array<i32>} : memref<64x768xf32, #tpu.memory_space<vmem>>, vector<16xf32>,
      %mul3A_312 = arith.mulf %gather3A, %get3A_308 : vector<16xf32>
      %mul3A_313 = arith.mulf %gather3A_115, %get3A_311 : vector<16xf32>
      %add3A_314 = arith.addf %mul3A_312, %mul3A_313 : vector<16xf32>
      %swap3A_315 = arith.index_cast %scan3A_114 : i32 to index
      %swap3A_316 = arith.constant 256 : index
      %swap3A_317 = tpu.vector_load %arg12[%swap3A_315, %swap3A_316] {strides = array<i32>} : memref<64x768xf32, #tpu.memory_space<vmem>>, vector<16xf32>,
      tpu.vector_store %arg12[%swap3A_315, %swap3A_316], %add3A_314 {strides = array<i32>} : memref<64x768xf32, #tpu.memory_space<vmem>>, vector<16xf32>,
      %get3A_318 = arith.index_cast %scan3A_114 : i32 to index
      %get3A_319 = arith.constant 272 : index
      %get3A_320 = tpu.vector_load %arg12[%get3A_318, %get3A_319] {strides = array<i32>} : memref<64x768xf32, #tpu.memory_space<vmem>>, vector<16xf32>,
      %get3A_321 = arith.index_cast %scan3A_114 : i32 to index
      %get3A_322 = arith.constant 272 : index
      %get3A_323 = tpu.vector_load %arg13[%get3A_321, %get3A_322] {strides = array<i32>} : memref<64x768xf32, #tpu.memory_space<vmem>>, vector<16xf32>,
      %mul3A_324 = arith.mulf %gather3A, %get3A_320 : vector<16xf32>
      %mul3A_325 = arith.mulf %gather3A_115, %get3A_323 : vector<16xf32>
      %add3A_326 = arith.addf %mul3A_324, %mul3A_325 : vector<16xf32>
      %swap3A_327 = arith.index_cast %scan3A_114 : i32 to index
      %swap3A_328 = arith.constant 272 : index
      %swap3A_329 = tpu.vector_load %arg12[%swap3A_327, %swap3A_328] {strides = array<i32>} : memref<64x768xf32, #tpu.memory_space<vmem>>, vector<16xf32>,
      tpu.vector_store %arg12[%swap3A_327, %swap3A_328], %add3A_326 {strides = array<i32>} : memref<64x768xf32, #tpu.memory_space<vmem>>, vector<16xf32>,
      %get3A_330 = arith.index_cast %scan3A_114 : i32 to index
      %get3A_331 = arith.constant 288 : index
      %get3A_332 = tpu.vector_load %arg12[%get3A_330, %get3A_331] {strides = array<i32>} : memref<64x768xf32, #tpu.memory_space<vmem>>, vector<16xf32>,
      %get3A_333 = arith.index_cast %scan3A_114 : i32 to index
      %get3A_334 = arith.constant 288 : index
      %get3A_335 = tpu.vector_load %arg13[%get3A_333, %get3A_334] {strides = array<i32>} : memref<64x768xf32, #tpu.memory_space<vmem>>, vector<16xf32>,
      %mul3A_336 = arith.mulf %gather3A, %get3A_332 : vector<16xf32>
      %mul3A_337 = arith.mulf %gather3A_115, %get3A_335 : vector<16xf32>
      %add3A_338 = arith.addf %mul3A_336, %mul3A_337 : vector<16xf32>
      %swap3A_339 = arith.index_cast %scan3A_114 : i32 to index
      %swap3A_340 = arith.constant 288 : index
      %swap3A_341 = tpu.vector_load %arg12[%swap3A_339, %swap3A_340] {strides = array<i32>} : memref<64x768xf32, #tpu.memory_space<vmem>>, vector<16xf32>,
      tpu.vector_store %arg12[%swap3A_339, %swap3A_340], %add3A_338 {strides = array<i32>} : memref<64x768xf32, #tpu.memory_space<vmem>>, vector<16xf32>,
      %get3A_342 = arith.index_cast %scan3A_114 : i32 to index
      %get3A_343 = arith.constant 304 : index
      %get3A_344 = tpu.vector_load %arg12[%get3A_342, %get3A_343] {strides = array<i32>} : memref<64x768xf32, #tpu.memory_space<vmem>>, vector<16xf32>,
      %get3A_345 = arith.index_cast %scan3A_114 : i32 to index
      %get3A_346 = arith.constant 304 : index
      %get3A_347 = tpu.vector_load %arg13[%get3A_345, %get3A_346] {strides = array<i32>} : memref<64x768xf32, #tpu.memory_space<vmem>>, vector<16xf32>,
      %mul3A_348 = arith.mulf %gather3A, %get3A_344 : vector<16xf32>
      %mul3A_349 = arith.mulf %gather3A_115, %get3A_347 : vector<16xf32>
      %add3A_350 = arith.addf %mul3A_348, %mul3A_349 : vector<16xf32>
      %swap3A_351 = arith.index_cast %scan3A_114 : i32 to index
      %swap3A_352 = arith.constant 304 : index
      %swap3A_353 = tpu.vector_load %arg12[%swap3A_351, %swap3A_352] {strides = array<i32>} : memref<64x768xf32, #tpu.memory_space<vmem>>, vector<16xf32>,
      tpu.vector_store %arg12[%swap3A_351, %swap3A_352], %add3A_350 {strides = array<i32>} : memref<64x768xf32, #tpu.memory_space<vmem>>, vector<16xf32>,
      %get3A_354 = arith.index_cast %scan3A_114 : i32 to index
      %get3A_355 = arith.constant 320 : index
      %get3A_356 = tpu.vector_load %arg12[%get3A_354, %get3A_355] {strides = array<i32>} : memref<64x768xf32, #tpu.memory_space<vmem>>, vector<16xf32>,
      %get3A_357 = arith.index_cast %scan3A_114 : i32 to index
      %get3A_358 = arith.constant 320 : index
      %get3A_359 = tpu.vector_load %arg13[%get3A_357, %get3A_358] {strides = array<i32>} : memref<64x768xf32, #tpu.memory_space<vmem>>, vector<16xf32>,
      %mul3A_360 = arith.mulf %gather3A, %get3A_356 : vector<16xf32>
      %mul3A_361 = arith.mulf %gather3A_115, %get3A_359 : vector<16xf32>
      %add3A_362 = arith.addf %mul3A_360, %mul3A_361 : vector<16xf32>
      %swap3A_363 = arith.index_cast %scan3A_114 : i32 to index
      %swap3A_364 = arith.constant 320 : index
      %swap3A_365 = tpu.vector_load %arg12[%swap3A_363, %swap3A_364] {strides = array<i32>} : memref<64x768xf32, #tpu.memory_space<vmem>>, vector<16xf32>,
      tpu.vector_store %arg12[%swap3A_363, %swap3A_364], %add3A_362 {strides = array<i32>} : memref<64x768xf32, #tpu.memory_space<vmem>>, vector<16xf32>,
      %get3A_366 = arith.index_cast %scan3A_114 : i32 to index
      %get3A_367 = arith.constant 336 : index
      %get3A_368 = tpu.vector_load %arg12[%get3A_366, %get3A_367] {strides = array<i32>} : memref<64x768xf32, #tpu.memory_space<vmem>>, vector<16xf32>,
      %get3A_369 = arith.index_cast %scan3A_114 : i32 to index
      %get3A_370 = arith.constant 336 : index
      %get3A_371 = tpu.vector_load %arg13[%get3A_369, %get3A_370] {strides = array<i32>} : memref<64x768xf32, #tpu.memory_space<vmem>>, vector<16xf32>,
      %mul3A_372 = arith.mulf %gather3A, %get3A_368 : vector<16xf32>
      %mul3A_373 = arith.mulf %gather3A_115, %get3A_371 : vector<16xf32>
      %add3A_374 = arith.addf %mul3A_372, %mul3A_373 : vector<16xf32>
      %swap3A_375 = arith.index_cast %scan3A_114 : i32 to index
      %swap3A_376 = arith.constant 336 : index
      %swap3A_377 = tpu.vector_load %arg12[%swap3A_375, %swap3A_376] {strides = array<i32>} : memref<64x768xf32, #tpu.memory_space<vmem>>, vector<16xf32>,
      tpu.vector_store %arg12[%swap3A_375, %swap3A_376], %add3A_374 {strides = array<i32>} : memref<64x768xf32, #tpu.memory_space<vmem>>, vector<16xf32>,
      %get3A_378 = arith.index_cast %scan3A_114 : i32 to index
      %get3A_379 = arith.constant 352 : index
      %get3A_380 = tpu.vector_load %arg12[%get3A_378, %get3A_379] {strides = array<i32>} : memref<64x768xf32, #tpu.memory_space<vmem>>, vector<16xf32>,
      %get3A_381 = arith.index_cast %scan3A_114 : i32 to index
      %get3A_382 = arith.constant 352 : index
      %get3A_383 = tpu.vector_load %arg13[%get3A_381, %get3A_382] {strides = array<i32>} : memref<64x768xf32, #tpu.memory_space<vmem>>, vector<16xf32>,
      %mul3A_384 = arith.mulf %gather3A, %get3A_380 : vector<16xf32>
      %mul3A_385 = arith.mulf %gather3A_115, %get3A_383 : vector<16xf32>
      %add3A_386 = arith.addf %mul3A_384, %mul3A_385 : vector<16xf32>
      %swap3A_387 = arith.index_cast %scan3A_114 : i32 to index
      %swap3A_388 = arith.constant 352 : index
      %swap3A_389 = tpu.vector_load %arg12[%swap3A_387, %swap3A_388] {strides = array<i32>} : memref<64x768xf32, #tpu.memory_space<vmem>>, vector<16xf32>,
      tpu.vector_store %arg12[%swap3A_387, %swap3A_388], %add3A_386 {strides = array<i32>} : memref<64x768xf32, #tpu.memory_space<vmem>>, vector<16xf32>,
      %get3A_390 = arith.index_cast %scan3A_114 : i32 to index
      %get3A_391 = arith.constant 368 : index
      %get3A_392 = tpu.vector_load %arg12[%get3A_390, %get3A_391] {strides = array<i32>} : memref<64x768xf32, #tpu.memory_space<vmem>>, vector<16xf32>,
      %get3A_393 = arith.index_cast %scan3A_114 : i32 to index
      %get3A_394 = arith.constant 368 : index
      %get3A_395 = tpu.vector_load %arg13[%get3A_393, %get3A_394] {strides = array<i32>} : memref<64x768xf32, #tpu.memory_space<vmem>>, vector<16xf32>,
      %mul3A_396 = arith.mulf %gather3A, %get3A_392 : vector<16xf32>
      %mul3A_397 = arith.mulf %gather3A_115, %get3A_395 : vector<16xf32>
      %add3A_398 = arith.addf %mul3A_396, %mul3A_397 : vector<16xf32>
      %swap3A_399 = arith.index_cast %scan3A_114 : i32 to index
      %swap3A_400 = arith.constant 368 : index
      %swap3A_401 = tpu.vector_load %arg12[%swap3A_399, %swap3A_400] {strides = array<i32>} : memref<64x768xf32, #tpu.memory_space<vmem>>, vector<16xf32>,
      tpu.vector_store %arg12[%swap3A_399, %swap3A_400], %add3A_398 {strides = array<i32>} : memref<64x768xf32, #tpu.memory_space<vmem>>, vector<16xf32>,
      %get3A_402 = arith.index_cast %scan3A_114 : i32 to index
      %get3A_403 = arith.constant 384 : index
      %get3A_404 = tpu.vector_load %arg12[%get3A_402, %get3A_403] {strides = array<i32>} : memref<64x768xf32, #tpu.memory_space<vmem>>, vector<16xf32>,
      %get3A_405 = arith.index_cast %scan3A_114 : i32 to index
      %get3A_406 = arith.constant 384 : index
      %get3A_407 = tpu.vector_load %arg13[%get3A_405, %get3A_406] {strides = array<i32>} : memref<64x768xf32, #tpu.memory_space<vmem>>, vector<16xf32>,
      %mul3A_408 = arith.mulf %gather3A, %get3A_404 : vector<16xf32>
      %mul3A_409 = arith.mulf %gather3A_115, %get3A_407 : vector<16xf32>
      %add3A_410 = arith.addf %mul3A_408, %mul3A_409 : vector<16xf32>
      %swap3A_411 = arith.index_cast %scan3A_114 : i32 to index
      %swap3A_412 = arith.constant 384 : index
      %swap3A_413 = tpu.vector_load %arg12[%swap3A_411, %swap3A_412] {strides = array<i32>} : memref<64x768xf32, #tpu.memory_space<vmem>>, vector<16xf32>,
      tpu.vector_store %arg12[%swap3A_411, %swap3A_412], %add3A_410 {strides = array<i32>} : memref<64x768xf32, #tpu.memory_space<vmem>>, vector<16xf32>,
      %get3A_414 = arith.index_cast %scan3A_114 : i32 to index
      %get3A_415 = arith.constant 400 : index
      %get3A_416 = tpu.vector_load %arg12[%get3A_414, %get3A_415] {strides = array<i32>} : memref<64x768xf32, #tpu.memory_space<vmem>>, vector<16xf32>,
      %get3A_417 = arith.index_cast %scan3A_114 : i32 to index
      %get3A_418 = arith.constant 400 : index
      %get3A_419 = tpu.vector_load %arg13[%get3A_417, %get3A_418] {strides = array<i32>} : memref<64x768xf32, #tpu.memory_space<vmem>>, vector<16xf32>,
      %mul3A_420 = arith.mulf %gather3A, %get3A_416 : vector<16xf32>
      %mul3A_421 = arith.mulf %gather3A_115, %get3A_419 : vector<16xf32>
      %add3A_422 = arith.addf %mul3A_420, %mul3A_421 : vector<16xf32>
      %swap3A_423 = arith.index_cast %scan3A_114 : i32 to index
      %swap3A_424 = arith.constant 400 : index
      %swap3A_425 = tpu.vector_load %arg12[%swap3A_423, %swap3A_424] {strides = array<i32>} : memref<64x768xf32, #tpu.memory_space<vmem>>, vector<16xf32>,
      tpu.vector_store %arg12[%swap3A_423, %swap3A_424], %add3A_422 {strides = array<i32>} : memref<64x768xf32, #tpu.memory_space<vmem>>, vector<16xf32>,
      %get3A_426 = arith.index_cast %scan3A_114 : i32 to index
      %get3A_427 = arith.constant 416 : index
      %get3A_428 = tpu.vector_load %arg12[%get3A_426, %get3A_427] {strides = array<i32>} : memref<64x768xf32, #tpu.memory_space<vmem>>, vector<16xf32>,
      %get3A_429 = arith.index_cast %scan3A_114 : i32 to index
      %get3A_430 = arith.constant 416 : index
      %get3A_431 = tpu.vector_load %arg13[%get3A_429, %get3A_430] {strides = array<i32>} : memref<64x768xf32, #tpu.memory_space<vmem>>, vector<16xf32>,
      %mul3A_432 = arith.mulf %gather3A, %get3A_428 : vector<16xf32>
      %mul3A_433 = arith.mulf %gather3A_115, %get3A_431 : vector<16xf32>
      %add3A_434 = arith.addf %mul3A_432, %mul3A_433 : vector<16xf32>
      %swap3A_435 = arith.index_cast %scan3A_114 : i32 to index
      %swap3A_436 = arith.constant 416 : index
      %swap3A_437 = tpu.vector_load %arg12[%swap3A_435, %swap3A_436] {strides = array<i32>} : memref<64x768xf32, #tpu.memory_space<vmem>>, vector<16xf32>,
      tpu.vector_store %arg12[%swap3A_435, %swap3A_436], %add3A_434 {strides = array<i32>} : memref<64x768xf32, #tpu.memory_space<vmem>>, vector<16xf32>,
      %get3A_438 = arith.index_cast %scan3A_114 : i32 to index
      %get3A_439 = arith.constant 432 : index
      %get3A_440 = tpu.vector_load %arg12[%get3A_438, %get3A_439] {strides = array<i32>} : memref<64x768xf32, #tpu.memory_space<vmem>>, vector<16xf32>,
      %get3A_441 = arith.index_cast %scan3A_114 : i32 to index
      %get3A_442 = arith.constant 432 : index
      %get3A_443 = tpu.vector_load %arg13[%get3A_441, %get3A_442] {strides = array<i32>} : memref<64x768xf32, #tpu.memory_space<vmem>>, vector<16xf32>,
      %mul3A_444 = arith.mulf %gather3A, %get3A_440 : vector<16xf32>
      %mul3A_445 = arith.mulf %gather3A_115, %get3A_443 : vector<16xf32>
      %add3A_446 = arith.addf %mul3A_444, %mul3A_445 : vector<16xf32>
      %swap3A_447 = arith.index_cast %scan3A_114 : i32 to index
      %swap3A_448 = arith.constant 432 : index
      %swap3A_449 = tpu.vector_load %arg12[%swap3A_447, %swap3A_448] {strides = array<i32>} : memref<64x768xf32, #tpu.memory_space<vmem>>, vector<16xf32>,
      tpu.vector_store %arg12[%swap3A_447, %swap3A_448], %add3A_446 {strides = array<i32>} : memref<64x768xf32, #tpu.memory_space<vmem>>, vector<16xf32>,
      %get3A_450 = arith.index_cast %scan3A_114 : i32 to index
      %get3A_451 = arith.constant 448 : index
      %get3A_452 = tpu.vector_load %arg12[%get3A_450, %get3A_451] {strides = array<i32>} : memref<64x768xf32, #tpu.memory_space<vmem>>, vector<16xf32>,
      %get3A_453 = arith.index_cast %scan3A_114 : i32 to index
      %get3A_454 = arith.constant 448 : index
      %get3A_455 = tpu.vector_load %arg13[%get3A_453, %get3A_454] {strides = array<i32>} : memref<64x768xf32, #tpu.memory_space<vmem>>, vector<16xf32>,
      %mul3A_456 = arith.mulf %gather3A, %get3A_452 : vector<16xf32>
      %mul3A_457 = arith.mulf %gather3A_115, %get3A_455 : vector<16xf32>
      %add3A_458 = arith.addf %mul3A_456, %mul3A_457 : vector<16xf32>
      %swap3A_459 = arith.index_cast %scan3A_114 : i32 to index
      %swap3A_460 = arith.constant 448 : index
      %swap3A_461 = tpu.vector_load %arg12[%swap3A_459, %swap3A_460] {strides = array<i32>} : memref<64x768xf32, #tpu.memory_space<vmem>>, vector<16xf32>,
      tpu.vector_store %arg12[%swap3A_459, %swap3A_460], %add3A_458 {strides = array<i32>} : memref<64x768xf32, #tpu.memory_space<vmem>>, vector<16xf32>,
      %get3A_462 = arith.index_cast %scan3A_114 : i32 to index
      %get3A_463 = arith.constant 464 : index
      %get3A_464 = tpu.vector_load %arg12[%get3A_462, %get3A_463] {strides = array<i32>} : memref<64x768xf32, #tpu.memory_space<vmem>>, vector<16xf32>,
      %get3A_465 = arith.index_cast %scan3A_114 : i32 to index
      %get3A_466 = arith.constant 464 : index
      %get3A_467 = tpu.vector_load %arg13[%get3A_465, %get3A_466] {strides = array<i32>} : memref<64x768xf32, #tpu.memory_space<vmem>>, vector<16xf32>,
      %mul3A_468 = arith.mulf %gather3A, %get3A_464 : vector<16xf32>
      %mul3A_469 = arith.mulf %gather3A_115, %get3A_467 : vector<16xf32>
      %add3A_470 = arith.addf %mul3A_468, %mul3A_469 : vector<16xf32>
      %swap3A_471 = arith.index_cast %scan3A_114 : i32 to index
      %swap3A_472 = arith.constant 464 : index
      %swap3A_473 = tpu.vector_load %arg12[%swap3A_471, %swap3A_472] {strides = array<i32>} : memref<64x768xf32, #tpu.memory_space<vmem>>, vector<16xf32>,
      tpu.vector_store %arg12[%swap3A_471, %swap3A_472], %add3A_470 {strides = array<i32>} : memref<64x768xf32, #tpu.memory_space<vmem>>, vector<16xf32>,
      %get3A_474 = arith.index_cast %scan3A_114 : i32 to index
      %get3A_475 = arith.constant 480 : index
      %get3A_476 = tpu.vector_load %arg12[%get3A_474, %get3A_475] {strides = array<i32>} : memref<64x768xf32, #tpu.memory_space<vmem>>, vector<16xf32>,
      %get3A_477 = arith.index_cast %scan3A_114 : i32 to index
      %get3A_478 = arith.constant 480 : index
      %get3A_479 = tpu.vector_load %arg13[%get3A_477, %get3A_478] {strides = array<i32>} : memref<64x768xf32, #tpu.memory_space<vmem>>, vector<16xf32>,
      %mul3A_480 = arith.mulf %gather3A, %get3A_476 : vector<16xf32>
      %mul3A_481 = arith.mulf %gather3A_115, %get3A_479 : vector<16xf32>
      %add3A_482 = arith.addf %mul3A_480, %mul3A_481 : vector<16xf32>
      %swap3A_483 = arith.index_cast %scan3A_114 : i32 to index
      %swap3A_484 = arith.constant 480 : index
      %swap3A_485 = tpu.vector_load %arg12[%swap3A_483, %swap3A_484] {strides = array<i32>} : memref<64x768xf32, #tpu.memory_space<vmem>>, vector<16xf32>,
      tpu.vector_store %arg12[%swap3A_483, %swap3A_484], %add3A_482 {strides = array<i32>} : memref<64x768xf32, #tpu.memory_space<vmem>>, vector<16xf32>,
      %get3A_486 = arith.index_cast %scan3A_114 : i32 to index
      %get3A_487 = arith.constant 496 : index
      %get3A_488 = tpu.vector_load %arg12[%get3A_486, %get3A_487] {strides = array<i32>} : memref<64x768xf32, #tpu.memory_space<vmem>>, vector<16xf32>,
      %get3A_489 = arith.index_cast %scan3A_114 : i32 to index
      %get3A_490 = arith.constant 496 : index
      %get3A_491 = tpu.vector_load %arg13[%get3A_489, %get3A_490] {strides = array<i32>} : memref<64x768xf32, #tpu.memory_space<vmem>>, vector<16xf32>,
      %mul3A_492 = arith.mulf %gather3A, %get3A_488 : vector<16xf32>
      %mul3A_493 = arith.mulf %gather3A_115, %get3A_491 : vector<16xf32>
      %add3A_494 = arith.addf %mul3A_492, %mul3A_493 : vector<16xf32>
      %swap3A_495 = arith.index_cast %scan3A_114 : i32 to index
      %swap3A_496 = arith.constant 496 : index
      %swap3A_497 = tpu.vector_load %arg12[%swap3A_495, %swap3A_496] {strides = array<i32>} : memref<64x768xf32, #tpu.memory_space<vmem>>, vector<16xf32>,
      tpu.vector_store %arg12[%swap3A_495, %swap3A_496], %add3A_494 {strides = array<i32>} : memref<64x768xf32, #tpu.memory_space<vmem>>, vector<16xf32>,
      %get3A_498 = arith.index_cast %scan3A_114 : i32 to index
      %get3A_499 = arith.constant 512 : index
      %get3A_500 = tpu.vector_load %arg12[%get3A_498, %get3A_499] {strides = array<i32>} : memref<64x768xf32, #tpu.memory_space<vmem>>, vector<16xf32>,
      %get3A_501 = arith.index_cast %scan3A_114 : i32 to index
      %get3A_502 = arith.constant 512 : index
      %get3A_503 = tpu.vector_load %arg13[%get3A_501, %get3A_502] {strides = array<i32>} : memref<64x768xf32, #tpu.memory_space<vmem>>, vector<16xf32>,
      %mul3A_504 = arith.mulf %gather3A, %get3A_500 : vector<16xf32>
      %mul3A_505 = arith.mulf %gather3A_115, %get3A_503 : vector<16xf32>
      %add3A_506 = arith.addf %mul3A_504, %mul3A_505 : vector<16xf32>
      %swap3A_507 = arith.index_cast %scan3A_114 : i32 to index
      %swap3A_508 = arith.constant 512 : index
      %swap3A_509 = tpu.vector_load %arg12[%swap3A_507, %swap3A_508] {strides = array<i32>} : memref<64x768xf32, #tpu.memory_space<vmem>>, vector<16xf32>,
      tpu.vector_store %arg12[%swap3A_507, %swap3A_508], %add3A_506 {strides = array<i32>} : memref<64x768xf32, #tpu.memory_space<vmem>>, vector<16xf32>,
      %get3A_510 = arith.index_cast %scan3A_114 : i32 to index
      %get3A_511 = arith.constant 528 : index
      %get3A_512 = tpu.vector_load %arg12[%get3A_510, %get3A_511] {strides = array<i32>} : memref<64x768xf32, #tpu.memory_space<vmem>>, vector<16xf32>,
      %get3A_513 = arith.index_cast %scan3A_114 : i32 to index
      %get3A_514 = arith.constant 528 : index
      %get3A_515 = tpu.vector_load %arg13[%get3A_513, %get3A_514] {strides = array<i32>} : memref<64x768xf32, #tpu.memory_space<vmem>>, vector<16xf32>,
      %mul3A_516 = arith.mulf %gather3A, %get3A_512 : vector<16xf32>
      %mul3A_517 = arith.mulf %gather3A_115, %get3A_515 : vector<16xf32>
      %add3A_518 = arith.addf %mul3A_516, %mul3A_517 : vector<16xf32>
      %swap3A_519 = arith.index_cast %scan3A_114 : i32 to index
      %swap3A_520 = arith.constant 528 : index
      %swap3A_521 = tpu.vector_load %arg12[%swap3A_519, %swap3A_520] {strides = array<i32>} : memref<64x768xf32, #tpu.memory_space<vmem>>, vector<16xf32>,
      tpu.vector_store %arg12[%swap3A_519, %swap3A_520], %add3A_518 {strides = array<i32>} : memref<64x768xf32, #tpu.memory_space<vmem>>, vector<16xf32>,
      %get3A_522 = arith.index_cast %scan3A_114 : i32 to index
      %get3A_523 = arith.constant 544 : index
      %get3A_524 = tpu.vector_load %arg12[%get3A_522, %get3A_523] {strides = array<i32>} : memref<64x768xf32, #tpu.memory_space<vmem>>, vector<16xf32>,
      %get3A_525 = arith.index_cast %scan3A_114 : i32 to index
      %get3A_526 = arith.constant 544 : index
      %get3A_527 = tpu.vector_load %arg13[%get3A_525, %get3A_526] {strides = array<i32>} : memref<64x768xf32, #tpu.memory_space<vmem>>, vector<16xf32>,
      %mul3A_528 = arith.mulf %gather3A, %get3A_524 : vector<16xf32>
      %mul3A_529 = arith.mulf %gather3A_115, %get3A_527 : vector<16xf32>
      %add3A_530 = arith.addf %mul3A_528, %mul3A_529 : vector<16xf32>
      %swap3A_531 = arith.index_cast %scan3A_114 : i32 to index
      %swap3A_532 = arith.constant 544 : index
      %swap3A_533 = tpu.vector_load %arg12[%swap3A_531, %swap3A_532] {strides = array<i32>} : memref<64x768xf32, #tpu.memory_space<vmem>>, vector<16xf32>,
      tpu.vector_store %arg12[%swap3A_531, %swap3A_532], %add3A_530 {strides = array<i32>} : memref<64x768xf32, #tpu.memory_space<vmem>>, vector<16xf32>,
      %get3A_534 = arith.index_cast %scan3A_114 : i32 to index
      %get3A_535 = arith.constant 560 : index
      %get3A_536 = tpu.vector_load %arg12[%get3A_534, %get3A_535] {strides = array<i32>} : memref<64x768xf32, #tpu.memory_space<vmem>>, vector<16xf32>,
      %get3A_537 = arith.index_cast %scan3A_114 : i32 to index
      %get3A_538 = arith.constant 560 : index
      %get3A_539 = tpu.vector_load %arg13[%get3A_537, %get3A_538] {strides = array<i32>} : memref<64x768xf32, #tpu.memory_space<vmem>>, vector<16xf32>,
      %mul3A_540 = arith.mulf %gather3A, %get3A_536 : vector<16xf32>
      %mul3A_541 = arith.mulf %gather3A_115, %get3A_539 : vector<16xf32>
      %add3A_542 = arith.addf %mul3A_540, %mul3A_541 : vector<16xf32>
      %swap3A_543 = arith.index_cast %scan3A_114 : i32 to index
      %swap3A_544 = arith.constant 560 : index
      %swap3A_545 = tpu.vector_load %arg12[%swap3A_543, %swap3A_544] {strides = array<i32>} : memref<64x768xf32, #tpu.memory_space<vmem>>, vector<16xf32>,
      tpu.vector_store %arg12[%swap3A_543, %swap3A_544], %add3A_542 {strides = array<i32>} : memref<64x768xf32, #tpu.memory_space<vmem>>, vector<16xf32>,
      %get3A_546 = arith.index_cast %scan3A_114 : i32 to index
      %get3A_547 = arith.constant 576 : index
      %get3A_548 = tpu.vector_load %arg12[%get3A_546, %get3A_547] {strides = array<i32>} : memref<64x768xf32, #tpu.memory_space<vmem>>, vector<16xf32>,
      %get3A_549 = arith.index_cast %scan3A_114 : i32 to index
      %get3A_550 = arith.constant 576 : index
      %get3A_551 = tpu.vector_load %arg13[%get3A_549, %get3A_550] {strides = array<i32>} : memref<64x768xf32, #tpu.memory_space<vmem>>, vector<16xf32>,
      %mul3A_552 = arith.mulf %gather3A, %get3A_548 : vector<16xf32>
      %mul3A_553 = arith.mulf %gather3A_115, %get3A_551 : vector<16xf32>
      %add3A_554 = arith.addf %mul3A_552, %mul3A_553 : vector<16xf32>
      %swap3A_555 = arith.index_cast %scan3A_114 : i32 to index
      %swap3A_556 = arith.constant 576 : index
      %swap3A_557 = tpu.vector_load %arg12[%swap3A_555, %swap3A_556] {strides = array<i32>} : memref<64x768xf32, #tpu.memory_space<vmem>>, vector<16xf32>,
      tpu.vector_store %arg12[%swap3A_555, %swap3A_556], %add3A_554 {strides = array<i32>} : memref<64x768xf32, #tpu.memory_space<vmem>>, vector<16xf32>,
      %get3A_558 = arith.index_cast %scan3A_114 : i32 to index
      %get3A_559 = arith.constant 592 : index
      %get3A_560 = tpu.vector_load %arg12[%get3A_558, %get3A_559] {strides = array<i32>} : memref<64x768xf32, #tpu.memory_space<vmem>>, vector<16xf32>,
      %get3A_561 = arith.index_cast %scan3A_114 : i32 to index
      %get3A_562 = arith.constant 592 : index
      %get3A_563 = tpu.vector_load %arg13[%get3A_561, %get3A_562] {strides = array<i32>} : memref<64x768xf32, #tpu.memory_space<vmem>>, vector<16xf32>,
      %mul3A_564 = arith.mulf %gather3A, %get3A_560 : vector<16xf32>
      %mul3A_565 = arith.mulf %gather3A_115, %get3A_563 : vector<16xf32>
      %add3A_566 = arith.addf %mul3A_564, %mul3A_565 : vector<16xf32>
      %swap3A_567 = arith.index_cast %scan3A_114 : i32 to index
      %swap3A_568 = arith.constant 592 : index
      %swap3A_569 = tpu.vector_load %arg12[%swap3A_567, %swap3A_568] {strides = array<i32>} : memref<64x768xf32, #tpu.memory_space<vmem>>, vector<16xf32>,
      tpu.vector_store %arg12[%swap3A_567, %swap3A_568], %add3A_566 {strides = array<i32>} : memref<64x768xf32, #tpu.memory_space<vmem>>, vector<16xf32>,
      %get3A_570 = arith.index_cast %scan3A_114 : i32 to index
      %get3A_571 = arith.constant 608 : index
      %get3A_572 = tpu.vector_load %arg12[%get3A_570, %get3A_571] {strides = array<i32>} : memref<64x768xf32, #tpu.memory_space<vmem>>, vector<16xf32>,
      %get3A_573 = arith.index_cast %scan3A_114 : i32 to index
      %get3A_574 = arith.constant 608 : index
      %get3A_575 = tpu.vector_load %arg13[%get3A_573, %get3A_574] {strides = array<i32>} : memref<64x768xf32, #tpu.memory_space<vmem>>, vector<16xf32>,
      %mul3A_576 = arith.mulf %gather3A, %get3A_572 : vector<16xf32>
      %mul3A_577 = arith.mulf %gather3A_115, %get3A_575 : vector<16xf32>
      %add3A_578 = arith.addf %mul3A_576, %mul3A_577 : vector<16xf32>
      %swap3A_579 = arith.index_cast %scan3A_114 : i32 to index
      %swap3A_580 = arith.constant 608 : index
      %swap3A_581 = tpu.vector_load %arg12[%swap3A_579, %swap3A_580] {strides = array<i32>} : memref<64x768xf32, #tpu.memory_space<vmem>>, vector<16xf32>,
      tpu.vector_store %arg12[%swap3A_579, %swap3A_580], %add3A_578 {strides = array<i32>} : memref<64x768xf32, #tpu.memory_space<vmem>>, vector<16xf32>,
      %get3A_582 = arith.index_cast %scan3A_114 : i32 to index
      %get3A_583 = arith.constant 624 : index
      %get3A_584 = tpu.vector_load %arg12[%get3A_582, %get3A_583] {strides = array<i32>} : memref<64x768xf32, #tpu.memory_space<vmem>>, vector<16xf32>,
      %get3A_585 = arith.index_cast %scan3A_114 : i32 to index
      %get3A_586 = arith.constant 624 : index
      %get3A_587 = tpu.vector_load %arg13[%get3A_585, %get3A_586] {strides = array<i32>} : memref<64x768xf32, #tpu.memory_space<vmem>>, vector<16xf32>,
      %mul3A_588 = arith.mulf %gather3A, %get3A_584 : vector<16xf32>
      %mul3A_589 = arith.mulf %gather3A_115, %get3A_587 : vector<16xf32>
      %add3A_590 = arith.addf %mul3A_588, %mul3A_589 : vector<16xf32>
      %swap3A_591 = arith.index_cast %scan3A_114 : i32 to index
      %swap3A_592 = arith.constant 624 : index
      %swap3A_593 = tpu.vector_load %arg12[%swap3A_591, %swap3A_592] {strides = array<i32>} : memref<64x768xf32, #tpu.memory_space<vmem>>, vector<16xf32>,
      tpu.vector_store %arg12[%swap3A_591, %swap3A_592], %add3A_590 {strides = array<i32>} : memref<64x768xf32, #tpu.memory_space<vmem>>, vector<16xf32>,
      %get3A_594 = arith.index_cast %scan3A_114 : i32 to index
      %get3A_595 = arith.constant 640 : index
      %get3A_596 = tpu.vector_load %arg12[%get3A_594, %get3A_595] {strides = array<i32>} : memref<64x768xf32, #tpu.memory_space<vmem>>, vector<16xf32>,
      %get3A_597 = arith.index_cast %scan3A_114 : i32 to index
      %get3A_598 = arith.constant 640 : index
      %get3A_599 = tpu.vector_load %arg13[%get3A_597, %get3A_598] {strides = array<i32>} : memref<64x768xf32, #tpu.memory_space<vmem>>, vector<16xf32>,
      %mul3A_600 = arith.mulf %gather3A, %get3A_596 : vector<16xf32>
      %mul3A_601 = arith.mulf %gather3A_115, %get3A_599 : vector<16xf32>
      %add3A_602 = arith.addf %mul3A_600, %mul3A_601 : vector<16xf32>
      %swap3A_603 = arith.index_cast %scan3A_114 : i32 to index
      %swap3A_604 = arith.constant 640 : index
      %swap3A_605 = tpu.vector_load %arg12[%swap3A_603, %swap3A_604] {strides = array<i32>} : memref<64x768xf32, #tpu.memory_space<vmem>>, vector<16xf32>,
      tpu.vector_store %arg12[%swap3A_603, %swap3A_604], %add3A_602 {strides = array<i32>} : memref<64x768xf32, #tpu.memory_space<vmem>>, vector<16xf32>,
      %get3A_606 = arith.index_cast %scan3A_114 : i32 to index
      %get3A_607 = arith.constant 656 : index
      %get3A_608 = tpu.vector_load %arg12[%get3A_606, %get3A_607] {strides = array<i32>} : memref<64x768xf32, #tpu.memory_space<vmem>>, vector<16xf32>,
      %get3A_609 = arith.index_cast %scan3A_114 : i32 to index
      %get3A_610 = arith.constant 656 : index
      %get3A_611 = tpu.vector_load %arg13[%get3A_609, %get3A_610] {strides = array<i32>} : memref<64x768xf32, #tpu.memory_space<vmem>>, vector<16xf32>,
      %mul3A_612 = arith.mulf %gather3A, %get3A_608 : vector<16xf32>
      %mul3A_613 = arith.mulf %gather3A_115, %get3A_611 : vector<16xf32>
      %add3A_614 = arith.addf %mul3A_612, %mul3A_613 : vector<16xf32>
      %swap3A_615 = arith.index_cast %scan3A_114 : i32 to index
      %swap3A_616 = arith.constant 656 : index
      %swap3A_617 = tpu.vector_load %arg12[%swap3A_615, %swap3A_616] {strides = array<i32>} : memref<64x768xf32, #tpu.memory_space<vmem>>, vector<16xf32>,
      tpu.vector_store %arg12[%swap3A_615, %swap3A_616], %add3A_614 {strides = array<i32>} : memref<64x768xf32, #tpu.memory_space<vmem>>, vector<16xf32>,
      %get3A_618 = arith.index_cast %scan3A_114 : i32 to index
      %get3A_619 = arith.constant 672 : index
      %get3A_620 = tpu.vector_load %arg12[%get3A_618, %get3A_619] {strides = array<i32>} : memref<64x768xf32, #tpu.memory_space<vmem>>, vector<16xf32>,
      %get3A_621 = arith.index_cast %scan3A_114 : i32 to index
      %get3A_622 = arith.constant 672 : index
      %get3A_623 = tpu.vector_load %arg13[%get3A_621, %get3A_622] {strides = array<i32>} : memref<64x768xf32, #tpu.memory_space<vmem>>, vector<16xf32>,
      %mul3A_624 = arith.mulf %gather3A, %get3A_620 : vector<16xf32>
      %mul3A_625 = arith.mulf %gather3A_115, %get3A_623 : vector<16xf32>
      %add3A_626 = arith.addf %mul3A_624, %mul3A_625 : vector<16xf32>
      %swap3A_627 = arith.index_cast %scan3A_114 : i32 to index
      %swap3A_628 = arith.constant 672 : index
      %swap3A_629 = tpu.vector_load %arg12[%swap3A_627, %swap3A_628] {strides = array<i32>} : memref<64x768xf32, #tpu.memory_space<vmem>>, vector<16xf32>,
      tpu.vector_store %arg12[%swap3A_627, %swap3A_628], %add3A_626 {strides = array<i32>} : memref<64x768xf32, #tpu.memory_space<vmem>>, vector<16xf32>,
      %get3A_630 = arith.index_cast %scan3A_114 : i32 to index
      %get3A_631 = arith.constant 688 : index
      %get3A_632 = tpu.vector_load %arg12[%get3A_630, %get3A_631] {strides = array<i32>} : memref<64x768xf32, #tpu.memory_space<vmem>>, vector<16xf32>,
      %get3A_633 = arith.index_cast %scan3A_114 : i32 to index
      %get3A_634 = arith.constant 688 : index
      %get3A_635 = tpu.vector_load %arg13[%get3A_633, %get3A_634] {strides = array<i32>} : memref<64x768xf32, #tpu.memory_space<vmem>>, vector<16xf32>,
      %mul3A_636 = arith.mulf %gather3A, %get3A_632 : vector<16xf32>
      %mul3A_637 = arith.mulf %gather3A_115, %get3A_635 : vector<16xf32>
      %add3A_638 = arith.addf %mul3A_636, %mul3A_637 : vector<16xf32>
      %swap3A_639 = arith.index_cast %scan3A_114 : i32 to index
      %swap3A_640 = arith.constant 688 : index
      %swap3A_641 = tpu.vector_load %arg12[%swap3A_639, %swap3A_640] {strides = array<i32>} : memref<64x768xf32, #tpu.memory_space<vmem>>, vector<16xf32>,
      tpu.vector_store %arg12[%swap3A_639, %swap3A_640], %add3A_638 {strides = array<i32>} : memref<64x768xf32, #tpu.memory_space<vmem>>, vector<16xf32>,
      %get3A_642 = arith.index_cast %scan3A_114 : i32 to index
      %get3A_643 = arith.constant 704 : index
      %get3A_644 = tpu.vector_load %arg12[%get3A_642, %get3A_643] {strides = array<i32>} : memref<64x768xf32, #tpu.memory_space<vmem>>, vector<16xf32>,
      %get3A_645 = arith.index_cast %scan3A_114 : i32 to index
      %get3A_646 = arith.constant 704 : index
      %get3A_647 = tpu.vector_load %arg13[%get3A_645, %get3A_646] {strides = array<i32>} : memref<64x768xf32, #tpu.memory_space<vmem>>, vector<16xf32>,
      %mul3A_648 = arith.mulf %gather3A, %get3A_644 : vector<16xf32>
      %mul3A_649 = arith.mulf %gather3A_115, %get3A_647 : vector<16xf32>
      %add3A_650 = arith.addf %mul3A_648, %mul3A_649 : vector<16xf32>
      %swap3A_651 = arith.index_cast %scan3A_114 : i32 to index
      %swap3A_652 = arith.constant 704 : index
      %swap3A_653 = tpu.vector_load %arg12[%swap3A_651, %swap3A_652] {strides = array<i32>} : memref<64x768xf32, #tpu.memory_space<vmem>>, vector<16xf32>,
      tpu.vector_store %arg12[%swap3A_651, %swap3A_652], %add3A_650 {strides = array<i32>} : memref<64x768xf32, #tpu.memory_space<vmem>>, vector<16xf32>,
      %get3A_654 = arith.index_cast %scan3A_114 : i32 to index
      %get3A_655 = arith.constant 720 : index
      %get3A_656 = tpu.vector_load %arg12[%get3A_654, %get3A_655] {strides = array<i32>} : memref<64x768xf32, #tpu.memory_space<vmem>>, vector<16xf32>,
      %get3A_657 = arith.index_cast %scan3A_114 : i32 to index
      %get3A_658 = arith.constant 720 : index
      %get3A_659 = tpu.vector_load %arg13[%get3A_657, %get3A_658] {strides = array<i32>} : memref<64x768xf32, #tpu.memory_space<vmem>>, vector<16xf32>,
      %mul3A_660 = arith.mulf %gather3A, %get3A_656 : vector<16xf32>
      %mul3A_661 = arith.mulf %gather3A_115, %get3A_659 : vector<16xf32>
      %add3A_662 = arith.addf %mul3A_660, %mul3A_661 : vector<16xf32>
      %swap3A_663 = arith.index_cast %scan3A_114 : i32 to index
      %swap3A_664 = arith.constant 720 : index
      %swap3A_665 = tpu.vector_load %arg12[%swap3A_663, %swap3A_664] {strides = array<i32>} : memref<64x768xf32, #tpu.memory_space<vmem>>, vector<16xf32>,
      tpu.vector_store %arg12[%swap3A_663, %swap3A_664], %add3A_662 {strides = array<i32>} : memref<64x768xf32, #tpu.memory_space<vmem>>, vector<16xf32>,
      %get3A_666 = arith.index_cast %scan3A_114 : i32 to index
      %get3A_667 = arith.constant 736 : index
      %get3A_668 = tpu.vector_load %arg12[%get3A_666, %get3A_667] {strides = array<i32>} : memref<64x768xf32, #tpu.memory_space<vmem>>, vector<16xf32>,
      %get3A_669 = arith.index_cast %scan3A_114 : i32 to index
      %get3A_670 = arith.constant 736 : index
      %get3A_671 = tpu.vector_load %arg13[%get3A_669, %get3A_670] {strides = array<i32>} : memref<64x768xf32, #tpu.memory_space<vmem>>, vector<16xf32>,
      %mul3A_672 = arith.mulf %gather3A, %get3A_668 : vector<16xf32>
      %mul3A_673 = arith.mulf %gather3A_115, %get3A_671 : vector<16xf32>
      %add3A_674 = arith.addf %mul3A_672, %mul3A_673 : vector<16xf32>
      %swap3A_675 = arith.index_cast %scan3A_114 : i32 to index
      %swap3A_676 = arith.constant 736 : index
      %swap3A_677 = tpu.vector_load %arg12[%swap3A_675, %swap3A_676] {strides = array<i32>} : memref<64x768xf32, #tpu.memory_space<vmem>>, vector<16xf32>,
      tpu.vector_store %arg12[%swap3A_675, %swap3A_676], %add3A_674 {strides = array<i32>} : memref<64x768xf32, #tpu.memory_space<vmem>>, vector<16xf32>,
      %get3A_678 = arith.index_cast %scan3A_114 : i32 to index
      %get3A_679 = arith.constant 752 : index
      %get3A_680 = tpu.vector_load %arg12[%get3A_678, %get3A_679] {strides = array<i32>} : memref<64x768xf32, #tpu.memory_space<vmem>>, vector<16xf32>,
      %get3A_681 = arith.index_cast %scan3A_114 : i32 to index
      %get3A_682 = arith.constant 752 : index
      %get3A_683 = tpu.vector_load %arg13[%get3A_681, %get3A_682] {strides = array<i32>} : memref<64x768xf32, #tpu.memory_space<vmem>>, vector<16xf32>,
      %mul3A_684 = arith.mulf %gather3A, %get3A_680 : vector<16xf32>
      %mul3A_685 = arith.mulf %gather3A_115, %get3A_683 : vector<16xf32>
      %add3A_686 = arith.addf %mul3A_684, %mul3A_685 : vector<16xf32>
      %swap3A_687 = arith.index_cast %scan3A_114 : i32 to index
      %swap3A_688 = arith.constant 752 : index
      %swap3A_689 = tpu.vector_load %arg12[%swap3A_687, %swap3A_688] {strides = array<i32>} : memref<64x768xf32, #tpu.memory_space<vmem>>, vector<16xf32>,
      tpu.vector_store %arg12[%swap3A_687, %swap3A_688], %add3A_686 {strides = array<i32>} : memref<64x768xf32, #tpu.memory_space<vmem>>, vector<16xf32>,
    }
    %scan3A_101 = arith.constant 32 : i32
    %dma_wait3A_102 = arith.constant 0 : i32
    %dma_wait3A_103 = arith.constant 0 : i32
    %dma_wait3A_104 = tpu.memref_slice %arg12[%dma_wait3A_102, %dma_wait3A_103] : memref<64x768xf32, #tpu.memory_space<vmem>> -> memref<32x768xf32, #tpu.memory_space<vmem>>
    %dma_wait3A_105 = arith.constant 0 : i32
    %dma_wait3A_106 = tpu.memref_slice %arg7[%mul3A_2, %dma_wait3A_105] : memref<2048x768xf32, #tpu.memory_space<hbm>> -> memref<32x768xf32, #tpu.memory_space<hbm>>
    %dma_wait3A_107 = arith.constant 0 : i32
    %dma_wait3A_108 = tpu.memref_slice %arg7[%mul3A_2, %dma_wait3A_107] : memref<2048x768xf32, #tpu.memory_space<hbm>> -> memref<32x768xf32, #tpu.memory_space<hbm>>
    %dma_wait3A_109 = arith.constant 0 : i32
    %dma_wait3A_110 = arith.constant 0 : i32
    %dma_wait3A_111 = tpu.memref_slice %arg12[%dma_wait3A_109, %dma_wait3A_110] : memref<64x768xf32, #tpu.memory_space<vmem>> -> memref<32x768xf32, #tpu.memory_space<vmem>>
    tpu.wait_dma2 semaphore(%arg14 : memref<!tpu.dma_semaphore, #tpu.memory_space<semaphore_mem>>) src(%dma_wait3A_111 : memref<32x768xf32, #tpu.memory_space<vmem>>) dst(%dma_wait3A_108 : memref<32x768xf32, #tpu.memory_space<hbm>>)
    %add3A_112 = arith.constant 32 : i32
    %add3A_113 = arith.addi %mul3A_2, %add3A_112 : i32
    "tpu.region"() ({
      %run_scoped3A = tpu.sem_alloc : memref<!tpu.dma_semaphore, #tpu.memory_space<semaphore_mem>>
      %dma_start3A_114 = arith.constant 32 : i32
      %dma_start3A_115 = arith.constant 0 : i32
      %dma_start3A_116 = tpu.memref_slice %arg12[%dma_start3A_114, %dma_start3A_115] : memref<64x768xf32, #tpu.memory_space<vmem>> -> memref<32x768xf32, #tpu.memory_space<vmem>>
      %dma_start3A_117 = arith.constant 0 : i32
      %dma_start3A_118 = tpu.memref_slice %arg7[%add3A_113, %dma_start3A_117] : memref<2048x768xf32, #tpu.memory_space<hbm>> -> memref<32x768xf32, #tpu.memory_space<hbm>>
      %dma_start3A_119 = arith.constant 0 : i32
      %dma_start3A_120 = tpu.memref_slice %arg7[%add3A_113, %dma_start3A_119] : memref<2048x768xf32, #tpu.memory_space<hbm>> -> memref<32x768xf32, #tpu.memory_space<hbm>>
      %dma_start3A_121 = arith.constant 32 : i32
      %dma_start3A_122 = arith.constant 0 : i32
      %dma_start3A_123 = tpu.memref_slice %arg12[%dma_start3A_121, %dma_start3A_122] : memref<64x768xf32, #tpu.memory_space<vmem>> -> memref<32x768xf32, #tpu.memory_space<vmem>>
      tpu.enqueue_dma source(%dma_start3A_123 : memref<32x768xf32, #tpu.memory_space<vmem>>) target(%dma_start3A_120 : memref<32x768xf32, #tpu.memory_space<hbm>>) target_semaphore(%run_scoped3A : memref<!tpu.dma_semaphore, #tpu.memory_space<semaphore_mem>>)
      %dma_wait3A_124 = arith.constant 32 : i32
      %dma_wait3A_125 = arith.constant 0 : i32
      %dma_wait3A_126 = tpu.memref_slice %arg12[%dma_wait3A_124, %dma_wait3A_125] : memref<64x768xf32, #tpu.memory_space<vmem>> -> memref<32x768xf32, #tpu.memory_space<vmem>>
      %dma_wait3A_127 = arith.constant 0 : i32
      %dma_wait3A_128 = tpu.memref_slice %arg7[%add3A_113, %dma_wait3A_127] : memref<2048x768xf32, #tpu.memory_space<hbm>> -> memref<32x768xf32, #tpu.memory_space<hbm>>
      %dma_wait3A_129 = arith.constant 0 : i32
      %dma_wait3A_130 = tpu.memref_slice %arg7[%add3A_113, %dma_wait3A_129] : memref<2048x768xf32, #tpu.memory_space<hbm>> -> memref<32x768xf32, #tpu.memory_space<hbm>>
      %dma_wait3A_131 = arith.constant 32 : i32
      %dma_wait3A_132 = arith.constant 0 : i32
      %dma_wait3A_133 = tpu.memref_slice %arg12[%dma_wait3A_131, %dma_wait3A_132] : memref<64x768xf32, #tpu.memory_space<vmem>> -> memref<32x768xf32, #tpu.memory_space<vmem>>
      tpu.wait_dma2 semaphore(%run_scoped3A : memref<!tpu.dma_semaphore, #tpu.memory_space<semaphore_mem>>) src(%dma_wait3A_133 : memref<32x768xf32, #tpu.memory_space<vmem>>) dst(%dma_wait3A_130 : memref<32x768xf32, #tpu.memory_space<hbm>>)
      tpu.yield
    }) : () -> ()
    return
  }
}

module attributes {stable_mosaic.version = 14 : i64} {
  func.func @_router_body(%arg0: memref<2048x768xf32, #tpu.memory_space<vmem>>, %arg1: memref<8x768xf32, #tpu.memory_space<vmem>>, %arg2: memref<1x8xf32, #tpu.memory_space<vmem>>, %arg3: memref<8x768xf32, #tpu.memory_space<vmem>>, %arg4: memref<1x8xf32, #tpu.memory_space<vmem>>, %arg5: memref<2048x8xf32, #tpu.memory_space<vmem>>, %arg6: memref<2048x1xi32, #tpu.memory_space<vmem>>, %arg7: memref<2048x1xi32, #tpu.memory_space<vmem>>, %arg8: memref<2048x1xf32, #tpu.memory_space<vmem>>, %arg9: memref<2048x1xf32, #tpu.memory_space<vmem>>) attributes {dimension_semantics = [], scalar_prefetch = 0 : i64, scratch_operands = 0 : i64, tpu.core_type = #tpu.core_type<tc>} {
    %get3A = arith.constant 0 : index
    %get3A_0 = arith.constant 0 : index
    %get3A_1 = vector.load %arg0[%get3A, %get3A_0] : memref<2048x768xf32, #tpu.memory_space<vmem>>, vector<2048x768xf32>
    %get3A_2 = arith.constant 0 : index
    %get3A_3 = arith.constant 0 : index
    %get3A_4 = vector.load %arg1[%get3A_2, %get3A_3] : memref<8x768xf32, #tpu.memory_space<vmem>>, vector<8x768xf32>
    %dot_general3A = arith.constant dense<0.000000e+00> : vector<2048x8xf32>
    %dot_general3A_5 = tpu.matmul %get3A_1, %get3A_4, %dot_general3A {dimension_numbers = #tpu.dot_dimension_numbers<[1], [1], [0], [0], [0, 0, 1, 0], [], []>, transpose_lhs_hint = false} : vector<2048x768xf32>, vector<8x768xf32>, vector<2048x8xf32> -> vector<2048x8xf32>
    %get3A_6 = arith.constant 0 : index
    %get3A_7 = arith.constant 0 : index
    %get3A_8 = vector.load %arg2[%get3A_6, %get3A_7] : memref<1x8xf32, #tpu.memory_space<vmem>>, vector<1x8xf32>
    %add3A = vector.broadcast %get3A_8 : vector<1x8xf32> to vector<2048x8xf32>
    %add3A_9 = arith.addf %dot_general3A_5, %add3A : vector<2048x8xf32>
    %get3A_10 = arith.constant 0 : index
    %get3A_11 = arith.constant 0 : index
    %get3A_12 = vector.load %arg3[%get3A_10, %get3A_11] : memref<8x768xf32, #tpu.memory_space<vmem>>, vector<8x768xf32>
    %dot_general3A_13 = arith.constant dense<0.000000e+00> : vector<2048x8xf32>
    %dot_general3A_14 = tpu.matmul %get3A_1, %get3A_12, %dot_general3A_13 {dimension_numbers = #tpu.dot_dimension_numbers<[1], [1], [0], [0], [0, 0, 1, 0], [], []>, transpose_lhs_hint = false} : vector<2048x768xf32>, vector<8x768xf32>, vector<2048x8xf32> -> vector<2048x8xf32>
    %get3A_15 = arith.constant 0 : index
    %get3A_16 = arith.constant 0 : index
    %get3A_17 = vector.load %arg4[%get3A_15, %get3A_16] : memref<1x8xf32, #tpu.memory_space<vmem>>, vector<1x8xf32>
    %add3A_18 = vector.broadcast %get3A_17 : vector<1x8xf32> to vector<2048x8xf32>
    %add3A_19 = arith.addf %dot_general3A_14, %add3A_18 : vector<2048x8xf32>
    %abs3A = math.absf %add3A_19 : vector<2048x8xf32>
    %neg3A = arith.constant 0.000000e+00 : f32
    %neg3A_20 = vector.broadcast %neg3A : f32 to vector<2048x8xf32>
    %neg3A_21 = arith.subf %neg3A_20, %abs3A : vector<2048x8xf32>
    %exp3A = math.exp %neg3A_21 : vector<2048x8xf32>
    %log1p3A = math.log1p %exp3A : vector<2048x8xf32>
    %max3A = arith.constant 0.000000e+00 : f32
    %max3A_22 = vector.broadcast %max3A : f32 to vector<2048x8xf32>
    %max3A_23 = arith.maximumf %add3A_19, %max3A_22 : vector<2048x8xf32>
    %add3A_24 = arith.addf %log1p3A, %max3A_23 : vector<2048x8xf32>
    %get3A_25 = arith.constant 0 : index
    %get3A_26 = arith.constant 0 : index
    %get3A_27 = vector.load %arg5[%get3A_25, %get3A_26] : memref<2048x8xf32, #tpu.memory_space<vmem>>, vector<2048x8xf32>
    %mul3A = arith.mulf %get3A_27, %add3A_24 : vector<2048x8xf32>
    %add3A_28 = arith.addf %add3A_9, %mul3A : vector<2048x8xf32>
    %iota3A = tpu.iota {dimensions = array<i32: 1>} : vector<2048x8xi32>
    %reduce_max3A = arith.constant dense<0xFF800000> : vector<2048xf32>
    %reduce_max3A_29 = vector.multi_reduction <maximumf>, %add3A_28, %reduce_max3A [1] : vector<2048x8xf32> to vector<2048xf32>
    %broadcast_in_dim3A = vector.shape_cast %reduce_max3A_29 : vector<2048xf32> to vector<2048x1xf32>
    %eq3A = vector.broadcast %broadcast_in_dim3A : vector<2048x1xf32> to vector<2048x8xf32>
    %eq3A_30 = arith.cmpf oeq, %add3A_28, %eq3A : vector<2048x8xf32>
    %jit3A = arith.constant 8 : i32
    %broadcast_in_dim3A_31 = vector.broadcast %jit3A : i32 to vector<2048x8xi32>
    %select_n3A = arith.select %eq3A_30, %iota3A, %broadcast_in_dim3A_31 : vector<2048x8xi1>, vector<2048x8xi32>
    %reduce_min3A = arith.constant dense<2147483647> : vector<2048xi32>
    %reduce_min3A_32 = vector.multi_reduction <minsi>, %select_n3A, %reduce_min3A [1] : vector<2048x8xi32> to vector<2048xi32>
    %broadcast_in_dim3A_33 = vector.shape_cast %reduce_min3A_32 : vector<2048xi32> to vector<2048x1xi32>
    %eq3A_34 = vector.broadcast %broadcast_in_dim3A_33 : vector<2048x1xi32> to vector<2048x8xi32>
    %eq3A_35 = arith.cmpi eq, %iota3A, %eq3A_34 : vector<2048x8xi32>
    %jit3A_36 = arith.constant -1.000000e+30 : f32
    %broadcast_in_dim3A_37 = vector.broadcast %jit3A_36 : f32 to vector<2048x8xf32>
    %select_n3A_38 = arith.select %eq3A_35, %broadcast_in_dim3A_37, %add3A_28 : vector<2048x8xi1>, vector<2048x8xf32>
    %reduce_max3A_39 = arith.constant dense<0xFF800000> : vector<2048xf32>
    %reduce_max3A_40 = vector.multi_reduction <maximumf>, %select_n3A_38, %reduce_max3A_39 [1] : vector<2048x8xf32> to vector<2048xf32>
    %broadcast_in_dim3A_41 = vector.shape_cast %reduce_max3A_40 : vector<2048xf32> to vector<2048x1xf32>
    %eq3A_42 = vector.broadcast %broadcast_in_dim3A_41 : vector<2048x1xf32> to vector<2048x8xf32>
    %eq3A_43 = arith.cmpf oeq, %select_n3A_38, %eq3A_42 : vector<2048x8xf32>
    %jit3A_44 = arith.constant 8 : i32
    %broadcast_in_dim3A_45 = vector.broadcast %jit3A_44 : i32 to vector<2048x8xi32>
    %select_n3A_46 = arith.select %eq3A_43, %iota3A, %broadcast_in_dim3A_45 : vector<2048x8xi1>, vector<2048x8xi32>
    %reduce_min3A_47 = arith.constant dense<2147483647> : vector<2048xi32>
    %reduce_min3A_48 = vector.multi_reduction <minsi>, %select_n3A_46, %reduce_min3A_47 [1] : vector<2048x8xi32> to vector<2048xi32>
    %broadcast_in_dim3A_49 = vector.shape_cast %reduce_min3A_48 : vector<2048xi32> to vector<2048x1xi32>
    %sub3A = arith.subf %broadcast_in_dim3A_41, %broadcast_in_dim3A : vector<2048x1xf32>
    %exp3A_50 = math.exp %sub3A : vector<2048x1xf32>
    %add3A_51 = arith.constant 1.000000e+00 : f32
    %add3A_52 = vector.broadcast %add3A_51 : f32 to vector<2048x1xf32>
    %add3A_53 = arith.addf %add3A_52, %exp3A_50 : vector<2048x1xf32>
    %div3A = arith.constant 1.000000e+00 : f32
    %div3A_54 = vector.broadcast %div3A : f32 to vector<2048x1xf32>
    %div3A_55 = arith.divf %div3A_54, %add3A_53 : vector<2048x1xf32>
    %add3A_56 = arith.constant 1.000000e+00 : f32
    %add3A_57 = vector.broadcast %add3A_56 : f32 to vector<2048x1xf32>
    %add3A_58 = arith.addf %add3A_57, %exp3A_50 : vector<2048x1xf32>
    %div3A_59 = arith.divf %exp3A_50, %add3A_58 : vector<2048x1xf32>
    %swap3A = arith.constant 0 : index
    %swap3A_60 = arith.constant 0 : index
    %swap3A_61 = vector.load %arg6[%swap3A, %swap3A_60] : memref<2048x1xi32, #tpu.memory_space<vmem>>, vector<2048x1xi32>
    tpu.vector_store %arg6[%swap3A, %swap3A_60], %broadcast_in_dim3A_33 {strides = array<i32>} : memref<2048x1xi32, #tpu.memory_space<vmem>>, vector<2048x1xi32>,
    %swap3A_62 = arith.constant 0 : index
    %swap3A_63 = arith.constant 0 : index
    %swap3A_64 = vector.load %arg7[%swap3A_62, %swap3A_63] : memref<2048x1xi32, #tpu.memory_space<vmem>>, vector<2048x1xi32>
    tpu.vector_store %arg7[%swap3A_62, %swap3A_63], %broadcast_in_dim3A_49 {strides = array<i32>} : memref<2048x1xi32, #tpu.memory_space<vmem>>, vector<2048x1xi32>,
    %swap3A_65 = arith.constant 0 : index
    %swap3A_66 = arith.constant 0 : index
    %swap3A_67 = vector.load %arg8[%swap3A_65, %swap3A_66] : memref<2048x1xf32, #tpu.memory_space<vmem>>, vector<2048x1xf32>
    tpu.vector_store %arg8[%swap3A_65, %swap3A_66], %div3A_55 {strides = array<i32>} : memref<2048x1xf32, #tpu.memory_space<vmem>>, vector<2048x1xf32>,
    %swap3A_68 = arith.constant 0 : index
    %swap3A_69 = arith.constant 0 : index
    %swap3A_70 = vector.load %arg9[%swap3A_68, %swap3A_69] : memref<2048x1xf32, #tpu.memory_space<vmem>>, vector<2048x1xf32>
    tpu.vector_store %arg9[%swap3A_68, %swap3A_69], %div3A_59 {strides = array<i32>} : memref<2048x1xf32, #tpu.memory_space<vmem>>, vector<2048x1xf32>,
    return
  }
}

module attributes {stable_mosaic.version = 14 : i64} {
  func.func @_ffn_body(%arg0: i32, %arg1: i32, %arg2: memref<16xi32, #tpu.memory_space<smem>>, %arg3: memref<16xi32, #tpu.memory_space<smem>>, %arg4: memref<4608x768xf32, #tpu.memory_space<vmem>>, %arg5: memref<1x1536x768xf32, #tpu.memory_space<vmem>>, %arg6: memref<1x1x1536xf32, #tpu.memory_space<vmem>>, %arg7: memref<1x768x1536xf32, #tpu.memory_space<vmem>>, %arg8: memref<1x1x768xf32, #tpu.memory_space<vmem>>, %arg9: memref<4608x768xf32, #tpu.memory_space<vmem>>) attributes {dimension_semantics = [#tpu.dimension_semantics<arbitrary>, #tpu.dimension_semantics<arbitrary>], iteration_bounds = array<i64: 8, 2>, scalar_prefetch = 2 : i64, scratch_operands = 0 : i64, tpu.core_type = #tpu.core_type<tc>, window_params = [{pipeline_mode = #tpu.pipeline_mode<synchronous>, transform_indices = @transform_0, window_bounds = array<i64: 4608, 768>}, {transform_indices = @transform_1, window_bounds = array<i64: 1, 1536, 768>}, {transform_indices = @transform_2, window_bounds = array<i64: 1, 1, 1536>}, {transform_indices = @transform_3, window_bounds = array<i64: 1, 768, 1536>}, {transform_indices = @transform_4, window_bounds = array<i64: 1, 1, 768>}, {pipeline_mode = #tpu.pipeline_mode<synchronous>, transform_indices = @transform_5, window_bounds = array<i64: 4608, 768>}]} {
    %get3A = arith.index_cast %arg0 : i32 to index
    %get3A_0 = memref.load %arg2[%get3A] : memref<16xi32, #tpu.memory_space<smem>>
    %get3A_1 = arith.index_cast %arg0 : i32 to index
    %get3A_2 = memref.load %arg3[%get3A_1] : memref<16xi32, #tpu.memory_space<smem>>
    %while3A = arith.constant 0 : i32
    %while3A_3 = arith.constant 0 : i32
    %while3A_4 = arith.subi %get3A_2, %while3A_3 : i32
    %while3A_5 = arith.addi %while3A_3, %while3A_4 : i32
    %while3A_6 = arith.constant 1 : i32
    %while3A_7 = arith.divsi %while3A_4, %while3A_6 : i32
    %while3A_8 = arith.muli %while3A_7, %while3A_6 : i32
    %while3A_9 = arith.addi %while3A_3, %while3A_8 : i32
    %while3A_10 = arith.constant 1 : i32
    scf.for %while3A_12 = %while3A_3 to %while3A_9 step %while3A_10  : i32 {
      %mul3A = arith.constant 256 : i32
      %mul3A_13 = arith.muli %while3A_12, %mul3A : i32
      %add3A = arith.addi %get3A_0, %mul3A_13 : i32
      %multiple_of3A = tpu.assume_multiple %add3A, 8 : i32
      %get3A_14 = arith.index_cast %multiple_of3A : i32 to index
      %get3A_15 = arith.constant 0 : index
      %get3A_16 = vector.load %arg4[%get3A_14, %get3A_15] : memref<4608x768xf32, #tpu.memory_space<vmem>>, vector<256x768xf32>
      %get3A_17 = arith.constant 0 : index
      %get3A_18 = arith.constant 0 : index
      %get3A_19 = arith.constant 0 : index
      %get3A_20 = vector.load %arg5[%get3A_17, %get3A_18, %get3A_19] : memref<1x1536x768xf32, #tpu.memory_space<vmem>>, vector<1x1536x768xf32>
      %get3A_21 = vector.shape_cast %get3A_20 : vector<1x1536x768xf32> to vector<1536x768xf32>
      %dot_general3A = arith.constant dense<0.000000e+00> : vector<256x1536xf32>
      %dot_general3A_22 = tpu.matmul %get3A_16, %get3A_21, %dot_general3A {dimension_numbers = #tpu.dot_dimension_numbers<[1], [1], [0], [0], [0, 0, 1, 0], [], []>, transpose_lhs_hint = false} : vector<256x768xf32>, vector<1536x768xf32>, vector<256x1536xf32> -> vector<256x1536xf32>
      %get3A_23 = arith.constant 0 : index
      %get3A_24 = arith.constant 0 : index
      %get3A_25 = arith.constant 0 : index
      %get3A_26 = vector.load %arg6[%get3A_23, %get3A_24, %get3A_25] : memref<1x1x1536xf32, #tpu.memory_space<vmem>>, vector<1x1x1536xf32>
      %get3A_27 = vector.shape_cast %get3A_26 : vector<1x1x1536xf32> to vector<1x1536xf32>
      %add3A_28 = vector.broadcast %get3A_27 : vector<1x1536xf32> to vector<256x1536xf32>
      %add3A_29 = arith.addf %dot_general3A_22, %add3A_28 : vector<256x1536xf32>
      %max3A = arith.constant 0.000000e+00 : f32
      %max3A_30 = vector.broadcast %max3A : f32 to vector<256x1536xf32>
      %max3A_31 = arith.maximumf %add3A_29, %max3A_30 : vector<256x1536xf32>
      %get3A_32 = arith.constant 0 : index
      %get3A_33 = arith.constant 0 : index
      %get3A_34 = arith.constant 0 : index
      %get3A_35 = vector.load %arg7[%get3A_32, %get3A_33, %get3A_34] : memref<1x768x1536xf32, #tpu.memory_space<vmem>>, vector<1x768x1536xf32>
      %get3A_36 = vector.shape_cast %get3A_35 : vector<1x768x1536xf32> to vector<768x1536xf32>
      %dot_general3A_37 = arith.constant dense<0.000000e+00> : vector<256x768xf32>
      %dot_general3A_38 = tpu.matmul %max3A_31, %get3A_36, %dot_general3A_37 {dimension_numbers = #tpu.dot_dimension_numbers<[1], [1], [0], [0], [0, 0, 1, 0], [], []>, transpose_lhs_hint = false} : vector<256x1536xf32>, vector<768x1536xf32>, vector<256x768xf32> -> vector<256x768xf32>
      %eq3A = arith.constant 0 : i32
      %eq3A_39 = arith.cmpi eq, %arg1, %eq3A : i32
      %convert_element_type3A = arith.extui %eq3A_39 : i1 to i32
      %cond3A = arith.constant 0 : i32
      %cond3A_40 = arith.cmpi ne, %convert_element_type3A, %cond3A : i32
      scf.if %cond3A_40 {
        %get3A_45 = arith.constant 0 : index
        %get3A_46 = arith.constant 0 : index
        %get3A_47 = arith.constant 0 : index
        %get3A_48 = vector.load %arg8[%get3A_45, %get3A_46, %get3A_47] : memref<1x1x768xf32, #tpu.memory_space<vmem>>, vector<1x1x768xf32>
        %get3A_49 = vector.shape_cast %get3A_48 : vector<1x1x768xf32> to vector<1x768xf32>
        %add3A_50 = vector.broadcast %get3A_49 : vector<1x768xf32> to vector<256x768xf32>
        %add3A_51 = arith.addf %dot_general3A_38, %add3A_50 : vector<256x768xf32>
        %swap3A = arith.index_cast %multiple_of3A : i32 to index
        %swap3A_52 = arith.constant 0 : index
        %swap3A_53 = vector.load %arg9[%swap3A, %swap3A_52] : memref<4608x768xf32, #tpu.memory_space<vmem>>, vector<256x768xf32>
        tpu.vector_store %arg9[%swap3A, %swap3A_52], %add3A_51 {strides = array<i32>} : memref<4608x768xf32, #tpu.memory_space<vmem>>, vector<256x768xf32>,
      } else {
      }
      %ne3A = arith.constant 0 : i32
      %ne3A_41 = arith.cmpi ne, %arg1, %ne3A : i32
      %convert_element_type3A_42 = arith.extui %ne3A_41 : i1 to i32
      %cond3A_43 = arith.constant 0 : i32
      %cond3A_44 = arith.cmpi ne, %convert_element_type3A_42, %cond3A_43 : i32
      scf.if %cond3A_44 {
        %get3A_45 = arith.index_cast %multiple_of3A : i32 to index
        %get3A_46 = arith.constant 0 : index
        %get3A_47 = vector.load %arg9[%get3A_45, %get3A_46] : memref<4608x768xf32, #tpu.memory_space<vmem>>, vector<256x768xf32>
        %add3A_48 = arith.addf %get3A_47, %dot_general3A_38 : vector<256x768xf32>
        %swap3A = arith.index_cast %multiple_of3A : i32 to index
        %swap3A_49 = arith.constant 0 : index
        %swap3A_50 = vector.load %arg9[%swap3A, %swap3A_49] : memref<4608x768xf32, #tpu.memory_space<vmem>>, vector<256x768xf32>
        tpu.vector_store %arg9[%swap3A, %swap3A_49], %add3A_48 {strides = array<i32>} : memref<4608x768xf32, #tpu.memory_space<vmem>>, vector<256x768xf32>,
      } else {
      }
    }
    %while3A_11 = arith.constant 1 : i32
    scf.for %while3A_12 = %while3A_9 to %while3A_5 step %while3A_11  : i32 {
      %mul3A = arith.constant 256 : i32
      %mul3A_13 = arith.muli %while3A_12, %mul3A : i32
      %add3A = arith.addi %get3A_0, %mul3A_13 : i32
      %multiple_of3A = tpu.assume_multiple %add3A, 8 : i32
      %get3A_14 = arith.index_cast %multiple_of3A : i32 to index
      %get3A_15 = arith.constant 0 : index
      %get3A_16 = vector.load %arg4[%get3A_14, %get3A_15] : memref<4608x768xf32, #tpu.memory_space<vmem>>, vector<256x768xf32>
      %get3A_17 = arith.constant 0 : index
      %get3A_18 = arith.constant 0 : index
      %get3A_19 = arith.constant 0 : index
      %get3A_20 = vector.load %arg5[%get3A_17, %get3A_18, %get3A_19] : memref<1x1536x768xf32, #tpu.memory_space<vmem>>, vector<1x1536x768xf32>
      %get3A_21 = vector.shape_cast %get3A_20 : vector<1x1536x768xf32> to vector<1536x768xf32>
      %dot_general3A = arith.constant dense<0.000000e+00> : vector<256x1536xf32>
      %dot_general3A_22 = tpu.matmul %get3A_16, %get3A_21, %dot_general3A {dimension_numbers = #tpu.dot_dimension_numbers<[1], [1], [0], [0], [0, 0, 1, 0], [], []>, transpose_lhs_hint = false} : vector<256x768xf32>, vector<1536x768xf32>, vector<256x1536xf32> -> vector<256x1536xf32>
      %get3A_23 = arith.constant 0 : index
      %get3A_24 = arith.constant 0 : index
      %get3A_25 = arith.constant 0 : index
      %get3A_26 = vector.load %arg6[%get3A_23, %get3A_24, %get3A_25] : memref<1x1x1536xf32, #tpu.memory_space<vmem>>, vector<1x1x1536xf32>
      %get3A_27 = vector.shape_cast %get3A_26 : vector<1x1x1536xf32> to vector<1x1536xf32>
      %add3A_28 = vector.broadcast %get3A_27 : vector<1x1536xf32> to vector<256x1536xf32>
      %add3A_29 = arith.addf %dot_general3A_22, %add3A_28 : vector<256x1536xf32>
      %max3A = arith.constant 0.000000e+00 : f32
      %max3A_30 = vector.broadcast %max3A : f32 to vector<256x1536xf32>
      %max3A_31 = arith.maximumf %add3A_29, %max3A_30 : vector<256x1536xf32>
      %get3A_32 = arith.constant 0 : index
      %get3A_33 = arith.constant 0 : index
      %get3A_34 = arith.constant 0 : index
      %get3A_35 = vector.load %arg7[%get3A_32, %get3A_33, %get3A_34] : memref<1x768x1536xf32, #tpu.memory_space<vmem>>, vector<1x768x1536xf32>
      %get3A_36 = vector.shape_cast %get3A_35 : vector<1x768x1536xf32> to vector<768x1536xf32>
      %dot_general3A_37 = arith.constant dense<0.000000e+00> : vector<256x768xf32>
      %dot_general3A_38 = tpu.matmul %max3A_31, %get3A_36, %dot_general3A_37 {dimension_numbers = #tpu.dot_dimension_numbers<[1], [1], [0], [0], [0, 0, 1, 0], [], []>, transpose_lhs_hint = false} : vector<256x1536xf32>, vector<768x1536xf32>, vector<256x768xf32> -> vector<256x768xf32>
      %eq3A = arith.constant 0 : i32
      %eq3A_39 = arith.cmpi eq, %arg1, %eq3A : i32
      %convert_element_type3A = arith.extui %eq3A_39 : i1 to i32
      %cond3A = arith.constant 0 : i32
      %cond3A_40 = arith.cmpi ne, %convert_element_type3A, %cond3A : i32
      scf.if %cond3A_40 {
        %get3A_45 = arith.constant 0 : index
        %get3A_46 = arith.constant 0 : index
        %get3A_47 = arith.constant 0 : index
        %get3A_48 = vector.load %arg8[%get3A_45, %get3A_46, %get3A_47] : memref<1x1x768xf32, #tpu.memory_space<vmem>>, vector<1x1x768xf32>
        %get3A_49 = vector.shape_cast %get3A_48 : vector<1x1x768xf32> to vector<1x768xf32>
        %add3A_50 = vector.broadcast %get3A_49 : vector<1x768xf32> to vector<256x768xf32>
        %add3A_51 = arith.addf %dot_general3A_38, %add3A_50 : vector<256x768xf32>
        %swap3A = arith.index_cast %multiple_of3A : i32 to index
        %swap3A_52 = arith.constant 0 : index
        %swap3A_53 = vector.load %arg9[%swap3A, %swap3A_52] : memref<4608x768xf32, #tpu.memory_space<vmem>>, vector<256x768xf32>
        tpu.vector_store %arg9[%swap3A, %swap3A_52], %add3A_51 {strides = array<i32>} : memref<4608x768xf32, #tpu.memory_space<vmem>>, vector<256x768xf32>,
      } else {
      }
      %ne3A = arith.constant 0 : i32
      %ne3A_41 = arith.cmpi ne, %arg1, %ne3A : i32
      %convert_element_type3A_42 = arith.extui %ne3A_41 : i1 to i32
      %cond3A_43 = arith.constant 0 : i32
      %cond3A_44 = arith.cmpi ne, %convert_element_type3A_42, %cond3A_43 : i32
      scf.if %cond3A_44 {
        %get3A_45 = arith.index_cast %multiple_of3A : i32 to index
        %get3A_46 = arith.constant 0 : index
        %get3A_47 = vector.load %arg9[%get3A_45, %get3A_46] : memref<4608x768xf32, #tpu.memory_space<vmem>>, vector<256x768xf32>
        %add3A_48 = arith.addf %get3A_47, %dot_general3A_38 : vector<256x768xf32>
        %swap3A = arith.index_cast %multiple_of3A : i32 to index
        %swap3A_49 = arith.constant 0 : index
        %swap3A_50 = vector.load %arg9[%swap3A, %swap3A_49] : memref<4608x768xf32, #tpu.memory_space<vmem>>, vector<256x768xf32>
        tpu.vector_store %arg9[%swap3A, %swap3A_49], %add3A_48 {strides = array<i32>} : memref<4608x768xf32, #tpu.memory_space<vmem>>, vector<256x768xf32>,
      } else {
      }
    }
    return
  }
  func.func @transform_0(%arg0: i32, %arg1: i32, %arg2: memref<16xi32, #tpu.memory_space<smem>>, %arg3: memref<16xi32, #tpu.memory_space<smem>>) -> (i32, i32) {
    %c0_i32 = arith.constant 0 : i32
    %c0_i32_0 = arith.constant 0 : i32
    %c0_i32_1 = arith.constant 0 : i32
    return %c0_i32, %c0_i32_0 : i32, i32
  }
  func.func @transform_1(%arg0: i32, %arg1: i32, %arg2: memref<16xi32, #tpu.memory_space<smem>>, %arg3: memref<16xi32, #tpu.memory_space<smem>>) -> (i32, i32, i32) {
    %c0_i32 = arith.constant 0 : i32
    %c0_i32_0 = arith.constant 0 : i32
    return %arg0, %arg1, %c0_i32 : i32, i32, i32
  }
  func.func @transform_2(%arg0: i32, %arg1: i32, %arg2: memref<16xi32, #tpu.memory_space<smem>>, %arg3: memref<16xi32, #tpu.memory_space<smem>>) -> (i32, i32, i32) {
    %c0_i32 = arith.constant 0 : i32
    %c0_i32_0 = arith.constant 0 : i32
    return %arg0, %c0_i32, %arg1 : i32, i32, i32
  }
  func.func @transform_3(%arg0: i32, %arg1: i32, %arg2: memref<16xi32, #tpu.memory_space<smem>>, %arg3: memref<16xi32, #tpu.memory_space<smem>>) -> (i32, i32, i32) {
    %c0_i32 = arith.constant 0 : i32
    %c0_i32_0 = arith.constant 0 : i32
    return %arg0, %c0_i32, %arg1 : i32, i32, i32
  }
  func.func @transform_4(%arg0: i32, %arg1: i32, %arg2: memref<16xi32, #tpu.memory_space<smem>>, %arg3: memref<16xi32, #tpu.memory_space<smem>>) -> (i32, i32, i32) {
    %c0_i32 = arith.constant 0 : i32
    %c0_i32_0 = arith.constant 0 : i32
    %c0_i32_1 = arith.constant 0 : i32
    return %arg0, %c0_i32, %c0_i32_0 : i32, i32, i32
  }
  func.func @transform_5(%arg0: i32, %arg1: i32, %arg2: memref<16xi32, #tpu.memory_space<smem>>, %arg3: memref<16xi32, #tpu.memory_space<smem>>) -> (i32, i32) {
    %c0_i32 = arith.constant 0 : i32
    %c0_i32_0 = arith.constant 0 : i32
    %c0_i32_1 = arith.constant 0 : i32
    return %c0_i32, %c0_i32_0 : i32, i32
  }
}

</mosaic_0001>

<sc_bundles>
// kernel: kernel.6.cloned.1.call-start
scs
__scs_entry_jumppad:
0x0: {  	(pc) =	sbr.rel $0x88, $3  }
0x1: {  	(tag) =	ssettag $0x0;
	lr =	simm.s32 $0x1  }
0x2: {  	[smem:$0x3F98] =	sst lr;
	_ =	strace $0xD0000000  }
0x3: {  	_ = 	snop  }
0x4: {  	_ = 	snop  }
0x5: {  	_ = 	snop  }
0x6: {  	_ = 	snop  }
0x7: {  	_ = 	snop  }
__scs_overlays_trampoline_lowered:
0x8: {  	[smem:$0x3FA7] =	sst s0  }
0x9: {  	[smem:$0x3FA8] =	sst s1  }
0xa: {  	[smem:$0x3FA9] =	sst s2  }
0xb: {  	[smem:$0x3FAA] =	sst s3  }
0xc: {  	[smem:$0x3FAB] =	sst s4  }
0xd: {  	[smem:$0x3FAC] =	sst s5  }
0xe: {  	[smem:$0x3FAD] =	sst s6  }
0xf: {  	[smem:$0x3FAE] =	sst s7  }
0x10: {  	[smem:$0x3FAF] =	sst s8  }
0x11: {  	[smem:$0x3FB0] =	sst s9;
	s0 =	simm.s32 @!p0 $0x0  }
0x12: {  	s1 =	sld [smem:$0x3F96];
	s0 =	simm.s32 @p0 $0x1  }
0x13: {  	[smem:$0x3FB1] =	sst s0;
	s0 =	simm.s32 @!p1 $0x0  }
0x14: {  	s2 =	sld [smem:$0x3F95];
	s0 =	simm.s32 @p1 $0x1  }
0x15: {  	[smem:$0x3FB2] =	sst s0;
	s0 =	simm.s32 @!p2 $0x0  }
0x16: {  	s3 =	sld [smem:$0x3FDB];
	s0 =	simm.s32 @p2 $0x1  }
0x17: {  	s4 =	simm.s32 $0x1BF5;
	[smem:$0x3FB4] =	sst s0  }
0x18: {  	s0 =	sld [smem:$0x3F97];
	_ =	swait.ge [sflag:s4], $0x0  }
0x19: {  	s7 =	sld [smem:$0x3F98]  }
0x1a: {  	s8 =	sadd.s32 $0xFFFFE003, lr  }
0x1b: {  	s9 =	sadd.s32 $0xFFFFFEF7, lr;
	s5 =	simm.s32 $0xFFFFFFFF;
	p2 =	slt.u32 s8, $0xFFFFF086  }
0x1c: {  	p1 =	slt.u32 s9, $0xF7A;
	s5 =	simm.s32 @!p2 $0x0  }
0x1d: {  	s5 =	simm.s32 @p1 $0x1;
	p0 =	seq.s32 s7, s2  }
0x1e: {  	s7 =	smul.u32 @!p0 $0xF7A, s2;
	p2 =	seq.s32 @!p0 s5, $0x0  }
0x1f: {  	s9 =	smul.u32 $0xF7A, s1;
	s8 =	simm.s32 @!p0 $0x1BF5;
	p2 =	por !p2, p0  }
0x20: {  	[sflag:s8] =	ssyncset.s32 @!p0 $0xFFFFF086;
	s6 =	sadd.s32 @!p0 s3, s7;
	s7 =	simm.s32 @!p0 $0x108  }
0x21: {  	s3 =	sadd.s32 s3, s9;
	s6 =	sadd.s32 @!p0 $0x88, s6;
	s7 =	simm.s32 @p2 $0x1082  }
0x22: {  	[simem:s7], [sflag:s8] =	dma.local @!p0 [hbm:s6], $0xF7A  }
0x23: {  	s9 =	sor.u32 $0xD0000000, s2;
	s6 =	simm.s32 $0x108;
	_ =	swait.ge @!p0 [sflag:s8], $0x0  }
0x24: {  	s3 =	sadd.s32 $0x88, s3;
	s6 =	simm.s32 @!p1 $0x1082;
	[sflag:s4] =	ssyncset.s32 $0xFFFFF086  }
0x25: {  	[simem:s6], [sflag:s4] =	dma.local [hbm:s3], $0xF7A  }
0x26: {  	[smem:$0x3F98] =	sst s1;
	(tag) =	ssettag s2;
	_ =	strace s9  }
0x27: {  	s1 =	sld [smem:$0x3FA8]  }
0x28: {  	s2 =	sld [smem:$0x3FA9]  }
0x29: {  	s4 =	sld [smem:$0x3FAB]  }
0x2a: {  	p0 =	seq.s32 s5, $0x0;
	s5 =	sld [smem:$0x3FAC]  }
0x2b: {  	s6 =	sld [smem:$0x3FAD]  }
0x2c: {  	s7 =	sld [smem:$0x3FAE]  }
0x2d: {  	s3 =	simm.s32 $0x108;
	s8 =	sld [smem:$0x3FAF]  }
0x2e: {  	s3 =	simm.s32 @!p0 $0x1082;
	s9 =	sld [smem:$0x3FB0]  }
0x2f: {  	lr =	sadd.s32 s0, s3;
	s0 =	sld [smem:$0x3FA7]  }
0x30: {  	s3 =	sld [smem:$0x3FAA]  }
0x31: {  	[smem:$0x3FB3] =	sst s10  }
0x32: {  	s10 =	sld [smem:$0x3FB1];
	_ =	sdelay $0x3  }
0x33: {  	p0 =	seq.s32 s10, $0x1;
	s10 =	sld [smem:$0x3FB3];
	_ =	sdelay $0x3  }
0x34: {  	[smem:$0x3FB3] =	sst s10  }
0x35: {  	s10 =	sld [smem:$0x3FB2];
	_ =	sdelay $0x3  }
0x36: {  	p1 =	seq.s32 s10, $0x1;
	s10 =	sld [smem:$0x3FB3];
	_ =	sdelay $0x3  }
0x37: {  	[smem:$0x3FB3] =	sst s10  }
0x38: {  	s10 =	sld [smem:$0x3FB4]  }
0x39: {  	_ = 	snop;
	(pc) =	sbr.ind lr, $3  }
0x3a: {  	_ = 	snop  }
0x3b: {  	_ = 	snop  }
0x3c: {  	p2 =	seq.s32 s10, $0x1;
	s10 =	sld [smem:$0x3FB3]  }
0x3d: {  	_ =	shalt  }
0x3e: {  	_ =	shalt  }
0x3f: {  	_ =	shalt  }
0x40: {  	_ =	shalt  }
0x41: {  	_ =	shalt  }
0x42: {  	_ =	shalt  }
0x43: {  	_ =	shalt  }
0x44: {  	_ =	shalt  }
0x45: {  	_ =	shalt  }
0x46: {  	_ =	shalt  }
0x47: {  	_ =	shalt  }
0x48: {  	_ =	shalt  }
0x49: {  	_ =	shalt  }
0x4a: {  	_ =	shalt  }
0x4b: {  	_ =	shalt  }
0x4c: {  	_ =	shalt  }
0x4d: {  	_ =	shalt  }
0x4e: {  	_ =	shalt  }
0x4f: {  	_ =	shalt  }
0x50: {  	_ =	shalt  }
0x51: {  	_ =	shalt  }
0x52: {  	_ =	shalt  }
0x53: {  	_ =	shalt  }
0x54: {  	_ =	shalt  }
0x55: {  	_ =	shalt  }
0x56: {  	_ =	shalt  }
0x57: {  	_ =	shalt  }
0x58: {  	_ =	shalt  }
0x59: {  	_ =	shalt  }
0x5a: {  	_ =	shalt  }
0x5b: {  	_ =	shalt  }
0x5c: {  	_ =	shalt  }
0x5d: {  	_ =	shalt  }
0x5e: {  	_ =	shalt  }
0x5f: {  	_ =	shalt  }
0x60: {  	_ =	shalt  }
0x61: {  	_ =	shalt  }
0x62: {  	_ =	shalt  }
0x63: {  	_ =	shalt  }
0x64: {  	_ =	shalt  }
0x65: {  	_ =	shalt  }
0x66: {  	_ =	shalt  }
0x67: {  	_ =	shalt  }
0x68: {  	_ =	shalt  }
0x69: {  	_ =	shalt  }
0x6a: {  	_ =	shalt  }
0x6b: {  	_ =	shalt  }
0x6c: {  	_ =	shalt  }
0x6d: {  	_ =	shalt  }
0x6e: {  	_ =	shalt  }
0x6f: {  	_ =	shalt  }
0x70: {  	_ =	shalt  }
0x71: {  	_ =	shalt  }
0x72: {  	_ =	shalt  }
0x73: {  	_ =	shalt  }
0x74: {  	_ =	shalt  }
0x75: {  	_ =	shalt  }
0x76: {  	_ =	shalt  }
0x77: {  	_ =	shalt  }
0x78: {  	_ =	shalt  }
0x79: {  	_ =	shalt  }
0x7a: {  	_ =	shalt  }
0x7b: {  	_ =	shalt  }
0x7c: {  	_ =	shalt  }
0x7d: {  	_ =	shalt  }
0x7e: {  	_ =	shalt  }
0x7f: {  	_ =	shalt  }
0x80: {  	_ =	shalt  }
0x81: {  	_ =	shalt  }
0x82: {  	_ =	shalt  }
0x83: {  	_ =	shalt  }
0x84: {  	_ =	shalt  }
0x85: {  	_ =	shalt  }
0x86: {  	_ =	shalt  }
0x87: {  	_ =	shalt  }
.Lfunc_end0:
.L_simem_size_0:
called_computation_lowered:
.L_overlay_start_0:
0x88: {  	s2 =	sld [smem:$0x3FD9]  }
0x89: {  	s3 =	sld [smem:$0x3FFE];
	_ =	sdelay $0x1  }
0x8a: {  	s1 =	srdreg.scid  }
0x8b: {  	s0 =	sand.u32 $0x1, s1  }
0x8c: {  	s17 =	sshll.u32 s0, $0xA;
	s2 =	sadd.s32 s3, s2  }
0x8d: {  	s2 =	sadd.s32 s2, s17  }
0x8e: {  	[smem:$0x3FBF] =	sst s2  }
0x8f: {  	_ = 	snop  }
0x90: {  	s2 =	sld [smem:$0x3FC9];
	(tm) =	ssettm $0x1  }
0x91: {  	s18 =	sld [smem:$0x3FFB];
	_ =	sdelay $0x3  }
0x92: {  	_ =	strace s18  }
0x93: {  	s3 =	sld [smem:$0x3FFC];
	_ =	sdelay $0x3  }
0x94: {  	_ =	strace s3  }
0x95: {  	s3 =	sld [smem:$0x3FFD];
	_ =	sdelay $0x3  }
0x96: {  	_ =	strace s3  }
0x97: {  	_ =	strace $0x8FFFFFFF  }
0x98: {  	s19 =	sld [smem:$0x3FDB];
	_ =	sdelay $0x1  }
0x99: {  	s4 =	simm.s32 $_scs_section_size  }
0x9a: {  	s5 =	simm.s32 $_size__tile_overlayer_lowered;
	s6 =	simm.s32 $_tile_overlayer_lowered  }
0x9b: {  	s22 =	simm.s32 $0x1BFF;
	s21 =	sshll.u32 s6, $0x1;
	s3 =	sadd.s32 s4, s19  }
0x9c: {  	s7 =	simm.s32 $0x0;
	s20 =	sshll.u32 s5, $0x1;
	s5 =	sadd.s32 s21, s3  }
0x9d: {  	[timem:s7], [sflag:s22] =	dma.local [hbm:s5], s20  }
0x9e: {  	_ =	swait.ge [sflag:s22], s20  }
0x9f: {  	s4 =	ssub.s32 $0x0, s20;
	[sflag:s22] =	ssyncset.done $0x0  }
0xa0: {  	[sflag:s22] =	ssyncadd.s32 s4;
	_ =	sdelay $0x1  }
0xa1: {  	s23 =	simm.s32 $0x1B8B  }
0xa2: {  	_ =	swait.ge [sflag:s23], $0x1  }
0xa3: {  	[sflag:s23] =	ssyncset.done $0x0  }
0xa4: {  	s25 =	simm.s32 $0x1B8E;
	s24 =	sld [smem:$0x3FFE];
	[sflag:s23] =	ssyncadd.s32 $0xFFFFFFFF  }
0xa5: {  	s26 =	simm.s32 $execute0_lowered;
	[smem:$0x3FD2] =	sst s25  }
0xa6: {  	s5 =	sshll.u32 s26, $0x1;
	_ =	strace $0x80000046;
	[dreg:$0x1] =	wrdreg $0xFFFFFFFF  }
0xa7: {  	s28 =	simm.s32 $_size_execute0_lowered;
	s3 =	sadd.s32 s3, s5;
	[dreg:$0x0] =	wrdreg $0x0  }
0xa8: {  	s5 =	sshll.u32 s28, $0x1;
	[dreg:$0x2] =	wrdreg s3  }
0xa9: {  	[dreg:$0x3] =	wrdreg s5  }
0xaa: {  	[dreg:$0x4] =	wrdreg $0xC0  }
0xab: {  	_ =	task [dreg:s7], $0x5FFFF  }
0xac: {  	[dreg:$0x1] =	wrdreg $0xFFFFFFFF  }
0xad: {  	[dreg:$0x0] =	wrdreg $0x60  }
0xae: {  	[dreg:$0x2] =	wrdreg s24  }
0xaf: {  	[dreg:$0x3] =	wrdreg s2  }
0xb0: {  	[dreg:$0x4] =	wrdreg $0x9  }
0xb1: {  	_ =	task.clear_ibuf [dreg:s7], $0x5FFFF;
	_ =	strace $0x90000046  }
0xb2: {  	s29 =	simm.s32 $0x9;
	_ =	strace $0x80000048  }
0xb3: {  	_ =	swait.ge [sflag:s29], $0x1  }
0xb4: {  	[sflag:s29] =	ssyncadd.s32 $0xFFFFFFFF  }
0xb5: {  	_ =	strace $0x90000048  }
0xb6: {  	_ =	sfence  }
0xb7: {  	s30 =	sld [smem:$0x0];
	_ =	sdelay $0x2  }
0xb8: {  	s31 =	sshll.u32 s1, $0xD;
	s1 =	sshrl.u32 s1, $0x2  }
0xb9: {  	s3 =	sand.u32 $0x4000, s31;
	s1 =	sadd.s32 s1, s30  }
0xba: {  	s0 =	sor.u32 s3, s0;
	s1 =	sshll.u32 s1, $0x11  }
0xbb: {  	s0 =	sor.u32 s1, s0  }
0xbc: {  	s0 =	sadd.s32 $0x8F2B, s0  }
0xbd: {  	[sflag:s0] =	ssyncadd.remote.s32 $0x1  }
0xbe: {  	_ =	sfence.sel $0xFFFF  }
0xbf: {  	[dreg:$0x0] =	wrdreg $0xFFFFFFFF;
	(pc) =	sbr.abs _section_cstart, $3  }
0xc0: {  	[dreg:$0x1] =	wrdreg $0xFFFFFFFF  }
0xc1: {  	_ =	task.clear_ibuf [dreg:s7], $0x2FFFF;
	_ =	strace $0x9FFFFFFF  }
0xc2: {  	(tm) =	ssettm $0x7FFFFFFF  }
0xc3: {  	_ =	shalt  }
tec
execute0_lowered:
.L_overlay_start_1:
0x0: {  	(tag) =	ssettag $0x1  }
0x1: {  	s0 =	rddreg [dreg:$0x0]  }
0x2: {  	s1 =	rddreg [dreg:$0x1]  }
0x3: {  	s2 =	srdreg.scid;
	s4 =	stileid.u32  }
0x4: {  	s29 =	simm.s32 $0x0;
	s17 =	simm.s32 $0x4A00;
	s18 =	simm.s32 $0x5200  }
0x5: {  	s28 =	simm.s32 $0xA200;
	s19 =	simm.s32 $0xC200;
	s20 =	simm.s32 $0xCA00  }
0x6: {  	s6 =	sand.u32 $0x1, s2;
	s2 =	simm.s32 $0x0;
	s21 =	sadd.s32 $0x800, s0  }
0x7: {  	s22 =	sadd.s32 $0xA00, s0;
	s5 =	sadd.s32 $0xC00, s0;
	s10 =	sadd.s32 $0x6CC00, s0  }
0x8: {  	s23 =	sadd.s32 $0x6CE00, s0;
	s13 =	sadd.s32 $0xD00, s0;
	[smem:$0x7FF] =	sst s2  }
0x9: {  	s14 =	sadd.s32 $0xE00, s0;
	_ =	strace $0x80000047;
	[dreg:$0x3] =	wrdreg s10  }
0xa: {  	s3 =	sshll.u32 s6, $0x4;
	s6 =	ssub.s32 $0x2, s6;
	[dreg:$0x4] =	wrdreg s23  }
0xb: {  	s7 =	sor.u32 s4, s3;
	s24 =	sshrl.u32 s6, $0x1;
	[dreg:$0xb] =	wrdreg s21  }
0xc: {  	[dreg:$0xc] =	wrdreg s22;
	s23 =	simm.s32 $0x6200;
	s3 =	simm.s32 $0xAA00  }
0xd: {  	s4 =	simm.s32 $0xB200;
	s10 =	simm.s32 $0xBA00;
	s8 =	sshll.u32 s7, $0x3  }
0xe: {  	s11 =	smul.u32 $0x1800, s7;
	s6 =	ssub.s32 s6, s24;
	p0 =	sne.s32 s7, $0x0  }
0xf: {  	s24 =	simm.s32 $0x7200;
	s9 =	sadd.s32 s8, s0;
	s25 =	sadd.s32 s21, s8  }
0x10: {  	s8 =	sadd.s32 s22, s8;
	s31 =	smax.u32 s6, $0x1;
	s21 =	simm.s32 $0x2  }
0x11: {  	s22 =	simm.s32 $0x5A00;
	s6 =	simm.s32 $0x6A00;
	[dreg:$0x5] =	wrdreg s25  }
0x12: {  	[dreg:$0x6] =	wrdreg s8;
	s1 =	sadd.s32 s1, s11;
	s11 =	sshll.u32 s7, $0x2  }
0x13: {  	v0 =	vimm.s32 $0x0;
	s26 =	sadd.s32 $0x6D000, s9;
	s30 =	sadd.s32 $0x6D200, s9;
	[dreg:$0xa] =	wrdreg s31  }
0x14: {  	vm0 =	vmmov $0x1;
	v1 =	vimm.s32 $0x0;
	v3 =	vlaneseq.u32;
	s7 =	simm.s32 $0x7A00;
	s25 =	simm.s32 $0x8200;
	[dreg:$0x7] =	wrdreg s1  }
0x15: {  	vm8 =	vmmov $0xffff;
	v1 =	vsel vm0, $0xFFFFFFFF, v1;
	v2 =	vshrl.u32 v3, $0x3;
	s8 =	simm.s32 $0x9200;
	s9 =	simm.s32 $0x9A00;
	[dreg:$0x8] =	wrdreg s26  }
0x16: {  	v2 =	vmul.u32 $0x8, v2;
	[tilespmem:$0x1FFF0] =	vst v1;
	v1 =	vand.u32 $0x7, v3;
	v3 =	vor.u32 $0x8, v3;
	[dreg:$0x9] =	wrdreg s30;
	s1 =	simm.s32 $0x1200;
	s26 =	simm.s32 $0x8A00  }
.LBB2_1:
0x17: {  	s0 =	rddreg [dreg:$0xb]  }
0x18: {  	[tilespmem:s2], [sflag:$0x1] =	stream.linear.gather [hbm4b:s0+s2], $0x800, $0x38;
	[tilespmem:$0xD300] =	vst v63  }
0x19: {  	s12 =	simm.s32 $0x800;
	s15 =	rddreg [dreg:$0xc]  }
0x1a: {  	[tilespmem:s12], [sflag:$0x1] =	stream.linear.gather [hbm4b:s15+s2], $0x800, $0x38;
	[tilespmem:$0xD300] =	vst v63  }
0x1b: {  	s16 =	simm.s32 $0x1000;
	s15 =	rddreg [dreg:$0x5]  }
0x1c: {  	[tilespmem:s16], [sflag:$0x2] =	stream.linear.gather [hbm4b:s15+s2], $0x40, $0x38;
	[tilespmem:$0xD300] =	vst v63  }
0x1d: {  	s0 =	simm.s32 $0x1080;
	s16 =	rddreg [dreg:$0x6]  }
0x1e: {  	[tilespmem:s0], [sflag:$0x2] =	stream.linear.gather [hbm4b:s16+s2], $0x40, $0x38;
	[tilespmem:$0xD300] =	vst v63  }
0x1f: {  	s0 =	rddreg [dreg:$0x7];
	s16 =	simm.s32 $0x1  }
0x20: {  	[tilespmem:s1], [sflag:$0x2] =	stream.linear.gather [hbm4b:s0+s2], $0xC000, $0x38;
	[tilespmem:$0xD300] =	vst v63  }
0x21: {  	_ =	swait.ge [sflag:s16], $0x800  }
0x22: {  	[sflag:s16] =	ssyncset.done $0x0  }
0x23: {  	[sflag:s16] =	ssyncadd.s32 $0xFFFFF800  }
0x24: {  	_ =	swait.ge [sflag:s16], $0x800  }
0x25: {  	[sflag:s16] =	ssyncset.done $0x0  }
0x26: {  	[sflag:s16] =	ssyncadd.s32 $0xFFFFF800  }
0x27: {  	v4 =	vld [tilespmem:s2+$0x0]  }
0x28: {  	v6 =	vld [tilespmem:s12+$0x0];
	_ =	sdelay $0x1  }
0x29: {  	v19 =	vimm.s32 $0x0  }
0x2a: {  	v20 =	vimm.s32 $0x0;
	v21 =	vimm.s32 $0x0;
	v22 =	vimm.s32 $0x0  }
0x2b: {  	vm0 =	veq.s32 v4, $0x0;
	vm1 =	veq.s32 v4, $0x1;
	vm2 =	veq.s32 v4, $0x2  }
0x2c: {  	vm3 =	veq.s32 v6, $0x0;
	vm4 =	veq.s32 v4, $0x7;
	vm5 =	veq.s32 v6, $0x7  }
0x2d: {  	vm6 =	veq.s32 v6, $0x1;
	vm7 =	veq.s32 v6, $0x3;
	vm9 =	veq.s32 v4, $0x4  }
0x2e: {  	vm10 =	veq.s32 v6, $0x4;
	vm11 =	veq.s32 v4, $0x5;
	vm12 =	veq.s32 v6, $0x5  }
0x2f: {  	vm13 =	veq.s32 v4, $0x6;
	vm14 =	veq.s32 v6, $0x6;
	v5 =	vsel vm4, $0x1, v0  }
0x30: {  	v7 =	vsel vm5, $0x1, v0;
	vm4 =	veq.s32 v6, $0x2;
	vm5 =	veq.s32 v4, $0x3  }
0x31: {  	v6 =	vsel vm0, $0x1, v0;
	v8 =	vsel vm1, $0x1, v0;
	v9 =	vsel vm6, $0x1, v0  }
0x32: {  	v10 =	vsel vm2, $0x1, v0;
	v13 =	vsel vm7, $0x1, v0;
	v14 =	vsel vm9, $0x1, v0  }
0x33: {  	v15 =	vsel vm10, $0x1, v0;
	v16 =	vsel vm11, $0x1, v0;
	v17 =	vsel vm12, $0x1, v0  }
0x34: {  	p1 =	sgt.u32 s11, $0x0;
	s12 =	simm.s32 $0x1;
	v18 =	vsel vm14, $0x1, v0;
	v5 =	vadd.s32 v5, v7;
	v11 =	vsel vm4, $0x1, v0  }
0x35: {  	s12 =	simm.s32 @!p1 $0x0;
	v12 =	vsel vm5, $0x1, v0;
	v23 =	vadd.s32 v8, v9;
	v26 =	vadd.s32 v14, v15  }
0x36: {  	v27 =	vadd.s32 v16, v17;
	v17 =	vimm.s32 $0x0;
	v7 =	vmul.u32 s12, v5  }
0x37: {  	v24 =	vadd.s32 v10, v11;
	v25 =	vadd.s32 v12, v13;
	v8 =	vmul.u32 s12, v23  }
0x38: {  	v14 =	vmul.u32 s12, v26;
	v15 =	vmul.u32 s12, v27;
	v9 =	vmul.u32 s12, v24  }
0x39: {  	v10 =	vmul.u32 s12, v25;
	v4 =	vadd.s32 v0, v7;
	v7 =	vsel vm3, $0x1, v0  }
0x3a: {  	v12 =	vadd.s32 v0, v8;
	v6 =	vadd.s32 v6, v7;
	v7 =	vsel vm13, $0x1, v0  }
0x3b: {  	v11 =	vadd.s32 v0, v9;
	v28 =	vadd.s32 v7, v18;
	v7 =	vmul.u32 s12, v6  }
0x3c: {  	v10 =	vadd.s32 v0, v10;
	v9 =	vadd.s32 v0, v14;
	v8 =	vmul.u32 s12, v28;
	s12 =	simm.s32 $0x10  }
0x3d: {  	s15 =	simm.s32 $0x810;
	v14 =	vadd.s32 v0, v6;
	v13 =	vadd.s32 v0, v7;
	v7 =	vadd.s32 v0, v15;
	v15 =	vld [tilespmem:s12+$0x0]  }
0x3e: {  	s30 =	simm.s32 $0x1;
	s31 =	simm.s32 $0x2;
	v16 =	vld [tilespmem:s15+$0x0];
	v18 =	vimm.s32 $0x0;
	v6 =	vadd.s32 v0, v8;
	v8 =	vimm.s32 $0x0  }
.LBB2_2:
0x3f: {  	p1 =	sne.s32 s31, $0x7F;
	v17 =	vadd.s32 v17, v23;
	v18 =	vadd.s32 v18, v24;
	v19 =	vadd.s32 v19, v25  }
0x40: {  	v20 =	vadd.s32 v20, v26;
	v21 =	vadd.s32 v21, v27;
	v22 =	vadd.s32 v22, v28  }
0x41: {  	v8 =	vadd.s32 v8, v5  }
0x42: {  	vm2 =	veq.s32 v15, $0x0;
	vm1 =	veq.s32 v15, $0x1;
	vm0 =	veq.s32 v15, $0x2  }
0x43: {  	vm4 =	veq.s32 v15, $0x7;
	vm3 =	veq.s32 v16, $0x0;
	vm5 =	veq.s32 v16, $0x7  }
0x44: {  	p2 =	slt.u32 s30, s11;
	s30 =	smov.u32 s31;
	s16 =	simm.s32 $0x1;
	vm6 =	veq.s32 v16, $0x1;
	v5 =	vsel vm4, $0x1, v0;
	v23 =	vsel vm5, $0x1, v0  }
0x45: {  	s16 =	simm.s32 @!p2 $0x0;
	vm4 =	veq.s32 v16, $0x2;
	vm5 =	veq.s32 v15, $0x3;
	v5 =	vadd.s32 v5, v23  }
0x46: {  	vm9 =	veq.s32 v15, $0x4;
	vm7 =	veq.s32 v16, $0x3;
	v23 =	vmul.u32 s16, v5  }
0x47: {  	vm11 =	veq.s32 v15, $0x5;
	vm10 =	veq.s32 v16, $0x4;
	vm12 =	veq.s32 v16, $0x5  }
0x48: {  	vm13 =	veq.s32 v15, $0x6;
	vm14 =	veq.s32 v16, $0x6;
	v4 =	vadd.s32 v4, v23  }
0x49: {  	v15 =	vsel vm2, $0x1, v0;
	v16 =	vsel vm3, $0x1, v0;
	v23 =	vsel vm1, $0x1, v0  }
0x4a: {  	v25 =	vsel vm0, $0x1, v0;
	v24 =	vsel vm6, $0x1, v0;
	v26 =	vsel vm4, $0x1, v0  }
0x4b: {  	v29 =	vsel vm9, $0x1, v0;
	v28 =	vsel vm7, $0x1, v0;
	v27 =	vsel vm5, $0x1, v0  }
0x4c: {  	v31 =	vsel vm11, $0x1, v0;
	v30 =	vsel vm10, $0x1, v0;
	v32 =	vsel vm12, $0x1, v0  }
0x4d: {  	v33 =	vadd.s32 v15, v16;
	v15 =	vsel vm13, $0x1, v0;
	v16 =	vsel vm14, $0x1, v0  }
0x4e: {  	v23 =	vadd.s32 v23, v24;
	v24 =	vadd.s32 v25, v26;
	v25 =	vadd.s32 v27, v28  }
0x4f: {  	v26 =	vadd.s32 v29, v30;
	v27 =	vadd.s32 v31, v32;
	v28 =	vadd.s32 v15, v16  }
.Ltmp0:
0x50: {  	v15 =	vmul.u32 s16, v33;
	v16 =	vmul.u32 s16, v23;
	v29 =	vmul.u32 s16, v24;
	(pc) =	sbr.rel @p1 .LBB2_2-.Ltmp0, $4  }
0x51: {  	v30 =	vmul.u32 s16, v25;
	v31 =	vmul.u32 s16, v26;
	v32 =	vmul.u32 s16, v27  }
0x52: {  	s12 =	sadd.s32 $0x10, s12;
	v34 =	vmul.u32 s16, v28;
	v13 =	vadd.s32 v13, v15;
	v12 =	vadd.s32 v12, v16  }
0x53: {  	s15 =	sadd.s32 $0x10, s15;
	v11 =	vadd.s32 v11, v29;
	v10 =	vadd.s32 v10, v30;
	v9 =	vadd.s32 v9, v31;
	v15 =	vld [tilespmem:s12+$0x0]  }
0x54: {  	s31 =	sadd.s32 $0x1, s31;
	v14 =	vadd.s32 v14, v33;
	v7 =	vadd.s32 v7, v32;
	v6 =	vadd.s32 v6, v34;
	v16 =	vld [tilespmem:s15+$0x0]  }
0x55: {  	_ = 	snop  }
0x56: {  	v17 =	vadd.s32 v17, v23  }
0x57: {  	v18 =	vadd.s32 v18, v24;
	v19 =	vadd.s32 v19, v25;
	v20 =	vadd.s32 v20, v26  }
0x58: {  	v21 =	vadd.s32 v21, v27;
	v22 =	vadd.s32 v22, v28;
	vm0 =	veq.s32 v15, $0x0  }
0x59: {  	vm5 =	veq.s32 v15, $0x1;
	vm6 =	veq.s32 v15, $0x2;
	vm10 =	veq.s32 v15, $0x3  }
0x5a: {  	vm12 =	veq.s32 v15, $0x4;
	vm3 =	veq.s32 v15, $0x5;
	vm14 =	veq.s32 v15, $0x6  }
0x5b: {  	vm1 =	veq.s32 v16, $0x0;
	vm7 =	veq.s32 v16, $0x1;
	vm9 =	veq.s32 v16, $0x2  }
0x5c: {  	vm11 =	veq.s32 v16, $0x3;
	vm4 =	veq.s32 v16, $0x4;
	vm2 =	veq.s32 v16, $0x5  }
0x5d: {  	p1 =	slt.u32 s30, s11;
	s12 =	simm.s32 $0x1;
	v38 =	vsel vm0, $0x1, v0;
	vm15 =	veq.s32 v16, $0x6;
	v39 =	vsel vm1, $0x1, v0  }
0x5e: {  	s12 =	simm.s32 @!p1 $0x0;
	v40 =	vsel vm5, $0x1, v0;
	v43 =	vsel vm6, $0x1, v0;
	v23 =	vadd.s32 v38, v39  }
0x5f: {  	v45 =	vsel vm10, $0x1, v0;
	v41 =	vsel vm7, $0x1, v0;
	v42 =	vmul.u32 s12, v23  }
0x60: {  	v48 =	vsel vm12, $0x1, v0;
	v24 =	vadd.s32 v40, v41;
	v14 =	vadd.s32 v14, v23  }
0x61: {  	v44 =	vsel vm9, $0x1, v0;
	v25 =	vmul.u32 s12, v24;
	(xrf0) =	vadd.scan.msk.s32 $0xffff, v14;
	v13 =	vadd.s32 v13, v42  }
0x62: {  	v52 =	vsel vm3, $0x1, v0;
	v23 =	vadd.s32 v43, v44;
	v17 =	vadd.s32 v17, v24;
	(xrf0) =	vadd.scan.msk.s32 $0xffff, v13  }
0x63: {  	v46 =	vsel vm11, $0x1, v0;
	v47 =	vmul.u32 s12, v23;
	v12 =	vadd.s32 v12, v25;
	(xrf0) =	vadd.scan.msk.s32 $0xffff, v17  }
0x64: {  	v55 =	vsel vm14, $0x1, v0;
	v49 =	vadd.s32 v18, v23;
	v13 =	vadd.s32 v45, v46;
	(xrf0) =	vadd.scan.msk.s32 $0xffff, v12  }
0x65: {  	v50 =	vsel vm4, $0x1, v0;
	v11 =	vadd.s32 v11, v47;
	v51 =	vmul.u32 s12, v13;
	(xrf0) =	vadd.scan.msk.s32 $0xffff, v49  }
0x66: {  	vm12 =	veq.s32 v15, $0x7;
	v13 =	vadd.s32 v19, v13;
	v12 =	vadd.s32 v48, v50;
	(xrf0) =	vadd.scan.msk.s32 $0xffff, v11  }
0x67: {  	v53 =	vsel vm2, $0x1, v0;
	v17 =	vmul.u32 s12, v12;
	v10 =	vadd.s32 v10, v51;
	v54, _, _ =	vpop (xrf0);
	(xrf0) =	vadd.scan.msk.s32 $0xffff, v13  }
0x68: {  	vm13 =	veq.s32 v16, $0x7;
	v12 =	vadd.s32 v20, v12;
	v11 =	vadd.s32 v52, v53;
	v56, _, _ =	vpop (xrf0);
	(xrf0) =	vadd.scan.msk.s32 $0xffff, v10  }
0x69: {  	v57 =	vsel vm15, $0x1, v0;
	v58 =	vmul.u32 s12, v11;
	v9 =	vadd.s32 v9, v17;
	v59, _, _ =	vpop (xrf0);
	(xrf0) =	vadd.scan.msk.s32 $0xffff, v12  }
0x6a: {  	v63 =	vsel vm12, $0x1, v0;
	v11 =	vadd.s32 v21, v11;
	v10 =	vadd.s32 v55, v57;
	v60, _, _ =	vpop (xrf0);
	(xrf0) =	vadd.scan.msk.s32 $0xffff, v9  }
0x6b: {  	v29 =	vld [tilespmem:$0x1FFF0];
	v20 =	vsel vm13, $0x1, v0;
	v61 =	vmul.u32 s12, v10;
	v7 =	vadd.s32 v7, v58;
	v62, _, _ =	vpop (xrf0);
	(xrf0) =	vadd.scan.msk.s32 $0xffff, v11  }
0x6c: {  	v5 =	vadd.s32 v8, v5;
	v10 =	vadd.s32 v22, v10;
	v22 =	vadd.s32 v63, v20;
	v21, _, _ =	vpop (xrf0);
	(xrf0) =	vadd.scan.msk.s32 $0xffff, v7  }
0x6d: {  	v5 =	vadd.s32 v5, v22;
	v6 =	vadd.s32 v6, v61;
	v23, _, _ =	vpop (xrf0);
	(xrf0) =	vadd.scan.msk.s32 $0xffff, v10  }
0x6e: {  	vm6 =	vcmask $0xB08;
	v24, _, _ =	vpop (xrf0);
	(xrf0) =	vadd.scan.msk.s32 $0xffff, v6  }
0x6f: {  	vm3 =	vcmask $0xF0C;
	vm10 =	vcmask $0x1714;
	vm0 =	vcmask $0x1B18;
	v25, _, _ =	vpop (xrf0);
	(xrf0) =	vadd.scan.msk.s32 $0xffff, v5  }
0x70: {  	vm5 =	vnez.u8 v29;
	v26 =	vbroadcast v54, $0xF;
	v27 =	vbroadcast v59, $0xF;
	v5, _, _ =	vpop (xrf0)  }
0x71: {  	vm15 =	vcmask $0x704;
	vm4 =	vcmask $0x1310;
	v13 =	vbroadcast v62, $0xF;
	v28, _, _ =	vpop (xrf0)  }
0x72: {  	v11 =	vnsel vm15, $0x0, v27;
	v10 =	vnsel vm5, $0x0, v26;
	v8 =	vbroadcast v23, $0xF;
	v30, _, _ =	vpop (xrf0)  }
0x73: {  	v10 =	vadd.s32 v10, v11;
	v31 =	vnsel vm6, $0x0, v13;
	v6 =	vbroadcast v25, $0xF;
	v32, _, _ =	vpop (xrf0)  }
0x74: {  	v10 =	vadd.s32 v31, v10;
	v8 =	vnsel vm3, $0x0, v8;
	v33 =	vbroadcast v28, $0xF;
	v34, _, _ =	vpop (xrf0)  }
0x75: {  	v8 =	vadd.s32 v8, v10;
	v6 =	vnsel vm4, $0x0, v6;
	v35 =	vbroadcast v32, $0xF;
	v36, _, _ =	vpop (xrf0)  }
0x76: {  	v6 =	vadd.s32 v6, v8;
	v37 =	vnsel vm10, $0x0, v33;
	v38 =	vbroadcast v36, $0xF  }
0x77: {  	vm13 =	vcmask $0x1F1C;
	v6 =	vadd.s32 v37, v6;
	v39 =	vnsel vm0, $0x0, v35  }
0x78: {  	v7 =	vmul.u32 s12, v22;
	v6 =	vadd.s32 v39, v6;
	v40 =	vnsel vm13, $0x0, v38  }
0x79: {  	v6 =	vadd.s32 v40, v6  }
0x7a: {  	v4 =	vadd.s32 v4, v7;
	v41 =	vadd.s32 $0x7, v6  }
0x7b: {  	(xrf0) =	vadd.scan.msk.s32 $0xffff, v4;
	v4 =	vshrl.u32 v41, $0x3  }
0x7c: {  	(xrf0) =	vadd.scan.msk.s32 $0xffff, v4;
	_ =	sdelay $0x4  }
0x7d: {  	v42, _, _ =	vpop (xrf0)  }
0x7e: {  	v6 =	vadd.s32 @!p0 $0xFF, v6;
	v43, _, _ =	vpop (xrf0)  }
0x7f: {  	v6 =	vshrl.u32 @!p0 v6, $0x8;
	v4 =	vsub.s32 v43, v4  }
0x80: {  	[tilespmem:$0xD280] =	vst @!p0 v6;
	v4 =	vshll.u32 v4, $0x3  }
0x81: {  	s15 =	simm.s32 @!p0 $0xD200;
	s16 =	rddreg [dreg:$0x3];
	s12 =	simm.s32 @!p0 $0x0;
	[tilespmem:$0xD200] =	vst @!p0 v4  }
0x82: {  	[hbm4b:s16+s12] =	stream.linear.scatter @!p0 [tilespmem:s15], [sflag:$0x3], $0x80, $0x38;
	[tilespmem:$0xD300] =	vst v63  }
0x83: {  	s15 =	simm.s32 @!p0 $0x3  }
0x84: {  	_ =	swait.ge @!p0 [sflag:s15], $0x80  }
0x85: {  	[sflag:s15] =	ssyncset.done @!p0 $0x0  }
0x86: {  	s16 =	simm.s32 @!p0 $0xD280;
	s30 =	rddreg [dreg:$0x4];
	[sflag:s15] =	ssyncadd.s32 @!p0 $0xFFFFFF80  }
0x87: {  	[hbm4b:s30+s12] =	stream.linear.scatter @!p0 [tilespmem:s16], [sflag:$0x3], $0x80, $0x38;
	[tilespmem:$0xD300] =	vst v63  }
0x88: {  	_ =	swait.ge @!p0 [sflag:s15], $0x80  }
0x89: {  	[sflag:s15] =	ssyncset.done @!p0 $0x0  }
0x8a: {  	[sflag:s15] =	ssyncadd.s32 @!p0 $0xFFFFFF80  }
0x8b: {  	_ =	swait.ge [sflag:s21], $0x40  }
0x8c: {  	[sflag:s21] =	ssyncset.done $0x0  }
0x8d: {  	[sflag:s21] =	ssyncadd.s32 $0xFFFFFFC0  }
0x8e: {  	_ =	swait.ge [sflag:s21], $0x40  }
0x8f: {  	[sflag:s21] =	ssyncset.done $0x0  }
0x90: {  	[sflag:s21] =	ssyncadd.s32 $0xFFFFFFC0  }
0x91: {  	_ =	swait.ge [sflag:s21], $0xC000  }
0x92: {  	[sflag:s21] =	ssyncset.done $0x0  }
0x93: {  	[sflag:s21] =	ssyncadd.s32 $0xFFFF4000  }
0x94: {  	v44 =	vld [tilespmem:$0x1000];
	_ =	sdelay $0x4  }
0x95: {  	v45 =	vbroadcast v56, $0xF;
	v46 =	vbroadcast v60, $0xF;
	vm14 =	veq.s32 v44, $0x0  }
0x96: {  	v48 =	vbroadcast v21, $0xF;
	v49 =	vsel vm14, $0x1, v0  }
0x97: {  	v9 =	vbroadcast v24, $0xF;
	v10 =	vnsel vm15, $0x0, v46;
	v8 =	vnsel vm5, $0x0, v45;
	(xrf0) =	vadd.scan.msk.s32 $0xffff, v49  }
0x98: {  	v50 =	vnsel vm6, $0x0, v48;
	v5 =	vbroadcast v5, $0xF;
	v8 =	vadd.s32 v8, v10  }
0x99: {  	v9 =	vnsel vm3, $0x0, v9;
	v51 =	vbroadcast v30, $0xF;
	v8 =	vadd.s32 v50, v8  }
0x9a: {  	v5 =	vnsel vm4, $0x0, v5;
	v52 =	vbroadcast v34, $0xF;
	v8 =	vadd.s32 v9, v8  }
0x9b: {  	v53 =	vnsel vm10, $0x0, v51;
	v5 =	vadd.s32 v5, v8  }
0x9c: {  	v54 =	vnsel vm0, $0x0, v52;
	v5 =	vadd.s32 v53, v5;
	v7 =	vbroadcast v42, $0xF  }
0x9d: {  	v5 =	vadd.s32 v54, v5;
	v9, _, _ =	vpop (xrf0)  }
0x9e: {  	v7 =	vnsel vm13, $0x0, v7;
	v4 =	vadd.s32 v4, v5;
	v5 =	vbroadcast v9, $0xF  }
0x9f: {  	vm11 =	vcmask $0x308;
	v4 =	vadd.s32 v7, v4  }
0xa0: {  	v7 =	vnsel vm5, $0x0, v4;
	vm12 =	veq.s32 v44, $0x1;
	v5 =	vnsel vm5, $0x0, v5  }
0xa1: {  	v55 =	vimm.s32 $0x0;
	(xrf0) =	vadd.scan.msk.s32 $0xffff, v7;
	v4 =	vadd.s32 v4, v5;
	v5 =	vsel vm12, $0x1, v0  }
0xa2: {  	v8 =	vsel vm12, $0xFFFFFFFF, v55;
	vm12 =	veq.s32 v44, $0x2;
	(xrf0) =	vadd.scan.msk.s32 $0xffff, v5;
	v5 =	vsel vm11, $0x0, v4  }
0xa3: {  	(xrf0) =	vadd.scan.msk.s32 $0xffff, v5;
	v5 =	vsel vm12, $0x1, v0  }
0xa4: {  	(xrf0) =	vadd.scan.msk.s32 $0xffff, v5;
	_ =	sdelay $0x2  }
0xa5: {  	v16, _, _ =	vpop (xrf0)  }
0xa6: {  	vm2 =	vmmov vm3;
	v47 =	vimm.s32 $0x0;
	v14, _, _ =	vpop (xrf0)  }
0xa7: {  	v56 =	vimm.s32 $0x0;
	v58 =	vimm.s32 $0x0;
	v15, _, _ =	vpop (xrf0);
	v5 =	vbroadcast v14, $0xF  }
0xa8: {  	vm3 =	vcmask $0x70C;
	v11 =	vsel vm14, $0xFFFFFFFF, v47;
	vm14 =	vmmov vm4;
	v12, _, _ =	vpop (xrf0)  }
0xa9: {  	vm4 =	vmmov vm10;
	v5 =	vnsel vm15, $0x0, v5;
	v57 =	vbroadcast v12, $0xF  }
0xaa: {  	vm10 =	vcmask $0xB10;
	v7 =	vsel vm12, $0xFFFFFFFF, v56;
	v4 =	vadd.s32 v5, v4  }
0xab: {  	[tilespmem:$0x1FDD0] =	vst v7;
	vm12 =	veq.s32 v44, $0x3;
	v5 =	vsel vm3, $0x0, v4;
	v7 =	vnsel vm6, $0x0, v57  }
0xac: {  	[tilespmem:$0x1FDC0] =	vst v8;
	(xrf0) =	vadd.scan.msk.s32 $0xffff, v5;
	v4 =	vadd.s32 v7, v4;
	v5 =	vsel vm12, $0x1, v0  }
0xad: {  	v8 =	vsel vm12, $0xFFFFFFFF, v58;
	vm12 =	veq.s32 v44, $0x4;
	(xrf0) =	vadd.scan.msk.s32 $0xffff, v5;
	v5 =	vsel vm10, $0x0, v4  }
0xae: {  	(xrf0) =	vadd.scan.msk.s32 $0xffff, v5;
	v5 =	vsel vm12, $0x1, v0  }
0xaf: {  	(xrf0) =	vadd.scan.msk.s32 $0xffff, v5;
	_ =	sdelay $0x2  }
0xb0: {  	v20, _, _ =	vpop (xrf0)  }
0xb1: {  	v13, _, _ =	vpop (xrf0)  }
0xb2: {  	v17, _, _ =	vpop (xrf0);
	v5 =	vbroadcast v13, $0xF  }
0xb3: {  	vm7 =	vmmov vm6;
	v59 =	vimm.s32 $0x0;
	[tilespmem:$0x1FDE0] =	vst v8;
	v8, _, _ =	vpop (xrf0)  }
0xb4: {  	v61 =	vimm.s32 $0x0;
	v5 =	vnsel vm2, $0x0, v5;
	v60 =	vbroadcast v8, $0xF  }
0xb5: {  	v7 =	vsel vm12, $0xFFFFFFFF, v59;
	vm12 =	vcmask $0xF14;
	v4 =	vadd.s32 v5, v4  }
0xb6: {  	[tilespmem:$0x1FE10] =	vst v7;
	v5 =	vsel vm12, $0x0, v4;
	v7 =	vnsel vm14, $0x0, v60;
	vm14 =	veq.s32 v44, $0x5  }
0xb7: {  	vm6 =	vcmask $0x1318;
	(xrf0) =	vadd.scan.msk.s32 $0xffff, v5;
	v7 =	vadd.s32 v7, v4;
	v4 =	vsel vm14, $0x1, v0  }
0xb8: {  	v10 =	vsel vm14, $0xFFFFFFFF, v61;
	vm14 =	veq.s32 v44, $0x6;
	(xrf0) =	vadd.scan.msk.s32 $0xffff, v4;
	v4 =	vsel vm6, $0x0, v7  }
0xb9: {  	(xrf0) =	vadd.scan.msk.s32 $0xffff, v4;
	v4 =	vsel vm14, $0x1, v0  }
0xba: {  	v5 =	vimm.s32 $0x0;
	(xrf0) =	vadd.scan.msk.s32 $0xffff, v4  }
0xbb: {  	v5 =	vsel vm14, $0xFFFFFFFF, v5;
	_ =	sdelay $0x1  }
0xbc: {  	v18, _, _ =	vpop (xrf0)  }
0xbd: {  	[tilespmem:$0x1FE60] =	vst v5;
	v5, _, _ =	vpop (xrf0)  }
0xbe: {  	[tilespmem:$0x1FDB0] =	vst v11;
	v11, _, _ =	vpop (xrf0);
	v62 =	vbroadcast v5, $0xF  }
0xbf: {  	v63 =	vld [tilespmem:$0x1010];
	v4, _, _ =	vpop (xrf0)  }
0xc0: {  	[tilespmem:$0x1FE40] =	vst v10;
	v10 =	vnsel vm4, $0x0, v62;
	v31 =	vbroadcast v4, $0xF  }
0xc1: {  	vm14 =	vcmask $0x171C;
	v7 =	vadd.s32 v10, v7  }
0xc2: {  	vm1 =	veq.s32 v44, $0x7;
	v10 =	vsel vm14, $0x0, v7;
	v21 =	vnsel vm0, $0x0, v31  }
0xc3: {  	vm9 =	vcmask $0x1B20;
	v34 =	vsel vm1, $0x1, v0;
	(xrf0) =	vadd.scan.msk.s32 $0xffff, v10;
	v33 =	vadd.s32 v21, v7  }
0xc4: {  	vm0 =	veq.s32 v63, $0x0;
	(xrf0) =	vadd.scan.msk.s32 $0xffff, v34;
	v35 =	vsel vm9, $0x0, v33  }
0xc5: {  	v37 =	vsel vm0, $0x1, v0;
	(xrf0) =	vadd.scan.msk.s32 $0xffff, v35  }
0xc6: {  	v32 =	vimm.s32 $0x0;
	(xrf0) =	vadd.scan.msk.s32 $0xffff, v37  }
0xc7: {  	v36 =	vimm.s32 $0x0;
	v6 =	vsel vm1, $0xFFFFFFFF, v32  }
0xc8: {  	v7 =	vsel vm0, $0xFFFFFFFF, v36  }
0xc9: {  	v10, _, _ =	vpop (xrf0)  }
0xca: {  	[tilespmem:$0x1FE80] =	vst v6;
	v6, _, _ =	vpop (xrf0)  }
0xcb: {  	[tilespmem:$0x1FDF0] =	vst v7;
	v7, _, _ =	vpop (xrf0);
	v38 =	vbroadcast v6, $0xF  }
0xcc: {  	v21, _, _ =	vpop (xrf0)  }
0xcd: {  	v23 =	vnsel vm13, $0x0, v38;
	v39 =	vbroadcast v21, $0xF  }
0xce: {  	v22 =	vadd.s32 v23, v33  }
0xcf: {  	vm0 =	veq.s32 v63, $0x1;
	v23 =	vnsel vm5, $0x0, v22;
	v24 =	vnsel vm5, $0x0, v39  }
0xd0: {  	v40 =	vimm.s32 $0x0;
	v41 =	vsel vm0, $0x1, v0;
	(xrf0) =	vadd.scan.msk.s32 $0xffff, v23;
	v22 =	vadd.s32 v24, v22  }
0xd1: {  	v25 =	vsel vm0, $0xFFFFFFFF, v40;
	vm0 =	veq.s32 v63, $0x2;
	(xrf0) =	vadd.scan.msk.s32 $0xffff, v41;
	v42 =	vsel vm11, $0x0, v22  }
0xd2: {  	v44 =	vsel vm0, $0x1, v0;
	(xrf0) =	vadd.scan.msk.s32 $0xffff, v42  }
0xd3: {  	(xrf0) =	vadd.scan.msk.s32 $0xffff, v44;
	_ =	sdelay $0x2  }
0xd4: {  	v39, _, _ =	vpop (xrf0)  }
0xd5: {  	v29, _, _ =	vpop (xrf0)  }
0xd6: {  	v37, _, _ =	vpop (xrf0);
	v45 =	vbroadcast v29, $0xF  }
0xd7: {  	v28, _, _ =	vpop (xrf0)  }
0xd8: {  	v43 =	vimm.s32 $0x0;
	v23 =	vnsel vm15, $0x0, v45;
	v46 =	vbroadcast v28, $0xF  }
0xd9: {  	v47 =	vimm.s32 $0x0;
	v24 =	vsel vm0, $0xFFFFFFFF, v43;
	v22 =	vadd.s32 v23, v22  }
0xda: {  	vm0 =	veq.s32 v63, $0x3;
	[tilespmem:$0x1FE20] =	vst v24;
	v23 =	vsel vm3, $0x0, v22;
	v24 =	vnsel vm7, $0x0, v46  }
0xdb: {  	[tilespmem:$0x1FE00] =	vst v25;
	v49 =	vsel vm0, $0x1, v0;
	(xrf0) =	vadd.scan.msk.s32 $0xffff, v23;
	v48 =	vadd.s32 v24, v22  }
0xdc: {  	v25 =	vsel vm0, $0xFFFFFFFF, v47;
	vm0 =	veq.s32 v63, $0x4;
	(xrf0) =	vadd.scan.msk.s32 $0xffff, v49;
	v50 =	vsel vm10, $0x0, v48  }
0xdd: {  	v52 =	vsel vm0, $0x1, v0;
	(xrf0) =	vadd.scan.msk.s32 $0xffff, v50  }
0xde: {  	(xrf0) =	vadd.scan.msk.s32 $0xffff, v52;
	_ =	sdelay $0x2  }
0xdf: {  	v46, _, _ =	vpop (xrf0)  }
0xe0: {  	v32, _, _ =	vpop (xrf0)  }
0xe1: {  	v51 =	vimm.s32 $0x0;
	v43, _, _ =	vpop (xrf0);
	v53 =	vbroadcast v32, $0xF  }
0xe2: {  	v24 =	vsel vm0, $0xFFFFFFFF, v51;
	v22, _, _ =	vpop (xrf0)  }
0xe3: {  	[tilespmem:$0x1FE50] =	vst v24;
	v24 =	vnsel vm2, $0x0, v53;
	v54 =	vbroadcast v22, $0xF  }
0xe4: {  	vm1 =	vcmask $0x1310;
	v23 =	vadd.s32 v24, v48  }
0xe5: {  	[tilespmem:$0x1FE30] =	vst v25;
	vm0 =	veq.s32 v63, $0x5;
	v24 =	vsel vm12, $0x0, v23;
	v25 =	vnsel vm1, $0x0, v54  }
0xe6: {  	v55 =	vimm.s32 $0x0;
	v56 =	vsel vm0, $0x1, v0;
	(xrf0) =	vadd.scan.msk.s32 $0xffff, v24;
	v25 =	vadd.s32 v25, v23  }
0xe7: {  	v26 =	vsel vm0, $0xFFFFFFFF, v55;
	vm0 =	veq.s32 v63, $0x6;
	(xrf0) =	vadd.scan.msk.s32 $0xffff, v56;
	v57 =	vsel vm6, $0x0, v25  }
0xe8: {  	v59 =	vsel vm0, $0x1, v0;
	(xrf0) =	vadd.scan.msk.s32 $0xffff, v57  }
0xe9: {  	v58 =	vimm.s32 $0x0;
	(xrf0) =	vadd.scan.msk.s32 $0xffff, v59  }
0xea: {  	v24 =	vsel vm0, $0xFFFFFFFF, v58;
	_ =	sdelay $0x1  }
0xeb: {  	v41, _, _ =	vpop (xrf0)  }
0xec: {  	[tilespmem:$0x1FE90] =	vst v24;
	v24, _, _ =	vpop (xrf0)  }
0xed: {  	v30, _, _ =	vpop (xrf0);
	v60 =	vbroadcast v24, $0xF  }
0xee: {  	v50 =	vld [tilespmem:$0x1020];
	v23, _, _ =	vpop (xrf0)  }
0xef: {  	[tilespmem:$0x1FE70] =	vst v26;
	v26 =	vnsel vm4, $0x0, v60;
	v61 =	vbroadcast v23, $0xF  }
0xf0: {  	vm2 =	vcmask $0x1B18;
	v25 =	vadd.s32 v26, v25  }
0xf1: {  	vm0 =	veq.s32 v63, $0x7;
	v26 =	vsel vm14, $0x0, v25;
	v27 =	vnsel vm2, $0x0, v61  }
0xf2: {  	v62 =	vimm.s32 $0x0;
	v34 =	vsel vm0, $0x1, v0;
	(xrf0) =	vadd.scan.msk.s32 $0xffff, v26;
	v63 =	vadd.s32 v27, v25  }
0xf3: {  	v19 =	vsel vm0, $0xFFFFFFFF, v62;
	vm0 =	veq.s32 v50, $0x0;
	(xrf0) =	vadd.scan.msk.s32 $0xffff, v34;
	v35 =	vsel vm9, $0x0, v63  }
0xf4: {  	v38 =	vsel vm0, $0x1, v0;
	(xrf0) =	vadd.scan.msk.s32 $0xffff, v35  }
0xf5: {  	(xrf0) =	vadd.scan.msk.s32 $0xffff, v38;
	_ =	sdelay $0x1  }
0xf6: {  	v36 =	vimm.s32 $0x0  }
0xf7: {  	v25 =	vsel vm0, $0xFFFFFFFF, v36;
	v42, _, _ =	vpop (xrf0)  }
0xf8: {  	[tilespmem:$0x1FED0] =	vst v19;
	v19, _, _ =	vpop (xrf0)  }
0xf9: {  	v31, _, _ =	vpop (xrf0);
	v40 =	vbroadcast v19, $0xF  }
0xfa: {  	[tilespmem:$0x1FEA0] =	vst v25;
	v25, _, _ =	vpop (xrf0)  }
0xfb: {  	v27 =	vnsel vm13, $0x0, v40;
	v33 =	vbroadcast v25, $0xF  }
0xfc: {  	v26 =	vadd.s32 v27, v63  }
0xfd: {  	vm0 =	veq.s32 v50, $0x1;
	v27 =	vnsel vm5, $0x0, v26;
	v33 =	vnsel vm5, $0x0, v33  }
0xfe: {  	v34 =	vimm.s32 $0x0;
	v44 =	vsel vm0, $0x1, v0;
	(xrf0) =	vadd.scan.msk.s32 $0xffff, v27;
	v33 =	vadd.s32 v33, v26  }
0xff: {  	v34 =	vsel vm0, $0xFFFFFFFF, v34;
	vm0 =	veq.s32 v50, $0x2;
	(xrf0) =	vadd.scan.msk.s32 $0xffff, v44;
	v45 =	vsel vm11, $0x0, v33  }
0x100: {  	v48 =	vsel vm0, $0x1, v0;
	(xrf0) =	vadd.scan.msk.s32 $0xffff, v45  }
0x101: {  	v47 =	vimm.s32 $0x0;
	(xrf0) =	vadd.scan.msk.s32 $0xffff, v48  }
0x102: {  	v27 =	vsel vm0, $0xFFFFFFFF, v47;
	_ =	sdelay $0x1  }
0x103: {  	v45, _, _ =	vpop (xrf0)  }
0x104: {  	[tilespmem:$0x1FEC0] =	vst v27;
	v27, _, _ =	vpop (xrf0)  }
0x105: {  	v35, _, _ =	vpop (xrf0);
	v49 =	vbroadcast v27, $0xF  }
0x106: {  	v26, _, _ =	vpop (xrf0)  }
0x107: {  	[tilespmem:$0x1FEB0] =	vst v34;
	v34 =	vnsel vm15, $0x0, v49;
	v36 =	vbroadcast v26, $0xF  }
0x108: {  	v33 =	vadd.s32 v34, v33  }
0x109: {  	v34 =	vsel vm3, $0x0, v33;
	v36 =	vnsel vm7, $0x0, v36;
	vm7 =	veq.s32 v50, $0x3  }
0x10a: {  	(xrf0) =	vadd.scan.msk.s32 $0xffff, v34;
	v36 =	vadd.s32 v36, v33;
	v51 =	vsel vm7, $0x1, v0  }
0x10b: {  	vm9 =	veq.s32 v50, $0x4;
	(xrf0) =	vadd.scan.msk.s32 $0xffff, v51;
	v52 =	vsel vm10, $0x0, v36  }
0x10c: {  	v53 =	vsel vm9, $0x1, v0;
	(xrf0) =	vadd.scan.msk.s32 $0xffff, v52  }
0x10d: {  	(xrf0) =	vadd.scan.msk.s32 $0xffff, v53;
	_ =	sdelay $0x2  }
0x10e: {  	v47, _, _ =	vpop (xrf0)  }
0x10f: {  	v33, _, _ =	vpop (xrf0)  }
0x110: {  	v44, _, _ =	vpop (xrf0);
	v38 =	vbroadcast v33, $0xF  }
0x111: {  	vm0 =	vcmask $0xF0C;
	v34, _, _ =	vpop (xrf0)  }
0x112: {  	v38 =	vnsel vm0, $0x0, v38;
	v40 =	vbroadcast v34, $0xF  }
0x113: {  	v36 =	vadd.s32 v38, v36  }
0x114: {  	vm3 =	veq.s32 v50, $0x5;
	v38 =	vsel vm12, $0x0, v36;
	v40 =	vnsel vm1, $0x0, v40  }
0x115: {  	v54 =	vsel vm3, $0x1, v0;
	(xrf0) =	vadd.scan.msk.s32 $0xffff, v38;
	v51 =	vadd.s32 v40, v36  }
0x116: {  	vm0 =	veq.s32 v50, $0x6;
	(xrf0) =	vadd.scan.msk.s32 $0xffff, v54;
	v55 =	vsel vm6, $0x0, v51  }
0x117: {  	v56 =	vsel vm0, $0x1, v0;
	(xrf0) =	vadd.scan.msk.s32 $0xffff, v55  }
0x118: {  	(xrf0) =	vadd.scan.msk.s32 $0xffff, v56;
	_ =	sdelay $0x2  }
0x119: {  	v49, _, _ =	vpop (xrf0)  }
0x11a: {  	v40, _, _ =	vpop (xrf0)  }
0x11b: {  	v48, _, _ =	vpop (xrf0);
	v52 =	vbroadcast v40, $0xF  }
0x11c: {  	v36 =	vld [tilespmem:$0x1030];
	v38, _, _ =	vpop (xrf0)  }
0x11d: {  	v52 =	vnsel vm4, $0x0, v52;
	v53 =	vbroadcast v38, $0xF  }
0x11e: {  	v51 =	vadd.s32 v52, v51  }
0x11f: {  	v52 =	vsel vm14, $0x0, v51;
	v53 =	vnsel vm2, $0x0, v53;
	vm14 =	veq.s32 v50, $0x7  }
0x120: {  	vm6 =	vcmask $0x1B20;
	(xrf0) =	vadd.scan.msk.s32 $0xffff, v52;
	v51 =	vadd.s32 v53, v51;
	v50 =	vsel vm14, $0x1, v0  }
0x121: {  	vm4 =	veq.s32 v36, $0x0;
	(xrf0) =	vadd.scan.msk.s32 $0xffff, v50;
	v57 =	vsel vm6, $0x0, v51  }
0x122: {  	v58 =	vsel vm4, $0x1, v0;
	(xrf0) =	vadd.scan.msk.s32 $0xffff, v57  }
0x123: {  	v16 =	vadd.s32 $0xFFFFFFFF, v16;
	v54 =	vld [tilespmem:$0x1FDB0];
	(xrf0) =	vadd.scan.msk.s32 $0xffff, v58  }
0x124: {  	v16 =	vbroadcast v16, $0xF;
	v20 =	vadd.s32 $0xFFFFFFFF, v20;
	v17 =	vadd.s32 $0xFFFFFFFF, v17  }
0x125: {  	v15 =	vadd.s32 $0xFFFFFFFF, v15;
	v20 =	vbroadcast v20, $0xF;
	v17 =	vbroadcast v17, $0xF  }
0x126: {  	v16 =	vadd.s32 v9, v16;
	v11 =	vadd.s32 $0xFFFFFFFF, v11;
	v50, _, _ =	vpop (xrf0)  }
0x127: {  	v12 =	vadd.s32 v12, v20;
	v13 =	vadd.s32 v13, v17;
	v11 =	vbroadcast v11, $0xF;
	v9, _, _ =	vpop (xrf0)  }
0x128: {  	v59 =	vbroadcast v15, $0xF;
	vm12 =	vmmov vm1;
	vm1 =	vnez.u8 v54;
	v15, _, _ =	vpop (xrf0)  }
0x129: {  	v10 =	vadd.s32 $0xFFFFFFFF, v10;
	v55 =	vld [tilespmem:$0x1FDC0];
	v54 =	vnsel vm1, $0x0, v16;
	v60 =	vbroadcast v9, $0xF;
	v16, _, _ =	vpop (xrf0)  }
0x12a: {  	v5 =	vadd.s32 v5, v11;
	v10 =	vbroadcast v10, $0xF;
	v62 =	vbroadcast v16, $0xF  }
0x12b: {  	v46 =	vadd.s32 $0xFFFFFFFF, v46;
	v14 =	vadd.s32 v14, v59;
	v59 =	vld [tilespmem:$0x1FDD0];
	v61 =	vnsel vm13, $0x0, v60  }
0x12c: {  	vm1 =	veq.s32 v36, $0x2;
	v63 =	vadd.s32 v61, v51;
	v56 =	vnsel vm5, $0x0, v62  }
0x12d: {  	vm2 =	veq.s32 v36, $0x1;
	v51 =	vnsel vm5, $0x0, v63;
	v20 =	vadd.s32 v56, v63;
	v63 =	vld [tilespmem:$0x1FDE0]  }
0x12e: {  	v57 =	vsel vm2, $0x1, v0;
	vm13 =	vnez.u8 v55;
	v60 =	vadd.s32 $0xFFFFFFFF, v39;
	(xrf0) =	vadd.scan.msk.s32 $0xffff, v51;
	v51 =	vld [tilespmem:$0x1FDF0]  }
0x12f: {  	v52 =	vld [tilespmem:$0x1FE00];
	v39 =	vadd.s32 $0xFFFFFFFF, v18;
	v14 =	vsel vm13, v14, v54;
	v62 =	vadd.s32 $0xFFFFFFFF, v37  }
0x130: {  	v17 =	vbroadcast v62, $0xF;
	(xrf0) =	vadd.scan.msk.s32 $0xffff, v57;
	v58 =	vsel vm11, $0x0, v20;
	vm11 =	vnez.u8 v59  }
0x131: {  	v18 =	vbroadcast v46, $0xF;
	v55 =	vld [tilespmem:$0x1FE10];
	v12 =	vsel vm11, v12, v14;
	v14 =	vbroadcast v60, $0xF  }
0x132: {  	v61 =	vsel vm1, $0x1, v0;
	v56 =	vld [tilespmem:$0x1FE20];
	(xrf0) =	vadd.scan.msk.s32 $0xffff, v58;
	v17 =	vadd.s32 v29, v17;
	vm11 =	vnez.u8 v63  }
0x133: {  	v59 =	vld [tilespmem:$0x1FE30];
	(xrf0) =	vadd.scan.msk.s32 $0xffff, v61;
	v14 =	vadd.s32 v21, v14;
	v12 =	vsel vm11, v13, v12;
	vm11 =	vnez.u8 v51  }
0x134: {  	v13 =	vbroadcast v39, $0xF;
	v14 =	vnsel vm11, $0x0, v14;
	vm11 =	vnez.u8 v52  }
0x135: {  	v53 =	vadd.s32 $0xFFFFFFFF, v43;
	v18 =	vadd.s32 v28, v18;
	v21, _, _ =	vpop (xrf0);
	v14 =	vsel vm11, v17, v14  }
0x136: {  	v8 =	vadd.s32 v8, v13;
	v17, _, _ =	vpop (xrf0);
	v13 =	vbroadcast v53, $0xF;
	vm11 =	vnez.u8 v55  }
0x137: {  	v54 =	vbroadcast v17, $0xF;
	v8 =	vsel vm11, v8, v12;
	vm11 =	vnez.u8 v56  }
0x138: {  	v28, _, _ =	vpop (xrf0);
	v12 =	vsel vm11, v18, v14;
	v13 =	vadd.s32 v32, v13;
	vm11 =	vnez.u8 v59  }
0x139: {  	v7 =	vadd.s32 $0xFFFFFFFF, v7;
	v46 =	vld [tilespmem:$0x1FE40];
	v14, _, _ =	vpop (xrf0);
	v57 =	vnsel vm15, $0x0, v54;
	v12 =	vsel vm11, v13, v12  }
0x13a: {  	v51 =	vld [tilespmem:$0x1FE50];
	vm11 =	vcmask $0x70C;
	v58 =	vbroadcast v14, $0xF;
	v60 =	vadd.s32 v57, v20  }
0x13b: {  	v62 =	vadd.s32 $0xFFFFFFFF, v41;
	v54 =	vld [tilespmem:$0x1FE60];
	v18 =	vsel vm11, $0x0, v60;
	vm11 =	vcmask $0xB08  }
0x13c: {  	v4 =	vadd.s32 v4, v10;
	v32 =	vbroadcast v62, $0xF;
	v61 =	vnsel vm11, $0x0, v58  }
0x13d: {  	v43 =	vadd.s32 $0xFFFFFFFF, v30;
	vm13 =	veq.s32 v36, $0x4;
	v13 =	vadd.s32 v61, v60  }
0x13e: {  	v41 =	vadd.s32 v22, v32;
	v37 =	vsel vm10, $0x0, v13;
	vm10 =	vnez.u8 v46  }
0x13f: {  	vm11 =	veq.s32 v36, $0x3;
	v5 =	vsel vm10, v5, v8;
	vm10 =	vnez.u8 v51  }
0x140: {  	v30 =	vld [tilespmem:$0x1FEA0];
	(xrf0) =	vadd.scan.msk.s32 $0xffff, v18;
	v63 =	vsel vm11, $0x1, v0;
	v8 =	vsel vm10, v41, v12;
	vm10 =	vnez.u8 v54  }
0x141: {  	v7 =	vbroadcast v7, $0xF;
	v39 =	vsel vm13, $0x1, v0;
	(xrf0) =	vadd.scan.msk.s32 $0xffff, v63;
	v4 =	vsel vm10, v4, v5;
	v5 =	vld [tilespmem:$0x1FE70]  }
0x142: {  	v52 =	vbroadcast v43, $0xF;
	v21 =	vadd.s32 $0xFFFFFFFF, v21;
	v53 =	vadd.s32 $0xFFFFFFFF, v42;
	v57 =	vld [tilespmem:$0x1FE80];
	(xrf0) =	vadd.scan.msk.s32 $0xffff, v37  }
0x143: {  	v6 =	vadd.s32 v6, v7;
	v21 =	vbroadcast v21, $0xF;
	v10 =	vbroadcast v53, $0xF;
	v58 =	vld [tilespmem:$0x1FE90];
	(xrf0) =	vadd.scan.msk.s32 $0xffff, v39  }
0x144: {  	v15 =	vadd.s32 $0xFFFFFFFF, v15;
	v11 =	vadd.s32 v24, v52;
	v59 =	vadd.s32 $0xFFFFFFFF, v31  }
0x145: {  	v31 =	vadd.s32 $0xFFFFFFFF, v44;
	v16 =	vadd.s32 v16, v21;
	v55 =	vadd.s32 v23, v10  }
0x146: {  	vm15 =	vnez.u8 v30;
	v60 =	vadd.s32 $0xFFFFFFFF, v45;
	v12, _, _ =	vpop (xrf0);
	vm10 =	vnez.u8 v5  }
0x147: {  	v18 =	vbroadcast v60, $0xF;
	v5 =	vsel vm10, v11, v8;
	v8, _, _ =	vpop (xrf0);
	vm10 =	vnez.u8 v57  }
0x148: {  	v10, _, _ =	vpop (xrf0);
	v56 =	vbroadcast v8, $0xF;
	v4 =	vsel vm10, v6, v4;
	vm10 =	vnez.u8 v58  }
0x149: {  	v63 =	vadd.s32 $0xFFFFFFFF, v35;
	v5 =	vsel vm10, v55, v5;
	v7, _, _ =	vpop (xrf0);
	vm10 =	vcmask $0xF0C  }
0x14a: {  	v35 =	vbroadcast v31, $0xF;
	v11 =	vnsel vm10, $0x0, v56;
	v61 =	vbroadcast v7, $0xF  }
0x14b: {  	v37 =	vadd.s32 $0xFFFFFFFF, v49;
	vm10 =	vcmask $0xF14;
	v11 =	vadd.s32 v11, v13  }
0x14c: {  	v13 =	vsel vm10, $0x0, v11;
	v20 =	vnsel vm12, $0x0, v61;
	vm10 =	veq.s32 v36, $0x5  }
0x14d: {  	v39 =	vld [tilespmem:$0x1FEB0];
	vm12 =	vcmask $0x1318;
	(xrf0) =	vadd.scan.msk.s32 $0xffff, v13;
	v11 =	vadd.s32 v20, v11;
	v62 =	vsel vm10, $0x1, v0  }
0x14e: {  	v43 =	vld [tilespmem:$0x1FEC0];
	v49 =	vadd.s32 $0xFFFFFFFF, v50;
	(xrf0) =	vadd.scan.msk.s32 $0xffff, v62;
	v24 =	vsel vm12, $0x0, v11;
	vm12 =	veq.s32 v36, $0x6  }
0x14f: {  	v18 =	vadd.s32 v25, v18;
	v25 =	vadd.s32 $0xFFFFFFFF, v47;
	(xrf0) =	vadd.scan.msk.s32 $0xffff, v24;
	v29 =	vsel vm12, $0x1, v0  }
0x150: {  	v52 =	vld [tilespmem:$0x1FED0];
	v42 =	vbroadcast v37, $0xF;
	v44 =	vadd.s32 v33, v35;
	v20 =	vbroadcast v63, $0xF;
	(xrf0) =	vadd.scan.msk.s32 $0xffff, v29  }
0x151: {  	v47 =	vadd.s32 $0xFFFFFFFF, v48;
	v18 =	vnsel vm15, $0x0, v18;
	v22 =	vbroadcast v25, $0xF  }
0x152: {  	vm15 =	vnez.u8 v39;
	v6 =	vbroadcast v59, $0xF;
	v32 =	vadd.s32 v27, v20  }
0x153: {  	v41 =	vadd.s32 v26, v22;
	v13 =	vsel vm15, v32, v18;
	vm15 =	vnez.u8 v43;
	v45, _, _ =	vpop (xrf0)  }
0x154: {  	v46 =	vadd.s32 v34, v42;
	v6 =	vadd.s32 v19, v6;
	v13 =	vsel vm15, v41, v13;
	v48, _, _ =	vpop (xrf0)  }
0x155: {  	v13 =	vsel vm7, v44, v13;
	vm7 =	vnez.u8 v52;
	v50, _, _ =	vpop (xrf0);
	v51 =	vbroadcast v48, $0xF  }
0x156: {  	v12 =	vadd.s32 $0xFFFFFFFF, v12;
	v5 =	vsel vm7, v6, v5;
	vm7 =	vcmask $0x1714;
	v55, _, _ =	vpop (xrf0)  }
0x157: {  	vm15 =	vcmask $0x171C;
	v56 =	vnsel vm7, $0x0, v51;
	v57 =	vbroadcast v55, $0xF  }
0x158: {  	v53 =	vsel vm9, v46, v13;
	vm9 =	vcmask $0x1B18;
	v11 =	vadd.s32 v56, v11  }
0x159: {  	v58 =	vsel vm15, $0x0, v11;
	v59 =	vnsel vm9, $0x0, v57;
	vm15 =	veq.s32 v36, $0x7  }
0x15a: {  	v12 =	vbroadcast v12, $0xF;
	(xrf0) =	vadd.scan.msk.s32 $0xffff, v58;
	v11 =	vadd.s32 v59, v11;
	v60 =	vsel vm15, $0x1, v0  }
0x15b: {  	v16 =	vnsel vm4, $0x0, v16;
	v20 =	vbroadcast v47, $0xF;
	(xrf0) =	vadd.scan.msk.s32 $0xffff, v60;
	v62 =	vsel vm6, $0x0, v11  }
0x15c: {  	v54 =	vbroadcast v49, $0xF;
	v12 =	vadd.s32 v14, v12;
	v61 =	vadd.s32 $0xFFFFFFFF, v28;
	(xrf0) =	vadd.scan.msk.s32 $0xffff, v62  }
0x15d: {  	v10 =	vadd.s32 $0xFFFFFFFF, v10;
	v63 =	vbroadcast v61, $0xF;
	v20 =	vadd.s32 v40, v20  }
0x15e: {  	v10 =	vbroadcast v10, $0xF;
	v13 =	vadd.s32 v38, v54;
	v6 =	vsel vm3, v20, v53  }
0x15f: {  	v21 =	vadd.s32 $0xFFFFFFFF, v45;
	v6 =	vsel vm0, v13, v6;
	v13 =	vadd.s32 v17, v63  }
0x160: {  	v8 =	vadd.s32 v8, v10;
	v25 =	vbroadcast v21, $0xF;
	v13 =	vsel vm2, v13, v16;
	v23, _, _ =	vpop (xrf0)  }
0x161: {  	v20 =	vbroadcast v15, $0xF;
	v26 =	vadd.s32 $0xFFFFFFFF, v50;
	v12 =	vsel vm1, v12, v13;
	v27, _, _ =	vpop (xrf0)  }
0x162: {  	v28 =	vbroadcast v26, $0xF;
	v7 =	vadd.s32 v7, v25;
	v29 =	vadd.s32 $0xFFFFFFFF, v23;
	v30, _, _ =	vpop (xrf0)  }
0x163: {  	v8 =	vsel vm11, v8, v12;
	v31 =	vbroadcast v29, $0xF;
	v32 =	vadd.s32 $0xFFFFFFFF, v30  }
0x164: {  	v7 =	vsel vm13, v7, v8;
	v33 =	vadd.s32 v48, v28;
	v34 =	vbroadcast v32, $0xF  }
0x165: {  	[tilespmem:$0x1100] =	vst v4;
	v4 =	vadd.s32 v9, v20;
	v7 =	vsel vm10, v33, v7;
	v35 =	vadd.s32 v55, v31  }
0x166: {  	[tilespmem:$0x1110] =	vst v5;
	v4 =	vsel vm14, v4, v6;
	v5 =	vsel vm12, v35, v7;
	v36 =	vadd.s32 v27, v34  }
0x167: {  	[tilespmem:$0x1120] =	vst v4;
	v4 =	vsel vm15, v36, v5  }
0x168: {  	s31 =	simm.s32 $0x1100;
	s30 =	rddreg [dreg:$0x8];
	[tilespmem:$0x1130] =	vst v4  }
0x169: {  	[hbm4b:s30+s2] =	stream.linear.scatter [tilespmem:s31], [sflag:$0x2], $0x40, $0x38;
	[tilespmem:$0xD300] =	vst v63  }
0x16a: {  	v4 =	vld [tilespmem:$0x1100];
	_ =	sdelay $0x4  }
0x16b: {  	v5 =	vshrl.u32 v4, $0x3  }
0x16c: {  	v5 =	vmul.u32 $0x30, v5  }
0x16d: {  	v4 =	vand.u32 $0x7, v4  }
0x16e: {  	v4 =	vor.u32 v4, v5  }
0x16f: {  	v5 =	vperm.xlane v4, v1;
	_ =	sdelay $0x1  }
0x170: {  	v5 =	vadd.s32 v2, v5;
	_ =	sdelay $0x3  }
0x171: {  	v4 =	vperm.xlane v4, v3  }
0x172: {  	[hbm4b:s5+s2] =	stream.indirect_vreg.scatter [tilespmem:s1], [sflag:$0x2], $0x80, v5, vm8, $0xb8;
	[tilespmem:$0xD300] =	vst v63  }
0x173: {  	s15 =	simm.s32 $0x1A00;
	v4 =	vadd.s32 v2, v4  }
0x174: {  	[hbm4b:s13+s2] =	stream.indirect_vreg.scatter [tilespmem:s15], [sflag:$0x2], $0x80, v5, vm8, $0xb8;
	[tilespmem:$0xD300] =	vst v63  }
0x175: {  	s16 =	simm.s32 $0x2200  }
0x176: {  	[hbm4b:s14+s2] =	stream.indirect_vreg.scatter [tilespmem:s16], [sflag:$0x2], $0x80, v5, vm8, $0xb8;
	[tilespmem:$0xD300] =	vst v63  }
0x177: {  	s30 =	simm.s32 $0x2A00  }
0x178: {  	[hbm4b:s5+s2] =	stream.indirect_vreg.scatter [tilespmem:s30], [sflag:$0x2], $0x80, v4, vm8, $0xb8;
	[tilespmem:$0xD300] =	vst v63  }
0x179: {  	s31 =	simm.s32 $0x3200  }
0x17a: {  	[hbm4b:s13+s2] =	stream.indirect_vreg.scatter [tilespmem:s31], [sflag:$0x2], $0x80, v4, vm8, $0xb8;
	[tilespmem:$0xD300] =	vst v63  }
0x17b: {  	s0 =	simm.s32 $0x3A00  }
0x17c: {  	[hbm4b:s14+s2] =	stream.indirect_vreg.scatter [tilespmem:s0], [sflag:$0x2], $0x80, v4, vm8, $0xb8;
	[tilespmem:$0xD300] =	vst v63  }
0x17d: {  	v4 =	vld [tilespmem:$0x1110];
	_ =	sdelay $0x4  }
0x17e: {  	v5 =	vshrl.u32 v4, $0x3  }
0x17f: {  	v5 =	vmul.u32 $0x30, v5  }
0x180: {  	v4 =	vand.u32 $0x7, v4  }
0x181: {  	v4 =	vor.u32 v4, v5  }
0x182: {  	v5 =	vperm.xlane v4, v1;
	_ =	sdelay $0x1  }
0x183: {  	v5 =	vadd.s32 v2, v5;
	_ =	sdelay $0x3  }
0x184: {  	s1 =	simm.s32 $0x4200;
	v4 =	vperm.xlane v4, v3  }
0x185: {  	[hbm4b:s5+s2] =	stream.indirect_vreg.scatter [tilespmem:s1], [sflag:$0x2], $0x80, v5, vm8, $0xb8;
	[tilespmem:$0xD300] =	vst v63  }
0x186: {  	v4 =	vadd.s32 v2, v4  }
0x187: {  	[hbm4b:s13+s2] =	stream.indirect_vreg.scatter [tilespmem:s17], [sflag:$0x2], $0x80, v5, vm8, $0xb8;
	[tilespmem:$0xD300] =	vst v63  }
0x188: {  	_ = 	snop  }
0x189: {  	[hbm4b:s14+s2] =	stream.indirect_vreg.scatter [tilespmem:s18], [sflag:$0x2], $0x80, v5, vm8, $0xb8;
	[tilespmem:$0xD300] =	vst v63  }
0x18a: {  	_ = 	snop  }
0x18b: {  	[hbm4b:s5+s2] =	stream.indirect_vreg.scatter [tilespmem:s22], [sflag:$0x2], $0x80, v4, vm8, $0xb8;
	[tilespmem:$0xD300] =	vst v63  }
0x18c: {  	_ = 	snop  }
0x18d: {  	[hbm4b:s13+s2] =	stream.indirect_vreg.scatter [tilespmem:s23], [sflag:$0x2], $0x80, v4, vm8, $0xb8;
	[tilespmem:$0xD300] =	vst v63  }
0x18e: {  	_ = 	snop  }
0x18f: {  	[hbm4b:s14+s2] =	stream.indirect_vreg.scatter [tilespmem:s6], [sflag:$0x2], $0x80, v4, vm8, $0xb8;
	[tilespmem:$0xD300] =	vst v63  }
0x190: {  	v4 =	vld [tilespmem:$0x1120];
	_ =	sdelay $0x4  }
0x191: {  	v5 =	vshrl.u32 v4, $0x3  }
0x192: {  	v5 =	vmul.u32 $0x30, v5  }
0x193: {  	v4 =	vand.u32 $0x7, v4  }
0x194: {  	v4 =	vor.u32 v4, v5  }
0x195: {  	v5 =	vperm.xlane v4, v1;
	_ =	sdelay $0x1  }
0x196: {  	v5 =	vadd.s32 v2, v5;
	_ =	sdelay $0x3  }
0x197: {  	v4 =	vperm.xlane v4, v3  }
0x198: {  	[hbm4b:s5+s2] =	stream.indirect_vreg.scatter [tilespmem:s24], [sflag:$0x2], $0x80, v5, vm8, $0xb8;
	[tilespmem:$0xD300] =	vst v63  }
0x199: {  	v4 =	vadd.s32 v2, v4  }
0x19a: {  	[hbm4b:s13+s2] =	stream.indirect_vreg.scatter [tilespmem:s7], [sflag:$0x2], $0x80, v5, vm8, $0xb8;
	[tilespmem:$0xD300] =	vst v63  }
0x19b: {  	_ = 	snop  }
0x19c: {  	[hbm4b:s14+s2] =	stream.indirect_vreg.scatter [tilespmem:s25], [sflag:$0x2], $0x80, v5, vm8, $0xb8;
	[tilespmem:$0xD300] =	vst v63  }
0x19d: {  	_ = 	snop  }
0x19e: {  	[hbm4b:s5+s2] =	stream.indirect_vreg.scatter [tilespmem:s26], [sflag:$0x2], $0x80, v4, vm8, $0xb8;
	[tilespmem:$0xD300] =	vst v63  }
0x19f: {  	_ = 	snop  }
0x1a0: {  	[hbm4b:s13+s2] =	stream.indirect_vreg.scatter [tilespmem:s8], [sflag:$0x2], $0x80, v4, vm8, $0xb8;
	[tilespmem:$0xD300] =	vst v63  }
0x1a1: {  	_ = 	snop  }
0x1a2: {  	[hbm4b:s14+s2] =	stream.indirect_vreg.scatter [tilespmem:s9], [sflag:$0x2], $0x80, v4, vm8, $0xb8;
	[tilespmem:$0xD300] =	vst v63  }
0x1a3: {  	v4 =	vld [tilespmem:$0x1130];
	_ =	sdelay $0x4  }
0x1a4: {  	v5 =	vshrl.u32 v4, $0x3  }
0x1a5: {  	v5 =	vmul.u32 $0x30, v5  }
0x1a6: {  	v4 =	vand.u32 $0x7, v4  }
0x1a7: {  	v4 =	vor.u32 v4, v5  }
0x1a8: {  	v5 =	vperm.xlane v4, v1;
	_ =	sdelay $0x1  }
0x1a9: {  	v5 =	vadd.s32 v2, v5;
	_ =	sdelay $0x3  }
0x1aa: {  	v4 =	vperm.xlane v4, v3  }
0x1ab: {  	[hbm4b:s5+s2] =	stream.indirect_vreg.scatter [tilespmem:s28], [sflag:$0x2], $0x80, v5, vm8, $0xb8;
	[tilespmem:$0xD300] =	vst v63  }
0x1ac: {  	v4 =	vadd.s32 v2, v4  }
0x1ad: {  	[hbm4b:s13+s2] =	stream.indirect_vreg.scatter [tilespmem:s3], [sflag:$0x2], $0x80, v5, vm8, $0xb8;
	[tilespmem:$0xD300] =	vst v63  }
0x1ae: {  	_ = 	snop  }
0x1af: {  	[hbm4b:s14+s2] =	stream.indirect_vreg.scatter [tilespmem:s4], [sflag:$0x2], $0x80, v5, vm8, $0xb8;
	[tilespmem:$0xD300] =	vst v63  }
0x1b0: {  	_ = 	snop  }
0x1b1: {  	[hbm4b:s5+s2] =	stream.indirect_vreg.scatter [tilespmem:s10], [sflag:$0x2], $0x80, v4, vm8, $0xb8;
	[tilespmem:$0xD300] =	vst v63  }
0x1b2: {  	_ = 	snop  }
0x1b3: {  	[hbm4b:s13+s2] =	stream.indirect_vreg.scatter [tilespmem:s19], [sflag:$0x2], $0x80, v4, vm8, $0xb8;
	[tilespmem:$0xD300] =	vst v63  }
0x1b4: {  	_ = 	snop  }
0x1b5: {  	[hbm4b:s14+s2] =	stream.indirect_vreg.scatter [tilespmem:s20], [sflag:$0x2], $0x80, v4, vm8, $0xb8;
	[tilespmem:$0xD300] =	vst v63  }
0x1b6: {  	v4 =	vld [tilespmem:$0x1080];
	_ =	sdelay $0x2  }
0x1b7: {  	v5 =	vbroadcast v27, $0xF  }
0x1b8: {  	vm7 =	vcmask $0x1F1C  }
0x1b9: {  	v5 =	vnsel vm7, $0x0, v5;
	vm14 =	veq.s32 v4, $0x0  }
0x1ba: {  	v5 =	vadd.s32 v5, v11;
	v38 =	vsel vm14, $0x1, v0  }
0x1bb: {  	v39 =	vnsel vm5, $0x0, v5;
	vm15 =	veq.s32 v4, $0x1;
	(xrf0) =	vadd.scan.msk.s32 $0xffff, v38  }
0x1bc: {  	v41 =	vsel vm15, $0x1, v0;
	(xrf0) =	vadd.scan.msk.s32 $0xffff, v39  }
0x1bd: {  	v40 =	vimm.s32 $0x0;
	(xrf0) =	vadd.scan.msk.s32 $0xffff, v41  }
0x1be: {  	v7 =	vsel vm15, $0xFFFFFFFF, v40  }
0x1bf: {  	v37 =	vimm.s32 $0x0  }
0x1c0: {  	v6 =	vsel vm14, $0xFFFFFFFF, v37  }
0x1c1: {  	[tilespmem:$0x1FEF0] =	vst v7;
	v7, _, _ =	vpop (xrf0)  }
0x1c2: {  	v12, _, _ =	vpop (xrf0);
	v42 =	vbroadcast v7, $0xF  }
0x1c3: {  	[tilespmem:$0x1FEE0] =	vst v6;
	v6, _, _ =	vpop (xrf0)  }
0x1c4: {  	v8 =	vnsel vm5, $0x0, v42;
	v43 =	vbroadcast v6, $0xF  }
0x1c5: {  	vm0 =	vcmask $0x704;
	vm13 =	vcmask $0x308;
	v5 =	vadd.s32 v5, v8  }
0x1c6: {  	vm4 =	veq.s32 v4, $0x2;
	v8 =	vsel vm13, $0x0, v5;
	v9 =	vnsel vm0, $0x0, v43  }
0x1c7: {  	vm14 =	vcmask $0x70C;
	(xrf0) =	vadd.scan.msk.s32 $0xffff, v8;
	v45 =	vadd.s32 v9, v5;
	v5 =	vsel vm4, $0x1, v0  }
0x1c8: {  	vm12 =	veq.s32 v4, $0x3;
	(xrf0) =	vadd.scan.msk.s32 $0xffff, v5;
	v5 =	vsel vm14, $0x0, v45  }
0x1c9: {  	(xrf0) =	vadd.scan.msk.s32 $0xffff, v5;
	v5 =	vsel vm12, $0x1, v0  }
0x1ca: {  	v46 =	vimm.s32 $0x0;
	(xrf0) =	vadd.scan.msk.s32 $0xffff, v5  }
0x1cb: {  	v9 =	vsel vm12, $0xFFFFFFFF, v46;
	_ =	sdelay $0x1  }
0x1cc: {  	v18, _, _ =	vpop (xrf0)  }
0x1cd: {  	[tilespmem:$0x1FF10] =	vst v9;
	v9, _, _ =	vpop (xrf0)  }
0x1ce: {  	v44 =	vimm.s32 $0x0;
	v13, _, _ =	vpop (xrf0);
	v47 =	vbroadcast v9, $0xF  }
0x1cf: {  	v10 =	vsel vm4, $0xFFFFFFFF, v44;
	vm4 =	vcmask $0xB08;
	v5, _, _ =	vpop (xrf0)  }
0x1d0: {  	[tilespmem:$0x1FF00] =	vst v10;
	v10 =	vnsel vm4, $0x0, v47;
	v48 =	vbroadcast v5, $0xF  }
0x1d1: {  	vm3 =	vcmask $0xF0C;
	vm10 =	vcmask $0xB10;
	v8 =	vadd.s32 v10, v45  }
0x1d2: {  	vm15 =	veq.s32 v4, $0x4;
	v10 =	vsel vm10, $0x0, v8;
	v11 =	vnsel vm3, $0x0, v48  }
0x1d3: {  	vm11 =	vcmask $0xF14;
	v50 =	vsel vm15, $0x1, v0;
	(xrf0) =	vadd.scan.msk.s32 $0xffff, v10;
	v8 =	vadd.s32 v11, v8  }
0x1d4: {  	vm12 =	veq.s32 v4, $0x5;
	(xrf0) =	vadd.scan.msk.s32 $0xffff, v50;
	v51 =	vsel vm11, $0x0, v8  }
0x1d5: {  	v53 =	vsel vm12, $0x1, v0;
	(xrf0) =	vadd.scan.msk.s32 $0xffff, v51  }
0x1d6: {  	(xrf0) =	vadd.scan.msk.s32 $0xffff, v53  }
0x1d7: {  	v49 =	vimm.s32 $0x0  }
0x1d8: {  	v52 =	vimm.s32 $0x0;
	v14 =	vsel vm15, $0xFFFFFFFF, v49  }
0x1d9: {  	v11 =	vsel vm12, $0xFFFFFFFF, v52;
	v17, _, _ =	vpop (xrf0)  }
0x1da: {  	v10, _, _ =	vpop (xrf0)  }
0x1db: {  	vm2 =	vcmask $0x1310;
	[tilespmem:$0x1FF20] =	vst v14;
	v14, _, _ =	vpop (xrf0);
	v54 =	vbroadcast v10, $0xF  }
0x1dc: {  	vm1 =	vcmask $0x1714;
	v56 =	vimm.s32 $0x0;
	vm6 =	vcmask $0x1318;
	[tilespmem:$0x1FF30] =	vst v11;
	v11, _, _ =	vpop (xrf0)  }
0x1dd: {  	vm15 =	veq.s32 v4, $0x7;
	v15 =	vnsel vm2, $0x0, v54;
	v55 =	vbroadcast v11, $0xF  }
0x1de: {  	vm12 =	veq.s32 v4, $0x6;
	v4 =	vimm.s32 $0x0;
	v8 =	vadd.s32 v15, v8  }
0x1df: {  	v19 =	vsel vm12, $0xFFFFFFFF, v56;
	v15 =	vsel vm6, $0x0, v8;
	v16 =	vnsel vm1, $0x0, v55  }
0x1e0: {  	v57 =	vsel vm12, $0x1, v0;
	vm12 =	vcmask $0x171C;
	(xrf0) =	vadd.scan.msk.s32 $0xffff, v15;
	v8 =	vadd.s32 v16, v8  }
0x1e1: {  	v4 =	vsel vm15, $0xFFFFFFFF, v4;
	(xrf0) =	vadd.scan.msk.s32 $0xffff, v57;
	v58 =	vsel vm12, $0x0, v8  }
0x1e2: {  	[tilespmem:$0x1FFA0] =	vst v4;
	v4 =	vsel vm15, $0x1, v0;
	(xrf0) =	vadd.scan.msk.s32 $0xffff, v58  }
0x1e3: {  	(xrf0) =	vadd.scan.msk.s32 $0xffff, v4;
	_ =	sdelay $0x2  }
0x1e4: {  	v20, _, _ =	vpop (xrf0)  }
0x1e5: {  	v59 =	vld [tilespmem:$0x1090];
	v15, _, _ =	vpop (xrf0)  }
0x1e6: {  	v21, _, _ =	vpop (xrf0);
	v60 =	vbroadcast v15, $0xF  }
0x1e7: {  	v4, _, _ =	vpop (xrf0)  }
0x1e8: {  	[tilespmem:$0x1FF40] =	vst v19;
	v19 =	vnsel vm9, $0x0, v60;
	v61 =	vbroadcast v4, $0xF  }
0x1e9: {  	vm9 =	vcmask $0x1B20;
	v8 =	vadd.s32 v19, v8  }
0x1ea: {  	v19 =	vsel vm9, $0x0, v8;
	v22 =	vnsel vm7, $0x0, v61;
	vm7 =	veq.s32 v59, $0x0  }
0x1eb: {  	v62 =	vimm.s32 $0x0;
	(xrf0) =	vadd.scan.msk.s32 $0xffff, v19;
	v63 =	vadd.s32 v22, v8;
	v24 =	vsel vm7, $0x1, v0  }
0x1ec: {  	v23 =	vsel vm7, $0xFFFFFFFF, v62;
	vm7 =	veq.s32 v59, $0x1;
	(xrf0) =	vadd.scan.msk.s32 $0xffff, v24;
	v25 =	vnsel vm5, $0x0, v63  }
0x1ed: {  	v27 =	vsel vm7, $0x1, v0;
	(xrf0) =	vadd.scan.msk.s32 $0xffff, v25  }
0x1ee: {  	(xrf0) =	vadd.scan.msk.s32 $0xffff, v27;
	_ =	sdelay $0x1  }
0x1ef: {  	v26 =	vimm.s32 $0x0  }
0x1f0: {  	v22 =	vsel vm7, $0xFFFFFFFF, v26;
	v8, _, _ =	vpop (xrf0)  }
0x1f1: {  	v24, _, _ =	vpop (xrf0)  }
0x1f2: {  	v27, _, _ =	vpop (xrf0);
	v28 =	vbroadcast v24, $0xF  }
0x1f3: {  	[tilespmem:$0x1FF60] =	vst v22;
	v22, _, _ =	vpop (xrf0)  }
0x1f4: {  	[tilespmem:$0x1FF50] =	vst v23;
	v23 =	vnsel vm5, $0x0, v28;
	v29 =	vbroadcast v22, $0xF  }
0x1f5: {  	v19 =	vadd.s32 v23, v63  }
0x1f6: {  	v23 =	vsel vm13, $0x0, v19;
	v25 =	vnsel vm0, $0x0, v29;
	vm13 =	veq.s32 v59, $0x2  }
0x1f7: {  	v30 =	vimm.s32 $0x0;
	(xrf0) =	vadd.scan.msk.s32 $0xffff, v23;
	v25 =	vadd.s32 v25, v19;
	v31 =	vsel vm13, $0x1, v0  }
0x1f8: {  	v26 =	vsel vm13, $0xFFFFFFFF, v30;
	vm13 =	veq.s32 v59, $0x3;
	(xrf0) =	vadd.scan.msk.s32 $0xffff, v31;
	v32 =	vsel vm14, $0x0, v25  }
0x1f9: {  	v34 =	vsel vm13, $0x1, v0;
	(xrf0) =	vadd.scan.msk.s32 $0xffff, v32  }
0x1fa: {  	v33 =	vimm.s32 $0x0;
	(xrf0) =	vadd.scan.msk.s32 $0xffff, v34  }
0x1fb: {  	v23 =	vsel vm13, $0xFFFFFFFF, v33;
	_ =	sdelay $0x1  }
0x1fc: {  	v38, _, _ =	vpop (xrf0)  }
0x1fd: {  	[tilespmem:$0x1FF80] =	vst v23;
	v23, _, _ =	vpop (xrf0)  }
0x1fe: {  	v28, _, _ =	vpop (xrf0);
	v35 =	vbroadcast v23, $0xF  }
0x1ff: {  	v19, _, _ =	vpop (xrf0)  }
0x200: {  	[tilespmem:$0x1FF70] =	vst v26;
	v26 =	vnsel vm4, $0x0, v35;
	v36 =	vbroadcast v19, $0xF  }
0x201: {  	vm13 =	vmmov vm4;
	v25 =	vadd.s32 v26, v25  }
0x202: {  	vm4 =	veq.s32 v59, $0x4;
	v26 =	vsel vm10, $0x0, v25;
	v29 =	vnsel vm3, $0x0, v36  }
0x203: {  	v39 =	vsel vm4, $0x1, v0;
	(xrf0) =	vadd.scan.msk.s32 $0xffff, v26;
	v29 =	vadd.s32 v29, v25  }
0x204: {  	vm7 =	vmmov vm3;
	vm3 =	veq.s32 v59, $0x5;
	(xrf0) =	vadd.scan.msk.s32 $0xffff, v39;
	v40 =	vsel vm11, $0x0, v29  }
0x205: {  	v42 =	vsel vm3, $0x1, v0;
	(xrf0) =	vadd.scan.msk.s32 $0xffff, v40  }
0x206: {  	v41 =	vimm.s32 $0x0;
	(xrf0) =	vadd.scan.msk.s32 $0xffff, v42  }
0x207: {  	v26 =	vsel vm3, $0xFFFFFFFF, v41;
	_ =	sdelay $0x1  }
0x208: {  	v36, _, _ =	vpop (xrf0)  }
0x209: {  	[tilespmem:$0x1FFB0] =	vst v26;
	v26, _, _ =	vpop (xrf0)  }
0x20a: {  	v37 =	vimm.s32 $0x0;
	v33, _, _ =	vpop (xrf0);
	v43 =	vbroadcast v26, $0xF  }
0x20b: {  	v30 =	vsel vm4, $0xFFFFFFFF, v37;
	v25, _, _ =	vpop (xrf0)  }
0x20c: {  	vm15 =	vmmov vm0;
	[tilespmem:$0x1FF90] =	vst v30;
	v30 =	vnsel vm2, $0x0, v43;
	v44 =	vbroadcast v25, $0xF  }
0x20d: {  	vm0 =	vmmov vm11;
	vm4 =	vmmov vm2;
	v29 =	vadd.s32 v30, v29  }
0x20e: {  	vm11 =	veq.s32 v59, $0x6;
	v30 =	vsel vm6, $0x0, v29;
	v31 =	vnsel vm1, $0x0, v44  }
0x20f: {  	v45 =	vsel vm11, $0x1, v0;
	vm2 =	vmmov vm1;
	(xrf0) =	vadd.scan.msk.s32 $0xffff, v30;
	v29 =	vadd.s32 v31, v29  }
0x210: {  	vm1 =	vmmov vm12;
	(xrf0) =	vadd.scan.msk.s32 $0xffff, v45;
	v46 =	vsel vm12, $0x0, v29;
	vm12 =	veq.s32 v59, $0x7  }
0x211: {  	(xrf0) =	vadd.scan.msk.s32 $0xffff, v46;
	v48 =	vsel vm12, $0x1, v0  }
0x212: {  	(xrf0) =	vadd.scan.msk.s32 $0xffff, v48;
	_ =	sdelay $0x1  }
0x213: {  	v47 =	vimm.s32 $0x0  }
0x214: {  	v16 =	vsel vm12, $0xFFFFFFFF, v47;
	v40, _, _ =	vpop (xrf0)  }
0x215: {  	v47 =	vld [tilespmem:$0x10A0];
	v30, _, _ =	vpop (xrf0)  }
0x216: {  	v39, _, _ =	vpop (xrf0);
	v49 =	vbroadcast v30, $0xF  }
0x217: {  	vm12 =	vcmask $0x1B18;
	[tilespmem:$0x1FFE0] =	vst v16;
	v16, _, _ =	vpop (xrf0)  }
0x218: {  	v31 =	vnsel vm12, $0x0, v49;
	v50 =	vbroadcast v16, $0xF  }
0x219: {  	vm12 =	vcmask $0x1F1C;
	v29 =	vadd.s32 v31, v29  }
0x21a: {  	v31 =	vsel vm9, $0x0, v29;
	v32 =	vnsel vm12, $0x0, v50;
	vm12 =	veq.s32 v47, $0x0  }
0x21b: {  	(xrf0) =	vadd.scan.msk.s32 $0xffff, v31;
	v52 =	vsel vm12, $0x1, v0  }
0x21c: {  	(xrf0) =	vadd.scan.msk.s32 $0xffff, v52  }
0x21d: {  	v51 =	vimm.s32 $0x0;
	v54 =	vimm.s32 $0x0  }
0x21e: {  	v34 =	vsel vm12, $0xFFFFFFFF, v51;
	v32 =	vadd.s32 v32, v29;
	vm12 =	veq.s32 v47, $0x1  }
0x21f: {  	v53 =	vnsel vm5, $0x0, v32;
	v31 =	vsel vm12, $0xFFFFFFFF, v54  }
0x220: {  	v55 =	vsel vm12, $0x1, v0;
	(xrf0) =	vadd.scan.msk.s32 $0xffff, v53  }
0x221: {  	[tilespmem:$0x1FFC0] =	vst v34;
	(xrf0) =	vadd.scan.msk.s32 $0xffff, v55;
	v34, _, _ =	vpop (xrf0)  }
0x222: {  	[tilespmem:$0x1FFD0] =	vst v31;
	v31, _, _ =	vpop (xrf0)  }
0x223: {  	v56 =	vbroadcast v31, $0xF;
	_ =	sdelay $0x1  }
0x224: {  	v35 =	vnsel vm5, $0x0, v56  }
0x225: {  	vm12 =	vcmask $0x308;
	v42, _, _ =	vpop (xrf0);
	v32 =	vadd.s32 v35, v32  }
0x226: {  	v29, _, _ =	vpop (xrf0);
	v35 =	vsel vm12, $0x0, v32;
	vm12 =	veq.s32 v47, $0x2  }
0x227: {  	v57 =	vbroadcast v29, $0xF;
	(xrf0) =	vadd.scan.msk.s32 $0xffff, v35;
	v58 =	vsel vm12, $0x1, v0  }
0x228: {  	(xrf0) =	vadd.scan.msk.s32 $0xffff, v58  }
0x229: {  	v37 =	vnsel vm15, $0x0, v57  }
0x22a: {  	v32 =	vadd.s32 v37, v32  }
0x22b: {  	vm9 =	veq.s32 v47, $0x3;
	v59 =	vsel vm14, $0x0, v32  }
0x22c: {  	v60 =	vsel vm9, $0x1, v0;
	(xrf0) =	vadd.scan.msk.s32 $0xffff, v59  }
0x22d: {  	(xrf0) =	vadd.scan.msk.s32 $0xffff, v60;
	v44, _, _ =	vpop (xrf0)  }
0x22e: {  	v37, _, _ =	vpop (xrf0)  }
0x22f: {  	v61 =	vbroadcast v37, $0xF;
	_ =	sdelay $0x1  }
0x230: {  	v41 =	vnsel vm13, $0x0, v61  }
0x231: {  	v43, _, _ =	vpop (xrf0);
	v32 =	vadd.s32 v41, v32  }
0x232: {  	vm3 =	veq.s32 v47, $0x4;
	v35, _, _ =	vpop (xrf0);
	v41 =	vsel vm10, $0x0, v32  }
0x233: {  	v50 =	vsel vm3, $0x1, v0;
	v62 =	vbroadcast v35, $0xF;
	(xrf0) =	vadd.scan.msk.s32 $0xffff, v41  }
0x234: {  	(xrf0) =	vadd.scan.msk.s32 $0xffff, v50  }
0x235: {  	v45 =	vnsel vm7, $0x0, v62  }
0x236: {  	v63 =	vadd.s32 v45, v32  }
0x237: {  	vm13 =	veq.s32 v47, $0x5;
	v51 =	vsel vm0, $0x0, v63  }
0x238: {  	v52 =	vsel vm13, $0x1, v0;
	(xrf0) =	vadd.scan.msk.s32 $0xffff, v51  }
0x239: {  	(xrf0) =	vadd.scan.msk.s32 $0xffff, v52;
	v46, _, _ =	vpop (xrf0)  }
0x23a: {  	v41, _, _ =	vpop (xrf0)  }
0x23b: {  	v53 =	vbroadcast v41, $0xF;
	_ =	sdelay $0x1  }
0x23c: {  	v49 =	vnsel vm4, $0x0, v53  }
0x23d: {  	v13 =	vadd.s32 $0xFFFFFFFF, v13;
	v45, _, _ =	vpop (xrf0);
	v48 =	vadd.s32 v49, v63  }
0x23e: {  	v13 =	vbroadcast v13, $0xF;
	v32, _, _ =	vpop (xrf0);
	vm4 =	veq.s32 v47, $0x6;
	v49 =	vsel vm6, $0x0, v48  }
0x23f: {  	v54 =	vbroadcast v32, $0xF;
	v55 =	vsel vm4, $0x1, v0;
	(xrf0) =	vadd.scan.msk.s32 $0xffff, v49  }
0x240: {  	v12 =	vadd.s32 $0xFFFFFFFF, v12;
	v9 =	vadd.s32 v9, v13;
	(xrf0) =	vadd.scan.msk.s32 $0xffff, v55  }
0x241: {  	v17 =	vadd.s32 $0xFFFFFFFF, v17;
	v61 =	vld [tilespmem:$0x1FEE0];
	v50 =	vnsel vm2, $0x0, v54;
	vm6 =	veq.s32 v47, $0x7  }
0x242: {  	v17 =	vbroadcast v17, $0xF;
	v48 =	vadd.s32 v50, v48;
	v47 =	vsel vm6, $0x1, v0  }
0x243: {  	v14 =	vadd.s32 $0xFFFFFFFF, v14;
	v8 =	vadd.s32 $0xFFFFFFFF, v8;
	v56 =	vsel vm1, $0x0, v48  }
0x244: {  	v14 =	vbroadcast v14, $0xF;
	v8 =	vbroadcast v8, $0xF;
	v58 =	vadd.s32 $0xFFFFFFFF, v18;
	v18 =	vld [tilespmem:$0x10B0];
	(xrf0) =	vadd.scan.msk.s32 $0xffff, v56  }
0x245: {  	v5 =	vadd.s32 v5, v17;
	v20 =	vadd.s32 $0xFFFFFFFF, v20;
	v57 =	vbroadcast v12, $0xF;
	(xrf0) =	vadd.scan.msk.s32 $0xffff, v47;
	v47, _, _ =	vpop (xrf0)  }
0x246: {  	v4 =	vadd.s32 v4, v8;
	v59 =	vbroadcast v58, $0xF;
	vm0 =	vnez.u8 v61;
	v63 =	vld [tilespmem:$0x1FEF0];
	v12, _, _ =	vpop (xrf0)  }
0x247: {  	v61 =	vbroadcast v20, $0xF;
	v49 =	vadd.s32 v7, v57;
	v60 =	vbroadcast v12, $0xF  }
0x248: {  	v52 =	vadd.s32 $0xFFFFFFFF, v38;
	v49 =	vnsel vm0, $0x0, v49;
	vm0 =	vcmask $0x1B18  }
0x249: {  	v11 =	vadd.s32 v11, v61;
	vm2 =	veq.s32 v18, $0x1;
	v51 =	vnsel vm0, $0x0, v60;
	v60 =	vld [tilespmem:$0x1FF00]  }
0x24a: {  	v50 =	vadd.s32 v6, v59;
	v59 =	vsel vm2, $0x1, v0;
	vm1 =	veq.s32 v18, $0x0;
	v7, _, _ =	vpop (xrf0)  }
0x24b: {  	v57 =	vsel vm1, $0x1, v0;
	v6, _, _ =	vpop (xrf0);
	v7 =	vadd.s32 $0xFFFFFFFF, v7;
	vm0 =	vnez.u8 v63  }
0x24c: {  	v62 =	vbroadcast v6, $0xF;
	v7 =	vbroadcast v7, $0xF;
	v49 =	vsel vm0, v50, v49  }
0x24d: {  	v63 =	vld [tilespmem:$0x1FF10];
	v48 =	vadd.s32 v51, v48;
	vm0 =	vcmask $0x1B20;
	v51 =	vadd.s32 $0xFFFFFFFF, v27  }
0x24e: {  	v55 =	vsel vm0, $0x0, v48;
	vm0 =	vcmask $0x1F1C;
	vm7 =	vnez.u8 v60  }
0x24f: {  	v56 =	vnsel vm0, $0x0, v62;
	v62 =	vadd.s32 $0xFFFFFFFF, v21;
	v9 =	vsel vm7, v9, v49;
	v49 =	vld [tilespmem:$0x1FF20]  }
0x250: {  	v50 =	vld [tilespmem:$0x1FF30];
	v7 =	vadd.s32 v12, v7;
	(xrf0) =	vadd.scan.msk.s32 $0xffff, v55;
	v13 =	vadd.s32 v56, v48;
	v48 =	vbroadcast v62, $0xF  }
0x251: {  	v21 =	vadd.s32 v10, v14;
	v55 =	vbroadcast v52, $0xF;
	(xrf0) =	vadd.scan.msk.s32 $0xffff, v57;
	v58 =	vnsel vm5, $0x0, v13  }
0x252: {  	v54 =	vld [tilespmem:$0x1FF40];
	v62 =	vadd.s32 $0xFFFFFFFF, v36;
	(xrf0) =	vadd.scan.msk.s32 $0xffff, v58;
	vm7 =	vnez.u8 v63;
	v10 =	vadd.s32 v15, v48  }
0x253: {  	v58 =	vadd.s32 $0xFFFFFFFF, v28;
	v48 =	vadd.s32 $0xFFFFFFFF, v39;
	(xrf0) =	vadd.scan.msk.s32 $0xffff, v59;
	v5 =	vsel vm7, v5, v9  }
0x254: {  	vm7 =	veq.s32 v18, $0x2;
	v8 =	vbroadcast v48, $0xF;
	vm0 =	vnez.u8 v49  }
0x255: {  	v57 =	vld [tilespmem:$0x1FF50];
	v59 =	vsel vm7, $0x1, v0;
	v9 =	vsel vm0, v21, v5;
	vm0 =	vnez.u8 v50  }
0x256: {  	v8 =	vadd.s32 v30, v8;
	v30 =	vadd.s32 $0xFFFFFFFF, v45;
	v5, _, _ =	vpop (xrf0);
	v9 =	vsel vm0, v11, v9  }
0x257: {  	v14, _, _ =	vpop (xrf0);
	v11 =	vbroadcast v51, $0xF;
	vm0 =	vnez.u8 v54;
	v54 =	vadd.s32 $0xFFFFFFFF, v42  }
0x258: {  	v42 =	vadd.s32 $0xFFFFFFFF, v47;
	v5 =	vadd.s32 $0xFFFFFFFF, v5;
	v17, _, _ =	vpop (xrf0);
	v53 =	vbroadcast v14, $0xF  }
0x259: {  	v61 =	vld [tilespmem:$0x1FF60];
	v9 =	vsel vm0, v10, v9;
	v10 =	vadd.s32 v22, v55;
	v15, _, _ =	vpop (xrf0);
	v11 =	vadd.s32 v24, v11  }
0x25a: {  	v20 =	vnsel vm5, $0x0, v53;
	v56 =	vbroadcast v15, $0xF;
	vm5 =	vnez.u8 v57  }
0x25b: {  	v27 =	vld [tilespmem:$0x1FF70];
	v11 =	vnsel vm5, $0x0, v11;
	v13 =	vadd.s32 v20, v13;
	vm5 =	vcmask $0x308  }
0x25c: {  	v36 =	vld [tilespmem:$0x1FF80];
	vm0 =	veq.s32 v18, $0x3;
	v20 =	vsel vm5, $0x0, v13;
	v21 =	vnsel vm15, $0x0, v56  }
0x25d: {  	v24 =	vadd.s32 $0xFFFFFFFF, v33;
	v33 =	vadd.s32 $0xFFFFFFFF, v40;
	v40 =	vld [tilespmem:$0x1FF90];
	(xrf0) =	vadd.scan.msk.s32 $0xffff, v20;
	v13 =	vadd.s32 v21, v13  }
0x25e: {  	v50 =	vld [tilespmem:$0x1FFA0];
	v20 =	vbroadcast v58, $0xF;
	(xrf0) =	vadd.scan.msk.s32 $0xffff, v59;
	v60 =	vsel vm14, $0x0, v13;
	vm14 =	vnez.u8 v61  }
0x25f: {  	v63 =	vsel vm0, $0x1, v0;
	v10 =	vsel vm14, v10, v11;
	(xrf0) =	vadd.scan.msk.s32 $0xffff, v60;
	v11 =	vbroadcast v62, $0xF  }
0x260: {  	v51 =	vld [tilespmem:$0x1FFB0];
	v28 =	vbroadcast v24, $0xF;
	vm15 =	vnez.u8 v27;
	v20 =	vadd.s32 v23, v20;
	(xrf0) =	vadd.scan.msk.s32 $0xffff, v63  }
0x261: {  	vm14 =	vnez.u8 v36;
	v10 =	vsel vm15, v20, v10;
	v11 =	vadd.s32 v19, v11  }
0x262: {  	v38 =	vadd.s32 v26, v28;
	vm15 =	vnez.u8 v40;
	v10 =	vsel vm14, v11, v10  }
0x263: {  	vm10 =	vnez.u8 v50;
	v19 =	vbroadcast v33, $0xF;
	v20, _, _ =	vpop (xrf0);
	v10 =	vsel vm15, v38, v10  }
0x264: {  	v5 =	vbroadcast v5, $0xF;
	v4 =	vsel vm10, v4, v9;
	vm10 =	veq.s32 v18, $0x4;
	v11, _, _ =	vpop (xrf0)  }
0x265: {  	vm14 =	vnez.u8 v51;
	v19 =	vadd.s32 v25, v19;
	v21, _, _ =	vpop (xrf0);
	v49 =	vbroadcast v11, $0xF  }
0x266: {  	v56 =	vadd.s32 $0xFFFFFFFF, v44;
	vm15 =	vcmask $0xB08;
	v9 =	vsel vm14, v19, v10;
	v10, _, _ =	vpop (xrf0)  }
0x267: {  	v55 =	vsel vm10, $0x1, v0;
	v52 =	vnsel vm15, $0x0, v49;
	v53 =	vbroadcast v10, $0xF  }
0x268: {  	vm14 =	vcmask $0xB10;
	vm15 =	vcmask $0xF0C;
	v13 =	vadd.s32 v52, v13  }
0x269: {  	v58 =	vadd.s32 $0xFFFFFFFF, v34;
	v62 =	vld [tilespmem:$0x1FFC0];
	v19 =	vsel vm14, $0x0, v13;
	v22 =	vnsel vm15, $0x0, v53  }
0x26a: {  	v61 =	vadd.s32 $0xFFFFFFFF, v43;
	v33 =	vld [tilespmem:$0x1FFE0];
	vm14 =	vcmask $0xF14;
	(xrf0) =	vadd.scan.msk.s32 $0xffff, v19;
	v13 =	vadd.s32 v22, v13  }
0x26b: {  	v63 =	vld [tilespmem:$0x1FFD0];
	v8 =	vsel vm11, v8, v9;
	vm11 =	veq.s32 v18, $0x5;
	(xrf0) =	vadd.scan.msk.s32 $0xffff, v55;
	v57 =	vsel vm14, $0x0, v13  }
0x26c: {  	v60 =	vbroadcast v58, $0xF;
	v9 =	vbroadcast v54, $0xF;
	v59 =	vsel vm11, $0x1, v0;
	(xrf0) =	vadd.scan.msk.s32 $0xffff, v57  }
0x26d: {  	v28 =	vadd.s32 $0xFFFFFFFF, v46;
	v34 =	vbroadcast v30, $0xF;
	v23 =	vbroadcast v61, $0xF;
	(xrf0) =	vadd.scan.msk.s32 $0xffff, v59  }
0x26e: {  	v16 =	vadd.s32 v16, v60;
	v9 =	vadd.s32 v31, v9;
	vm15 =	vnez.u8 v62  }
0x26f: {  	v22 =	vbroadcast v56, $0xF;
	v9 =	vnsel vm15, $0x0, v9;
	vm15 =	vnez.u8 v33  }
0x270: {  	v19 =	vbroadcast v28, $0xF;
	vm14 =	vnez.u8 v63;
	v8 =	vsel vm15, v16, v8;
	v31, _, _ =	vpop (xrf0)  }
0x271: {  	v16 =	vadd.s32 v41, v34;
	vm15 =	vcmask $0x1714;
	v22 =	vadd.s32 v29, v22;
	v36, _, _ =	vpop (xrf0)  }
0x272: {  	v29 =	vadd.s32 v37, v23;
	v9 =	vsel vm14, v22, v9;
	v37, _, _ =	vpop (xrf0);
	v38 =	vbroadcast v36, $0xF  }
0x273: {  	v19 =	vadd.s32 v35, v19;
	v9 =	vsel vm12, v29, v9;
	vm12 =	vcmask $0x1310;
	v39, _, _ =	vpop (xrf0)  }
0x274: {  	v9 =	vsel vm9, v19, v9;
	v40 =	vnsel vm12, $0x0, v38;
	v41 =	vbroadcast v39, $0xF  }
0x275: {  	vm14 =	vcmask $0x1318;
	v9 =	vsel vm3, v16, v9;
	v13 =	vadd.s32 v40, v13  }
0x276: {  	vm3 =	veq.s32 v18, $0x6;
	v16 =	vsel vm14, $0x0, v13;
	v43 =	vnsel vm15, $0x0, v41  }
0x277: {  	v45 =	vsel vm3, $0x1, v0;
	vm12 =	vcmask $0x171C;
	(xrf0) =	vadd.scan.msk.s32 $0xffff, v16;
	v13 =	vadd.s32 v43, v13  }
0x278: {  	v17 =	vadd.s32 $0xFFFFFFFF, v17;
	vm14 =	veq.s32 v18, $0x7;
	(xrf0) =	vadd.scan.msk.s32 $0xffff, v45;
	v46 =	vsel vm12, $0x0, v13  }
0x279: {  	v17 =	vbroadcast v17, $0xF;
	vm15 =	vcmask $0x1B20;
	v48 =	vsel vm14, $0x1, v0;
	(xrf0) =	vadd.scan.msk.s32 $0xffff, v46  }
0x27a: {  	v47 =	vadd.s32 $0xFFFFFFFF, v20;
	v49 =	vadd.s32 $0xFFFFFFFF, v21;
	v13 =	vsel vm15, $0x0, v13;
	(xrf0) =	vadd.scan.msk.s32 $0xffff, v48  }
0x27b: {  	v14 =	vadd.s32 v14, v17;
	v50 =	vbroadcast v49, $0xF;
	v18 =	vbroadcast v47, $0xF;
	(xrf0) =	vadd.scan.msk.s32 $0xffff, v13  }
0x27c: {  	v44 =	vbroadcast v42, $0xF;
	v14 =	vnsel vm1, $0x0, v14;
	v51 =	vadd.s32 $0xFFFFFFFF, v31  }
0x27d: {  	v11 =	vadd.s32 v11, v50;
	v53 =	vbroadcast v51, $0xF;
	v52 =	vadd.s32 v15, v18;
	v54, _, _ =	vpop (xrf0)  }
0x27e: {  	v58 =	vadd.s32 $0xFFFFFFFF, v37;
	v16 =	vadd.s32 v32, v44;
	v13 =	vsel vm2, v52, v14;
	v55, _, _ =	vpop (xrf0)  }
0x27f: {  	v10 =	vadd.s32 v10, v53;
	v9 =	vsel vm13, v16, v9;
	v11 =	vsel vm7, v11, v13;
	v57, _, _ =	vpop (xrf0)  }
0x280: {  	v56 =	vsel vm0, v10, v11;
	v11 =	vbroadcast v58, $0xF;
	v14 =	vadd.s32 $0xFFFFFFFF, v54;
	v59, _, _ =	vpop (xrf0)  }
0x281: {  	v7 =	vsel vm4, v7, v9;
	v14 =	vbroadcast v14, $0xF;
	v10 =	vadd.s32 $0xFFFFFFFF, v57;
	v60, _, _ =	vpop (xrf0)  }
0x282: {  	v11 =	vadd.s32 v36, v11;
	v10 =	vbroadcast v10, $0xF;
	v15 =	vadd.s32 $0xFFFFFFFF, v60  }
0x283: {  	v9 =	vsel vm10, v11, v56;
	v61 =	vadd.s32 v39, v14;
	v62 =	vbroadcast v15, $0xF  }
0x284: {  	[tilespmem:$0x1180] =	vst v4;
	v4 =	vadd.s32 v6, v5;
	v9 =	vsel vm11, v61, v9;
	v5 =	vadd.s32 v55, v10  }
0x285: {  	[tilespmem:$0x1190] =	vst v8;
	v4 =	vsel vm6, v4, v7;
	v5 =	vsel vm3, v5, v9;
	v63 =	vadd.s32 v59, v62  }
0x286: {  	[tilespmem:$0x11A0] =	vst v4;
	v5 =	vsel vm14, v63, v5  }
0x287: {  	s12 =	rddreg [dreg:$0x9];
	s0 =	simm.s32 $0x1180;
	[tilespmem:$0x11B0] =	vst v5  }
0x288: {  	[hbm4b:s12+s2] =	stream.linear.scatter [tilespmem:s0], [sflag:$0x2], $0x40, $0x38;
	[tilespmem:$0xD300] =	vst v63  }
0x289: {  	v4 =	vld [tilespmem:$0x1180];
	_ =	sdelay $0x4  }
0x28a: {  	v5 =	vshrl.u32 v4, $0x3  }
0x28b: {  	v5 =	vmul.u32 $0x30, v5  }
0x28c: {  	v4 =	vand.u32 $0x7, v4  }
0x28d: {  	v4 =	vor.u32 v4, v5  }
0x28e: {  	v5 =	vperm.xlane v4, v1;
	_ =	sdelay $0x1  }
0x28f: {  	v5 =	vadd.s32 v2, v5;
	_ =	sdelay $0x3  }
0x290: {  	s0 =	simm.s32 $0x1200;
	v4 =	vperm.xlane v4, v3  }
0x291: {  	[hbm4b:s5+s2] =	stream.indirect_vreg.scatter [tilespmem:s0], [sflag:$0x2], $0x80, v5, vm8, $0xb8;
	[tilespmem:$0xD300] =	vst v63  }
0x292: {  	v4 =	vadd.s32 v2, v4  }
0x293: {  	[hbm4b:s13+s2] =	stream.indirect_vreg.scatter [tilespmem:s15], [sflag:$0x2], $0x80, v5, vm8, $0xb8;
	[tilespmem:$0xD300] =	vst v63  }
0x294: {  	_ = 	snop  }
0x295: {  	[hbm4b:s14+s2] =	stream.indirect_vreg.scatter [tilespmem:s16], [sflag:$0x2], $0x80, v5, vm8, $0xb8;
	[tilespmem:$0xD300] =	vst v63  }
0x296: {  	_ = 	snop  }
0x297: {  	[hbm4b:s5+s2] =	stream.indirect_vreg.scatter [tilespmem:s30], [sflag:$0x2], $0x80, v4, vm8, $0xb8;
	[tilespmem:$0xD300] =	vst v63  }
0x298: {  	_ = 	snop  }
0x299: {  	[hbm4b:s13+s2] =	stream.indirect_vreg.scatter [tilespmem:s31], [sflag:$0x2], $0x80, v4, vm8, $0xb8;
	[tilespmem:$0xD300] =	vst v63  }
0x29a: {  	s30 =	simm.s32 $0x3A00  }
0x29b: {  	[hbm4b:s14+s2] =	stream.indirect_vreg.scatter [tilespmem:s30], [sflag:$0x2], $0x80, v4, vm8, $0xb8;
	[tilespmem:$0xD300] =	vst v63  }
0x29c: {  	v4 =	vld [tilespmem:$0x1190];
	_ =	sdelay $0x4  }
0x29d: {  	v5 =	vshrl.u32 v4, $0x3  }
0x29e: {  	v5 =	vmul.u32 $0x30, v5  }
0x29f: {  	v4 =	vand.u32 $0x7, v4  }
0x2a0: {  	v4 =	vor.u32 v4, v5  }
0x2a1: {  	v5 =	vperm.xlane v4, v1;
	_ =	sdelay $0x1  }
0x2a2: {  	v5 =	vadd.s32 v2, v5;
	_ =	sdelay $0x3  }
0x2a3: {  	v4 =	vperm.xlane v4, v3  }
0x2a4: {  	[hbm4b:s5+s2] =	stream.indirect_vreg.scatter [tilespmem:s1], [sflag:$0x2], $0x80, v5, vm8, $0xb8;
	[tilespmem:$0xD300] =	vst v63  }
0x2a5: {  	v4 =	vadd.s32 v2, v4  }
0x2a6: {  	[hbm4b:s13+s2] =	stream.indirect_vreg.scatter [tilespmem:s17], [sflag:$0x2], $0x80, v5, vm8, $0xb8;
	[tilespmem:$0xD300] =	vst v63  }
0x2a7: {  	_ = 	snop  }
0x2a8: {  	[hbm4b:s14+s2] =	stream.indirect_vreg.scatter [tilespmem:s18], [sflag:$0x2], $0x80, v5, vm8, $0xb8;
	[tilespmem:$0xD300] =	vst v63  }
0x2a9: {  	_ = 	snop  }
0x2aa: {  	[hbm4b:s5+s2] =	stream.indirect_vreg.scatter [tilespmem:s22], [sflag:$0x2], $0x80, v4, vm8, $0xb8;
	[tilespmem:$0xD300] =	vst v63  }
0x2ab: {  	_ = 	snop  }
0x2ac: {  	[hbm4b:s13+s2] =	stream.indirect_vreg.scatter [tilespmem:s23], [sflag:$0x2], $0x80, v4, vm8, $0xb8;
	[tilespmem:$0xD300] =	vst v63  }
0x2ad: {  	_ = 	snop  }
0x2ae: {  	[hbm4b:s14+s2] =	stream.indirect_vreg.scatter [tilespmem:s6], [sflag:$0x2], $0x80, v4, vm8, $0xb8;
	[tilespmem:$0xD300] =	vst v63  }
0x2af: {  	v4 =	vld [tilespmem:$0x11A0];
	_ =	sdelay $0x4  }
0x2b0: {  	v5 =	vshrl.u32 v4, $0x3  }
0x2b1: {  	v5 =	vmul.u32 $0x30, v5  }
0x2b2: {  	v4 =	vand.u32 $0x7, v4  }
0x2b3: {  	v4 =	vor.u32 v4, v5  }
0x2b4: {  	v5 =	vperm.xlane v4, v1;
	_ =	sdelay $0x1  }
0x2b5: {  	v5 =	vadd.s32 v2, v5;
	_ =	sdelay $0x3  }
0x2b6: {  	v4 =	vperm.xlane v4, v3  }
0x2b7: {  	[hbm4b:s5+s2] =	stream.indirect_vreg.scatter [tilespmem:s24], [sflag:$0x2], $0x80, v5, vm8, $0xb8;
	[tilespmem:$0xD300] =	vst v63  }
0x2b8: {  	v4 =	vadd.s32 v2, v4  }
0x2b9: {  	[hbm4b:s13+s2] =	stream.indirect_vreg.scatter [tilespmem:s7], [sflag:$0x2], $0x80, v5, vm8, $0xb8;
	[tilespmem:$0xD300] =	vst v63  }
0x2ba: {  	_ = 	snop  }
0x2bb: {  	[hbm4b:s14+s2] =	stream.indirect_vreg.scatter [tilespmem:s25], [sflag:$0x2], $0x80, v5, vm8, $0xb8;
	[tilespmem:$0xD300] =	vst v63  }
0x2bc: {  	_ = 	snop  }
0x2bd: {  	[hbm4b:s5+s2] =	stream.indirect_vreg.scatter [tilespmem:s26], [sflag:$0x2], $0x80, v4, vm8, $0xb8;
	[tilespmem:$0xD300] =	vst v63  }
0x2be: {  	_ = 	snop  }
0x2bf: {  	[hbm4b:s13+s2] =	stream.indirect_vreg.scatter [tilespmem:s8], [sflag:$0x2], $0x80, v4, vm8, $0xb8;
	[tilespmem:$0xD300] =	vst v63  }
0x2c0: {  	_ = 	snop  }
0x2c1: {  	[hbm4b:s14+s2] =	stream.indirect_vreg.scatter [tilespmem:s9], [sflag:$0x2], $0x80, v4, vm8, $0xb8;
	[tilespmem:$0xD300] =	vst v63  }
0x2c2: {  	v4 =	vld [tilespmem:$0x11B0];
	_ =	sdelay $0x4  }
0x2c3: {  	v5 =	vshrl.u32 v4, $0x3  }
0x2c4: {  	v5 =	vmul.u32 $0x30, v5  }
0x2c5: {  	v4 =	vand.u32 $0x7, v4  }
0x2c6: {  	v4 =	vor.u32 v4, v5  }
0x2c7: {  	v5 =	vperm.xlane v4, v1;
	_ =	sdelay $0x1  }
0x2c8: {  	v5 =	vadd.s32 v2, v5;
	_ =	sdelay $0x3  }
0x2c9: {  	v4 =	vperm.xlane v4, v3  }
0x2ca: {  	[hbm4b:s5+s2] =	stream.indirect_vreg.scatter [tilespmem:s28], [sflag:$0x2], $0x80, v5, vm8, $0xb8;
	[tilespmem:$0xD300] =	vst v63  }
0x2cb: {  	v4 =	vadd.s32 v2, v4  }
0x2cc: {  	[hbm4b:s13+s2] =	stream.indirect_vreg.scatter [tilespmem:s3], [sflag:$0x2], $0x80, v5, vm8, $0xb8;
	[tilespmem:$0xD300] =	vst v63  }
0x2cd: {  	_ = 	snop  }
0x2ce: {  	[hbm4b:s14+s2] =	stream.indirect_vreg.scatter [tilespmem:s4], [sflag:$0x2], $0x80, v5, vm8, $0xb8;
	[tilespmem:$0xD300] =	vst v63  }
0x2cf: {  	_ = 	snop  }
0x2d0: {  	[hbm4b:s5+s2] =	stream.indirect_vreg.scatter [tilespmem:s10], [sflag:$0x2], $0x80, v4, vm8, $0xb8;
	[tilespmem:$0xD300] =	vst v63  }
0x2d1: {  	_ = 	snop  }
0x2d2: {  	[hbm4b:s13+s2] =	stream.indirect_vreg.scatter [tilespmem:s19], [sflag:$0x2], $0x80, v4, vm8, $0xb8;
	[tilespmem:$0xD300] =	vst v63  }
0x2d3: {  	_ = 	snop  }
0x2d4: {  	[hbm4b:s14+s2] =	stream.indirect_vreg.scatter [tilespmem:s20], [sflag:$0x2], $0x80, v4, vm8, $0xb8;
	[tilespmem:$0xD300] =	vst v63  }
0x2d5: {  	_ =	swait.ge [sflag:s21], $0x40  }
0x2d6: {  	[sflag:s21] =	ssyncset.done $0x0  }
0x2d7: {  	[sflag:s21] =	ssyncadd.s32 $0xFFFFFFC0  }
0x2d8: {  	_ =	swait.ge [sflag:s21], $0xC000  }
0x2d9: {  	[sflag:s21] =	ssyncset.done $0x0  }
0x2da: {  	[sflag:s21] =	ssyncadd.s32 $0xFFFF4000  }
0x2db: {  	_ =	swait.ge [sflag:s21], $0x40  }
0x2dc: {  	[sflag:s21] =	ssyncset.done $0x0  }
0x2dd: {  	[sflag:s21] =	ssyncadd.s32 $0xFFFFFFC0  }
0x2de: {  	_ =	swait.ge [sflag:s21], $0xC000  }
0x2df: {  	s29 =	sadd.s32 $0x1, s29;
	s31 =	rddreg [dreg:$0xa]  }
0x2e0: {  	p1 =	sne.s32 s29, s31  }
.Ltmp1:
0x2e1: {  	_ = 	snop;
	(pc) =	sbr.rel @p1 .LBB2_1-.Ltmp1, $3  }
0x2e2: {  	_ =	sdelay $0x1  }
0x2e3: {  	[sflag:s21] =	ssyncset.done $0x0  }
0x2e4: {  	s1 =	simm.s32 $0x1200;
	[sflag:s21] =	ssyncadd.s32 $0xFFFF4000  }
0x2e5: {  	_ =	sfence.sel $0x180000  }
0x2e6: {  	[bflag:$0x0] =	sbarrier.arrive $0xFFFF  }
0x2e7: {  	_ =	strace $0x90000047  }
0x2e8: {  	s0 =	stileid.u32;
	[bflag:$0x2] =	sbarrier.arrive $0xFFFF  }
0x2e9: {  	p0 =	sne.s32 s0, $0x0;
	s0 =	rddreg [dreg:$0x2]  }
0x2ea: {  	s0 =	sadd.s32 @!p0 $0x100000, s0  }
0x2eb: {  	[sflag:s0] =	ssyncadd.tile.s32 @!p0 $0x1;
	_ =	shalt  }
.Lfunc_end2:
_tile_overlayer_lowered:
.L_overlay_start_2:
0x2ec: {  	(tag) =	ssettag $0x2  }
0x2ed: {  	s0 =	rddreg [dreg:$0x0];
	s2 =	stileid.u32  }
0x2ee: {  	s1 =	rddreg [dreg:$0x1];
	p0 =	sne.s32 s2, $0x0  }
0x2ef: {  	s3 =	rddreg [dreg:$0x2];
	[bflag:$0x3] =	sbarrier.arrive $0xFFFF;
	s2 =	simm.s32 @!p0 $0x1C03  }
0x2f0: {  	[timem:s3], [sflag:s2] =	dma.local @!p0 [hbm:s0], s1  }
0x2f1: {  	s0 =	simm.s32 @!p0 $0x3  }
0x2f2: {  	_ =	swait.ge @!p0 [sflag:s0], s1  }
0x2f3: {  	s1 =	ssub.s32 @!p0 $0x0, s1;
	[sflag:s0] =	ssyncset.done @!p0 $0x0  }
0x2f4: {  	[sflag:s0] =	ssyncadd.s32 @!p0 s1  }
0x2f5: {  	[bflag:$0x3] =	sbarrier.arrive $0xFFFF  }
0x2f6: {  	_ =	shalt  }

// kernel: kernel.9.cloned.1.call-start
scs
__scs_entry_jumppad:
0x0: {  	(pc) =	sbr.rel $0x88, $3  }
0x1: {  	(tag) =	ssettag $0x0;
	lr =	simm.s32 $0x1  }
0x2: {  	[smem:$0x3F98] =	sst lr;
	_ =	strace $0xD0000000  }
0x3: {  	_ = 	snop  }
0x4: {  	_ = 	snop  }
0x5: {  	_ = 	snop  }
0x6: {  	_ = 	snop  }
0x7: {  	_ = 	snop  }
__scs_overlays_trampoline_lowered:
0x8: {  	[smem:$0x3FA7] =	sst s0  }
0x9: {  	[smem:$0x3FA8] =	sst s1  }
0xa: {  	[smem:$0x3FA9] =	sst s2  }
0xb: {  	[smem:$0x3FAA] =	sst s3  }
0xc: {  	[smem:$0x3FAB] =	sst s4  }
0xd: {  	[smem:$0x3FAC] =	sst s5  }
0xe: {  	[smem:$0x3FAD] =	sst s6  }
0xf: {  	[smem:$0x3FAE] =	sst s7  }
0x10: {  	[smem:$0x3FAF] =	sst s8  }
0x11: {  	[smem:$0x3FB0] =	sst s9;
	s0 =	simm.s32 @!p0 $0x0  }
0x12: {  	s1 =	sld [smem:$0x3F96];
	s0 =	simm.s32 @p0 $0x1  }
0x13: {  	[smem:$0x3FB1] =	sst s0;
	s0 =	simm.s32 @!p1 $0x0  }
0x14: {  	s2 =	sld [smem:$0x3F95];
	s0 =	simm.s32 @p1 $0x1  }
0x15: {  	[smem:$0x3FB2] =	sst s0;
	s0 =	simm.s32 @!p2 $0x0  }
0x16: {  	s3 =	sld [smem:$0x3FDB];
	s0 =	simm.s32 @p2 $0x1  }
0x17: {  	s4 =	simm.s32 $0x1BF5;
	[smem:$0x3FB4] =	sst s0  }
0x18: {  	s0 =	sld [smem:$0x3F97];
	_ =	swait.ge [sflag:s4], $0x0  }
0x19: {  	s7 =	sld [smem:$0x3F98]  }
0x1a: {  	s8 =	sadd.s32 $0xFFFFE003, lr  }
0x1b: {  	s9 =	sadd.s32 $0xFFFFFEF7, lr;
	s5 =	simm.s32 $0xFFFFFFFF;
	p2 =	slt.u32 s8, $0xFFFFF086  }
0x1c: {  	p1 =	slt.u32 s9, $0xF7A;
	s5 =	simm.s32 @!p2 $0x0  }
0x1d: {  	s5 =	simm.s32 @p1 $0x1;
	p0 =	seq.s32 s7, s2  }
0x1e: {  	s7 =	smul.u32 @!p0 $0xF7A, s2;
	p2 =	seq.s32 @!p0 s5, $0x0  }
0x1f: {  	s9 =	smul.u32 $0xF7A, s1;
	s8 =	simm.s32 @!p0 $0x1BF5;
	p2 =	por !p2, p0  }
0x20: {  	[sflag:s8] =	ssyncset.s32 @!p0 $0xFFFFF086;
	s6 =	sadd.s32 @!p0 s3, s7;
	s7 =	simm.s32 @!p0 $0x108  }
0x21: {  	s3 =	sadd.s32 s3, s9;
	s6 =	sadd.s32 @!p0 $0x88, s6;
	s7 =	simm.s32 @p2 $0x1082  }
0x22: {  	[simem:s7], [sflag:s8] =	dma.local @!p0 [hbm:s6], $0xF7A  }
0x23: {  	s9 =	sor.u32 $0xD0000000, s2;
	s6 =	simm.s32 $0x108;
	_ =	swait.ge @!p0 [sflag:s8], $0x0  }
0x24: {  	s3 =	sadd.s32 $0x88, s3;
	s6 =	simm.s32 @!p1 $0x1082;
	[sflag:s4] =	ssyncset.s32 $0xFFFFF086  }
0x25: {  	[simem:s6], [sflag:s4] =	dma.local [hbm:s3], $0xF7A  }
0x26: {  	[smem:$0x3F98] =	sst s1;
	(tag) =	ssettag s2;
	_ =	strace s9  }
0x27: {  	s1 =	sld [smem:$0x3FA8]  }
0x28: {  	s2 =	sld [smem:$0x3FA9]  }
0x29: {  	s4 =	sld [smem:$0x3FAB]  }
0x2a: {  	p0 =	seq.s32 s5, $0x0;
	s5 =	sld [smem:$0x3FAC]  }
0x2b: {  	s6 =	sld [smem:$0x3FAD]  }
0x2c: {  	s7 =	sld [smem:$0x3FAE]  }
0x2d: {  	s3 =	simm.s32 $0x108;
	s8 =	sld [smem:$0x3FAF]  }
0x2e: {  	s3 =	simm.s32 @!p0 $0x1082;
	s9 =	sld [smem:$0x3FB0]  }
0x2f: {  	lr =	sadd.s32 s0, s3;
	s0 =	sld [smem:$0x3FA7]  }
0x30: {  	s3 =	sld [smem:$0x3FAA]  }
0x31: {  	[smem:$0x3FB3] =	sst s10  }
0x32: {  	s10 =	sld [smem:$0x3FB1];
	_ =	sdelay $0x3  }
0x33: {  	p0 =	seq.s32 s10, $0x1;
	s10 =	sld [smem:$0x3FB3];
	_ =	sdelay $0x3  }
0x34: {  	[smem:$0x3FB3] =	sst s10  }
0x35: {  	s10 =	sld [smem:$0x3FB2];
	_ =	sdelay $0x3  }
0x36: {  	p1 =	seq.s32 s10, $0x1;
	s10 =	sld [smem:$0x3FB3];
	_ =	sdelay $0x3  }
0x37: {  	[smem:$0x3FB3] =	sst s10  }
0x38: {  	s10 =	sld [smem:$0x3FB4]  }
0x39: {  	_ = 	snop;
	(pc) =	sbr.ind lr, $3  }
0x3a: {  	_ = 	snop  }
0x3b: {  	_ = 	snop  }
0x3c: {  	p2 =	seq.s32 s10, $0x1;
	s10 =	sld [smem:$0x3FB3]  }
0x3d: {  	_ =	shalt  }
0x3e: {  	_ =	shalt  }
0x3f: {  	_ =	shalt  }
0x40: {  	_ =	shalt  }
0x41: {  	_ =	shalt  }
0x42: {  	_ =	shalt  }
0x43: {  	_ =	shalt  }
0x44: {  	_ =	shalt  }
0x45: {  	_ =	shalt  }
0x46: {  	_ =	shalt  }
0x47: {  	_ =	shalt  }
0x48: {  	_ =	shalt  }
0x49: {  	_ =	shalt  }
0x4a: {  	_ =	shalt  }
0x4b: {  	_ =	shalt  }
0x4c: {  	_ =	shalt  }
0x4d: {  	_ =	shalt  }
0x4e: {  	_ =	shalt  }
0x4f: {  	_ =	shalt  }
0x50: {  	_ =	shalt  }
0x51: {  	_ =	shalt  }
0x52: {  	_ =	shalt  }
0x53: {  	_ =	shalt  }
0x54: {  	_ =	shalt  }
0x55: {  	_ =	shalt  }
0x56: {  	_ =	shalt  }
0x57: {  	_ =	shalt  }
0x58: {  	_ =	shalt  }
0x59: {  	_ =	shalt  }
0x5a: {  	_ =	shalt  }
0x5b: {  	_ =	shalt  }
0x5c: {  	_ =	shalt  }
0x5d: {  	_ =	shalt  }
0x5e: {  	_ =	shalt  }
0x5f: {  	_ =	shalt  }
0x60: {  	_ =	shalt  }
0x61: {  	_ =	shalt  }
0x62: {  	_ =	shalt  }
0x63: {  	_ =	shalt  }
0x64: {  	_ =	shalt  }
0x65: {  	_ =	shalt  }
0x66: {  	_ =	shalt  }
0x67: {  	_ =	shalt  }
0x68: {  	_ =	shalt  }
0x69: {  	_ =	shalt  }
0x6a: {  	_ =	shalt  }
0x6b: {  	_ =	shalt  }
0x6c: {  	_ =	shalt  }
0x6d: {  	_ =	shalt  }
0x6e: {  	_ =	shalt  }
0x6f: {  	_ =	shalt  }
0x70: {  	_ =	shalt  }
0x71: {  	_ =	shalt  }
0x72: {  	_ =	shalt  }
0x73: {  	_ =	shalt  }
0x74: {  	_ =	shalt  }
0x75: {  	_ =	shalt  }
0x76: {  	_ =	shalt  }
0x77: {  	_ =	shalt  }
0x78: {  	_ =	shalt  }
0x79: {  	_ =	shalt  }
0x7a: {  	_ =	shalt  }
0x7b: {  	_ =	shalt  }
0x7c: {  	_ =	shalt  }
0x7d: {  	_ =	shalt  }
0x7e: {  	_ =	shalt  }
0x7f: {  	_ =	shalt  }
0x80: {  	_ =	shalt  }
0x81: {  	_ =	shalt  }
0x82: {  	_ =	shalt  }
0x83: {  	_ =	shalt  }
0x84: {  	_ =	shalt  }
0x85: {  	_ =	shalt  }
0x86: {  	_ =	shalt  }
0x87: {  	_ =	shalt  }
.Lfunc_end0:
.L_simem_size_0:
called_computation.1_lowered:
.L_overlay_start_0:
0x88: {  	s2 =	sld [smem:$0x3FD9]  }
0x89: {  	s3 =	sld [smem:$0x3FFE];
	_ =	sdelay $0x1  }
0x8a: {  	s1 =	srdreg.scid  }
0x8b: {  	s0 =	sand.u32 $0x1, s1  }
0x8c: {  	s17 =	sshll.u32 s0, $0xA;
	s2 =	sadd.s32 s3, s2  }
0x8d: {  	s2 =	sadd.s32 s2, s17  }
0x8e: {  	[smem:$0x3FBF] =	sst s2  }
0x8f: {  	_ = 	snop  }
0x90: {  	s2 =	sld [smem:$0x3FD0];
	(tm) =	ssettm $0x1  }
0x91: {  	s18 =	sld [smem:$0x3FFB];
	_ =	sdelay $0x3  }
0x92: {  	_ =	strace s18  }
0x93: {  	s3 =	sld [smem:$0x3FFC];
	_ =	sdelay $0x3  }
0x94: {  	_ =	strace s3  }
0x95: {  	s3 =	sld [smem:$0x3FFD];
	_ =	sdelay $0x3  }
0x96: {  	_ =	strace s3  }
0x97: {  	_ =	strace $0x8FFFFFFF  }
0x98: {  	s19 =	sld [smem:$0x3FDB];
	_ =	sdelay $0x1  }
0x99: {  	s4 =	simm.s32 $_scs_section_size  }
0x9a: {  	s5 =	simm.s32 $_size__tile_overlayer_lowered;
	s6 =	simm.s32 $_tile_overlayer_lowered  }
0x9b: {  	s22 =	simm.s32 $0x1BFF;
	s21 =	sshll.u32 s6, $0x1;
	s3 =	sadd.s32 s4, s19  }
0x9c: {  	s7 =	simm.s32 $0x0;
	s20 =	sshll.u32 s5, $0x1;
	s5 =	sadd.s32 s21, s3  }
0x9d: {  	[timem:s7], [sflag:s22] =	dma.local [hbm:s5], s20  }
0x9e: {  	_ =	swait.ge [sflag:s22], s20  }
0x9f: {  	s4 =	ssub.s32 $0x0, s20;
	[sflag:s22] =	ssyncset.done $0x0  }
0xa0: {  	[sflag:s22] =	ssyncadd.s32 s4;
	_ =	sdelay $0x1  }
0xa1: {  	s23 =	simm.s32 $0x1B8B  }
0xa2: {  	_ =	swait.ge [sflag:s23], $0x1  }
0xa3: {  	[sflag:s23] =	ssyncset.done $0x0  }
0xa4: {  	s25 =	simm.s32 $0x1B8E;
	s24 =	sld [smem:$0x3FFE];
	[sflag:s23] =	ssyncadd.s32 $0xFFFFFFFF  }
0xa5: {  	s26 =	simm.s32 $execute0_lowered;
	[smem:$0x3FD2] =	sst s25  }
0xa6: {  	s5 =	sshll.u32 s26, $0x1;
	_ =	strace $0x80000049;
	[dreg:$0x1] =	wrdreg $0xFFFFFFFF  }
0xa7: {  	s28 =	simm.s32 $_size_execute0_lowered;
	s3 =	sadd.s32 s3, s5;
	[dreg:$0x0] =	wrdreg $0x0  }
0xa8: {  	s5 =	sshll.u32 s28, $0x1;
	[dreg:$0x2] =	wrdreg s3  }
0xa9: {  	[dreg:$0x3] =	wrdreg s5  }
0xaa: {  	[dreg:$0x4] =	wrdreg $0xC0  }
0xab: {  	_ =	task [dreg:s7], $0x5FFFF  }
0xac: {  	[dreg:$0x1] =	wrdreg $0xFFFFFFFF  }
0xad: {  	[dreg:$0x0] =	wrdreg $0x60  }
0xae: {  	[dreg:$0x2] =	wrdreg s24  }
0xaf: {  	[dreg:$0x3] =	wrdreg s2  }
0xb0: {  	[dreg:$0x4] =	wrdreg $0x9  }
0xb1: {  	_ =	task.clear_ibuf [dreg:s7], $0x5FFFF;
	_ =	strace $0x90000049  }
0xb2: {  	s29 =	simm.s32 $0x9;
	_ =	strace $0x8000004B  }
0xb3: {  	_ =	swait.ge [sflag:s29], $0x1  }
0xb4: {  	[sflag:s29] =	ssyncadd.s32 $0xFFFFFFFF  }
0xb5: {  	_ =	strace $0x9000004B  }
0xb6: {  	_ =	sfence  }
0xb7: {  	s30 =	sld [smem:$0x0];
	_ =	sdelay $0x2  }
0xb8: {  	s31 =	sshll.u32 s1, $0xD;
	s1 =	sshrl.u32 s1, $0x2  }
0xb9: {  	s3 =	sand.u32 $0x4000, s31;
	s1 =	sadd.s32 s1, s30  }
0xba: {  	s0 =	sor.u32 s3, s0;
	s1 =	sshll.u32 s1, $0x11  }
0xbb: {  	s0 =	sor.u32 s1, s0  }
0xbc: {  	s0 =	sadd.s32 $0x8F2B, s0  }
0xbd: {  	[sflag:s0] =	ssyncadd.remote.s32 $0x1  }
0xbe: {  	_ =	sfence.sel $0xFFFF  }
0xbf: {  	[dreg:$0x0] =	wrdreg $0xFFFFFFFF;
	(pc) =	sbr.abs _section_cstart, $3  }
0xc0: {  	[dreg:$0x1] =	wrdreg $0xFFFFFFFF  }
0xc1: {  	_ =	task.clear_ibuf [dreg:s7], $0x2FFFF;
	_ =	strace $0x9FFFFFFF  }
0xc2: {  	(tm) =	ssettm $0x7FFFFFFF  }
0xc3: {  	_ =	shalt  }
tec
execute0_lowered:
.L_overlay_start_1:
0x0: {  	(tag) =	ssettag $0x1  }
0x1: {  	s0 =	rddreg [dreg:$0x0]  }
0x2: {  	s1 =	rddreg [dreg:$0x1]  }
0x3: {  	s3 =	srdreg.scid;
	s2 =	simm.s32 $0x0;
	s5 =	stileid.u32  }
0x4: {  	s14 =	simm.s32 $0x100;
	s15 =	simm.s32 $0x180;
	s16 =	simm.s32 $0x1  }
0x5: {  	s17 =	simm.s32 $0x200;
	s28 =	simm.s32 $0x14A00;
	s29 =	simm.s32 $0x15200  }
0x6: {  	s30 =	simm.s32 $0x15A00;
	s31 =	simm.s32 $0x16200;
	s13 =	simm.s32 $0x17A00  }
0x7: {  	s18 =	simm.s32 $0x2;
	s19 =	simm.s32 $0x3;
	s20 =	simm.s32 $0x0  }
0x8: {  	s3 =	sand.u32 $0x1, s3;
	[smem:$0x7FF] =	sst s2;
	s5 =	sshll.u32 s5, $0x3  }
0x9: {  	s4 =	sshll.u32 s3, $0x7;
	_ =	strace $0x8000004A;
	s24 =	ssub.s32 $0x2, s3  }
0xa: {  	s3 =	sadd.s32 $0x6DC00, s0;
	s7 =	sor.u32 s5, s4;
	s25 =	sshrl.u32 s24, $0x1  }
0xb: {  	s8 =	sadd.s32 s7, s0;
	s12 =	ssub.s32 s24, s25;
	s9 =	smul.u32 $0x1800, s7  }
0xc: {  	s10 =	smul.u32 $0x300, s7;
	s25 =	simm.s32 $0x6200;
	s4 =	sadd.s32 $0x6D000, s8  }
0xd: {  	s5 =	sadd.s32 $0x6D200, s8;
	s6 =	sadd.s32 $0x6D800, s8;
	s7 =	sadd.s32 $0x6DA00, s8  }
0xe: {  	v2 =	vlaneseq.u32;
	s8 =	sadd.s32 $0x6DD00, s0;
	s12 =	smax.u32 s12, $0x1;
	s11 =	sshrl.u32 s9, $0x3  }
0xf: {  	vm0 =	vmmov $0xffff;
	v1 =	vshrl.u32 v2, $0x3;
	s9 =	sadd.s32 $0x6DE00, s0;
	s10 =	sadd.s32 s1, s10;
	s26 =	sadd.s32 s1, s11  }
0x10: {  	v0 =	vand.u32 $0x7, v2;
	v2 =	vor.u32 $0x8, v2;
	v1 =	vmul.u32 $0x8, v1;
	s0 =	simm.s32 $0x16A00;
	s1 =	simm.s32 $0x17200;
	s11 =	sadd.s32 $0xC00, s26  }
.LBB2_1:
0x11: {  	[tilespmem:s2], [sflag:$0x1] =	stream.linear.gather [hbm4b:s4+s2], $0x40, $0x38;
	[tilespmem:$0x18200] =	vst v63  }
0x12: {  	s21 =	simm.s32 $0x80  }
0x13: {  	[tilespmem:s21], [sflag:$0x1] =	stream.linear.gather [hbm4b:s5+s2], $0x40, $0x38;
	[tilespmem:$0x18200] =	vst v63  }
0x14: {  	_ = 	snop  }
0x15: {  	[tilespmem:s14], [sflag:$0x1] =	stream.linear.gather [hbm4b:s6+s2], $0x40, $0x38;
	[tilespmem:$0x18200] =	vst v63  }
0x16: {  	_ = 	snop  }
0x17: {  	[tilespmem:s15], [sflag:$0x1] =	stream.linear.gather [hbm4b:s7+s2], $0x40, $0x38;
	[tilespmem:$0x18200] =	vst v63  }
0x18: {  	_ =	swait.ge [sflag:s16], $0x40  }
0x19: {  	[sflag:s16] =	ssyncset.done $0x0  }
0x1a: {  	[sflag:s16] =	ssyncadd.s32 $0xFFFFFFC0  }
0x1b: {  	_ =	swait.ge [sflag:s16], $0x40  }
0x1c: {  	[sflag:s16] =	ssyncset.done $0x0  }
0x1d: {  	[sflag:s16] =	ssyncadd.s32 $0xFFFFFFC0  }
0x1e: {  	v3 =	vld [tilespmem:$0x0];
	_ =	sdelay $0x4  }
0x1f: {  	v4 =	vshrl.u32 v3, $0x3  }
0x20: {  	v4 =	vmul.u32 $0x30, v4  }
0x21: {  	v3 =	vand.u32 $0x7, v3  }
0x22: {  	v3 =	vor.u32 v3, v4  }
0x23: {  	v4 =	vperm.xlane v3, v0;
	_ =	sdelay $0x1  }
0x24: {  	v4 =	vadd.s32 v1, v4;
	_ =	sdelay $0x3  }
0x25: {  	v3 =	vperm.xlane v3, v2  }
0x26: {  	[tilespmem:s17], [sflag:$0x2] =	stream.indirect_vreg.gather [hbm4b:s3+s2], $0x80, v4, vm0, $0xb8;
	[tilespmem:$0x18200] =	vst v63  }
0x27: {  	s22 =	simm.s32 $0xA00;
	v3 =	vadd.s32 v1, v3  }
0x28: {  	[tilespmem:s22], [sflag:$0x2] =	stream.indirect_vreg.gather [hbm4b:s8+s2], $0x80, v4, vm0, $0xb8;
	[tilespmem:$0x18200] =	vst v63  }
0x29: {  	s23 =	simm.s32 $0x1200  }
0x2a: {  	[tilespmem:s23], [sflag:$0x2] =	stream.indirect_vreg.gather [hbm4b:s9+s2], $0x80, v4, vm0, $0xb8;
	[tilespmem:$0x18200] =	vst v63  }
0x2b: {  	s24 =	simm.s32 $0x1A00  }
0x2c: {  	[tilespmem:s24], [sflag:$0x2] =	stream.indirect_vreg.gather [hbm4b:s3+s2], $0x80, v3, vm0, $0xb8;
	[tilespmem:$0x18200] =	vst v63  }
0x2d: {  	s26 =	simm.s32 $0x2200  }
0x2e: {  	[tilespmem:s26], [sflag:$0x2] =	stream.indirect_vreg.gather [hbm4b:s8+s2], $0x80, v3, vm0, $0xb8;
	[tilespmem:$0x18200] =	vst v63  }
0x2f: {  	s22 =	simm.s32 $0x2A00  }
0x30: {  	[tilespmem:s22], [sflag:$0x2] =	stream.indirect_vreg.gather [hbm4b:s9+s2], $0x80, v3, vm0, $0xb8;
	[tilespmem:$0x18200] =	vst v63  }
0x31: {  	v3 =	vld [tilespmem:$0x10];
	_ =	sdelay $0x4  }
0x32: {  	v4 =	vshrl.u32 v3, $0x3  }
0x33: {  	v4 =	vmul.u32 $0x30, v4  }
0x34: {  	v3 =	vand.u32 $0x7, v3  }
0x35: {  	v3 =	vor.u32 v3, v4  }
0x36: {  	v4 =	vperm.xlane v3, v0;
	_ =	sdelay $0x1  }
0x37: {  	v4 =	vadd.s32 v1, v4;
	_ =	sdelay $0x3  }
0x38: {  	s23 =	simm.s32 $0x3200;
	v3 =	vperm.xlane v3, v2  }
0x39: {  	[tilespmem:s23], [sflag:$0x2] =	stream.indirect_vreg.gather [hbm4b:s3+s2], $0x80, v4, vm0, $0xb8;
	[tilespmem:$0x18200] =	vst v63  }
0x3a: {  	s24 =	simm.s32 $0x3A00;
	v3 =	vadd.s32 v1, v3  }
0x3b: {  	[tilespmem:s24], [sflag:$0x2] =	stream.indirect_vreg.gather [hbm4b:s8+s2], $0x80, v4, vm0, $0xb8;
	[tilespmem:$0x18200] =	vst v63  }
0x3c: {  	s26 =	simm.s32 $0x4200  }
0x3d: {  	[tilespmem:s26], [sflag:$0x2] =	stream.indirect_vreg.gather [hbm4b:s9+s2], $0x80, v4, vm0, $0xb8;
	[tilespmem:$0x18200] =	vst v63  }
0x3e: {  	s22 =	simm.s32 $0x4A00  }
0x3f: {  	[tilespmem:s22], [sflag:$0x2] =	stream.indirect_vreg.gather [hbm4b:s3+s2], $0x80, v3, vm0, $0xb8;
	[tilespmem:$0x18200] =	vst v63  }
0x40: {  	s23 =	simm.s32 $0x5200  }
0x41: {  	[tilespmem:s23], [sflag:$0x2] =	stream.indirect_vreg.gather [hbm4b:s8+s2], $0x80, v3, vm0, $0xb8;
	[tilespmem:$0x18200] =	vst v63  }
0x42: {  	s24 =	simm.s32 $0x5A00  }
0x43: {  	[tilespmem:s24], [sflag:$0x2] =	stream.indirect_vreg.gather [hbm4b:s9+s2], $0x80, v3, vm0, $0xb8;
	[tilespmem:$0x18200] =	vst v63  }
0x44: {  	v3 =	vld [tilespmem:$0x80];
	_ =	sdelay $0x4  }
0x45: {  	v4 =	vshrl.u32 v3, $0x3  }
0x46: {  	v4 =	vmul.u32 $0x30, v4  }
0x47: {  	v3 =	vand.u32 $0x7, v3  }
0x48: {  	v3 =	vor.u32 v3, v4  }
0x49: {  	v4 =	vperm.xlane v3, v0;
	_ =	sdelay $0x1  }
0x4a: {  	v4 =	vadd.s32 v1, v4;
	_ =	sdelay $0x3  }
0x4b: {  	s26 =	simm.s32 $0xC200;
	v3 =	vperm.xlane v3, v2  }
0x4c: {  	[tilespmem:s26], [sflag:$0x2] =	stream.indirect_vreg.gather [hbm4b:s3+s2], $0x80, v4, vm0, $0xb8;
	[tilespmem:$0x18200] =	vst v63  }
0x4d: {  	s22 =	simm.s32 $0xCA00;
	v3 =	vadd.s32 v1, v3  }
0x4e: {  	[tilespmem:s22], [sflag:$0x2] =	stream.indirect_vreg.gather [hbm4b:s8+s2], $0x80, v4, vm0, $0xb8;
	[tilespmem:$0x18200] =	vst v63  }
0x4f: {  	s23 =	simm.s32 $0xD200  }
0x50: {  	[tilespmem:s23], [sflag:$0x2] =	stream.indirect_vreg.gather [hbm4b:s9+s2], $0x80, v4, vm0, $0xb8;
	[tilespmem:$0x18200] =	vst v63  }
0x51: {  	s24 =	simm.s32 $0xDA00  }
0x52: {  	[tilespmem:s24], [sflag:$0x2] =	stream.indirect_vreg.gather [hbm4b:s3+s2], $0x80, v3, vm0, $0xb8;
	[tilespmem:$0x18200] =	vst v63  }
0x53: {  	s26 =	simm.s32 $0xE200  }
0x54: {  	[tilespmem:s26], [sflag:$0x2] =	stream.indirect_vreg.gather [hbm4b:s8+s2], $0x80, v3, vm0, $0xb8;
	[tilespmem:$0x18200] =	vst v63  }
0x55: {  	s22 =	simm.s32 $0xEA00  }
0x56: {  	[tilespmem:s22], [sflag:$0x2] =	stream.indirect_vreg.gather [hbm4b:s9+s2], $0x80, v3, vm0, $0xb8;
	[tilespmem:$0x18200] =	vst v63  }
0x57: {  	v3 =	vld [tilespmem:$0x90];
	_ =	sdelay $0x4  }
0x58: {  	v4 =	vshrl.u32 v3, $0x3  }
0x59: {  	v4 =	vmul.u32 $0x30, v4  }
0x5a: {  	v3 =	vand.u32 $0x7, v3  }
0x5b: {  	v3 =	vor.u32 v3, v4  }
0x5c: {  	v4 =	vperm.xlane v3, v0;
	_ =	sdelay $0x1  }
0x5d: {  	v4 =	vadd.s32 v1, v4;
	_ =	sdelay $0x3  }
0x5e: {  	s23 =	simm.s32 $0xF200;
	v3 =	vperm.xlane v3, v2  }
0x5f: {  	[tilespmem:s23], [sflag:$0x2] =	stream.indirect_vreg.gather [hbm4b:s3+s2], $0x80, v4, vm0, $0xb8;
	[tilespmem:$0x18200] =	vst v63  }
0x60: {  	s24 =	simm.s32 $0xFA00;
	v3 =	vadd.s32 v1, v3  }
0x61: {  	[tilespmem:s24], [sflag:$0x2] =	stream.indirect_vreg.gather [hbm4b:s8+s2], $0x80, v4, vm0, $0xb8;
	[tilespmem:$0x18200] =	vst v63  }
0x62: {  	s26 =	simm.s32 $0x10200  }
0x63: {  	[tilespmem:s26], [sflag:$0x2] =	stream.indirect_vreg.gather [hbm4b:s9+s2], $0x80, v4, vm0, $0xb8;
	[tilespmem:$0x18200] =	vst v63  }
0x64: {  	s22 =	simm.s32 $0x10A00  }
0x65: {  	[tilespmem:s22], [sflag:$0x2] =	stream.indirect_vreg.gather [hbm4b:s3+s2], $0x80, v3, vm0, $0xb8;
	[tilespmem:$0x18200] =	vst v63  }
0x66: {  	s23 =	simm.s32 $0x11200  }
0x67: {  	[tilespmem:s23], [sflag:$0x2] =	stream.indirect_vreg.gather [hbm4b:s8+s2], $0x80, v3, vm0, $0xb8;
	[tilespmem:$0x18200] =	vst v63  }
0x68: {  	s24 =	simm.s32 $0x11A00  }
0x69: {  	[tilespmem:s24], [sflag:$0x2] =	stream.indirect_vreg.gather [hbm4b:s9+s2], $0x80, v3, vm0, $0xb8;
	[tilespmem:$0x18200] =	vst v63  }
0x6a: {  	v3 =	vld [tilespmem:$0x20];
	_ =	sdelay $0x4  }
0x6b: {  	v4 =	vshrl.u32 v3, $0x3  }
0x6c: {  	v4 =	vmul.u32 $0x30, v4  }
0x6d: {  	v3 =	vand.u32 $0x7, v3  }
0x6e: {  	v3 =	vor.u32 v3, v4  }
0x6f: {  	v4 =	vperm.xlane v3, v0;
	_ =	sdelay $0x1  }
0x70: {  	v4 =	vadd.s32 v1, v4;
	_ =	sdelay $0x3  }
0x71: {  	v3 =	vperm.xlane v3, v2  }
0x72: {  	[tilespmem:s25], [sflag:$0x2] =	stream.indirect_vreg.gather [hbm4b:s3+s2], $0x80, v4, vm0, $0xb8;
	[tilespmem:$0x18200] =	vst v63  }
0x73: {  	s26 =	simm.s32 $0x6A00;
	v3 =	vadd.s32 v1, v3  }
0x74: {  	[tilespmem:s26], [sflag:$0x2] =	stream.indirect_vreg.gather [hbm4b:s8+s2], $0x80, v4, vm0, $0xb8;
	[tilespmem:$0x18200] =	vst v63  }
0x75: {  	s22 =	simm.s32 $0x7200  }
0x76: {  	[tilespmem:s22], [sflag:$0x2] =	stream.indirect_vreg.gather [hbm4b:s9+s2], $0x80, v4, vm0, $0xb8;
	[tilespmem:$0x18200] =	vst v63  }
0x77: {  	s23 =	simm.s32 $0x7A00  }
0x78: {  	[tilespmem:s23], [sflag:$0x2] =	stream.indirect_vreg.gather [hbm4b:s3+s2], $0x80, v3, vm0, $0xb8;
	[tilespmem:$0x18200] =	vst v63  }
0x79: {  	s24 =	simm.s32 $0x8200  }
0x7a: {  	[tilespmem:s24], [sflag:$0x2] =	stream.indirect_vreg.gather [hbm4b:s8+s2], $0x80, v3, vm0, $0xb8;
	[tilespmem:$0x18200] =	vst v63  }
0x7b: {  	s26 =	simm.s32 $0x8A00  }
0x7c: {  	[tilespmem:s26], [sflag:$0x2] =	stream.indirect_vreg.gather [hbm4b:s9+s2], $0x80, v3, vm0, $0xb8;
	[tilespmem:$0x18200] =	vst v63  }
0x7d: {  	v3 =	vld [tilespmem:$0x30];
	_ =	sdelay $0x4  }
0x7e: {  	v4 =	vshrl.u32 v3, $0x3  }
0x7f: {  	v4 =	vmul.u32 $0x30, v4  }
0x80: {  	v3 =	vand.u32 $0x7, v3  }
0x81: {  	v3 =	vor.u32 v3, v4  }
0x82: {  	v4 =	vperm.xlane v3, v0;
	_ =	sdelay $0x1  }
0x83: {  	v4 =	vadd.s32 v1, v4;
	_ =	sdelay $0x3  }
0x84: {  	s22 =	simm.s32 $0x9200;
	v3 =	vperm.xlane v3, v2  }
0x85: {  	[tilespmem:s22], [sflag:$0x2] =	stream.indirect_vreg.gather [hbm4b:s3+s2], $0x80, v4, vm0, $0xb8;
	[tilespmem:$0x18200] =	vst v63  }
0x86: {  	s23 =	simm.s32 $0x9A00;
	v3 =	vadd.s32 v1, v3  }
0x87: {  	[tilespmem:s23], [sflag:$0x2] =	stream.indirect_vreg.gather [hbm4b:s8+s2], $0x80, v4, vm0, $0xb8;
	[tilespmem:$0x18200] =	vst v63  }
0x88: {  	s24 =	simm.s32 $0xA200  }
0x89: {  	[tilespmem:s24], [sflag:$0x2] =	stream.indirect_vreg.gather [hbm4b:s9+s2], $0x80, v4, vm0, $0xb8;
	[tilespmem:$0x18200] =	vst v63  }
0x8a: {  	s26 =	simm.s32 $0xAA00  }
0x8b: {  	[tilespmem:s26], [sflag:$0x2] =	stream.indirect_vreg.gather [hbm4b:s3+s2], $0x80, v3, vm0, $0xb8;
	[tilespmem:$0x18200] =	vst v63  }
0x8c: {  	s22 =	simm.s32 $0xB200  }
0x8d: {  	[tilespmem:s22], [sflag:$0x2] =	stream.indirect_vreg.gather [hbm4b:s8+s2], $0x80, v3, vm0, $0xb8;
	[tilespmem:$0x18200] =	vst v63  }
0x8e: {  	s23 =	simm.s32 $0xBA00  }
0x8f: {  	[tilespmem:s23], [sflag:$0x2] =	stream.indirect_vreg.gather [hbm4b:s9+s2], $0x80, v3, vm0, $0xb8;
	[tilespmem:$0x18200] =	vst v63  }
0x90: {  	v3 =	vld [tilespmem:$0xA0];
	_ =	sdelay $0x4  }
0x91: {  	v4 =	vshrl.u32 v3, $0x3  }
0x92: {  	v4 =	vmul.u32 $0x30, v4  }
0x93: {  	v3 =	vand.u32 $0x7, v3  }
0x94: {  	v3 =	vor.u32 v3, v4  }
0x95: {  	v4 =	vperm.xlane v3, v0;
	_ =	sdelay $0x1  }
0x96: {  	v4 =	vadd.s32 v1, v4;
	_ =	sdelay $0x3  }
0x97: {  	s24 =	simm.s32 $0x12200;
	v3 =	vperm.xlane v3, v2  }
0x98: {  	[tilespmem:s24], [sflag:$0x2] =	stream.indirect_vreg.gather [hbm4b:s3+s2], $0x80, v4, vm0, $0xb8;
	[tilespmem:$0x18200] =	vst v63  }
0x99: {  	s26 =	simm.s32 $0x12A00;
	v3 =	vadd.s32 v1, v3  }
0x9a: {  	[tilespmem:s26], [sflag:$0x2] =	stream.indirect_vreg.gather [hbm4b:s8+s2], $0x80, v4, vm0, $0xb8;
	[tilespmem:$0x18200] =	vst v63  }
0x9b: {  	s22 =	simm.s32 $0x13200  }
0x9c: {  	[tilespmem:s22], [sflag:$0x2] =	stream.indirect_vreg.gather [hbm4b:s9+s2], $0x80, v4, vm0, $0xb8;
	[tilespmem:$0x18200] =	vst v63  }
0x9d: {  	s23 =	simm.s32 $0x13A00  }
0x9e: {  	[tilespmem:s23], [sflag:$0x2] =	stream.indirect_vreg.gather [hbm4b:s3+s2], $0x80, v3, vm0, $0xb8;
	[tilespmem:$0x18200] =	vst v63  }
0x9f: {  	s24 =	simm.s32 $0x14200  }
0xa0: {  	[tilespmem:s24], [sflag:$0x2] =	stream.indirect_vreg.gather [hbm4b:s8+s2], $0x80, v3, vm0, $0xb8;
	[tilespmem:$0x18200] =	vst v63  }
0xa1: {  	_ = 	snop  }
0xa2: {  	[tilespmem:s28], [sflag:$0x2] =	stream.indirect_vreg.gather [hbm4b:s9+s2], $0x80, v3, vm0, $0xb8;
	[tilespmem:$0x18200] =	vst v63  }
0xa3: {  	v3 =	vld [tilespmem:$0xB0];
	_ =	sdelay $0x4  }
0xa4: {  	v4 =	vshrl.u32 v3, $0x3  }
0xa5: {  	v4 =	vmul.u32 $0x30, v4  }
0xa6: {  	v3 =	vand.u32 $0x7, v3  }
0xa7: {  	v3 =	vor.u32 v3, v4  }
0xa8: {  	v4 =	vperm.xlane v3, v0;
	_ =	sdelay $0x1  }
0xa9: {  	v4 =	vadd.s32 v1, v4;
	_ =	sdelay $0x3  }
0xaa: {  	v3 =	vperm.xlane v3, v2  }
0xab: {  	[tilespmem:s29], [sflag:$0x2] =	stream.indirect_vreg.gather [hbm4b:s3+s2], $0x80, v4, vm0, $0xb8;
	[tilespmem:$0x18200] =	vst v63  }
0xac: {  	v3 =	vadd.s32 v1, v3  }
0xad: {  	[tilespmem:s30], [sflag:$0x2] =	stream.indirect_vreg.gather [hbm4b:s8+s2], $0x80, v4, vm0, $0xb8;
	[tilespmem:$0x18200] =	vst v63  }
0xae: {  	_ = 	snop  }
0xaf: {  	[tilespmem:s31], [sflag:$0x2] =	stream.indirect_vreg.gather [hbm4b:s9+s2], $0x80, v4, vm0, $0xb8;
	[tilespmem:$0x18200] =	vst v63  }
0xb0: {  	_ = 	snop  }
0xb1: {  	[tilespmem:s0], [sflag:$0x2] =	stream.indirect_vreg.gather [hbm4b:s3+s2], $0x80, v3, vm0, $0xb8;
	[tilespmem:$0x18200] =	vst v63  }
0xb2: {  	_ = 	snop  }
0xb3: {  	[tilespmem:s1], [sflag:$0x2] =	stream.indirect_vreg.gather [hbm4b:s8+s2], $0x80, v3, vm0, $0xb8;
	[tilespmem:$0x18200] =	vst v63  }
0xb4: {  	_ = 	snop  }
0xb5: {  	[tilespmem:s13], [sflag:$0x2] =	stream.indirect_vreg.gather [hbm4b:s9+s2], $0x80, v3, vm0, $0xb8;
	[tilespmem:$0x18200] =	vst v63  }
0xb6: {  	_ =	swait.ge [sflag:s16], $0x40  }
0xb7: {  	[sflag:s16] =	ssyncset.done $0x0  }
0xb8: {  	[sflag:s16] =	ssyncadd.s32 $0xFFFFFFC0  }
0xb9: {  	_ =	swait.ge [sflag:s16], $0x40  }
0xba: {  	[sflag:s16] =	ssyncset.done $0x0  }
0xbb: {  	[sflag:s16] =	ssyncadd.s32 $0xFFFFFFC0  }
0xbc: {  	_ =	swait.ge [sflag:s18], $0x6000  }
0xbd: {  	[sflag:s18] =	ssyncset.done $0x0  }
0xbe: {  	s26 =	simm.s32 $0x0;
	[sflag:s18] =	ssyncadd.s32 $0xFFFFA000  }
0xbf: {  	s21 =	smul.u32 $0x1800, s26;
	_ =	swait.ge [sflag:s18], $0x6000  }
0xc0: {  	s22 =	sand.u32 $0x380, s2;
	[sflag:s18] =	ssyncset.done $0x0  }
0xc1: {  	s21 =	sor.u32 s22, s21;
	[sflag:s18] =	ssyncadd.s32 $0xFFFFA000  }
0xc2: {  	v4 =	vld [tilespmem:s21+$0x210]  }
0xc3: {  	v3 =	vld [tilespmem:s21+$0xC210]  }
0xc4: {  	v6 =	vld [tilespmem:s21+$0x220]  }
0xc5: {  	v5 =	vld [tilespmem:s21+$0xC220]  }
0xc6: {  	v8 =	vld [tilespmem:s21+$0x230]  }
0xc7: {  	v7 =	vld [tilespmem:s21+$0xC230]  }
0xc8: {  	v10 =	vld [tilespmem:s21+$0x240]  }
0xc9: {  	v9 =	vld [tilespmem:s21+$0xC240]  }
0xca: {  	v12 =	vld [tilespmem:s21+$0x250]  }
0xcb: {  	v11 =	vld [tilespmem:s21+$0xC250]  }
0xcc: {  	v13 =	vld [tilespmem:s21+$0x260]  }
0xcd: {  	v14 =	vld [tilespmem:s21+$0x270]  }
0xce: {  	v15 =	vld [tilespmem:s21+$0x600]  }
0xcf: {  	v16 =	vld [tilespmem:s21+$0x610]  }
0xd0: {  	v17 =	vld [tilespmem:s21+$0x620]  }
0xd1: {  	v18 =	vld [tilespmem:s21+$0x630]  }
0xd2: {  	v19 =	vld [tilespmem:s21+$0x640]  }
0xd3: {  	v20 =	vld [tilespmem:s21+$0x650]  }
0xd4: {  	v21 =	vld [tilespmem:s21+$0x660]  }
0xd5: {  	v22 =	vld [tilespmem:s21+$0x670]  }
0xd6: {  	v23 =	vld [tilespmem:s21+$0xA00]  }
0xd7: {  	v24 =	vld [tilespmem:s21+$0xA10]  }
0xd8: {  	v25 =	vld [tilespmem:s21+$0xA20]  }
0xd9: {  	v26 =	vld [tilespmem:s21+$0xA30]  }
0xda: {  	v27 =	vld [tilespmem:s21+$0xA40]  }
0xdb: {  	v28 =	vld [tilespmem:s21+$0xA50]  }
0xdc: {  	v29 =	vld [tilespmem:s21+$0xA60]  }
0xdd: {  	v30 =	vld [tilespmem:s21+$0xA70]  }
0xde: {  	v32 =	vld [tilespmem:s21+$0xE00]  }
0xdf: {  	v34 =	vld [tilespmem:s21+$0xE10]  }
0xe0: {  	v35 =	vld [tilespmem:s21+$0xE20]  }
0xe1: {  	v36 =	vld [tilespmem:s21+$0xE30]  }
0xe2: {  	v37 =	vld [tilespmem:s21+$0xE40]  }
0xe3: {  	v38 =	vld [tilespmem:s21+$0xE50]  }
0xe4: {  	v39 =	vld [tilespmem:s21+$0xE60]  }
0xe5: {  	v40 =	vld [tilespmem:s21+$0xE70]  }
0xe6: {  	v41 =	vld [tilespmem:s21+$0x1200]  }
0xe7: {  	v42 =	vld [tilespmem:s21+$0x1210]  }
0xe8: {  	v43 =	vld [tilespmem:s21+$0x1220]  }
0xe9: {  	v44 =	vld [tilespmem:s21+$0x1230]  }
0xea: {  	v45 =	vld [tilespmem:s21+$0x1240]  }
0xeb: {  	v46 =	vld [tilespmem:s21+$0x1250]  }
0xec: {  	v47 =	vld [tilespmem:s21+$0x1260]  }
0xed: {  	v50 =	vmov s2;
	v48 =	vld [tilespmem:s21+$0x1600]  }
0xee: {  	s22 =	simm.s32 $0x1;
	s23 =	simm.s32 $0x0;
	v49 =	vld [tilespmem:s21+$0x1610]  }
.LBB2_2:
0xef: {  	p0 =	sne.s32 s22, $0x1F;
	v51 =	vld [tilespmem:s21+$0xD610]  }
0xf0: {  	v52 =	vld [tilespmem:s21+$0xD630]  }
0xf1: {  	v53 =	vld [tilespmem:s21+$0x1620]  }
0xf2: {  	v33 =	vld.idx.msk [tilespmem:v50+s14+$0x0], $0xffff  }
0xf3: {  	v31 =	vld.idx.msk [tilespmem:v50+s15+$0x0], $0xffff  }
0xf4: {  	v50 =	vld [tilespmem:s21+$0x1630]  }
0xf5: {  	v54 =	vld [tilespmem:s21+$0xD620]  }
0xf6: {  	v55 =	vld [tilespmem:s21+$0xD600]  }
0xf7: {  	v56 =	vld [tilespmem:s21+$0x1270]  }
0xf8: {  	v49 =	vmul.f32 v49, v33;
	v53 =	vmul.f32 v53, v33;
	v57 =	vld [tilespmem:s21+$0xD270]  }
0xf9: {  	v52 =	vmul.f32 v52, v31;
	v58 =	vld [tilespmem:s21+$0xD260];
	v50 =	vmul.f32 v50, v33  }
0xfa: {  	v51 =	vmul.f32 v51, v31;
	v59 =	vld [tilespmem:s21+$0xD250];
	v54 =	vmul.f32 v54, v31  }
0xfb: {  	v48 =	vmul.f32 v48, v33;
	v60 =	vld [tilespmem:s21+$0xD240];
	v55 =	vmul.f32 v55, v31;
	v50 =	vadd.f32 v52, v50  }
0xfc: {  	v49 =	vadd.f32 v51, v49;
	v52 =	vld [tilespmem:s21+$0xD230];
	v56 =	vmul.f32 v56, v33;
	v51 =	vadd.f32 v54, v53  }
0xfd: {  	v47 =	vmul.f32 v47, v33;
	v53 =	vld [tilespmem:s21+$0xD220];
	v54 =	vmul.f32 v57, v31;
	v48 =	vadd.f32 v55, v48;
	[tilespmem:s21+$0x1630] =	vst v50  }
0xfe: {  	v46 =	vmul.f32 v46, v33;
	v50 =	vld [tilespmem:s21+$0xD210];
	v55 =	vmul.f32 v58, v31;
	[tilespmem:s21+$0x1620] =	vst v51  }
0xff: {  	v45 =	vmul.f32 v45, v33;
	v51 =	vld [tilespmem:s21+$0xD200];
	v57 =	vmul.f32 v59, v31;
	v54 =	vadd.f32 v54, v56;
	[tilespmem:s21+$0x1610] =	vst v49  }
0x100: {  	v44 =	vmul.f32 v44, v33;
	v49 =	vld [tilespmem:s21+$0xCE70];
	v56 =	vmul.f32 v60, v31;
	v47 =	vadd.f32 v55, v47;
	[tilespmem:s21+$0x1600] =	vst v48  }
0x101: {  	v43 =	vmul.f32 v43, v33;
	v48 =	vld [tilespmem:s21+$0xCE60];
	v52 =	vmul.f32 v52, v31;
	v46 =	vadd.f32 v57, v46;
	[tilespmem:s21+$0x1270] =	vst v54  }
0x102: {  	v42 =	vmul.f32 v42, v33;
	v54 =	vld [tilespmem:s21+$0xCE50];
	v53 =	vmul.f32 v53, v31;
	v45 =	vadd.f32 v56, v45;
	[tilespmem:s21+$0x1260] =	vst v47  }
0x103: {  	v41 =	vmul.f32 v41, v33;
	v47 =	vld [tilespmem:s21+$0xCE40];
	v50 =	vmul.f32 v50, v31;
	v44 =	vadd.f32 v52, v44;
	[tilespmem:s21+$0x1250] =	vst v46  }
0x104: {  	v40 =	vmul.f32 v40, v33;
	v46 =	vld [tilespmem:s21+$0xCE30];
	v51 =	vmul.f32 v51, v31;
	v43 =	vadd.f32 v53, v43;
	[tilespmem:s21+$0x1240] =	vst v45  }
0x105: {  	v39 =	vmul.f32 v39, v33;
	v45 =	vld [tilespmem:s21+$0xCE20];
	v49 =	vmul.f32 v49, v31;
	v42 =	vadd.f32 v50, v42;
	[tilespmem:s21+$0x1230] =	vst v44  }
0x106: {  	v38 =	vmul.f32 v38, v33;
	v44 =	vld [tilespmem:s21+$0xCE10];
	v48 =	vmul.f32 v48, v31;
	v41 =	vadd.f32 v51, v41;
	[tilespmem:s21+$0x1220] =	vst v43  }
0x107: {  	v37 =	vmul.f32 v37, v33;
	v43 =	vld [tilespmem:s21+$0xCE00];
	v50 =	vmul.f32 v54, v31;
	v40 =	vadd.f32 v49, v40;
	[tilespmem:s21+$0x1210] =	vst v42  }
0x108: {  	v36 =	vmul.f32 v36, v33;
	v42 =	vld [tilespmem:s21+$0xCA70];
	v47 =	vmul.f32 v47, v31;
	v39 =	vadd.f32 v48, v39;
	[tilespmem:s21+$0x1200] =	vst v41  }
0x109: {  	v35 =	vmul.f32 v35, v33;
	v41 =	vld [tilespmem:s21+$0xCA60];
	v46 =	vmul.f32 v46, v31;
	v38 =	vadd.f32 v50, v38;
	[tilespmem:s21+$0xE70] =	vst v40  }
0x10a: {  	v34 =	vmul.f32 v34, v33;
	v40 =	vld [tilespmem:s21+$0xCA50];
	v45 =	vmul.f32 v45, v31;
	v37 =	vadd.f32 v47, v37;
	[tilespmem:s21+$0xE60] =	vst v39  }
0x10b: {  	v32 =	vmul.f32 v32, v33;
	v39 =	vld [tilespmem:s21+$0xCA40];
	v44 =	vmul.f32 v44, v31;
	v36 =	vadd.f32 v46, v36;
	[tilespmem:s21+$0xE50] =	vst v38  }
0x10c: {  	v30 =	vmul.f32 v30, v33;
	v38 =	vld [tilespmem:s21+$0xCA30];
	v43 =	vmul.f32 v43, v31;
	v35 =	vadd.f32 v45, v35;
	[tilespmem:s21+$0xE40] =	vst v37  }
0x10d: {  	v29 =	vmul.f32 v29, v33;
	v37 =	vld [tilespmem:s21+$0xCA20];
	v42 =	vmul.f32 v42, v31;
	v34 =	vadd.f32 v44, v34;
	[tilespmem:s21+$0xE30] =	vst v36  }
0x10e: {  	v28 =	vmul.f32 v28, v33;
	v36 =	vld [tilespmem:s21+$0xCA10];
	v41 =	vmul.f32 v41, v31;
	v32 =	vadd.f32 v43, v32;
	[tilespmem:s21+$0xE20] =	vst v35  }
0x10f: {  	v27 =	vmul.f32 v27, v33;
	v35 =	vld [tilespmem:s21+$0xCA00];
	v40 =	vmul.f32 v40, v31;
	v30 =	vadd.f32 v42, v30;
	[tilespmem:s21+$0xE10] =	vst v34  }
0x110: {  	v26 =	vmul.f32 v26, v33;
	v34 =	vld [tilespmem:s21+$0xC670];
	v39 =	vmul.f32 v39, v31;
	v29 =	vadd.f32 v41, v29;
	[tilespmem:s21+$0xE00] =	vst v32  }
0x111: {  	v25 =	vmul.f32 v25, v33;
	v32 =	vld [tilespmem:s21+$0xC660];
	v38 =	vmul.f32 v38, v31;
	v28 =	vadd.f32 v40, v28;
	[tilespmem:s21+$0xA70] =	vst v30  }
0x112: {  	v24 =	vmul.f32 v24, v33;
	v30 =	vld [tilespmem:s21+$0xC650];
	v37 =	vmul.f32 v37, v31;
	v27 =	vadd.f32 v39, v27;
	[tilespmem:s21+$0xA60] =	vst v29  }
0x113: {  	v23 =	vmul.f32 v23, v33;
	v29 =	vld [tilespmem:s21+$0xC640];
	v36 =	vmul.f32 v36, v31;
	v26 =	vadd.f32 v38, v26;
	[tilespmem:s21+$0xA50] =	vst v28  }
0x114: {  	v22 =	vmul.f32 v22, v33;
	v28 =	vld [tilespmem:s21+$0xC630];
	v35 =	vmul.f32 v35, v31;
	v25 =	vadd.f32 v37, v25;
	[tilespmem:s21+$0xA40] =	vst v27  }
0x115: {  	v21 =	vmul.f32 v21, v33;
	v27 =	vld [tilespmem:s21+$0xC620];
	v34 =	vmul.f32 v34, v31;
	v24 =	vadd.f32 v36, v24;
	[tilespmem:s21+$0xA30] =	vst v26  }
0x116: {  	v20 =	vmul.f32 v20, v33;
	v26 =	vld [tilespmem:s21+$0xC610];
	v32 =	vmul.f32 v32, v31;
	v23 =	vadd.f32 v35, v23;
	[tilespmem:s21+$0xA20] =	vst v25  }
0x117: {  	v19 =	vmul.f32 v19, v33;
	v25 =	vld [tilespmem:s21+$0xC600];
	v30 =	vmul.f32 v30, v31;
	v22 =	vadd.f32 v34, v22;
	[tilespmem:s21+$0xA10] =	vst v24  }
0x118: {  	v18 =	vmul.f32 v18, v33;
	v24 =	vld [tilespmem:s21+$0xC270];
	v29 =	vmul.f32 v29, v31;
	v21 =	vadd.f32 v32, v21;
	[tilespmem:s21+$0xA00] =	vst v23  }
0x119: {  	v17 =	vmul.f32 v17, v33;
	v23 =	vld [tilespmem:s21+$0xC260];
	v28 =	vmul.f32 v28, v31;
	v20 =	vadd.f32 v30, v20;
	[tilespmem:s21+$0x670] =	vst v22  }
0x11a: {  	v16 =	vmul.f32 v16, v33;
	v22 =	vmul.f32 v27, v31;
	v19 =	vadd.f32 v29, v19;
	[tilespmem:s21+$0x660] =	vst v21;
	v21 =	vld [tilespmem:s21+$0xD640]  }
0x11b: {  	v15 =	vmul.f32 v15, v33;
	v26 =	vmul.f32 v26, v31;
	v18 =	vadd.f32 v28, v18;
	[tilespmem:s21+$0x650] =	vst v20;
	v20 =	vld [tilespmem:s21+$0xD650]  }
0x11c: {  	v14 =	vmul.f32 v14, v33;
	v25 =	vmul.f32 v25, v31;
	v17 =	vadd.f32 v22, v17;
	[tilespmem:s21+$0x640] =	vst v19;
	v19 =	vld [tilespmem:s21+$0xD660]  }
0x11d: {  	v13 =	vmul.f32 v13, v33;
	v22 =	vmul.f32 v24, v31;
	v16 =	vadd.f32 v26, v16;
	[tilespmem:s21+$0x630] =	vst v18;
	v18 =	vld [tilespmem:s21+$0xD670]  }
0x11e: {  	v12 =	vmul.f32 v12, v33;
	v23 =	vmul.f32 v23, v31;
	v15 =	vadd.f32 v25, v15;
	[tilespmem:s21+$0x620] =	vst v17;
	v17 =	vld [tilespmem:s21+$0x1640]  }
0x11f: {  	v10 =	vmul.f32 v10, v33;
	v11 =	vmul.f32 v11, v31;
	v14 =	vadd.f32 v22, v14;
	[tilespmem:s21+$0x610] =	vst v16;
	v16 =	vld [tilespmem:s21+$0x1650]  }
0x120: {  	v8 =	vmul.f32 v8, v33;
	v9 =	vmul.f32 v9, v31;
	v13 =	vadd.f32 v23, v13;
	[tilespmem:s21+$0x600] =	vst v15;
	v15 =	vld [tilespmem:s21+$0x1660]  }
0x121: {  	v6 =	vmul.f32 v6, v33;
	v7 =	vmul.f32 v7, v31;
	v11 =	vadd.f32 v11, v12;
	[tilespmem:s21+$0x270] =	vst v14;
	v12 =	vld [tilespmem:s21+$0x1670]  }
0x122: {  	v4 =	vmul.f32 v4, v33;
	v5 =	vmul.f32 v5, v31;
	v9 =	vadd.f32 v9, v10;
	v14 =	vld [tilespmem:s21+$0x200];
	[tilespmem:s21+$0x260] =	vst v13  }
0x123: {  	v3 =	vmul.f32 v3, v31;
	v7 =	vadd.f32 v7, v8;
	v10 =	vld [tilespmem:s21+$0xC200];
	[tilespmem:s21+$0x250] =	vst v11;
	v8 =	vmul.f32 v17, v33  }
0x124: {  	s24 =	sshrl.u32 s22, $0x3;
	v5 =	vadd.f32 v5, v6;
	v6 =	vmul.f32 v21, v31;
	[tilespmem:s21+$0x240] =	vst v9;
	v9 =	vmul.f32 v16, v33  }
0x125: {  	s23 =	sadd.s32 $0x80, s23;
	s24 =	smul.u32 $0x1800, s24;
	v3 =	vadd.f32 v3, v4;
	v4 =	vmul.f32 v20, v31;
	[tilespmem:s21+$0x230] =	vst v7;
	v7 =	vmul.f32 v15, v33  }
0x126: {  	s26 =	sand.u32 $0x380, s23;
	[tilespmem:s21+$0x220] =	vst v5;
	v5 =	vadd.f32 v6, v8;
	v6 =	vmul.f32 v19, v31;
	v8 =	vmul.f32 v12, v33  }
0x127: {  	s24 =	sor.u32 s26, s24;
	v9 =	vadd.f32 v4, v9;
	v12 =	vmul.f32 v18, v31;
	v11 =	vmul.f32 v14, v33;
	[tilespmem:s21+$0x210] =	vst v3  }
0x128: {  	v4 =	vld [tilespmem:s24+$0x210];
	v10 =	vmul.f32 v10, v31;
	[tilespmem:s21+$0x1640] =	vst v5;
	v5 =	vadd.f32 v6, v7  }
0x129: {  	v7 =	vadd.f32 v12, v8;
	v3 =	vld [tilespmem:s24+$0xC210];
	[tilespmem:s21+$0x1650] =	vst v9  }
0x12a: {  	v6 =	vld [tilespmem:s24+$0x220];
	v9 =	vadd.f32 v10, v11;
	[tilespmem:s21+$0x1660] =	vst v5  }
0x12b: {  	v5 =	vld [tilespmem:s24+$0xC220];
	[tilespmem:s21+$0x1670] =	vst v7  }
0x12c: {  	v8 =	vld [tilespmem:s24+$0x230];
	[tilespmem:s21+$0x200] =	vst v9;
	s21 =	smov.u32 s24  }
0x12d: {  	v7 =	vld [tilespmem:s21+$0xC230]  }
0x12e: {  	v10 =	vld [tilespmem:s21+$0x240]  }
0x12f: {  	v9 =	vld [tilespmem:s21+$0xC240]  }
0x130: {  	v12 =	vld [tilespmem:s21+$0x250]  }
0x131: {  	v11 =	vld [tilespmem:s21+$0xC250]  }
0x132: {  	v13 =	vld [tilespmem:s21+$0x260]  }
0x133: {  	v14 =	vld [tilespmem:s21+$0x270]  }
0x134: {  	v15 =	vld [tilespmem:s21+$0x600]  }
0x135: {  	v16 =	vld [tilespmem:s21+$0x610]  }
0x136: {  	v17 =	vld [tilespmem:s21+$0x620]  }
0x137: {  	v18 =	vld [tilespmem:s21+$0x630]  }
0x138: {  	v19 =	vld [tilespmem:s21+$0x640]  }
0x139: {  	v20 =	vld [tilespmem:s21+$0x650]  }
0x13a: {  	v21 =	vld [tilespmem:s21+$0x660]  }
0x13b: {  	v22 =	vld [tilespmem:s21+$0x670]  }
0x13c: {  	v23 =	vld [tilespmem:s21+$0xA00]  }
0x13d: {  	v24 =	vld [tilespmem:s21+$0xA10]  }
0x13e: {  	v25 =	vld [tilespmem:s21+$0xA20]  }
0x13f: {  	v26 =	vld [tilespmem:s21+$0xA30]  }
0x140: {  	v27 =	vld [tilespmem:s21+$0xA40]  }
0x141: {  	v28 =	vld [tilespmem:s21+$0xA50]  }
0x142: {  	v29 =	vld [tilespmem:s21+$0xA60]  }
0x143: {  	v30 =	vld [tilespmem:s21+$0xA70]  }
0x144: {  	v32 =	vld [tilespmem:s21+$0xE00]  }
0x145: {  	v34 =	vld [tilespmem:s21+$0xE10]  }
0x146: {  	v35 =	vld [tilespmem:s21+$0xE20]  }
0x147: {  	v36 =	vld [tilespmem:s21+$0xE30]  }
0x148: {  	v37 =	vld [tilespmem:s21+$0xE40]  }
0x149: {  	v38 =	vld [tilespmem:s21+$0xE50]  }
0x14a: {  	v39 =	vld [tilespmem:s21+$0xE60]  }
0x14b: {  	v40 =	vld [tilespmem:s21+$0xE70]  }
0x14c: {  	v41 =	vld [tilespmem:s21+$0x1200]  }
0x14d: {  	v42 =	vld [tilespmem:s21+$0x1210]  }
0x14e: {  	v43 =	vld [tilespmem:s21+$0x1220]  }
0x14f: {  	v44 =	vld [tilespmem:s21+$0x1230]  }
.Ltmp0:
0x150: {  	v45 =	vld [tilespmem:s21+$0x1240];
	(pc) =	sbr.rel @p0 .LBB2_2-.Ltmp0, $4  }
0x151: {  	v46 =	vld [tilespmem:s21+$0x1250]  }
0x152: {  	v47 =	vld [tilespmem:s21+$0x1260]  }
0x153: {  	v50 =	vmov s22;
	v48 =	vld [tilespmem:s21+$0x1600]  }
0x154: {  	s22 =	sadd.s32 $0x1, s22;
	v49 =	vld [tilespmem:s21+$0x1610]  }
0x155: {  	_ = 	snop  }
0x156: {  	v51 =	vld [tilespmem:s21+$0xD610]  }
0x157: {  	v52 =	vld [tilespmem:s21+$0xD630]  }
0x158: {  	v53 =	vld [tilespmem:s21+$0x1620]  }
0x159: {  	v31 =	vld.idx.msk [tilespmem:v50+s14+$0x0], $0xffff  }
0x15a: {  	v33 =	vld.idx.msk [tilespmem:v50+s15+$0x0], $0xffff  }
0x15b: {  	v61 =	vld [tilespmem:s21+$0x1630]  }
0x15c: {  	v54 =	vld [tilespmem:s21+$0xD620]  }
0x15d: {  	v55 =	vld [tilespmem:s21+$0xD600]  }
0x15e: {  	v56 =	vld [tilespmem:s21+$0x1270]  }
0x15f: {  	v57 =	vld [tilespmem:s21+$0xD270]  }
0x160: {  	v58 =	vld [tilespmem:s21+$0xD260];
	v50 =	vmul.f32 v61, v31;
	v52 =	vmul.f32 v52, v33  }
0x161: {  	v53 =	vmul.f32 v53, v31;
	v54 =	vmul.f32 v54, v33  }
0x162: {  	v59 =	vld [tilespmem:s21+$0xD250];
	v49 =	vmul.f32 v49, v31;
	v51 =	vmul.f32 v51, v33  }
0x163: {  	v60 =	vld [tilespmem:s21+$0xD240];
	v48 =	vmul.f32 v48, v31;
	v62 =	vmul.f32 v55, v33  }
0x164: {  	v61 =	vld [tilespmem:s21+$0xD220];
	v63 =	vmul.f32 v56, v31;
	v57 =	vmul.f32 v57, v33;
	v50 =	vadd.f32 v52, v50  }
0x165: {  	v47 =	vmul.f32 v47, v31;
	v58 =	vmul.f32 v58, v33;
	v55 =	vld [tilespmem:s21+$0xCA50];
	v53 =	vadd.f32 v54, v53  }
0x166: {  	v46 =	vmul.f32 v46, v31;
	v45 =	vmul.f32 v45, v31;
	v52 =	vld [tilespmem:s21+$0xD230];
	v49 =	vadd.f32 v51, v49;
	[tilespmem:s21+$0x1630] =	vst v50  }
0x167: {  	v44 =	vmul.f32 v44, v31;
	v43 =	vmul.f32 v43, v31;
	v51 =	vld [tilespmem:s21+$0xD200];
	v48 =	vadd.f32 v62, v48;
	[tilespmem:s21+$0x1620] =	vst v53  }
0x168: {  	v42 =	vmul.f32 v42, v31;
	v62 =	vmul.f32 v59, v33;
	v47 =	vadd.f32 v58, v47;
	v58 =	vld [tilespmem:s21+$0xCE30];
	[tilespmem:s21+$0x1610] =	vst v49  }
0x169: {  	v41 =	vmul.f32 v41, v31;
	v50 =	vld [tilespmem:s21+$0xD210];
	v53 =	vadd.f32 v57, v63;
	[tilespmem:s21+$0x1600] =	vst v48;
	v63 =	vmul.f32 v60, v33  }
0x16a: {  	v40 =	vmul.f32 v40, v31;
	v49 =	vld [tilespmem:s21+$0xCE70];
	v46 =	vadd.f32 v62, v46;
	[tilespmem:s21+$0x1260] =	vst v47;
	v59 =	vmul.f32 v61, v33  }
0x16b: {  	v39 =	vmul.f32 v39, v31;
	v48 =	vld [tilespmem:s21+$0xCE60];
	[tilespmem:s21+$0x1270] =	vst v53;
	v45 =	vadd.f32 v63, v45;
	v52 =	vmul.f32 v52, v33  }
0x16c: {  	v38 =	vmul.f32 v38, v31;
	v57 =	vld [tilespmem:s21+$0xCE40];
	[tilespmem:s21+$0x1250] =	vst v46;
	v43 =	vadd.f32 v59, v43;
	v51 =	vmul.f32 v51, v33  }
0x16d: {  	v36 =	vmul.f32 v36, v31;
	v60 =	vld [tilespmem:s21+$0xCE20];
	v46 =	vmul.f32 v58, v33;
	[tilespmem:s21+$0x1240] =	vst v45;
	v44 =	vadd.f32 v52, v44  }
0x16e: {  	v37 =	vmul.f32 v37, v31;
	v53 =	vld [tilespmem:s21+$0xCE50];
	v50 =	vmul.f32 v50, v33;
	[tilespmem:s21+$0x1220] =	vst v43;
	v41 =	vadd.f32 v51, v41  }
0x16f: {  	v35 =	vmul.f32 v35, v31;
	v61 =	vld [tilespmem:s21+$0xCE10];
	v49 =	vmul.f32 v49, v33;
	v36 =	vadd.f32 v46, v36;
	[tilespmem:s21+$0x1230] =	vst v44  }
0x170: {  	v34 =	vmul.f32 v34, v31;
	v59 =	vld [tilespmem:s21+$0xCA10];
	v48 =	vmul.f32 v48, v33;
	v42 =	vadd.f32 v50, v42;
	[tilespmem:s21+$0x1200] =	vst v41  }
0x171: {  	v30 =	vmul.f32 v30, v31;
	v63 =	vld [tilespmem:s21+$0xCA70];
	v47 =	vmul.f32 v57, v33;
	v40 =	vadd.f32 v49, v40;
	[tilespmem:s21+$0xE30] =	vst v36  }
0x172: {  	v56 =	vld [tilespmem:s21+$0xCA40];
	v29 =	vmul.f32 v29, v31;
	v45 =	vmul.f32 v60, v33;
	v39 =	vadd.f32 v48, v39;
	[tilespmem:s21+$0x1210] =	vst v42  }
0x173: {  	v28 =	vmul.f32 v28, v31;
	v52 =	vld [tilespmem:s21+$0xCA60];
	v54 =	vmul.f32 v53, v33;
	v37 =	vadd.f32 v47, v37;
	[tilespmem:s21+$0xE70] =	vst v40  }
0x174: {  	v27 =	vmul.f32 v27, v31;
	v62 =	vld [tilespmem:s21+$0xCE00];
	v44 =	vmul.f32 v61, v33;
	v35 =	vadd.f32 v45, v35;
	[tilespmem:s21+$0xE60] =	vst v39  }
0x175: {  	v24 =	vmul.f32 v24, v31;
	v58 =	vld [tilespmem:s21+$0xCA20];
	v36 =	vmul.f32 v59, v33;
	v38 =	vadd.f32 v54, v38;
	[tilespmem:s21+$0xE40] =	vst v37  }
0x176: {  	v26 =	vmul.f32 v26, v31;
	v60 =	vld [tilespmem:s21+$0xCA00];
	v34 =	vadd.f32 v44, v34;
	[tilespmem:s21+$0xE20] =	vst v35;
	v42 =	vmul.f32 v63, v33  }
0x177: {  	v25 =	vmul.f32 v25, v31;
	v57 =	vld [tilespmem:s21+$0xCA30];
	v40 =	vmul.f32 v55, v33;
	v24 =	vadd.f32 v36, v24;
	[tilespmem:s21+$0xE50] =	vst v38  }
0x178: {  	v23 =	vmul.f32 v23, v31;
	v61 =	vld [tilespmem:s21+$0xC670];
	v41 =	vmul.f32 v52, v33;
	[tilespmem:s21+$0xE10] =	vst v34;
	v30 =	vadd.f32 v42, v30  }
0x179: {  	v22 =	vmul.f32 v22, v31;
	v39 =	vmul.f32 v56, v33;
	v28 =	vadd.f32 v40, v28;
	[tilespmem:s21+$0xA10] =	vst v24  }
0x17a: {  	v43 =	vmul.f32 v62, v33;
	v62 =	vld [tilespmem:s21+$0xC660];
	v37 =	vmul.f32 v58, v33;
	v29 =	vadd.f32 v41, v29;
	[tilespmem:s21+$0xA70] =	vst v30  }
0x17b: {  	v21 =	vmul.f32 v21, v31;
	v35 =	vmul.f32 v60, v33;
	v27 =	vadd.f32 v39, v27;
	v30 =	vld [tilespmem:s21+$0xC650];
	[tilespmem:s21+$0xA50] =	vst v28  }
0x17c: {  	v10 =	vmul.f32 v10, v31;
	v38 =	vmul.f32 v57, v33;
	v25 =	vadd.f32 v37, v25;
	[tilespmem:s21+$0xA60] =	vst v29;
	v29 =	vld [tilespmem:s21+$0xC640]  }
0x17d: {  	v9 =	vmul.f32 v9, v33;
	v34 =	vmul.f32 v61, v33;
	v23 =	vadd.f32 v35, v23;
	v28 =	vld [tilespmem:s21+$0xC630];
	[tilespmem:s21+$0xA40] =	vst v27  }
0x17e: {  	v12 =	vmul.f32 v12, v31;
	v11 =	vmul.f32 v11, v33;
	v26 =	vadd.f32 v38, v26;
	v27 =	vld [tilespmem:s21+$0xC620];
	[tilespmem:s21+$0xA20] =	vst v25  }
0x17f: {  	v9 =	vadd.f32 v9, v10;
	v10 =	vld [tilespmem:s21+$0xC200];
	v24 =	vmul.f32 v62, v33;
	v22 =	vadd.f32 v34, v22;
	[tilespmem:s21+$0xA00] =	vst v23  }
0x180: {  	v20 =	vmul.f32 v20, v31;
	v11 =	vadd.f32 v11, v12;
	[tilespmem:s21+$0xA30] =	vst v26;
	v26 =	vld [tilespmem:s21+$0xC610];
	v23 =	vmul.f32 v30, v33  }
0x181: {  	v19 =	vmul.f32 v19, v31;
	v25 =	vld [tilespmem:s21+$0xC600];
	v21 =	vadd.f32 v24, v21;
	[tilespmem:s21+$0x670] =	vst v22;
	v22 =	vmul.f32 v29, v33  }
0x182: {  	v18 =	vmul.f32 v18, v31;
	[tilespmem:s21+$0x250] =	vst v11;
	v63 =	vld [tilespmem:s21+$0xC270];
	v20 =	vadd.f32 v23, v20;
	v23 =	vmul.f32 v28, v33  }
0x183: {  	v17 =	vmul.f32 v17, v31;
	v24 =	vld [tilespmem:s21+$0xC260];
	[tilespmem:s21+$0x660] =	vst v21;
	v19 =	vadd.f32 v22, v19;
	v22 =	vmul.f32 v27, v33  }
0x184: {  	v21 =	vld [tilespmem:s21+$0xD640];
	[tilespmem:s21+$0x650] =	vst v20;
	v18 =	vadd.f32 v23, v18  }
0x185: {  	v16 =	vmul.f32 v16, v31;
	v20 =	vld [tilespmem:s21+$0xD650];
	v23 =	vmul.f32 v26, v33;
	[tilespmem:s21+$0x640] =	vst v19;
	v17 =	vadd.f32 v22, v17  }
0x186: {  	v15 =	vmul.f32 v15, v31;
	v19 =	vld [tilespmem:s21+$0xD660];
	[tilespmem:s21+$0x630] =	vst v18;
	v18 =	vmul.f32 v25, v33  }
0x187: {  	v14 =	vmul.f32 v14, v31;
	v22 =	vld [tilespmem:s21+$0xD670];
	v16 =	vadd.f32 v23, v16;
	[tilespmem:s21+$0x620] =	vst v17;
	v17 =	vmul.f32 v63, v33  }
0x188: {  	v8 =	vmul.f32 v8, v31;
	v7 =	vmul.f32 v7, v33;
	[tilespmem:s21+$0x240] =	vst v9;
	v15 =	vadd.f32 v18, v15;
	v18 =	vld [tilespmem:s21+$0x1640]  }
0x189: {  	v6 =	vmul.f32 v6, v31;
	v5 =	vmul.f32 v5, v33;
	[tilespmem:s21+$0x610] =	vst v16;
	v16 =	vld [tilespmem:s21+$0x1650];
	v14 =	vadd.f32 v17, v14  }
0x18a: {  	v4 =	vmul.f32 v4, v31;
	v3 =	vmul.f32 v3, v33;
	v7 =	vadd.f32 v7, v8;
	[tilespmem:s21+$0x600] =	vst v15;
	v15 =	vld [tilespmem:s21+$0x1660]  }
0x18b: {  	v32 =	vmul.f32 v32, v31;
	v5 =	vadd.f32 v5, v6;
	[tilespmem:s21+$0x270] =	vst v14;
	v14 =	vld [tilespmem:s21+$0x1670]  }
0x18c: {  	v13 =	vmul.f32 v13, v31;
	v12 =	vld [tilespmem:s21+$0x200];
	v3 =	vadd.f32 v3, v4;
	[tilespmem:s21+$0x230] =	vst v7;
	v23 =	vmul.f32 v24, v33  }
0x18d: {  	[tilespmem:s21+$0x220] =	vst v5;
	v32 =	vadd.f32 v43, v32;
	v6 =	vmul.f32 v21, v33;
	v8 =	vmul.f32 v18, v31  }
0x18e: {  	[tilespmem:s21+$0x210] =	vst v3;
	v13 =	vadd.f32 v23, v13;
	v4 =	vmul.f32 v20, v33;
	v9 =	vmul.f32 v16, v31  }
0x18f: {  	[tilespmem:s21+$0xE00] =	vst v32;
	v7 =	vmul.f32 v15, v31;
	v5 =	vadd.f32 v6, v8;
	v6 =	vmul.f32 v19, v33  }
0x190: {  	[tilespmem:s21+$0x260] =	vst v13;
	v3 =	vadd.f32 v4, v9;
	v4 =	vmul.f32 v22, v33;
	v8 =	vmul.f32 v14, v31  }
0x191: {  	v10 =	vmul.f32 v10, v33;
	v9 =	vmul.f32 v12, v31;
	[tilespmem:s21+$0x1640] =	vst v5;
	v5 =	vadd.f32 v6, v7  }
0x192: {  	[tilespmem:s21+$0x1650] =	vst v3;
	v3 =	vadd.f32 v4, v8  }
0x193: {  	v4 =	vadd.f32 v10, v9;
	[tilespmem:s21+$0x1660] =	vst v5  }
0x194: {  	[tilespmem:s21+$0x1670] =	vst v3  }
0x195: {  	[tilespmem:s21+$0x200] =	vst v4  }
0x196: {  	[hbm4b:s10+s2] =	stream.linear.scatter [tilespmem:s17], [sflag:$0x1], $0x6000, $0x38;
	[tilespmem:$0x18200] =	vst v63  }
0x197: {  	_ =	swait.ge [sflag:s18], $0x6000  }
0x198: {  	[sflag:s18] =	ssyncset.done $0x0  }
0x199: {  	s24 =	simm.s32 $0x4;
	[sflag:s18] =	ssyncadd.s32 $0xFFFFA000  }
0x19a: {  	s22 =	simm.s32 $0x1000;
	s21 =	smul.u32 $0x1800, s24;
	_ =	swait.ge [sflag:s18], $0x6000  }
0x19b: {  	s23 =	sand.u32 $0x380, s22;
	[sflag:s18] =	ssyncset.done $0x0  }
0x19c: {  	s21 =	sor.u32 s23, s21;
	[sflag:s18] =	ssyncadd.s32 $0xFFFFA000  }
0x19d: {  	v4 =	vld [tilespmem:s21+$0x210]  }
0x19e: {  	v3 =	vld [tilespmem:s21+$0xC210]  }
0x19f: {  	v6 =	vld [tilespmem:s21+$0x220]  }
0x1a0: {  	v5 =	vld [tilespmem:s21+$0xC220]  }
0x1a1: {  	v8 =	vld [tilespmem:s21+$0x230]  }
0x1a2: {  	v7 =	vld [tilespmem:s21+$0xC230]  }
0x1a3: {  	v10 =	vld [tilespmem:s21+$0x240]  }
0x1a4: {  	v9 =	vld [tilespmem:s21+$0xC240]  }
0x1a5: {  	v12 =	vld [tilespmem:s21+$0x250]  }
0x1a6: {  	v11 =	vld [tilespmem:s21+$0xC250]  }
0x1a7: {  	v13 =	vld [tilespmem:s21+$0x260]  }
0x1a8: {  	v14 =	vld [tilespmem:s21+$0x270]  }
0x1a9: {  	v15 =	vld [tilespmem:s21+$0x600]  }
0x1aa: {  	v16 =	vld [tilespmem:s21+$0x610]  }
0x1ab: {  	v17 =	vld [tilespmem:s21+$0x620]  }
0x1ac: {  	v18 =	vld [tilespmem:s21+$0x630]  }
0x1ad: {  	v19 =	vld [tilespmem:s21+$0x640]  }
0x1ae: {  	v20 =	vld [tilespmem:s21+$0x650]  }
0x1af: {  	v21 =	vld [tilespmem:s21+$0x660]  }
0x1b0: {  	v22 =	vld [tilespmem:s21+$0x670]  }
0x1b1: {  	v23 =	vld [tilespmem:s21+$0xA00]  }
0x1b2: {  	v24 =	vld [tilespmem:s21+$0xA10]  }
0x1b3: {  	v25 =	vld [tilespmem:s21+$0xA20]  }
0x1b4: {  	v26 =	vld [tilespmem:s21+$0xA30]  }
0x1b5: {  	v27 =	vld [tilespmem:s21+$0xA40]  }
0x1b6: {  	v28 =	vld [tilespmem:s21+$0xA50]  }
0x1b7: {  	v29 =	vld [tilespmem:s21+$0xA60]  }
0x1b8: {  	v30 =	vld [tilespmem:s21+$0xA70]  }
0x1b9: {  	v32 =	vld [tilespmem:s21+$0xE00]  }
0x1ba: {  	v34 =	vld [tilespmem:s21+$0xE10]  }
0x1bb: {  	v35 =	vld [tilespmem:s21+$0xE20]  }
0x1bc: {  	v36 =	vld [tilespmem:s21+$0xE30]  }
0x1bd: {  	v37 =	vld [tilespmem:s21+$0xE40]  }
0x1be: {  	v38 =	vld [tilespmem:s21+$0xE50]  }
0x1bf: {  	v39 =	vld [tilespmem:s21+$0xE60]  }
0x1c0: {  	v40 =	vld [tilespmem:s21+$0xE70]  }
0x1c1: {  	v41 =	vld [tilespmem:s21+$0x1200]  }
0x1c2: {  	v42 =	vld [tilespmem:s21+$0x1210]  }
0x1c3: {  	v43 =	vld [tilespmem:s21+$0x1220]  }
0x1c4: {  	v44 =	vld [tilespmem:s21+$0x1230]  }
0x1c5: {  	v45 =	vld [tilespmem:s21+$0x1240]  }
0x1c6: {  	v46 =	vld [tilespmem:s21+$0x1250]  }
0x1c7: {  	s26 =	simm.s32 $0x20;
	v47 =	vld [tilespmem:s21+$0x1260]  }
0x1c8: {  	v50 =	vmov s26;
	v48 =	vld [tilespmem:s21+$0x1600]  }
0x1c9: {  	s23 =	simm.s32 $0x21;
	v49 =	vld [tilespmem:s21+$0x1610]  }
.LBB2_4:
0x1ca: {  	p0 =	sne.s32 s23, $0x3F;
	v51 =	vld [tilespmem:s21+$0xD610]  }
0x1cb: {  	v52 =	vld [tilespmem:s21+$0xD630]  }
0x1cc: {  	v53 =	vld [tilespmem:s21+$0x1620]  }
0x1cd: {  	v33 =	vld.idx.msk [tilespmem:v50+s14+$0x0], $0xffff  }
0x1ce: {  	v31 =	vld.idx.msk [tilespmem:v50+s15+$0x0], $0xffff  }
0x1cf: {  	v50 =	vld [tilespmem:s21+$0x1630]  }
0x1d0: {  	v54 =	vld [tilespmem:s21+$0xD620]  }
0x1d1: {  	v55 =	vld [tilespmem:s21+$0xD600]  }
0x1d2: {  	v56 =	vld [tilespmem:s21+$0x1270]  }
0x1d3: {  	v49 =	vmul.f32 v49, v33;
	v53 =	vmul.f32 v53, v33;
	v57 =	vld [tilespmem:s21+$0xD270]  }
0x1d4: {  	v52 =	vmul.f32 v52, v31;
	v58 =	vld [tilespmem:s21+$0xD260];
	v50 =	vmul.f32 v50, v33  }
0x1d5: {  	v51 =	vmul.f32 v51, v31;
	v59 =	vld [tilespmem:s21+$0xD250];
	v54 =	vmul.f32 v54, v31  }
0x1d6: {  	v48 =	vmul.f32 v48, v33;
	v60 =	vld [tilespmem:s21+$0xD240];
	v55 =	vmul.f32 v55, v31;
	v50 =	vadd.f32 v52, v50  }
0x1d7: {  	v49 =	vadd.f32 v51, v49;
	v52 =	vld [tilespmem:s21+$0xD230];
	v56 =	vmul.f32 v56, v33;
	v51 =	vadd.f32 v54, v53  }
0x1d8: {  	v47 =	vmul.f32 v47, v33;
	v53 =	vld [tilespmem:s21+$0xD220];
	v54 =	vmul.f32 v57, v31;
	v48 =	vadd.f32 v55, v48;
	[tilespmem:s21+$0x1630] =	vst v50  }
0x1d9: {  	v46 =	vmul.f32 v46, v33;
	v50 =	vld [tilespmem:s21+$0xD210];
	v55 =	vmul.f32 v58, v31;
	[tilespmem:s21+$0x1620] =	vst v51  }
0x1da: {  	v45 =	vmul.f32 v45, v33;
	v51 =	vld [tilespmem:s21+$0xD200];
	v57 =	vmul.f32 v59, v31;
	v54 =	vadd.f32 v54, v56;
	[tilespmem:s21+$0x1610] =	vst v49  }
0x1db: {  	v44 =	vmul.f32 v44, v33;
	v49 =	vld [tilespmem:s21+$0xCE70];
	v56 =	vmul.f32 v60, v31;
	v47 =	vadd.f32 v55, v47;
	[tilespmem:s21+$0x1600] =	vst v48  }
0x1dc: {  	v43 =	vmul.f32 v43, v33;
	v48 =	vld [tilespmem:s21+$0xCE60];
	v52 =	vmul.f32 v52, v31;
	v46 =	vadd.f32 v57, v46;
	[tilespmem:s21+$0x1270] =	vst v54  }
0x1dd: {  	v42 =	vmul.f32 v42, v33;
	v54 =	vld [tilespmem:s21+$0xCE50];
	v53 =	vmul.f32 v53, v31;
	v45 =	vadd.f32 v56, v45;
	[tilespmem:s21+$0x1260] =	vst v47  }
0x1de: {  	v41 =	vmul.f32 v41, v33;
	v47 =	vld [tilespmem:s21+$0xCE40];
	v50 =	vmul.f32 v50, v31;
	v44 =	vadd.f32 v52, v44;
	[tilespmem:s21+$0x1250] =	vst v46  }
0x1df: {  	v40 =	vmul.f32 v40, v33;
	v46 =	vld [tilespmem:s21+$0xCE30];
	v51 =	vmul.f32 v51, v31;
	v43 =	vadd.f32 v53, v43;
	[tilespmem:s21+$0x1240] =	vst v45  }
0x1e0: {  	v39 =	vmul.f32 v39, v33;
	v45 =	vld [tilespmem:s21+$0xCE20];
	v49 =	vmul.f32 v49, v31;
	v42 =	vadd.f32 v50, v42;
	[tilespmem:s21+$0x1230] =	vst v44  }
0x1e1: {  	v38 =	vmul.f32 v38, v33;
	v44 =	vld [tilespmem:s21+$0xCE10];
	v48 =	vmul.f32 v48, v31;
	v41 =	vadd.f32 v51, v41;
	[tilespmem:s21+$0x1220] =	vst v43  }
0x1e2: {  	v37 =	vmul.f32 v37, v33;
	v43 =	vld [tilespmem:s21+$0xCE00];
	v50 =	vmul.f32 v54, v31;
	v40 =	vadd.f32 v49, v40;
	[tilespmem:s21+$0x1210] =	vst v42  }
0x1e3: {  	v36 =	vmul.f32 v36, v33;
	v42 =	vld [tilespmem:s21+$0xCA70];
	v47 =	vmul.f32 v47, v31;
	v39 =	vadd.f32 v48, v39;
	[tilespmem:s21+$0x1200] =	vst v41  }
0x1e4: {  	v35 =	vmul.f32 v35, v33;
	v41 =	vld [tilespmem:s21+$0xCA60];
	v46 =	vmul.f32 v46, v31;
	v38 =	vadd.f32 v50, v38;
	[tilespmem:s21+$0xE70] =	vst v40  }
0x1e5: {  	v34 =	vmul.f32 v34, v33;
	v40 =	vld [tilespmem:s21+$0xCA50];
	v45 =	vmul.f32 v45, v31;
	v37 =	vadd.f32 v47, v37;
	[tilespmem:s21+$0xE60] =	vst v39  }
0x1e6: {  	v32 =	vmul.f32 v32, v33;
	v39 =	vld [tilespmem:s21+$0xCA40];
	v44 =	vmul.f32 v44, v31;
	v36 =	vadd.f32 v46, v36;
	[tilespmem:s21+$0xE50] =	vst v38  }
0x1e7: {  	v30 =	vmul.f32 v30, v33;
	v38 =	vld [tilespmem:s21+$0xCA30];
	v43 =	vmul.f32 v43, v31;
	v35 =	vadd.f32 v45, v35;
	[tilespmem:s21+$0xE40] =	vst v37  }
0x1e8: {  	v29 =	vmul.f32 v29, v33;
	v37 =	vld [tilespmem:s21+$0xCA20];
	v42 =	vmul.f32 v42, v31;
	v34 =	vadd.f32 v44, v34;
	[tilespmem:s21+$0xE30] =	vst v36  }
0x1e9: {  	v28 =	vmul.f32 v28, v33;
	v36 =	vld [tilespmem:s21+$0xCA10];
	v41 =	vmul.f32 v41, v31;
	v32 =	vadd.f32 v43, v32;
	[tilespmem:s21+$0xE20] =	vst v35  }
0x1ea: {  	v27 =	vmul.f32 v27, v33;
	v35 =	vld [tilespmem:s21+$0xCA00];
	v40 =	vmul.f32 v40, v31;
	v30 =	vadd.f32 v42, v30;
	[tilespmem:s21+$0xE10] =	vst v34  }
0x1eb: {  	v26 =	vmul.f32 v26, v33;
	v34 =	vld [tilespmem:s21+$0xC670];
	v39 =	vmul.f32 v39, v31;
	v29 =	vadd.f32 v41, v29;
	[tilespmem:s21+$0xE00] =	vst v32  }
0x1ec: {  	v25 =	vmul.f32 v25, v33;
	v32 =	vld [tilespmem:s21+$0xC660];
	v38 =	vmul.f32 v38, v31;
	v28 =	vadd.f32 v40, v28;
	[tilespmem:s21+$0xA70] =	vst v30  }
0x1ed: {  	v24 =	vmul.f32 v24, v33;
	v30 =	vld [tilespmem:s21+$0xC650];
	v37 =	vmul.f32 v37, v31;
	v27 =	vadd.f32 v39, v27;
	[tilespmem:s21+$0xA60] =	vst v29  }
0x1ee: {  	v23 =	vmul.f32 v23, v33;
	v29 =	vld [tilespmem:s21+$0xC640];
	v36 =	vmul.f32 v36, v31;
	v26 =	vadd.f32 v38, v26;
	[tilespmem:s21+$0xA50] =	vst v28  }
0x1ef: {  	v22 =	vmul.f32 v22, v33;
	v28 =	vld [tilespmem:s21+$0xC630];
	v35 =	vmul.f32 v35, v31;
	v25 =	vadd.f32 v37, v25;
	[tilespmem:s21+$0xA40] =	vst v27  }
0x1f0: {  	v21 =	vmul.f32 v21, v33;
	v27 =	vld [tilespmem:s21+$0xC620];
	v34 =	vmul.f32 v34, v31;
	v24 =	vadd.f32 v36, v24;
	[tilespmem:s21+$0xA30] =	vst v26  }
0x1f1: {  	v20 =	vmul.f32 v20, v33;
	v26 =	vld [tilespmem:s21+$0xC610];
	v32 =	vmul.f32 v32, v31;
	v23 =	vadd.f32 v35, v23;
	[tilespmem:s21+$0xA20] =	vst v25  }
0x1f2: {  	v19 =	vmul.f32 v19, v33;
	v25 =	vld [tilespmem:s21+$0xC600];
	v30 =	vmul.f32 v30, v31;
	v22 =	vadd.f32 v34, v22;
	[tilespmem:s21+$0xA10] =	vst v24  }
0x1f3: {  	v18 =	vmul.f32 v18, v33;
	v24 =	vld [tilespmem:s21+$0xC270];
	v29 =	vmul.f32 v29, v31;
	v21 =	vadd.f32 v32, v21;
	[tilespmem:s21+$0xA00] =	vst v23  }
0x1f4: {  	v17 =	vmul.f32 v17, v33;
	v23 =	vld [tilespmem:s21+$0xC260];
	v28 =	vmul.f32 v28, v31;
	v20 =	vadd.f32 v30, v20;
	[tilespmem:s21+$0x670] =	vst v22  }
0x1f5: {  	v16 =	vmul.f32 v16, v33;
	v22 =	vmul.f32 v27, v31;
	v19 =	vadd.f32 v29, v19;
	[tilespmem:s21+$0x660] =	vst v21;
	v21 =	vld [tilespmem:s21+$0xD640]  }
0x1f6: {  	v15 =	vmul.f32 v15, v33;
	v26 =	vmul.f32 v26, v31;
	v18 =	vadd.f32 v28, v18;
	[tilespmem:s21+$0x650] =	vst v20;
	v20 =	vld [tilespmem:s21+$0xD650]  }
0x1f7: {  	v14 =	vmul.f32 v14, v33;
	v25 =	vmul.f32 v25, v31;
	v17 =	vadd.f32 v22, v17;
	[tilespmem:s21+$0x640] =	vst v19;
	v19 =	vld [tilespmem:s21+$0xD660]  }
0x1f8: {  	v13 =	vmul.f32 v13, v33;
	v22 =	vmul.f32 v24, v31;
	v16 =	vadd.f32 v26, v16;
	[tilespmem:s21+$0x630] =	vst v18;
	v18 =	vld [tilespmem:s21+$0xD670]  }
0x1f9: {  	v12 =	vmul.f32 v12, v33;
	v23 =	vmul.f32 v23, v31;
	v15 =	vadd.f32 v25, v15;
	[tilespmem:s21+$0x620] =	vst v17;
	v17 =	vld [tilespmem:s21+$0x1640]  }
0x1fa: {  	v10 =	vmul.f32 v10, v33;
	v11 =	vmul.f32 v11, v31;
	v14 =	vadd.f32 v22, v14;
	[tilespmem:s21+$0x610] =	vst v16;
	v16 =	vld [tilespmem:s21+$0x1650]  }
0x1fb: {  	v8 =	vmul.f32 v8, v33;
	v9 =	vmul.f32 v9, v31;
	v13 =	vadd.f32 v23, v13;
	[tilespmem:s21+$0x600] =	vst v15;
	v15 =	vld [tilespmem:s21+$0x1660]  }
0x1fc: {  	v6 =	vmul.f32 v6, v33;
	v7 =	vmul.f32 v7, v31;
	v11 =	vadd.f32 v11, v12;
	[tilespmem:s21+$0x270] =	vst v14;
	v12 =	vld [tilespmem:s21+$0x1670]  }
0x1fd: {  	v4 =	vmul.f32 v4, v33;
	v5 =	vmul.f32 v5, v31;
	v9 =	vadd.f32 v9, v10;
	v14 =	vld [tilespmem:s21+$0x200];
	[tilespmem:s21+$0x260] =	vst v13  }
0x1fe: {  	v3 =	vmul.f32 v3, v31;
	v7 =	vadd.f32 v7, v8;
	v10 =	vld [tilespmem:s21+$0xC200];
	[tilespmem:s21+$0x250] =	vst v11;
	v8 =	vmul.f32 v17, v33  }
0x1ff: {  	s24 =	sshrl.u32 s23, $0x3;
	v5 =	vadd.f32 v5, v6;
	v6 =	vmul.f32 v21, v31;
	[tilespmem:s21+$0x240] =	vst v9;
	v9 =	vmul.f32 v16, v33  }
0x200: {  	s22 =	sadd.s32 $0x80, s22;
	s24 =	smul.u32 $0x1800, s24;
	v3 =	vadd.f32 v3, v4;
	v4 =	vmul.f32 v20, v31;
	[tilespmem:s21+$0x230] =	vst v7;
	v7 =	vmul.f32 v15, v33  }
0x201: {  	s26 =	sand.u32 $0x380, s22;
	[tilespmem:s21+$0x220] =	vst v5;
	v5 =	vadd.f32 v6, v8;
	v6 =	vmul.f32 v19, v31;
	v8 =	vmul.f32 v12, v33  }
0x202: {  	s24 =	sor.u32 s26, s24;
	v9 =	vadd.f32 v4, v9;
	v12 =	vmul.f32 v18, v31;
	v11 =	vmul.f32 v14, v33;
	[tilespmem:s21+$0x210] =	vst v3  }
0x203: {  	v4 =	vld [tilespmem:s24+$0x210];
	v10 =	vmul.f32 v10, v31;
	[tilespmem:s21+$0x1640] =	vst v5;
	v5 =	vadd.f32 v6, v7  }
0x204: {  	v7 =	vadd.f32 v12, v8;
	v3 =	vld [tilespmem:s24+$0xC210];
	[tilespmem:s21+$0x1650] =	vst v9  }
0x205: {  	v6 =	vld [tilespmem:s24+$0x220];
	v9 =	vadd.f32 v10, v11;
	[tilespmem:s21+$0x1660] =	vst v5  }
0x206: {  	v5 =	vld [tilespmem:s24+$0xC220];
	[tilespmem:s21+$0x1670] =	vst v7  }
0x207: {  	v8 =	vld [tilespmem:s24+$0x230];
	[tilespmem:s21+$0x200] =	vst v9;
	s21 =	smov.u32 s24  }
0x208: {  	v7 =	vld [tilespmem:s21+$0xC230]  }
0x209: {  	v10 =	vld [tilespmem:s21+$0x240]  }
0x20a: {  	v9 =	vld [tilespmem:s21+$0xC240]  }
0x20b: {  	v12 =	vld [tilespmem:s21+$0x250]  }
0x20c: {  	v11 =	vld [tilespmem:s21+$0xC250]  }
0x20d: {  	v13 =	vld [tilespmem:s21+$0x260]  }
0x20e: {  	v14 =	vld [tilespmem:s21+$0x270]  }
0x20f: {  	v15 =	vld [tilespmem:s21+$0x600]  }
0x210: {  	v16 =	vld [tilespmem:s21+$0x610]  }
0x211: {  	v17 =	vld [tilespmem:s21+$0x620]  }
0x212: {  	v18 =	vld [tilespmem:s21+$0x630]  }
0x213: {  	v19 =	vld [tilespmem:s21+$0x640]  }
0x214: {  	v20 =	vld [tilespmem:s21+$0x650]  }
0x215: {  	v21 =	vld [tilespmem:s21+$0x660]  }
0x216: {  	v22 =	vld [tilespmem:s21+$0x670]  }
0x217: {  	v23 =	vld [tilespmem:s21+$0xA00]  }
0x218: {  	v24 =	vld [tilespmem:s21+$0xA10]  }
0x219: {  	v25 =	vld [tilespmem:s21+$0xA20]  }
0x21a: {  	v26 =	vld [tilespmem:s21+$0xA30]  }
0x21b: {  	v27 =	vld [tilespmem:s21+$0xA40]  }
0x21c: {  	v28 =	vld [tilespmem:s21+$0xA50]  }
0x21d: {  	v29 =	vld [tilespmem:s21+$0xA60]  }
0x21e: {  	v30 =	vld [tilespmem:s21+$0xA70]  }
0x21f: {  	v32 =	vld [tilespmem:s21+$0xE00]  }
0x220: {  	v34 =	vld [tilespmem:s21+$0xE10]  }
0x221: {  	v35 =	vld [tilespmem:s21+$0xE20]  }
0x222: {  	v36 =	vld [tilespmem:s21+$0xE30]  }
0x223: {  	v37 =	vld [tilespmem:s21+$0xE40]  }
0x224: {  	v38 =	vld [tilespmem:s21+$0xE50]  }
0x225: {  	v39 =	vld [tilespmem:s21+$0xE60]  }
0x226: {  	v40 =	vld [tilespmem:s21+$0xE70]  }
0x227: {  	v41 =	vld [tilespmem:s21+$0x1200]  }
0x228: {  	v42 =	vld [tilespmem:s21+$0x1210]  }
0x229: {  	v43 =	vld [tilespmem:s21+$0x1220]  }
0x22a: {  	v44 =	vld [tilespmem:s21+$0x1230]  }
.Ltmp1:
0x22b: {  	v45 =	vld [tilespmem:s21+$0x1240];
	(pc) =	sbr.rel @p0 .LBB2_4-.Ltmp1, $4  }
0x22c: {  	v46 =	vld [tilespmem:s21+$0x1250]  }
0x22d: {  	v47 =	vld [tilespmem:s21+$0x1260]  }
0x22e: {  	v50 =	vmov s23;
	v48 =	vld [tilespmem:s21+$0x1600]  }
0x22f: {  	s23 =	sadd.s32 $0x1, s23;
	v49 =	vld [tilespmem:s21+$0x1610]  }
0x230: {  	_ =	sdelay $0x1  }
0x231: {  	v52 =	vld [tilespmem:s21+$0xD630]  }
0x232: {  	v53 =	vld [tilespmem:s21+$0x1620]  }
0x233: {  	v31 =	vld.idx.msk [tilespmem:v50+s14+$0x0], $0xffff  }
0x234: {  	v33 =	vld.idx.msk [tilespmem:v50+s15+$0x0], $0xffff  }
0x235: {  	v61 =	vld [tilespmem:s21+$0x1630]  }
0x236: {  	v54 =	vld [tilespmem:s21+$0xD620]  }
0x237: {  	v51 =	vld [tilespmem:s21+$0xD610]  }
0x238: {  	v55 =	vld [tilespmem:s21+$0xD600]  }
0x239: {  	v56 =	vld [tilespmem:s21+$0x1270]  }
0x23a: {  	v58 =	vld [tilespmem:s21+$0xD260];
	v50 =	vmul.f32 v61, v31;
	v52 =	vmul.f32 v52, v33  }
0x23b: {  	v57 =	vld [tilespmem:s21+$0xD270];
	v53 =	vmul.f32 v53, v31;
	v54 =	vmul.f32 v54, v33  }
0x23c: {  	v59 =	vld [tilespmem:s21+$0xD250];
	v49 =	vmul.f32 v49, v31;
	v51 =	vmul.f32 v51, v33  }
0x23d: {  	v60 =	vld [tilespmem:s21+$0xD240];
	v48 =	vmul.f32 v48, v31;
	v62 =	vmul.f32 v55, v33;
	v50 =	vadd.f32 v52, v50  }
0x23e: {  	v61 =	vld [tilespmem:s21+$0xD220];
	v63 =	vmul.f32 v56, v31;
	v47 =	vmul.f32 v47, v31;
	v53 =	vadd.f32 v54, v53  }
0x23f: {  	v58 =	vmul.f32 v58, v33;
	v55 =	vld [tilespmem:s21+$0xC660];
	v12 =	vmul.f32 v12, v31;
	v49 =	vadd.f32 v51, v49;
	[tilespmem:s21+$0x1630] =	vst v50  }
0x240: {  	v56 =	vld [tilespmem:s21+$0xC650];
	v11 =	vmul.f32 v11, v33;
	v10 =	vmul.f32 v10, v31;
	v48 =	vadd.f32 v62, v48;
	[tilespmem:s21+$0x1620] =	vst v53  }
0x241: {  	v9 =	vmul.f32 v9, v33;
	v8 =	vmul.f32 v8, v31;
	v52 =	vld [tilespmem:s21+$0xD230];
	v47 =	vadd.f32 v58, v47;
	[tilespmem:s21+$0x1610] =	vst v49  }
0x242: {  	v7 =	vmul.f32 v7, v33;
	v6 =	vmul.f32 v6, v31;
	v51 =	vld [tilespmem:s21+$0xD200];
	v11 =	vadd.f32 v11, v12;
	[tilespmem:s21+$0x1600] =	vst v48  }
0x243: {  	v5 =	vmul.f32 v5, v33;
	v4 =	vmul.f32 v4, v31;
	v58 =	vld [tilespmem:s21+$0xCE20];
	v9 =	vadd.f32 v9, v10;
	[tilespmem:s21+$0x1260] =	vst v47  }
0x244: {  	v3 =	vmul.f32 v3, v33;
	v62 =	vmul.f32 v59, v33;
	v59 =	vld [tilespmem:s21+$0xCE10];
	v7 =	vadd.f32 v7, v8;
	[tilespmem:s21+$0x250] =	vst v11  }
0x245: {  	v57 =	vmul.f32 v57, v33;
	v54 =	vld [tilespmem:s21+$0xC670];
	v5 =	vadd.f32 v5, v6;
	[tilespmem:s21+$0x240] =	vst v9  }
0x246: {  	v46 =	vmul.f32 v46, v31;
	v3 =	vadd.f32 v3, v4;
	v50 =	vld [tilespmem:s21+$0xD210];
	[tilespmem:s21+$0x230] =	vst v7  }
0x247: {  	v45 =	vmul.f32 v45, v31;
	v49 =	vld [tilespmem:s21+$0xCE70];
	v53 =	vadd.f32 v57, v63;
	v63 =	vmul.f32 v60, v33;
	[tilespmem:s21+$0x220] =	vst v5  }
0x248: {  	v43 =	vmul.f32 v43, v31;
	v48 =	vld [tilespmem:s21+$0xCE60];
	v46 =	vadd.f32 v62, v46;
	[tilespmem:s21+$0x210] =	vst v3;
	v57 =	vmul.f32 v61, v33  }
0x249: {  	v44 =	vmul.f32 v44, v31;
	v47 =	vld [tilespmem:s21+$0xCE40];
	[tilespmem:s21+$0x1270] =	vst v53;
	v45 =	vadd.f32 v63, v45;
	v52 =	vmul.f32 v52, v33  }
0x24a: {  	v41 =	vmul.f32 v41, v31;
	v60 =	vld [tilespmem:s21+$0xCE00];
	[tilespmem:s21+$0x1250] =	vst v46;
	v43 =	vadd.f32 v57, v43;
	v51 =	vmul.f32 v51, v33  }
0x24b: {  	v35 =	vmul.f32 v35, v31;
	v62 =	vld [tilespmem:s21+$0xCA60];
	[tilespmem:s21+$0x1240] =	vst v45;
	v45 =	vmul.f32 v58, v33;
	v44 =	vadd.f32 v52, v44  }
0x24c: {  	v42 =	vmul.f32 v42, v31;
	v53 =	vld [tilespmem:s21+$0xCE50];
	v50 =	vmul.f32 v50, v33;
	[tilespmem:s21+$0x1220] =	vst v43;
	v41 =	vadd.f32 v51, v41  }
0x24d: {  	v40 =	vmul.f32 v40, v31;
	v46 =	vld [tilespmem:s21+$0xCE30];
	v49 =	vmul.f32 v49, v33;
	v35 =	vadd.f32 v45, v35;
	[tilespmem:s21+$0x1230] =	vst v44  }
0x24e: {  	v39 =	vmul.f32 v39, v31;
	v61 =	vld [tilespmem:s21+$0xCA70];
	v48 =	vmul.f32 v48, v33;
	v42 =	vadd.f32 v50, v42;
	[tilespmem:s21+$0x1200] =	vst v41  }
0x24f: {  	v37 =	vmul.f32 v37, v31;
	v57 =	vld [tilespmem:s21+$0xC640];
	v47 =	vmul.f32 v47, v33;
	v40 =	vadd.f32 v49, v40;
	[tilespmem:s21+$0xE20] =	vst v35  }
0x250: {  	v32 =	vmul.f32 v32, v31;
	v58 =	vld [tilespmem:s21+$0xC630];
	v43 =	vmul.f32 v60, v33;
	v39 =	vadd.f32 v48, v39;
	[tilespmem:s21+$0x1210] =	vst v42  }
0x251: {  	v38 =	vmul.f32 v38, v31;
	v51 =	vld [tilespmem:s21+$0xCA20];
	v63 =	vmul.f32 v53, v33;
	v37 =	vadd.f32 v47, v37;
	[tilespmem:s21+$0xE70] =	vst v40  }
0x252: {  	v36 =	vmul.f32 v36, v31;
	v52 =	vld [tilespmem:s21+$0xCA10];
	v46 =	vmul.f32 v46, v33;
	v32 =	vadd.f32 v43, v32;
	[tilespmem:s21+$0xE60] =	vst v39  }
0x253: {  	v34 =	vmul.f32 v34, v31;
	v60 =	vld [tilespmem:s21+$0xC610];
	v44 =	vmul.f32 v59, v33;
	v38 =	vadd.f32 v63, v38;
	[tilespmem:s21+$0xE40] =	vst v37  }
0x254: {  	v29 =	vmul.f32 v29, v31;
	v45 =	vld [tilespmem:s21+$0x1640];
	v41 =	vmul.f32 v62, v33;
	v36 =	vadd.f32 v46, v36;
	[tilespmem:s21+$0xE00] =	vst v32  }
0x255: {  	v21 =	vmul.f32 v21, v31;
	v48 =	vld [tilespmem:s21+$0xCA50];
	v62 =	vmul.f32 v55, v33;
	v34 =	vadd.f32 v44, v34;
	[tilespmem:s21+$0xE50] =	vst v38  }
0x256: {  	v30 =	vmul.f32 v30, v31;
	v49 =	vld [tilespmem:s21+$0xCA40];
	v42 =	vmul.f32 v61, v33;
	v29 =	vadd.f32 v41, v29;
	[tilespmem:s21+$0xE30] =	vst v36  }
0x257: {  	v25 =	vmul.f32 v25, v31;
	v50 =	vld [tilespmem:s21+$0xCA30];
	v21 =	vadd.f32 v62, v21;
	v37 =	vmul.f32 v51, v33;
	[tilespmem:s21+$0xE10] =	vst v34  }
0x258: {  	v16 =	vmul.f32 v16, v31;
	v53 =	vld [tilespmem:s21+$0xCA00];
	v41 =	vmul.f32 v60, v33;
	v30 =	vadd.f32 v42, v30;
	[tilespmem:s21+$0xA60] =	vst v29  }
0x259: {  	v24 =	vmul.f32 v24, v31;
	v59 =	vld [tilespmem:s21+$0xC620];
	v36 =	vmul.f32 v52, v33;
	[tilespmem:s21+$0x660] =	vst v21;
	v25 =	vadd.f32 v37, v25  }
0x25a: {  	v22 =	vmul.f32 v22, v31;
	v43 =	vld [tilespmem:s21+$0xD670];
	v34 =	vmul.f32 v54, v33;
	v16 =	vadd.f32 v41, v16;
	[tilespmem:s21+$0xA70] =	vst v30  }
0x25b: {  	v28 =	vmul.f32 v28, v31;
	v61 =	vld [tilespmem:s21+$0xC600];
	v40 =	vmul.f32 v48, v33;
	v24 =	vadd.f32 v36, v24;
	[tilespmem:s21+$0xA20] =	vst v25  }
0x25c: {  	v27 =	vmul.f32 v27, v31;
	v63 =	vld [tilespmem:s21+$0xC270];
	v39 =	vmul.f32 v49, v33;
	v22 =	vadd.f32 v34, v22;
	[tilespmem:s21+$0x610] =	vst v16  }
0x25d: {  	v26 =	vmul.f32 v26, v31;
	v46 =	vld [tilespmem:s21+$0x1650];
	v38 =	vmul.f32 v50, v33;
	v28 =	vadd.f32 v40, v28;
	[tilespmem:s21+$0xA10] =	vst v24  }
0x25e: {  	v23 =	vmul.f32 v23, v31;
	v51 =	vld [tilespmem:s21+$0x200];
	v35 =	vmul.f32 v53, v33;
	v27 =	vadd.f32 v39, v27;
	[tilespmem:s21+$0x670] =	vst v22  }
0x25f: {  	v18 =	vmul.f32 v18, v31;
	v37 =	vmul.f32 v58, v33;
	v48 =	vld [tilespmem:s21+$0x1660];
	v26 =	vadd.f32 v38, v26;
	[tilespmem:s21+$0xA50] =	vst v28  }
0x260: {  	v20 =	vmul.f32 v20, v31;
	v50 =	vld [tilespmem:s21+$0xC200];
	v30 =	vmul.f32 v56, v33;
	v23 =	vadd.f32 v35, v23;
	[tilespmem:s21+$0xA40] =	vst v27  }
0x261: {  	v19 =	vmul.f32 v19, v31;
	v34 =	vld [tilespmem:s21+$0xC260];
	v35 =	vmul.f32 v57, v33;
	v18 =	vadd.f32 v37, v18;
	[tilespmem:s21+$0xA30] =	vst v26  }
0x262: {  	v17 =	vmul.f32 v17, v31;
	v36 =	vld [tilespmem:s21+$0xD640];
	v39 =	vmul.f32 v59, v33;
	v20 =	vadd.f32 v30, v20;
	[tilespmem:s21+$0xA00] =	vst v23  }
0x263: {  	v15 =	vmul.f32 v15, v31;
	v38 =	vld [tilespmem:s21+$0xD650];
	v42 =	vmul.f32 v61, v33;
	v19 =	vadd.f32 v35, v19;
	[tilespmem:s21+$0x630] =	vst v18  }
0x264: {  	v14 =	vmul.f32 v14, v31;
	v40 =	vld [tilespmem:s21+$0xD660];
	v44 =	vmul.f32 v63, v33;
	v17 =	vadd.f32 v39, v17;
	[tilespmem:s21+$0x650] =	vst v20  }
0x265: {  	v49 =	vld [tilespmem:s21+$0x1670];
	v61 =	vmul.f32 v51, v31;
	v15 =	vadd.f32 v42, v15;
	v10 =	vmul.f32 v50, v33;
	[tilespmem:s21+$0x640] =	vst v19  }
0x266: {  	v13 =	vmul.f32 v13, v31;
	v14 =	vadd.f32 v44, v14;
	[tilespmem:s21+$0x620] =	vst v17;
	v47 =	vmul.f32 v34, v33  }
0x267: {  	v52 =	vmul.f32 v45, v31;
	[tilespmem:s21+$0x600] =	vst v15;
	v53 =	vmul.f32 v36, v33;
	v63 =	vadd.f32 v10, v61  }
0x268: {  	v54 =	vmul.f32 v46, v31;
	[tilespmem:s21+$0x270] =	vst v14;
	v55 =	vmul.f32 v38, v33;
	v13 =	vadd.f32 v47, v13  }
0x269: {  	v56 =	vmul.f32 v48, v31;
	v58 =	vmul.f32 v40, v33;
	v57 =	vadd.f32 v53, v52;
	[tilespmem:s21+$0x200] =	vst v63  }
0x26a: {  	v60 =	vmul.f32 v43, v33;
	v59 =	vmul.f32 v49, v31;
	v3 =	vadd.f32 v55, v54;
	[tilespmem:s21+$0x260] =	vst v13  }
0x26b: {  	v62 =	vadd.f32 v58, v56;
	[tilespmem:s21+$0x1640] =	vst v57  }
0x26c: {  	[tilespmem:s21+$0x1650] =	vst v3;
	v3 =	vadd.f32 v60, v59  }
0x26d: {  	[tilespmem:s21+$0x1660] =	vst v62  }
0x26e: {  	[tilespmem:s21+$0x1670] =	vst v3  }
0x26f: {  	s20 =	sadd.s32 $0x1, s20;
	_ =	swait.ge [sflag:s16], $0x6000  }
0x270: {  	p0 =	sne.s32 s20, s12;
	[sflag:s16] =	ssyncset.done $0x0  }
.Ltmp2:
0x271: {  	[sflag:s16] =	ssyncadd.s32 $0xFFFFA000;
	(pc) =	sbr.rel @p0 .LBB2_1-.Ltmp2, $4  }
0x272: {  	[hbm4b:s11+s2] =	stream.linear.scatter [tilespmem:s25], [sflag:$0x3], $0x6000, $0x38;
	[tilespmem:$0x18200] =	vst v63  }
0x273: {  	_ =	swait.ge [sflag:s19], $0x6000  }
0x274: {  	[sflag:s19] =	ssyncset.done $0x0  }
0x275: {  	[sflag:s19] =	ssyncadd.s32 $0xFFFFA000  }
0x276: {  	_ =	sfence.sel $0x180000  }
0x277: {  	[bflag:$0x0] =	sbarrier.arrive $0xFFFF  }
0x278: {  	_ =	strace $0x9000004A  }
0x279: {  	s0 =	stileid.u32;
	[bflag:$0x2] =	sbarrier.arrive $0xFFFF  }
0x27a: {  	p0 =	sne.s32 s0, $0x0;
	s0 =	rddreg [dreg:$0x2]  }
0x27b: {  	s0 =	sadd.s32 @!p0 $0x100000, s0  }
0x27c: {  	[sflag:s0] =	ssyncadd.tile.s32 @!p0 $0x1;
	_ =	shalt  }
.Lfunc_end2:
_tile_overlayer_lowered:
.L_overlay_start_2:
0x27d: {  	(tag) =	ssettag $0x2  }
0x27e: {  	s0 =	rddreg [dreg:$0x0];
	s2 =	stileid.u32  }
0x27f: {  	s1 =	rddreg [dreg:$0x1];
	p0 =	sne.s32 s2, $0x0  }
0x280: {  	s3 =	rddreg [dreg:$0x2];
	[bflag:$0x3] =	sbarrier.arrive $0xFFFF;
	s2 =	simm.s32 @!p0 $0x1C03  }
0x281: {  	[timem:s3], [sflag:s2] =	dma.local @!p0 [hbm:s0], s1  }
0x282: {  	s0 =	simm.s32 @!p0 $0x3  }
0x283: {  	_ =	swait.ge @!p0 [sflag:s0], s1  }
0x284: {  	s1 =	ssub.s32 @!p0 $0x0, s1;
	[sflag:s0] =	ssyncset.done @!p0 $0x0  }
0x285: {  	[sflag:s0] =	ssyncadd.s32 @!p0 s1  }
0x286: {  	[bflag:$0x3] =	sbarrier.arrive $0xFFFF  }
0x287: {  	_ =	shalt  }

</sc_bundles>
